<compile_context>
chip_gen: v7x
topology: tpu7x:2x2x1
jax: 0.10.2.dev20260603
libtpu: 0.0.44.dev20260713+nightly
codegen_flags: <defaults>
</compile_context>

<pallas_src>
import dataclasses
import functools

import jax
import jax.numpy as jnp
from jax import lax
from jax.experimental import pallas as pl
from jax.experimental.pallas import tpu as pltpu
from jax.experimental.pallas import tpu_sc as plsc

N = 10000
E = 160000
DV = 512
DH = 32
NC = 2
NS = 16
NW = NC * NS
K = 32
NCH_A = 114
NCH_B = 204
EPT_MAX = max(NCH_A, NCH_B) * K
EPAD = NS * (NCH_A + NCH_B) * K


def _mlp_q_kernel(x_ref, w1_ref, b1_ref, gam_ref, bet_ref, a_ref, w2_ref,
                  b2_ref, cw_ref, cb_ref, pw_ref, q_ref):
    h = jnp.dot(x_ref[...], w1_ref[...], preferred_element_type=jnp.float32)
    h = h + b1_ref[...]
    mean = jnp.mean(h, axis=0, keepdims=True)
    var = jnp.mean((h - mean) ** 2, axis=0, keepdims=True)
    h = (h - mean) / jnp.sqrt(var + 1e-5) * gam_ref[...] + bet_ref[...]
    h = jnp.where(h >= 0, h, a_ref[0, 0] * h)
    h = jnp.dot(h, w2_ref[...], preferred_element_type=jnp.float32) + b2_ref[...]
    wq = jnp.dot(cw_ref[...], pw_ref[...], preferred_element_type=jnp.float32)
    cq = jnp.dot(cb_ref[...], pw_ref[...], preferred_element_type=jnp.float32)
    q_ref[...] = jnp.dot(h, wq, preferred_element_type=jnp.float32) + cq[0, 0]


def _gtable_kernel(v_ref, g_ref):
    v = v_ref[...]
    ss = jnp.sum(v * v, axis=1, keepdims=True)
    g_ref[...] = (v * lax.rsqrt(ss)).astype(jnp.bfloat16)


def _finish_kernel(p_ref, pb_ref, o_ref):
    o_ref[...] = p_ref[0:1, :] + p_ref[1:2, :] + pb_ref[0, 0]


def _edge_kernel(q_hbm, g_hbm, src_hbm, dst_hbm, out_hbm,
                 src_v, dst_v, qv, rows_s0, rows_d0, rows_s1, rows_d1,
                 sidx0, didx0, sidx1, didx1,
                 dots, vals, zbuf, acc_sh, sem_s0, sem_d0, sem_s1, sem_d1):
    cid = lax.axis_index("c")
    sid = lax.axis_index("s")
    iota16 = lax.iota(jnp.int32, 16)

    @pl.when(sid == 0)
    def _():
        @pl.loop(0, 125)
        def _(j):
            zbuf[pl.ds(j * 16, 16)] = jnp.zeros((16,), jnp.float32)

        @pl.loop(0, 5)
        def _(j):
            pltpu.sync_copy(zbuf, acc_sh.at[pl.ds(j * 2000, 2000)])

    plsc.subcore_barrier()

    pltpu.sync_copy(q_hbm, qv)

    def fire(sidx, didx, rows_s, rows_d, sem_s, sem_d):
        pltpu.async_copy(g_hbm.at[sidx], rows_s, sem_s)
        pltpu.async_copy(g_hbm.at[didx], rows_d, sem_d)

    def wait(sidx, didx, rows_s, rows_d, sem_s, sem_d):
        pltpu.make_async_copy(g_hbm.at[sidx], rows_s, sem_s).wait()
        pltpu.make_async_copy(g_hbm.at[didx], rows_d, sem_d).wait()

    def run_range(base, nch):
        ept = nch * K
        pltpu.sync_copy(src_hbm.at[pl.ds(base, ept)], src_v.at[pl.ds(0, ept)])
        pltpu.sync_copy(dst_hbm.at[pl.ds(base, ept)], dst_v.at[pl.ds(0, ept)])

        def stage(i, sidx, didx):
            for gi in range(K // 16):
                sidx[pl.ds(gi * 16, 16)] = src_v[pl.ds(i * K + gi * 16, 16)]
                didx[pl.ds(gi * 16, 16)] = dst_v[pl.ds(i * K + gi * 16, 16)]

        def compute_and_scatter(i, rows_s, rows_d, sidx, didx):
            mask_hi = jnp.full((16,), -65536, jnp.int32)
            sixteen = jnp.full((16,), 16, jnp.int32)

            @plsc.parallel_loop(0, K, unroll=2)
            def _(e):
                accs = [None, None, None, None]
                for k in range(16):
                    ws = plsc.bitcast(rows_s[e, pl.ds(k * 16, 16)], jnp.int32)
                    wd = plsc.bitcast(rows_d[e, pl.ds(k * 16, 16)], jnp.int32)
                    s_lo = plsc.bitcast(lax.shift_left(ws, sixteen), jnp.float32)
                    s_hi = plsc.bitcast(lax.bitwise_and(ws, mask_hi), jnp.float32)
                    d_lo = plsc.bitcast(lax.shift_left(wd, sixteen), jnp.float32)
                    d_hi = plsc.bitcast(lax.bitwise_and(wd, mask_hi), jnp.float32)
                    b = (k % 2) * 2
                    if accs[b] is None:
                        accs[b] = s_lo * d_lo
                        accs[b + 1] = s_hi * d_hi
                    else:
                        accs[b] = accs[b] + s_lo * d_lo
                        accs[b + 1] = accs[b + 1] + s_hi * d_hi
                dots[e, :] = (accs[0] + accs[1]) + (accs[2] + accs[3])

            for gi in range(K // 16):
                rid = gi * 16 + iota16
                t0 = plsc.load_gather(dots, [rid, jnp.full((16,), 0, jnp.int32)])
                t1 = plsc.load_gather(dots, [rid, jnp.full((16,), 1, jnp.int32)])
                t2 = plsc.load_gather(dots, [rid, jnp.full((16,), 2, jnp.int32)])
                t3 = plsc.load_gather(dots, [rid, jnp.full((16,), 3, jnp.int32)])
                for c in range(4, 16, 4):
                    t0 = t0 + plsc.load_gather(dots, [rid, jnp.full((16,), c, jnp.int32)])
                    t1 = t1 + plsc.load_gather(dots, [rid, jnp.full((16,), c + 1, jnp.int32)])
                    t2 = t2 + plsc.load_gather(dots, [rid, jnp.full((16,), c + 2, jnp.int32)])
                    t3 = t3 + plsc.load_gather(dots, [rid, jnp.full((16,), c + 3, jnp.int32)])
                tot = (t0 + t1) + (t2 + t3)
                s16 = sidx[pl.ds(gi * 16, 16)]
                qg = plsc.load_gather(qv, [s16])
                gb = base + i * K + gi * 16
                val = jnp.where(gb + iota16 < E, qg * tot, 0.0)
                vals[pl.ds(gi * 16, 16)] = val

            pltpu.sync_copy(vals, acc_sh.at[didx], add=True)

        stage(0, sidx0, didx0)
        fire(sidx0, didx0, rows_s0, rows_d0, sem_s0, sem_d0)

        @pl.loop(0, nch // 2)
        def _(g):
            i0 = 2 * g
            stage(i0 + 1, sidx1, didx1)
            fire(sidx1, didx1, rows_s1, rows_d1, sem_s1, sem_d1)
            wait(sidx0, didx0, rows_s0, rows_d0, sem_s0, sem_d0)
            compute_and_scatter(i0, rows_s0, rows_d0, sidx0, didx0)
            i2 = jnp.minimum(i0 + 2, nch - 1)
            stage(i2, sidx0, didx0)
            fire(sidx0, didx0, rows_s0, rows_d0, sem_s0, sem_d0)
            wait(sidx1, didx1, rows_s1, rows_d1, sem_s1, sem_d1)
            compute_and_scatter(i0 + 1, rows_s1, rows_d1, sidx1, didx1)

        wait(sidx0, didx0, rows_s0, rows_d0, sem_s0, sem_d0)

    @pl.when(cid == 0)
    def _():
        run_range(sid * (NCH_A * K), NCH_A)

    @pl.when(cid == 1)
    def _():
        run_range(NS * (NCH_A * K) + sid * (NCH_B * K), NCH_B)

    plsc.subcore_barrier()

    @pl.when(sid == 0)
    def _():
        pltpu.sync_copy(acc_sh, out_hbm.at[cid])


def kernel(body_x, x, edge_index, visual, W1, b1, bn_gamma, bn_beta, prelu_a,
           W2, b2, convW, convb, projW, projb):
    f32 = jnp.float32
    q = pl.pallas_call(
        _mlp_q_kernel,
        out_shape=jax.ShapeDtypeStruct((N, 1), f32),
    )(x, W1, b1.reshape(1, DH), bn_gamma.reshape(1, DH), bn_beta.reshape(1, DH),
      prelu_a.reshape(1, 1), W2, b2.reshape(1, DH), convW, convb.reshape(1, DH),
      projW)

    g = pl.pallas_call(
        _gtable_kernel,
        grid=(5,),
        in_specs=[pl.BlockSpec((N // 5, DV), lambda i: (i, 0))],
        out_specs=pl.BlockSpec((N // 5, DV), lambda i: (i, 0)),
        out_shape=jax.ShapeDtypeStruct((N, DV), jnp.bfloat16),
    )(visual)
    g = lax.bitcast_convert_type(
        lax.bitcast_convert_type(g.reshape(N, DV // 2, 2), jnp.int32),
        jnp.float32)

    src = jnp.pad(edge_index[0].astype(jnp.int32), (0, EPAD - E))
    dst = jnp.pad(edge_index[1].astype(jnp.int32), (0, EPAD - E))

    mesh = plsc.VectorSubcoreMesh(core_axis_name="c", subcore_axis_name="s")
    cp = pltpu.CompilerParams()
    if "needs_layout_passes" in pltpu.CompilerParams.__dataclass_fields__:
        cp = dataclasses.replace(cp, needs_layout_passes=False)
    edge_call = pl.kernel(
        _edge_kernel,
        out_type=jax.ShapeDtypeStruct((NC, N), f32),
        mesh=mesh,
        scratch_types=[
            pltpu.VMEM((EPT_MAX,), jnp.int32),
            pltpu.VMEM((EPT_MAX,), jnp.int32),
            pltpu.VMEM((N,), f32),
            pltpu.VMEM((K, DV // 2), f32),
            pltpu.VMEM((K, DV // 2), f32),
            pltpu.VMEM((K, DV // 2), f32),
            pltpu.VMEM((K, DV // 2), f32),
            pltpu.VMEM((K,), jnp.int32),
            pltpu.VMEM((K,), jnp.int32),
            pltpu.VMEM((K,), jnp.int32),
            pltpu.VMEM((K,), jnp.int32),
            pltpu.VMEM((K, 16), f32),
            pltpu.VMEM((K,), f32),
            pltpu.VMEM((2000,), f32),
            pltpu.VMEM_SHARED((N,), f32),
            pltpu.SemaphoreType.DMA,
            pltpu.SemaphoreType.DMA,
            pltpu.SemaphoreType.DMA,
            pltpu.SemaphoreType.DMA,
        ],
        compiler_params=cp,
    )
    partials = edge_call(q.reshape(N), g, src, dst)

    out = pl.pallas_call(
        _finish_kernel,
        out_shape=jax.ShapeDtypeStruct((1, N), f32),
    )(partials, projb.reshape(1, 1))
    return out.reshape(N)

# --- scband reference (transcript-rebuilt; emitter-appended) ---
"""Pipeline reference for scband-face-20023137534015 (READ-ONLY COPY).

The authoritative reference and input builder live on the scoring server;
editing this copy changes nothing except your own understanding.
"""

import jax, jax.numpy as jnp
import numpy as np

N = 10000
E = 160000
D_IN = 2
D_H = 32
D_VIS = 512


def setup_inputs(seed: int = 0) -> dict:
    key = jax.random.key(seed)
    ks = [jax.random.fold_in(key, i) for i in range(16)]
    inp = {}
    inp['body_x'] = jax.random.normal(ks[0], (N, D_IN), dtype=jnp.float32)
    inp['x'] = jax.random.normal(ks[1], (N, D_IN), dtype=jnp.float32)
    inp['edge_index'] = jax.random.randint(ks[2], (2, E), 0, N, dtype=jnp.int64)
    inp['visual'] = jax.random.normal(ks[3], (N, D_VIS), dtype=jnp.float32)
    # learned params
    inp['W1'] = jax.random.normal(ks[4], (D_IN, D_H), dtype=jnp.float32) * 0.1
    inp['b1'] = jnp.zeros((D_H,), dtype=jnp.float32)
    inp['bn_gamma'] = jnp.ones((D_H,), dtype=jnp.float32)
    inp['bn_beta'] = jnp.zeros((D_H,), dtype=jnp.float32)
    inp['prelu_a'] = jnp.full((1,), 0.25, dtype=jnp.float32)
    inp['W2'] = jax.random.normal(ks[5], (D_H, D_H), dtype=jnp.float32) * 0.1
    inp['b2'] = jnp.zeros((D_H,), dtype=jnp.float32)
    inp['convW'] = jax.random.normal(ks[6], (D_H, D_H), dtype=jnp.float32) * 0.1
    inp['convb'] = jnp.zeros((D_H,), dtype=jnp.float32)
    inp['projW'] = jax.random.normal(ks[7], (D_H, 1), dtype=jnp.float32) * 0.1
    inp['projb'] = jnp.zeros((1,), dtype=jnp.float32)
    return inp


def reference(body_x, x, edge_index, visual, W1, b1, bn_gamma, bn_beta, prelu_a, W2, b2, convW, convb, projW, projb):
    # input_mlp: Linear(2,32) -> BatchNorm1d(32) (train-mode batch stats) -> PReLU -> Dropout(0) -> Linear(32,32)
    h = x @ W1 + b1
    mean = jnp.mean(h, axis=0, keepdims=True)
    var = jnp.var(h, axis=0, keepdims=True)
    h = (h - mean) / jnp.sqrt(var + 1e-5) * bn_gamma + bn_beta
    h = jnp.where(h >= 0, h, prelu_a * h)
    h = h @ W2 + b2
    # CMCosConv(32, 32, 512): per-edge cosine similarity of visual features as message weight,
    # linear transform of source node features, scatter-add aggregation at dst.
    src = edge_index[0]
    dst = edge_index[1]
    vs = jnp.take(visual, src, axis=0)
    vd = jnp.take(visual, dst, axis=0)
    num = jnp.sum(vs * vd, axis=-1)
    den = jnp.linalg.norm(vs, axis=-1) * jnp.linalg.norm(vd, axis=-1) + 1e-8
    cos = num / den
    msg = (jnp.take(h, src, axis=0) @ convW + convb) * cos[:, None]
    agg = jax.ops.segment_sum(msg, dst, num_segments=N)
    # gcn_projection_face: Linear(32,1).squeeze()
    out = agg @ projW + projb
    return out.squeeze(-1)

if __name__ == "__main__":
    import jax
    _d = setup_inputs()
    print(jax.jit(kernel)(*tuple(_d.values())))

</pallas_src>

<mosaic_0001>
#map = affine_map<(d0, d1) -> (0)>
#map1 = affine_map<(d0, d1) -> (0, 0)>
module attributes {stable_mosaic.version = 14 : i64} {
  func.func @_edge_kernel(%arg0: i32, %arg1: i32, %arg2: memref<10000xf32, #tpu.memory_space<hbm>>, %arg3: memref<10000x256xf32, #tpu.memory_space<hbm>>, %arg4: memref<162816xi32, #tpu.memory_space<hbm>>, %arg5: memref<162816xi32, #tpu.memory_space<hbm>>, %arg6: memref<2x10000xf32, #tpu.memory_space<hbm>>, %arg7: memref<6528xi32, #tpu.memory_space<vmem>>, %arg8: memref<6528xi32, #tpu.memory_space<vmem>>, %arg9: memref<10000xf32, #tpu.memory_space<vmem>>, %arg10: memref<32x256xf32, #tpu.memory_space<vmem>>, %arg11: memref<32x256xf32, #tpu.memory_space<vmem>>, %arg12: memref<32x256xf32, #tpu.memory_space<vmem>>, %arg13: memref<32x256xf32, #tpu.memory_space<vmem>>, %arg14: memref<32xi32, #tpu.memory_space<vmem>>, %arg15: memref<32xi32, #tpu.memory_space<vmem>>, %arg16: memref<32xi32, #tpu.memory_space<vmem>>, %arg17: memref<32xi32, #tpu.memory_space<vmem>>, %arg18: memref<32x16xf32, #tpu.memory_space<vmem>>, %arg19: memref<32xf32, #tpu.memory_space<vmem>>, %arg20: memref<2000xf32, #tpu.memory_space<vmem>>, %arg21: memref<10000xf32, #tpu.memory_space<vmem_shared>>, %arg22: memref<!tpu.dma_semaphore, #tpu.memory_space<semaphore_mem>>, %arg23: memref<!tpu.dma_semaphore, #tpu.memory_space<semaphore_mem>>, %arg24: memref<!tpu.dma_semaphore, #tpu.memory_space<semaphore_mem>>, %arg25: memref<!tpu.dma_semaphore, #tpu.memory_space<semaphore_mem>>) attributes {dimension_semantics = [#tpu.dimension_semantics<core_parallel>, #tpu.dimension_semantics<subcore_parallel>], iteration_bounds = array<i64: 2, 16>, scalar_prefetch = 0 : i64, scratch_operands = 19 : i64, tpu.core_type = #tpu.core_type<sc_vector_subcore>, window_params = [{transform_indices = #map}, {transform_indices = #map1}, {transform_indices = #map}, {transform_indices = #map}, {transform_indices = #map1}]} {
    %iota3A = tpu.iota {dimensions = array<i32: 0>} : vector<16xi32>
    %eq3A = arith.constant 0 : i32
    %eq3A_0 = arith.cmpi eq, %arg1, %eq3A : i32
    %convert_element_type3A = arith.extui %eq3A_0 : i1 to i32
    %cond3A = arith.constant 0 : i32
    %cond3A_1 = arith.cmpi ne, %convert_element_type3A, %cond3A : i32
    scf.if %cond3A_1 {
      %scan3A = arith.constant 0 : i32
      %scan3A_18 = arith.constant 125 : i32
      %scan3A_19 = arith.addi %scan3A, %scan3A_18 : i32
      %scan3A_20 = arith.constant 1 : i32
      scf.for %scan3A_27 = %scan3A to %scan3A_19 step %scan3A_20  : i32 {
        %mul3A = arith.constant 1 : i32
        %mul3A_28 = arith.muli %scan3A_27, %mul3A : i32
        %add3A = arith.constant 0 : i32
        %add3A_29 = arith.addi %add3A, %mul3A_28 : i32
        %broadcast_in_dim3A = arith.constant 0.000000e+00 : f32
        %broadcast_in_dim3A_30 = vector.broadcast %broadcast_in_dim3A : f32 to vector<16xf32>
        %mul3A_31 = arith.constant 16 : i32
        %mul3A_32 = arith.muli %add3A_29, %mul3A_31 : i32
        %swap3A = arith.index_cast %mul3A_32 : i32 to index
        %swap3A_33 = tpu.vector_load %arg20[%swap3A] {strides = array<i32>} : memref<2000xf32, #tpu.memory_space<vmem>>, vector<16xf32>,
        tpu.vector_store %arg20[%swap3A], %broadcast_in_dim3A_30 {strides = array<i32>} : memref<2000xf32, #tpu.memory_space<vmem>>, vector<16xf32>,
      }
      %scan3A_21 = arith.constant 125 : i32
      %scan3A_22 = arith.constant 0 : i32
      %scan3A_23 = arith.constant 5 : i32
      %scan3A_24 = arith.addi %scan3A_22, %scan3A_23 : i32
      %scan3A_25 = arith.constant 1 : i32
      scf.for %scan3A_27 = %scan3A_22 to %scan3A_24 step %scan3A_25  : i32 {
        %mul3A = arith.constant 1 : i32
        %mul3A_28 = arith.muli %scan3A_27, %mul3A : i32
        %add3A = arith.constant 0 : i32
        %add3A_29 = arith.addi %add3A, %mul3A_28 : i32
        %mul3A_30 = arith.constant 2000 : i32
        %mul3A_31 = arith.muli %add3A_29, %mul3A_30 : i32
        "tpu.region"() ({
          %run_scoped3A = tpu.sem_alloc : memref<!tpu.dma_semaphore, #tpu.memory_space<semaphore_mem>>
          %dma_start3A = tpu.memref_slice %arg21[%mul3A_31] : memref<10000xf32, #tpu.memory_space<vmem_shared>> -> memref<2000xf32, #tpu.memory_space<vmem_shared>>
          %dma_start3A_32 = tpu.memref_slice %arg21[%mul3A_31] : memref<10000xf32, #tpu.memory_space<vmem_shared>> -> memref<2000xf32, #tpu.memory_space<vmem_shared>>
          tpu.enqueue_dma source(%arg20 : memref<2000xf32, #tpu.memory_space<vmem>>) target(%dma_start3A_32 : memref<2000xf32, #tpu.memory_space<vmem_shared>>) target_semaphore(%run_scoped3A : memref<!tpu.dma_semaphore, #tpu.memory_space<semaphore_mem>>)
          %dma_wait3A = tpu.memref_slice %arg21[%mul3A_31] : memref<10000xf32, #tpu.memory_space<vmem_shared>> -> memref<2000xf32, #tpu.memory_space<vmem_shared>>
          %dma_wait3A_33 = tpu.memref_slice %arg21[%mul3A_31] : memref<10000xf32, #tpu.memory_space<vmem_shared>> -> memref<2000xf32, #tpu.memory_space<vmem_shared>>
          tpu.wait_dma2 semaphore(%run_scoped3A : memref<!tpu.dma_semaphore, #tpu.memory_space<semaphore_mem>>) src(%arg20 : memref<2000xf32, #tpu.memory_space<vmem>>) dst(%dma_wait3A_33 : memref<2000xf32, #tpu.memory_space<vmem_shared>>)
          tpu.yield
        }) : () -> ()
      }
      %scan3A_26 = arith.constant 5 : i32
    } else {
    }
    %barrier3A = arith.constant 0 : index
    tpu.barrier barrier_id(%barrier3A)
    "tpu.region"() ({
      %run_scoped3A = tpu.sem_alloc : memref<!tpu.dma_semaphore, #tpu.memory_space<semaphore_mem>>
      tpu.enqueue_dma source(%arg2 : memref<10000xf32, #tpu.memory_space<hbm>>) target(%arg9 : memref<10000xf32, #tpu.memory_space<vmem>>) target_semaphore(%run_scoped3A : memref<!tpu.dma_semaphore, #tpu.memory_space<semaphore_mem>>)
      tpu.wait_dma2 semaphore(%run_scoped3A : memref<!tpu.dma_semaphore, #tpu.memory_space<semaphore_mem>>) src(%arg2 : memref<10000xf32, #tpu.memory_space<hbm>>) dst(%arg9 : memref<10000xf32, #tpu.memory_space<vmem>>)
      tpu.yield
    }) : () -> ()
    %eq3A_2 = arith.constant 0 : i32
    %eq3A_3 = arith.cmpi eq, %arg0, %eq3A_2 : i32
    %convert_element_type3A_4 = arith.extui %eq3A_3 : i1 to i32
    %cond3A_5 = arith.constant 0 : i32
    %cond3A_6 = arith.cmpi ne, %convert_element_type3A_4, %cond3A_5 : i32
    scf.if %cond3A_6 {
      %mul3A = arith.constant 3648 : i32
      %mul3A_18 = arith.muli %arg1, %mul3A : i32
      "tpu.region"() ({
        %run_scoped3A = tpu.sem_alloc : memref<!tpu.dma_semaphore, #tpu.memory_space<semaphore_mem>>
        %dma_start3A_47 = arith.constant 0 : i32
        %dma_start3A_48 = tpu.memref_slice %arg7[%dma_start3A_47] : memref<6528xi32, #tpu.memory_space<vmem>> -> memref<3648xi32, #tpu.memory_space<vmem>>
        %dma_start3A_49 = tpu.memref_slice %arg4[%mul3A_18] : memref<162816xi32, #tpu.memory_space<hbm>> -> memref<3648xi32, #tpu.memory_space<hbm>>
        %dma_start3A_50 = arith.constant 0 : i32
        %dma_start3A_51 = tpu.memref_slice %arg7[%dma_start3A_50] : memref<6528xi32, #tpu.memory_space<vmem>> -> memref<3648xi32, #tpu.memory_space<vmem>>
        %dma_start3A_52 = tpu.memref_slice %arg4[%mul3A_18] : memref<162816xi32, #tpu.memory_space<hbm>> -> memref<3648xi32, #tpu.memory_space<hbm>>
        tpu.enqueue_dma source(%dma_start3A_52 : memref<3648xi32, #tpu.memory_space<hbm>>) target(%dma_start3A_51 : memref<3648xi32, #tpu.memory_space<vmem>>) target_semaphore(%run_scoped3A : memref<!tpu.dma_semaphore, #tpu.memory_space<semaphore_mem>>)
        %dma_wait3A_53 = arith.constant 0 : i32
        %dma_wait3A_54 = tpu.memref_slice %arg7[%dma_wait3A_53] : memref<6528xi32, #tpu.memory_space<vmem>> -> memref<3648xi32, #tpu.memory_space<vmem>>
        %dma_wait3A_55 = tpu.memref_slice %arg4[%mul3A_18] : memref<162816xi32, #tpu.memory_space<hbm>> -> memref<3648xi32, #tpu.memory_space<hbm>>
        %dma_wait3A_56 = arith.constant 0 : i32
        %dma_wait3A_57 = tpu.memref_slice %arg7[%dma_wait3A_56] : memref<6528xi32, #tpu.memory_space<vmem>> -> memref<3648xi32, #tpu.memory_space<vmem>>
        %dma_wait3A_58 = tpu.memref_slice %arg4[%mul3A_18] : memref<162816xi32, #tpu.memory_space<hbm>> -> memref<3648xi32, #tpu.memory_space<hbm>>
        tpu.wait_dma2 semaphore(%run_scoped3A : memref<!tpu.dma_semaphore, #tpu.memory_space<semaphore_mem>>) src(%dma_wait3A_58 : memref<3648xi32, #tpu.memory_space<hbm>>) dst(%dma_wait3A_57 : memref<3648xi32, #tpu.memory_space<vmem>>)
        tpu.yield
      }) : () -> ()
      "tpu.region"() ({
        %run_scoped3A = tpu.sem_alloc : memref<!tpu.dma_semaphore, #tpu.memory_space<semaphore_mem>>
        %dma_start3A_47 = arith.constant 0 : i32
        %dma_start3A_48 = tpu.memref_slice %arg8[%dma_start3A_47] : memref<6528xi32, #tpu.memory_space<vmem>> -> memref<3648xi32, #tpu.memory_space<vmem>>
        %dma_start3A_49 = tpu.memref_slice %arg5[%mul3A_18] : memref<162816xi32, #tpu.memory_space<hbm>> -> memref<3648xi32, #tpu.memory_space<hbm>>
        %dma_start3A_50 = arith.constant 0 : i32
        %dma_start3A_51 = tpu.memref_slice %arg8[%dma_start3A_50] : memref<6528xi32, #tpu.memory_space<vmem>> -> memref<3648xi32, #tpu.memory_space<vmem>>
        %dma_start3A_52 = tpu.memref_slice %arg5[%mul3A_18] : memref<162816xi32, #tpu.memory_space<hbm>> -> memref<3648xi32, #tpu.memory_space<hbm>>
        tpu.enqueue_dma source(%dma_start3A_52 : memref<3648xi32, #tpu.memory_space<hbm>>) target(%dma_start3A_51 : memref<3648xi32, #tpu.memory_space<vmem>>) target_semaphore(%run_scoped3A : memref<!tpu.dma_semaphore, #tpu.memory_space<semaphore_mem>>)
        %dma_wait3A_53 = arith.constant 0 : i32
        %dma_wait3A_54 = tpu.memref_slice %arg8[%dma_wait3A_53] : memref<6528xi32, #tpu.memory_space<vmem>> -> memref<3648xi32, #tpu.memory_space<vmem>>
        %dma_wait3A_55 = tpu.memref_slice %arg5[%mul3A_18] : memref<162816xi32, #tpu.memory_space<hbm>> -> memref<3648xi32, #tpu.memory_space<hbm>>
        %dma_wait3A_56 = arith.constant 0 : i32
        %dma_wait3A_57 = tpu.memref_slice %arg8[%dma_wait3A_56] : memref<6528xi32, #tpu.memory_space<vmem>> -> memref<3648xi32, #tpu.memory_space<vmem>>
        %dma_wait3A_58 = tpu.memref_slice %arg5[%mul3A_18] : memref<162816xi32, #tpu.memory_space<hbm>> -> memref<3648xi32, #tpu.memory_space<hbm>>
        tpu.wait_dma2 semaphore(%run_scoped3A : memref<!tpu.dma_semaphore, #tpu.memory_space<semaphore_mem>>) src(%dma_wait3A_58 : memref<3648xi32, #tpu.memory_space<hbm>>) dst(%dma_wait3A_57 : memref<3648xi32, #tpu.memory_space<vmem>>)
        tpu.yield
      }) : () -> ()
      %get3A = arith.constant 0 : index
      %get3A_19 = tpu.vector_load %arg7[%get3A] {strides = array<i32>} : memref<6528xi32, #tpu.memory_space<vmem>>, vector<16xi32>,
      %swap3A = arith.constant 0 : index
      %swap3A_20 = tpu.vector_load %arg14[%swap3A] {strides = array<i32>} : memref<32xi32, #tpu.memory_space<vmem>>, vector<16xi32>,
      tpu.vector_store %arg14[%swap3A], %get3A_19 {strides = array<i32>} : memref<32xi32, #tpu.memory_space<vmem>>, vector<16xi32>,
      %get3A_21 = arith.constant 0 : index
      %get3A_22 = tpu.vector_load %arg8[%get3A_21] {strides = array<i32>} : memref<6528xi32, #tpu.memory_space<vmem>>, vector<16xi32>,
      %swap3A_23 = arith.constant 0 : index
      %swap3A_24 = tpu.vector_load %arg15[%swap3A_23] {strides = array<i32>} : memref<32xi32, #tpu.memory_space<vmem>>, vector<16xi32>,
      tpu.vector_store %arg15[%swap3A_23], %get3A_22 {strides = array<i32>} : memref<32xi32, #tpu.memory_space<vmem>>, vector<16xi32>,
      %get3A_25 = arith.constant 16 : index
      %get3A_26 = tpu.vector_load %arg7[%get3A_25] {strides = array<i32>} : memref<6528xi32, #tpu.memory_space<vmem>>, vector<16xi32>,
      %swap3A_27 = arith.constant 16 : index
      %swap3A_28 = tpu.vector_load %arg14[%swap3A_27] {strides = array<i32>} : memref<32xi32, #tpu.memory_space<vmem>>, vector<16xi32>,
      tpu.vector_store %arg14[%swap3A_27], %get3A_26 {strides = array<i32>} : memref<32xi32, #tpu.memory_space<vmem>>, vector<16xi32>,
      %get3A_29 = arith.constant 16 : index
      %get3A_30 = tpu.vector_load %arg8[%get3A_29] {strides = array<i32>} : memref<6528xi32, #tpu.memory_space<vmem>>, vector<16xi32>,
      %swap3A_31 = arith.constant 16 : index
      %swap3A_32 = tpu.vector_load %arg15[%swap3A_31] {strides = array<i32>} : memref<32xi32, #tpu.memory_space<vmem>>, vector<16xi32>,
      tpu.vector_store %arg15[%swap3A_31], %get3A_30 {strides = array<i32>} : memref<32xi32, #tpu.memory_space<vmem>>, vector<16xi32>,
      %dma_start3A = arith.constant 0 : i32
      %dma_start3A_33 = arith.constant 0 : i32
      %dma_start3A_34 = tpu.memref_slice %arg3[%dma_start3A, %dma_start3A_33] : memref<10000x256xf32, #tpu.memory_space<hbm>> -> memref<10000x256xf32, #tpu.memory_space<hbm>>
      tpu.enqueue_indirect_dma source(%dma_start3A_34 : memref<10000x256xf32, #tpu.memory_space<hbm>>) target(%arg10 : memref<32x256xf32, #tpu.memory_space<vmem>>) offsets(%arg14 : memref<32xi32, #tpu.memory_space<vmem>>) semaphore(%arg22 : memref<!tpu.dma_semaphore, #tpu.memory_space<semaphore_mem>>)
      %dma_start3A_35 = arith.constant 0 : i32
      %dma_start3A_36 = arith.constant 0 : i32
      %dma_start3A_37 = tpu.memref_slice %arg3[%dma_start3A_35, %dma_start3A_36] : memref<10000x256xf32, #tpu.memory_space<hbm>> -> memref<10000x256xf32, #tpu.memory_space<hbm>>
      tpu.enqueue_indirect_dma source(%dma_start3A_37 : memref<10000x256xf32, #tpu.memory_space<hbm>>) target(%arg11 : memref<32x256xf32, #tpu.memory_space<vmem>>) offsets(%arg15 : memref<32xi32, #tpu.memory_space<vmem>>) semaphore(%arg23 : memref<!tpu.dma_semaphore, #tpu.memory_space<semaphore_mem>>)
      %scan3A = arith.constant 0 : i32
      %scan3A_38 = arith.constant 57 : i32
      %scan3A_39 = arith.addi %scan3A, %scan3A_38 : i32
      %scan3A_40 = arith.constant 1 : i32
      scf.for %scan3A_47 = %scan3A to %scan3A_39 step %scan3A_40  : i32 {
        %mul3A_48 = arith.constant 1 : i32
        %mul3A_49 = arith.muli %scan3A_47, %mul3A_48 : i32
        %add3A = arith.constant 0 : i32
        %add3A_50 = arith.addi %add3A, %mul3A_49 : i32
        %mul3A_51 = arith.constant 2 : i32
        %mul3A_52 = arith.muli %mul3A_51, %add3A_50 : i32
        %add3A_53 = arith.constant 1 : i32
        %add3A_54 = arith.addi %mul3A_52, %add3A_53 : i32
        %mul3A_55 = arith.constant 32 : i32
        %mul3A_56 = arith.muli %add3A_54, %mul3A_55 : i32
        %add3A_57 = arith.constant 0 : i32
        %add3A_58 = arith.addi %mul3A_56, %add3A_57 : i32
        %get3A_59 = arith.index_cast %add3A_58 : i32 to index
        %get3A_60 = tpu.vector_load %arg7[%get3A_59] {strides = array<i32>} : memref<6528xi32, #tpu.memory_space<vmem>>, vector<16xi32>,
        %swap3A_61 = arith.constant 0 : index
        %swap3A_62 = tpu.vector_load %arg16[%swap3A_61] {strides = array<i32>} : memref<32xi32, #tpu.memory_space<vmem>>, vector<16xi32>,
        tpu.vector_store %arg16[%swap3A_61], %get3A_60 {strides = array<i32>} : memref<32xi32, #tpu.memory_space<vmem>>, vector<16xi32>,
        %mul3A_63 = arith.constant 32 : i32
        %mul3A_64 = arith.muli %add3A_54, %mul3A_63 : i32
        %add3A_65 = arith.constant 0 : i32
        %add3A_66 = arith.addi %mul3A_64, %add3A_65 : i32
        %get3A_67 = arith.index_cast %add3A_66 : i32 to index
        %get3A_68 = tpu.vector_load %arg8[%get3A_67] {strides = array<i32>} : memref<6528xi32, #tpu.memory_space<vmem>>, vector<16xi32>,
        %swap3A_69 = arith.constant 0 : index
        %swap3A_70 = tpu.vector_load %arg17[%swap3A_69] {strides = array<i32>} : memref<32xi32, #tpu.memory_space<vmem>>, vector<16xi32>,
        tpu.vector_store %arg17[%swap3A_69], %get3A_68 {strides = array<i32>} : memref<32xi32, #tpu.memory_space<vmem>>, vector<16xi32>,
        %mul3A_71 = arith.constant 32 : i32
        %mul3A_72 = arith.muli %add3A_54, %mul3A_71 : i32
        %add3A_73 = arith.constant 16 : i32
        %add3A_74 = arith.addi %mul3A_72, %add3A_73 : i32
        %get3A_75 = arith.index_cast %add3A_74 : i32 to index
        %get3A_76 = tpu.vector_load %arg7[%get3A_75] {strides = array<i32>} : memref<6528xi32, #tpu.memory_space<vmem>>, vector<16xi32>,
        %swap3A_77 = arith.constant 16 : index
        %swap3A_78 = tpu.vector_load %arg16[%swap3A_77] {strides = array<i32>} : memref<32xi32, #tpu.memory_space<vmem>>, vector<16xi32>,
        tpu.vector_store %arg16[%swap3A_77], %get3A_76 {strides = array<i32>} : memref<32xi32, #tpu.memory_space<vmem>>, vector<16xi32>,
        %mul3A_79 = arith.constant 32 : i32
        %mul3A_80 = arith.muli %add3A_54, %mul3A_79 : i32
        %add3A_81 = arith.constant 16 : i32
        %add3A_82 = arith.addi %mul3A_80, %add3A_81 : i32
        %get3A_83 = arith.index_cast %add3A_82 : i32 to index
        %get3A_84 = tpu.vector_load %arg8[%get3A_83] {strides = array<i32>} : memref<6528xi32, #tpu.memory_space<vmem>>, vector<16xi32>,
        %swap3A_85 = arith.constant 16 : index
        %swap3A_86 = tpu.vector_load %arg17[%swap3A_85] {strides = array<i32>} : memref<32xi32, #tpu.memory_space<vmem>>, vector<16xi32>,
        tpu.vector_store %arg17[%swap3A_85], %get3A_84 {strides = array<i32>} : memref<32xi32, #tpu.memory_space<vmem>>, vector<16xi32>,
        %dma_start3A_87 = arith.constant 0 : i32
        %dma_start3A_88 = arith.constant 0 : i32
        %dma_start3A_89 = tpu.memref_slice %arg3[%dma_start3A_87, %dma_start3A_88] : memref<10000x256xf32, #tpu.memory_space<hbm>> -> memref<10000x256xf32, #tpu.memory_space<hbm>>
        tpu.enqueue_indirect_dma source(%dma_start3A_89 : memref<10000x256xf32, #tpu.memory_space<hbm>>) target(%arg12 : memref<32x256xf32, #tpu.memory_space<vmem>>) offsets(%arg16 : memref<32xi32, #tpu.memory_space<vmem>>) semaphore(%arg24 : memref<!tpu.dma_semaphore, #tpu.memory_space<semaphore_mem>>)
        %dma_start3A_90 = arith.constant 0 : i32
        %dma_start3A_91 = arith.constant 0 : i32
        %dma_start3A_92 = tpu.memref_slice %arg3[%dma_start3A_90, %dma_start3A_91] : memref<10000x256xf32, #tpu.memory_space<hbm>> -> memref<10000x256xf32, #tpu.memory_space<hbm>>
        tpu.enqueue_indirect_dma source(%dma_start3A_92 : memref<10000x256xf32, #tpu.memory_space<hbm>>) target(%arg13 : memref<32x256xf32, #tpu.memory_space<vmem>>) offsets(%arg17 : memref<32xi32, #tpu.memory_space<vmem>>) semaphore(%arg25 : memref<!tpu.dma_semaphore, #tpu.memory_space<semaphore_mem>>)
        %dma_wait3A_93 = arith.constant 0 : i32
        %dma_wait3A_94 = arith.constant 0 : i32
        %dma_wait3A_95 = tpu.memref_slice %arg3[%dma_wait3A_93, %dma_wait3A_94] : memref<10000x256xf32, #tpu.memory_space<hbm>> -> memref<10000x256xf32, #tpu.memory_space<hbm>>
        tpu.wait_indirect_dma semaphore(%arg22 : memref<!tpu.dma_semaphore, #tpu.memory_space<semaphore_mem>>) src(%dma_wait3A_95 : memref<10000x256xf32, #tpu.memory_space<hbm>>) dst(%arg10 : memref<32x256xf32, #tpu.memory_space<vmem>>)
        %dma_wait3A_96 = arith.constant 0 : i32
        %dma_wait3A_97 = arith.constant 0 : i32
        %dma_wait3A_98 = tpu.memref_slice %arg3[%dma_wait3A_96, %dma_wait3A_97] : memref<10000x256xf32, #tpu.memory_space<hbm>> -> memref<10000x256xf32, #tpu.memory_space<hbm>>
        tpu.wait_indirect_dma semaphore(%arg23 : memref<!tpu.dma_semaphore, #tpu.memory_space<semaphore_mem>>) src(%dma_wait3A_98 : memref<10000x256xf32, #tpu.memory_space<hbm>>) dst(%arg11 : memref<32x256xf32, #tpu.memory_space<vmem>>)
        %broadcast_in_dim3A = arith.constant -65536 : i32
        %broadcast_in_dim3A_99 = vector.broadcast %broadcast_in_dim3A : i32 to vector<16xi32>
        %broadcast_in_dim3A_100 = arith.constant 16 : i32
        %broadcast_in_dim3A_101 = vector.broadcast %broadcast_in_dim3A_100 : i32 to vector<16xi32>
        %parallel_loop3A = arith.constant 0 : i32
        %parallel_loop3A_102 = arith.constant 32 : i32
        %parallel_loop3A_103 = arith.constant 1 : i32
        scf.for %parallel_loop3A_496 = %parallel_loop3A to %parallel_loop3A_102 step %parallel_loop3A_103  : i32 {
          %parallel_loop3A_497 = arith.index_cast %parallel_loop3A_496 : i32 to index
          %parallel_loop3A_498 = arith.constant 0 : index
          %parallel_loop3A_499 = tpu.vector_load %arg10[%parallel_loop3A_497, %parallel_loop3A_498] {strides = array<i32>} : memref<32x256xf32, #tpu.memory_space<vmem>>, vector<16xf32>,
          %parallel_loop3A_500 = vector.bitcast %parallel_loop3A_499 : vector<16xf32> to vector<16xi32>
          %parallel_loop3A_501 = arith.index_cast %parallel_loop3A_496 : i32 to index
          %parallel_loop3A_502 = arith.constant 0 : index
          %parallel_loop3A_503 = tpu.vector_load %arg11[%parallel_loop3A_501, %parallel_loop3A_502] {strides = array<i32>} : memref<32x256xf32, #tpu.memory_space<vmem>>, vector<16xf32>,
          %parallel_loop3A_504 = vector.bitcast %parallel_loop3A_503 : vector<16xf32> to vector<16xi32>
          %parallel_loop3A_505 = arith.shli %parallel_loop3A_500, %broadcast_in_dim3A_101 : vector<16xi32>
          %parallel_loop3A_506 = vector.bitcast %parallel_loop3A_505 : vector<16xi32> to vector<16xf32>
          %parallel_loop3A_507 = arith.andi %parallel_loop3A_500, %broadcast_in_dim3A_99 : vector<16xi32>
          %parallel_loop3A_508 = vector.bitcast %parallel_loop3A_507 : vector<16xi32> to vector<16xf32>
          %parallel_loop3A_509 = arith.shli %parallel_loop3A_504, %broadcast_in_dim3A_101 : vector<16xi32>
          %parallel_loop3A_510 = vector.bitcast %parallel_loop3A_509 : vector<16xi32> to vector<16xf32>
          %parallel_loop3A_511 = arith.andi %parallel_loop3A_504, %broadcast_in_dim3A_99 : vector<16xi32>
          %parallel_loop3A_512 = vector.bitcast %parallel_loop3A_511 : vector<16xi32> to vector<16xf32>
          %parallel_loop3A_513 = arith.mulf %parallel_loop3A_506, %parallel_loop3A_510 : vector<16xf32>
          %parallel_loop3A_514 = arith.mulf %parallel_loop3A_508, %parallel_loop3A_512 : vector<16xf32>
          %parallel_loop3A_515 = arith.index_cast %parallel_loop3A_496 : i32 to index
          %parallel_loop3A_516 = arith.constant 16 : index
          %parallel_loop3A_517 = tpu.vector_load %arg10[%parallel_loop3A_515, %parallel_loop3A_516] {strides = array<i32>} : memref<32x256xf32, #tpu.memory_space<vmem>>, vector<16xf32>,
          %parallel_loop3A_518 = vector.bitcast %parallel_loop3A_517 : vector<16xf32> to vector<16xi32>
          %parallel_loop3A_519 = arith.index_cast %parallel_loop3A_496 : i32 to index
          %parallel_loop3A_520 = arith.constant 16 : index
          %parallel_loop3A_521 = tpu.vector_load %arg11[%parallel_loop3A_519, %parallel_loop3A_520] {strides = array<i32>} : memref<32x256xf32, #tpu.memory_space<vmem>>, vector<16xf32>,
          %parallel_loop3A_522 = vector.bitcast %parallel_loop3A_521 : vector<16xf32> to vector<16xi32>
          %parallel_loop3A_523 = arith.shli %parallel_loop3A_518, %broadcast_in_dim3A_101 : vector<16xi32>
          %parallel_loop3A_524 = vector.bitcast %parallel_loop3A_523 : vector<16xi32> to vector<16xf32>
          %parallel_loop3A_525 = arith.andi %parallel_loop3A_518, %broadcast_in_dim3A_99 : vector<16xi32>
          %parallel_loop3A_526 = vector.bitcast %parallel_loop3A_525 : vector<16xi32> to vector<16xf32>
          %parallel_loop3A_527 = arith.shli %parallel_loop3A_522, %broadcast_in_dim3A_101 : vector<16xi32>
          %parallel_loop3A_528 = vector.bitcast %parallel_loop3A_527 : vector<16xi32> to vector<16xf32>
          %parallel_loop3A_529 = arith.andi %parallel_loop3A_522, %broadcast_in_dim3A_99 : vector<16xi32>
          %parallel_loop3A_530 = vector.bitcast %parallel_loop3A_529 : vector<16xi32> to vector<16xf32>
          %parallel_loop3A_531 = arith.mulf %parallel_loop3A_524, %parallel_loop3A_528 : vector<16xf32>
          %parallel_loop3A_532 = arith.mulf %parallel_loop3A_526, %parallel_loop3A_530 : vector<16xf32>
          %parallel_loop3A_533 = arith.index_cast %parallel_loop3A_496 : i32 to index
          %parallel_loop3A_534 = arith.constant 32 : index
          %parallel_loop3A_535 = tpu.vector_load %arg10[%parallel_loop3A_533, %parallel_loop3A_534] {strides = array<i32>} : memref<32x256xf32, #tpu.memory_space<vmem>>, vector<16xf32>,
          %parallel_loop3A_536 = vector.bitcast %parallel_loop3A_535 : vector<16xf32> to vector<16xi32>
          %parallel_loop3A_537 = arith.index_cast %parallel_loop3A_496 : i32 to index
          %parallel_loop3A_538 = arith.constant 32 : index
          %parallel_loop3A_539 = tpu.vector_load %arg11[%parallel_loop3A_537, %parallel_loop3A_538] {strides = array<i32>} : memref<32x256xf32, #tpu.memory_space<vmem>>, vector<16xf32>,
          %parallel_loop3A_540 = vector.bitcast %parallel_loop3A_539 : vector<16xf32> to vector<16xi32>
          %parallel_loop3A_541 = arith.shli %parallel_loop3A_536, %broadcast_in_dim3A_101 : vector<16xi32>
          %parallel_loop3A_542 = vector.bitcast %parallel_loop3A_541 : vector<16xi32> to vector<16xf32>
          %parallel_loop3A_543 = arith.andi %parallel_loop3A_536, %broadcast_in_dim3A_99 : vector<16xi32>
          %parallel_loop3A_544 = vector.bitcast %parallel_loop3A_543 : vector<16xi32> to vector<16xf32>
          %parallel_loop3A_545 = arith.shli %parallel_loop3A_540, %broadcast_in_dim3A_101 : vector<16xi32>
          %parallel_loop3A_546 = vector.bitcast %parallel_loop3A_545 : vector<16xi32> to vector<16xf32>
          %parallel_loop3A_547 = arith.andi %parallel_loop3A_540, %broadcast_in_dim3A_99 : vector<16xi32>
          %parallel_loop3A_548 = vector.bitcast %parallel_loop3A_547 : vector<16xi32> to vector<16xf32>
          %parallel_loop3A_549 = arith.mulf %parallel_loop3A_542, %parallel_loop3A_546 : vector<16xf32>
          %parallel_loop3A_550 = arith.addf %parallel_loop3A_513, %parallel_loop3A_549 : vector<16xf32>
          %parallel_loop3A_551 = arith.mulf %parallel_loop3A_544, %parallel_loop3A_548 : vector<16xf32>
          %parallel_loop3A_552 = arith.addf %parallel_loop3A_514, %parallel_loop3A_551 : vector<16xf32>
          %parallel_loop3A_553 = arith.index_cast %parallel_loop3A_496 : i32 to index
          %parallel_loop3A_554 = arith.constant 48 : index
          %parallel_loop3A_555 = tpu.vector_load %arg10[%parallel_loop3A_553, %parallel_loop3A_554] {strides = array<i32>} : memref<32x256xf32, #tpu.memory_space<vmem>>, vector<16xf32>,
          %parallel_loop3A_556 = vector.bitcast %parallel_loop3A_555 : vector<16xf32> to vector<16xi32>
          %parallel_loop3A_557 = arith.index_cast %parallel_loop3A_496 : i32 to index
          %parallel_loop3A_558 = arith.constant 48 : index
          %parallel_loop3A_559 = tpu.vector_load %arg11[%parallel_loop3A_557, %parallel_loop3A_558] {strides = array<i32>} : memref<32x256xf32, #tpu.memory_space<vmem>>, vector<16xf32>,
          %parallel_loop3A_560 = vector.bitcast %parallel_loop3A_559 : vector<16xf32> to vector<16xi32>
          %parallel_loop3A_561 = arith.shli %parallel_loop3A_556, %broadcast_in_dim3A_101 : vector<16xi32>
          %parallel_loop3A_562 = vector.bitcast %parallel_loop3A_561 : vector<16xi32> to vector<16xf32>
          %parallel_loop3A_563 = arith.andi %parallel_loop3A_556, %broadcast_in_dim3A_99 : vector<16xi32>
          %parallel_loop3A_564 = vector.bitcast %parallel_loop3A_563 : vector<16xi32> to vector<16xf32>
          %parallel_loop3A_565 = arith.shli %parallel_loop3A_560, %broadcast_in_dim3A_101 : vector<16xi32>
          %parallel_loop3A_566 = vector.bitcast %parallel_loop3A_565 : vector<16xi32> to vector<16xf32>
          %parallel_loop3A_567 = arith.andi %parallel_loop3A_560, %broadcast_in_dim3A_99 : vector<16xi32>
          %parallel_loop3A_568 = vector.bitcast %parallel_loop3A_567 : vector<16xi32> to vector<16xf32>
          %parallel_loop3A_569 = arith.mulf %parallel_loop3A_562, %parallel_loop3A_566 : vector<16xf32>
          %parallel_loop3A_570 = arith.addf %parallel_loop3A_531, %parallel_loop3A_569 : vector<16xf32>
          %parallel_loop3A_571 = arith.mulf %parallel_loop3A_564, %parallel_loop3A_568 : vector<16xf32>
          %parallel_loop3A_572 = arith.addf %parallel_loop3A_532, %parallel_loop3A_571 : vector<16xf32>
          %parallel_loop3A_573 = arith.index_cast %parallel_loop3A_496 : i32 to index
          %parallel_loop3A_574 = arith.constant 64 : index
          %parallel_loop3A_575 = tpu.vector_load %arg10[%parallel_loop3A_573, %parallel_loop3A_574] {strides = array<i32>} : memref<32x256xf32, #tpu.memory_space<vmem>>, vector<16xf32>,
          %parallel_loop3A_576 = vector.bitcast %parallel_loop3A_575 : vector<16xf32> to vector<16xi32>
          %parallel_loop3A_577 = arith.index_cast %parallel_loop3A_496 : i32 to index
          %parallel_loop3A_578 = arith.constant 64 : index
          %parallel_loop3A_579 = tpu.vector_load %arg11[%parallel_loop3A_577, %parallel_loop3A_578] {strides = array<i32>} : memref<32x256xf32, #tpu.memory_space<vmem>>, vector<16xf32>,
          %parallel_loop3A_580 = vector.bitcast %parallel_loop3A_579 : vector<16xf32> to vector<16xi32>
          %parallel_loop3A_581 = arith.shli %parallel_loop3A_576, %broadcast_in_dim3A_101 : vector<16xi32>
          %parallel_loop3A_582 = vector.bitcast %parallel_loop3A_581 : vector<16xi32> to vector<16xf32>
          %parallel_loop3A_583 = arith.andi %parallel_loop3A_576, %broadcast_in_dim3A_99 : vector<16xi32>
          %parallel_loop3A_584 = vector.bitcast %parallel_loop3A_583 : vector<16xi32> to vector<16xf32>
          %parallel_loop3A_585 = arith.shli %parallel_loop3A_580, %broadcast_in_dim3A_101 : vector<16xi32>
          %parallel_loop3A_586 = vector.bitcast %parallel_loop3A_585 : vector<16xi32> to vector<16xf32>
          %parallel_loop3A_587 = arith.andi %parallel_loop3A_580, %broadcast_in_dim3A_99 : vector<16xi32>
          %parallel_loop3A_588 = vector.bitcast %parallel_loop3A_587 : vector<16xi32> to vector<16xf32>
          %parallel_loop3A_589 = arith.mulf %parallel_loop3A_582, %parallel_loop3A_586 : vector<16xf32>
          %parallel_loop3A_590 = arith.addf %parallel_loop3A_550, %parallel_loop3A_589 : vector<16xf32>
          %parallel_loop3A_591 = arith.mulf %parallel_loop3A_584, %parallel_loop3A_588 : vector<16xf32>
          %parallel_loop3A_592 = arith.addf %parallel_loop3A_552, %parallel_loop3A_591 : vector<16xf32>
          %parallel_loop3A_593 = arith.index_cast %parallel_loop3A_496 : i32 to index
          %parallel_loop3A_594 = arith.constant 80 : index
          %parallel_loop3A_595 = tpu.vector_load %arg10[%parallel_loop3A_593, %parallel_loop3A_594] {strides = array<i32>} : memref<32x256xf32, #tpu.memory_space<vmem>>, vector<16xf32>,
          %parallel_loop3A_596 = vector.bitcast %parallel_loop3A_595 : vector<16xf32> to vector<16xi32>
          %parallel_loop3A_597 = arith.index_cast %parallel_loop3A_496 : i32 to index
          %parallel_loop3A_598 = arith.constant 80 : index
          %parallel_loop3A_599 = tpu.vector_load %arg11[%parallel_loop3A_597, %parallel_loop3A_598] {strides = array<i32>} : memref<32x256xf32, #tpu.memory_space<vmem>>, vector<16xf32>,
          %parallel_loop3A_600 = vector.bitcast %parallel_loop3A_599 : vector<16xf32> to vector<16xi32>
          %parallel_loop3A_601 = arith.shli %parallel_loop3A_596, %broadcast_in_dim3A_101 : vector<16xi32>
          %parallel_loop3A_602 = vector.bitcast %parallel_loop3A_601 : vector<16xi32> to vector<16xf32>
          %parallel_loop3A_603 = arith.andi %parallel_loop3A_596, %broadcast_in_dim3A_99 : vector<16xi32>
          %parallel_loop3A_604 = vector.bitcast %parallel_loop3A_603 : vector<16xi32> to vector<16xf32>
          %parallel_loop3A_605 = arith.shli %parallel_loop3A_600, %broadcast_in_dim3A_101 : vector<16xi32>
          %parallel_loop3A_606 = vector.bitcast %parallel_loop3A_605 : vector<16xi32> to vector<16xf32>
          %parallel_loop3A_607 = arith.andi %parallel_loop3A_600, %broadcast_in_dim3A_99 : vector<16xi32>
          %parallel_loop3A_608 = vector.bitcast %parallel_loop3A_607 : vector<16xi32> to vector<16xf32>
          %parallel_loop3A_609 = arith.mulf %parallel_loop3A_602, %parallel_loop3A_606 : vector<16xf32>
          %parallel_loop3A_610 = arith.addf %parallel_loop3A_570, %parallel_loop3A_609 : vector<16xf32>
          %parallel_loop3A_611 = arith.mulf %parallel_loop3A_604, %parallel_loop3A_608 : vector<16xf32>
          %parallel_loop3A_612 = arith.addf %parallel_loop3A_572, %parallel_loop3A_611 : vector<16xf32>
          %parallel_loop3A_613 = arith.index_cast %parallel_loop3A_496 : i32 to index
          %parallel_loop3A_614 = arith.constant 96 : index
          %parallel_loop3A_615 = tpu.vector_load %arg10[%parallel_loop3A_613, %parallel_loop3A_614] {strides = array<i32>} : memref<32x256xf32, #tpu.memory_space<vmem>>, vector<16xf32>,
          %parallel_loop3A_616 = vector.bitcast %parallel_loop3A_615 : vector<16xf32> to vector<16xi32>
          %parallel_loop3A_617 = arith.index_cast %parallel_loop3A_496 : i32 to index
          %parallel_loop3A_618 = arith.constant 96 : index
          %parallel_loop3A_619 = tpu.vector_load %arg11[%parallel_loop3A_617, %parallel_loop3A_618] {strides = array<i32>} : memref<32x256xf32, #tpu.memory_space<vmem>>, vector<16xf32>,
          %parallel_loop3A_620 = vector.bitcast %parallel_loop3A_619 : vector<16xf32> to vector<16xi32>
          %parallel_loop3A_621 = arith.shli %parallel_loop3A_616, %broadcast_in_dim3A_101 : vector<16xi32>
          %parallel_loop3A_622 = vector.bitcast %parallel_loop3A_621 : vector<16xi32> to vector<16xf32>
          %parallel_loop3A_623 = arith.andi %parallel_loop3A_616, %broadcast_in_dim3A_99 : vector<16xi32>
          %parallel_loop3A_624 = vector.bitcast %parallel_loop3A_623 : vector<16xi32> to vector<16xf32>
          %parallel_loop3A_625 = arith.shli %parallel_loop3A_620, %broadcast_in_dim3A_101 : vector<16xi32>
          %parallel_loop3A_626 = vector.bitcast %parallel_loop3A_625 : vector<16xi32> to vector<16xf32>
          %parallel_loop3A_627 = arith.andi %parallel_loop3A_620, %broadcast_in_dim3A_99 : vector<16xi32>
          %parallel_loop3A_628 = vector.bitcast %parallel_loop3A_627 : vector<16xi32> to vector<16xf32>
          %parallel_loop3A_629 = arith.mulf %parallel_loop3A_622, %parallel_loop3A_626 : vector<16xf32>
          %parallel_loop3A_630 = arith.addf %parallel_loop3A_590, %parallel_loop3A_629 : vector<16xf32>
          %parallel_loop3A_631 = arith.mulf %parallel_loop3A_624, %parallel_loop3A_628 : vector<16xf32>
          %parallel_loop3A_632 = arith.addf %parallel_loop3A_592, %parallel_loop3A_631 : vector<16xf32>
          %parallel_loop3A_633 = arith.index_cast %parallel_loop3A_496 : i32 to index
          %parallel_loop3A_634 = arith.constant 112 : index
          %parallel_loop3A_635 = tpu.vector_load %arg10[%parallel_loop3A_633, %parallel_loop3A_634] {strides = array<i32>} : memref<32x256xf32, #tpu.memory_space<vmem>>, vector<16xf32>,
          %parallel_loop3A_636 = vector.bitcast %parallel_loop3A_635 : vector<16xf32> to vector<16xi32>
          %parallel_loop3A_637 = arith.index_cast %parallel_loop3A_496 : i32 to index
          %parallel_loop3A_638 = arith.constant 112 : index
          %parallel_loop3A_639 = tpu.vector_load %arg11[%parallel_loop3A_637, %parallel_loop3A_638] {strides = array<i32>} : memref<32x256xf32, #tpu.memory_space<vmem>>, vector<16xf32>,
          %parallel_loop3A_640 = vector.bitcast %parallel_loop3A_639 : vector<16xf32> to vector<16xi32>
          %parallel_loop3A_641 = arith.shli %parallel_loop3A_636, %broadcast_in_dim3A_101 : vector<16xi32>
          %parallel_loop3A_642 = vector.bitcast %parallel_loop3A_641 : vector<16xi32> to vector<16xf32>
          %parallel_loop3A_643 = arith.andi %parallel_loop3A_636, %broadcast_in_dim3A_99 : vector<16xi32>
          %parallel_loop3A_644 = vector.bitcast %parallel_loop3A_643 : vector<16xi32> to vector<16xf32>
          %parallel_loop3A_645 = arith.shli %parallel_loop3A_640, %broadcast_in_dim3A_101 : vector<16xi32>
          %parallel_loop3A_646 = vector.bitcast %parallel_loop3A_645 : vector<16xi32> to vector<16xf32>
          %parallel_loop3A_647 = arith.andi %parallel_loop3A_640, %broadcast_in_dim3A_99 : vector<16xi32>
          %parallel_loop3A_648 = vector.bitcast %parallel_loop3A_647 : vector<16xi32> to vector<16xf32>
          %parallel_loop3A_649 = arith.mulf %parallel_loop3A_642, %parallel_loop3A_646 : vector<16xf32>
          %parallel_loop3A_650 = arith.addf %parallel_loop3A_610, %parallel_loop3A_649 : vector<16xf32>
          %parallel_loop3A_651 = arith.mulf %parallel_loop3A_644, %parallel_loop3A_648 : vector<16xf32>
          %parallel_loop3A_652 = arith.addf %parallel_loop3A_612, %parallel_loop3A_651 : vector<16xf32>
          %parallel_loop3A_653 = arith.index_cast %parallel_loop3A_496 : i32 to index
          %parallel_loop3A_654 = arith.constant 128 : index
          %parallel_loop3A_655 = tpu.vector_load %arg10[%parallel_loop3A_653, %parallel_loop3A_654] {strides = array<i32>} : memref<32x256xf32, #tpu.memory_space<vmem>>, vector<16xf32>,
          %parallel_loop3A_656 = vector.bitcast %parallel_loop3A_655 : vector<16xf32> to vector<16xi32>
          %parallel_loop3A_657 = arith.index_cast %parallel_loop3A_496 : i32 to index
          %parallel_loop3A_658 = arith.constant 128 : index
          %parallel_loop3A_659 = tpu.vector_load %arg11[%parallel_loop3A_657, %parallel_loop3A_658] {strides = array<i32>} : memref<32x256xf32, #tpu.memory_space<vmem>>, vector<16xf32>,
          %parallel_loop3A_660 = vector.bitcast %parallel_loop3A_659 : vector<16xf32> to vector<16xi32>
          %parallel_loop3A_661 = arith.shli %parallel_loop3A_656, %broadcast_in_dim3A_101 : vector<16xi32>
          %parallel_loop3A_662 = vector.bitcast %parallel_loop3A_661 : vector<16xi32> to vector<16xf32>
          %parallel_loop3A_663 = arith.andi %parallel_loop3A_656, %broadcast_in_dim3A_99 : vector<16xi32>
          %parallel_loop3A_664 = vector.bitcast %parallel_loop3A_663 : vector<16xi32> to vector<16xf32>
          %parallel_loop3A_665 = arith.shli %parallel_loop3A_660, %broadcast_in_dim3A_101 : vector<16xi32>
          %parallel_loop3A_666 = vector.bitcast %parallel_loop3A_665 : vector<16xi32> to vector<16xf32>
          %parallel_loop3A_667 = arith.andi %parallel_loop3A_660, %broadcast_in_dim3A_99 : vector<16xi32>
          %parallel_loop3A_668 = vector.bitcast %parallel_loop3A_667 : vector<16xi32> to vector<16xf32>
          %parallel_loop3A_669 = arith.mulf %parallel_loop3A_662, %parallel_loop3A_666 : vector<16xf32>
          %parallel_loop3A_670 = arith.addf %parallel_loop3A_630, %parallel_loop3A_669 : vector<16xf32>
          %parallel_loop3A_671 = arith.mulf %parallel_loop3A_664, %parallel_loop3A_668 : vector<16xf32>
          %parallel_loop3A_672 = arith.addf %parallel_loop3A_632, %parallel_loop3A_671 : vector<16xf32>
          %parallel_loop3A_673 = arith.index_cast %parallel_loop3A_496 : i32 to index
          %parallel_loop3A_674 = arith.constant 144 : index
          %parallel_loop3A_675 = tpu.vector_load %arg10[%parallel_loop3A_673, %parallel_loop3A_674] {strides = array<i32>} : memref<32x256xf32, #tpu.memory_space<vmem>>, vector<16xf32>,
          %parallel_loop3A_676 = vector.bitcast %parallel_loop3A_675 : vector<16xf32> to vector<16xi32>
          %parallel_loop3A_677 = arith.index_cast %parallel_loop3A_496 : i32 to index
          %parallel_loop3A_678 = arith.constant 144 : index
          %parallel_loop3A_679 = tpu.vector_load %arg11[%parallel_loop3A_677, %parallel_loop3A_678] {strides = array<i32>} : memref<32x256xf32, #tpu.memory_space<vmem>>, vector<16xf32>,
          %parallel_loop3A_680 = vector.bitcast %parallel_loop3A_679 : vector<16xf32> to vector<16xi32>
          %parallel_loop3A_681 = arith.shli %parallel_loop3A_676, %broadcast_in_dim3A_101 : vector<16xi32>
          %parallel_loop3A_682 = vector.bitcast %parallel_loop3A_681 : vector<16xi32> to vector<16xf32>
          %parallel_loop3A_683 = arith.andi %parallel_loop3A_676, %broadcast_in_dim3A_99 : vector<16xi32>
          %parallel_loop3A_684 = vector.bitcast %parallel_loop3A_683 : vector<16xi32> to vector<16xf32>
          %parallel_loop3A_685 = arith.shli %parallel_loop3A_680, %broadcast_in_dim3A_101 : vector<16xi32>
          %parallel_loop3A_686 = vector.bitcast %parallel_loop3A_685 : vector<16xi32> to vector<16xf32>
          %parallel_loop3A_687 = arith.andi %parallel_loop3A_680, %broadcast_in_dim3A_99 : vector<16xi32>
          %parallel_loop3A_688 = vector.bitcast %parallel_loop3A_687 : vector<16xi32> to vector<16xf32>
          %parallel_loop3A_689 = arith.mulf %parallel_loop3A_682, %parallel_loop3A_686 : vector<16xf32>
          %parallel_loop3A_690 = arith.addf %parallel_loop3A_650, %parallel_loop3A_689 : vector<16xf32>
          %parallel_loop3A_691 = arith.mulf %parallel_loop3A_684, %parallel_loop3A_688 : vector<16xf32>
          %parallel_loop3A_692 = arith.addf %parallel_loop3A_652, %parallel_loop3A_691 : vector<16xf32>
          %parallel_loop3A_693 = arith.index_cast %parallel_loop3A_496 : i32 to index
          %parallel_loop3A_694 = arith.constant 160 : index
          %parallel_loop3A_695 = tpu.vector_load %arg10[%parallel_loop3A_693, %parallel_loop3A_694] {strides = array<i32>} : memref<32x256xf32, #tpu.memory_space<vmem>>, vector<16xf32>,
          %parallel_loop3A_696 = vector.bitcast %parallel_loop3A_695 : vector<16xf32> to vector<16xi32>
          %parallel_loop3A_697 = arith.index_cast %parallel_loop3A_496 : i32 to index
          %parallel_loop3A_698 = arith.constant 160 : index
          %parallel_loop3A_699 = tpu.vector_load %arg11[%parallel_loop3A_697, %parallel_loop3A_698] {strides = array<i32>} : memref<32x256xf32, #tpu.memory_space<vmem>>, vector<16xf32>,
          %parallel_loop3A_700 = vector.bitcast %parallel_loop3A_699 : vector<16xf32> to vector<16xi32>
          %parallel_loop3A_701 = arith.shli %parallel_loop3A_696, %broadcast_in_dim3A_101 : vector<16xi32>
          %parallel_loop3A_702 = vector.bitcast %parallel_loop3A_701 : vector<16xi32> to vector<16xf32>
          %parallel_loop3A_703 = arith.andi %parallel_loop3A_696, %broadcast_in_dim3A_99 : vector<16xi32>
          %parallel_loop3A_704 = vector.bitcast %parallel_loop3A_703 : vector<16xi32> to vector<16xf32>
          %parallel_loop3A_705 = arith.shli %parallel_loop3A_700, %broadcast_in_dim3A_101 : vector<16xi32>
          %parallel_loop3A_706 = vector.bitcast %parallel_loop3A_705 : vector<16xi32> to vector<16xf32>
          %parallel_loop3A_707 = arith.andi %parallel_loop3A_700, %broadcast_in_dim3A_99 : vector<16xi32>
          %parallel_loop3A_708 = vector.bitcast %parallel_loop3A_707 : vector<16xi32> to vector<16xf32>
          %parallel_loop3A_709 = arith.mulf %parallel_loop3A_702, %parallel_loop3A_706 : vector<16xf32>
          %parallel_loop3A_710 = arith.addf %parallel_loop3A_670, %parallel_loop3A_709 : vector<16xf32>
          %parallel_loop3A_711 = arith.mulf %parallel_loop3A_704, %parallel_loop3A_708 : vector<16xf32>
          %parallel_loop3A_712 = arith.addf %parallel_loop3A_672, %parallel_loop3A_711 : vector<16xf32>
          %parallel_loop3A_713 = arith.index_cast %parallel_loop3A_496 : i32 to index
          %parallel_loop3A_714 = arith.constant 176 : index
          %parallel_loop3A_715 = tpu.vector_load %arg10[%parallel_loop3A_713, %parallel_loop3A_714] {strides = array<i32>} : memref<32x256xf32, #tpu.memory_space<vmem>>, vector<16xf32>,
          %parallel_loop3A_716 = vector.bitcast %parallel_loop3A_715 : vector<16xf32> to vector<16xi32>
          %parallel_loop3A_717 = arith.index_cast %parallel_loop3A_496 : i32 to index
          %parallel_loop3A_718 = arith.constant 176 : index
          %parallel_loop3A_719 = tpu.vector_load %arg11[%parallel_loop3A_717, %parallel_loop3A_718] {strides = array<i32>} : memref<32x256xf32, #tpu.memory_space<vmem>>, vector<16xf32>,
          %parallel_loop3A_720 = vector.bitcast %parallel_loop3A_719 : vector<16xf32> to vector<16xi32>
          %parallel_loop3A_721 = arith.shli %parallel_loop3A_716, %broadcast_in_dim3A_101 : vector<16xi32>
          %parallel_loop3A_722 = vector.bitcast %parallel_loop3A_721 : vector<16xi32> to vector<16xf32>
          %parallel_loop3A_723 = arith.andi %parallel_loop3A_716, %broadcast_in_dim3A_99 : vector<16xi32>
          %parallel_loop3A_724 = vector.bitcast %parallel_loop3A_723 : vector<16xi32> to vector<16xf32>
          %parallel_loop3A_725 = arith.shli %parallel_loop3A_720, %broadcast_in_dim3A_101 : vector<16xi32>
          %parallel_loop3A_726 = vector.bitcast %parallel_loop3A_725 : vector<16xi32> to vector<16xf32>
          %parallel_loop3A_727 = arith.andi %parallel_loop3A_720, %broadcast_in_dim3A_99 : vector<16xi32>
          %parallel_loop3A_728 = vector.bitcast %parallel_loop3A_727 : vector<16xi32> to vector<16xf32>
          %parallel_loop3A_729 = arith.mulf %parallel_loop3A_722, %parallel_loop3A_726 : vector<16xf32>
          %parallel_loop3A_730 = arith.addf %parallel_loop3A_690, %parallel_loop3A_729 : vector<16xf32>
          %parallel_loop3A_731 = arith.mulf %parallel_loop3A_724, %parallel_loop3A_728 : vector<16xf32>
          %parallel_loop3A_732 = arith.addf %parallel_loop3A_692, %parallel_loop3A_731 : vector<16xf32>
          %parallel_loop3A_733 = arith.index_cast %parallel_loop3A_496 : i32 to index
          %parallel_loop3A_734 = arith.constant 192 : index
          %parallel_loop3A_735 = tpu.vector_load %arg10[%parallel_loop3A_733, %parallel_loop3A_734] {strides = array<i32>} : memref<32x256xf32, #tpu.memory_space<vmem>>, vector<16xf32>,
          %parallel_loop3A_736 = vector.bitcast %parallel_loop3A_735 : vector<16xf32> to vector<16xi32>
          %parallel_loop3A_737 = arith.index_cast %parallel_loop3A_496 : i32 to index
          %parallel_loop3A_738 = arith.constant 192 : index
          %parallel_loop3A_739 = tpu.vector_load %arg11[%parallel_loop3A_737, %parallel_loop3A_738] {strides = array<i32>} : memref<32x256xf32, #tpu.memory_space<vmem>>, vector<16xf32>,
          %parallel_loop3A_740 = vector.bitcast %parallel_loop3A_739 : vector<16xf32> to vector<16xi32>
          %parallel_loop3A_741 = arith.shli %parallel_loop3A_736, %broadcast_in_dim3A_101 : vector<16xi32>
          %parallel_loop3A_742 = vector.bitcast %parallel_loop3A_741 : vector<16xi32> to vector<16xf32>
          %parallel_loop3A_743 = arith.andi %parallel_loop3A_736, %broadcast_in_dim3A_99 : vector<16xi32>
          %parallel_loop3A_744 = vector.bitcast %parallel_loop3A_743 : vector<16xi32> to vector<16xf32>
          %parallel_loop3A_745 = arith.shli %parallel_loop3A_740, %broadcast_in_dim3A_101 : vector<16xi32>
          %parallel_loop3A_746 = vector.bitcast %parallel_loop3A_745 : vector<16xi32> to vector<16xf32>
          %parallel_loop3A_747 = arith.andi %parallel_loop3A_740, %broadcast_in_dim3A_99 : vector<16xi32>
          %parallel_loop3A_748 = vector.bitcast %parallel_loop3A_747 : vector<16xi32> to vector<16xf32>
          %parallel_loop3A_749 = arith.mulf %parallel_loop3A_742, %parallel_loop3A_746 : vector<16xf32>
          %parallel_loop3A_750 = arith.addf %parallel_loop3A_710, %parallel_loop3A_749 : vector<16xf32>
          %parallel_loop3A_751 = arith.mulf %parallel_loop3A_744, %parallel_loop3A_748 : vector<16xf32>
          %parallel_loop3A_752 = arith.addf %parallel_loop3A_712, %parallel_loop3A_751 : vector<16xf32>
          %parallel_loop3A_753 = arith.index_cast %parallel_loop3A_496 : i32 to index
          %parallel_loop3A_754 = arith.constant 208 : index
          %parallel_loop3A_755 = tpu.vector_load %arg10[%parallel_loop3A_753, %parallel_loop3A_754] {strides = array<i32>} : memref<32x256xf32, #tpu.memory_space<vmem>>, vector<16xf32>,
          %parallel_loop3A_756 = vector.bitcast %parallel_loop3A_755 : vector<16xf32> to vector<16xi32>
          %parallel_loop3A_757 = arith.index_cast %parallel_loop3A_496 : i32 to index
          %parallel_loop3A_758 = arith.constant 208 : index
          %parallel_loop3A_759 = tpu.vector_load %arg11[%parallel_loop3A_757, %parallel_loop3A_758] {strides = array<i32>} : memref<32x256xf32, #tpu.memory_space<vmem>>, vector<16xf32>,
          %parallel_loop3A_760 = vector.bitcast %parallel_loop3A_759 : vector<16xf32> to vector<16xi32>
          %parallel_loop3A_761 = arith.shli %parallel_loop3A_756, %broadcast_in_dim3A_101 : vector<16xi32>
          %parallel_loop3A_762 = vector.bitcast %parallel_loop3A_761 : vector<16xi32> to vector<16xf32>
          %parallel_loop3A_763 = arith.andi %parallel_loop3A_756, %broadcast_in_dim3A_99 : vector<16xi32>
          %parallel_loop3A_764 = vector.bitcast %parallel_loop3A_763 : vector<16xi32> to vector<16xf32>
          %parallel_loop3A_765 = arith.shli %parallel_loop3A_760, %broadcast_in_dim3A_101 : vector<16xi32>
          %parallel_loop3A_766 = vector.bitcast %parallel_loop3A_765 : vector<16xi32> to vector<16xf32>
          %parallel_loop3A_767 = arith.andi %parallel_loop3A_760, %broadcast_in_dim3A_99 : vector<16xi32>
          %parallel_loop3A_768 = vector.bitcast %parallel_loop3A_767 : vector<16xi32> to vector<16xf32>
          %parallel_loop3A_769 = arith.mulf %parallel_loop3A_762, %parallel_loop3A_766 : vector<16xf32>
          %parallel_loop3A_770 = arith.addf %parallel_loop3A_730, %parallel_loop3A_769 : vector<16xf32>
          %parallel_loop3A_771 = arith.mulf %parallel_loop3A_764, %parallel_loop3A_768 : vector<16xf32>
          %parallel_loop3A_772 = arith.addf %parallel_loop3A_732, %parallel_loop3A_771 : vector<16xf32>
          %parallel_loop3A_773 = arith.index_cast %parallel_loop3A_496 : i32 to index
          %parallel_loop3A_774 = arith.constant 224 : index
          %parallel_loop3A_775 = tpu.vector_load %arg10[%parallel_loop3A_773, %parallel_loop3A_774] {strides = array<i32>} : memref<32x256xf32, #tpu.memory_space<vmem>>, vector<16xf32>,
          %parallel_loop3A_776 = vector.bitcast %parallel_loop3A_775 : vector<16xf32> to vector<16xi32>
          %parallel_loop3A_777 = arith.index_cast %parallel_loop3A_496 : i32 to index
          %parallel_loop3A_778 = arith.constant 224 : index
          %parallel_loop3A_779 = tpu.vector_load %arg11[%parallel_loop3A_777, %parallel_loop3A_778] {strides = array<i32>} : memref<32x256xf32, #tpu.memory_space<vmem>>, vector<16xf32>,
          %parallel_loop3A_780 = vector.bitcast %parallel_loop3A_779 : vector<16xf32> to vector<16xi32>
          %parallel_loop3A_781 = arith.shli %parallel_loop3A_776, %broadcast_in_dim3A_101 : vector<16xi32>
          %parallel_loop3A_782 = vector.bitcast %parallel_loop3A_781 : vector<16xi32> to vector<16xf32>
          %parallel_loop3A_783 = arith.andi %parallel_loop3A_776, %broadcast_in_dim3A_99 : vector<16xi32>
          %parallel_loop3A_784 = vector.bitcast %parallel_loop3A_783 : vector<16xi32> to vector<16xf32>
          %parallel_loop3A_785 = arith.shli %parallel_loop3A_780, %broadcast_in_dim3A_101 : vector<16xi32>
          %parallel_loop3A_786 = vector.bitcast %parallel_loop3A_785 : vector<16xi32> to vector<16xf32>
          %parallel_loop3A_787 = arith.andi %parallel_loop3A_780, %broadcast_in_dim3A_99 : vector<16xi32>
          %parallel_loop3A_788 = vector.bitcast %parallel_loop3A_787 : vector<16xi32> to vector<16xf32>
          %parallel_loop3A_789 = arith.mulf %parallel_loop3A_782, %parallel_loop3A_786 : vector<16xf32>
          %parallel_loop3A_790 = arith.addf %parallel_loop3A_750, %parallel_loop3A_789 : vector<16xf32>
          %parallel_loop3A_791 = arith.mulf %parallel_loop3A_784, %parallel_loop3A_788 : vector<16xf32>
          %parallel_loop3A_792 = arith.addf %parallel_loop3A_752, %parallel_loop3A_791 : vector<16xf32>
          %parallel_loop3A_793 = arith.index_cast %parallel_loop3A_496 : i32 to index
          %parallel_loop3A_794 = arith.constant 240 : index
          %parallel_loop3A_795 = tpu.vector_load %arg10[%parallel_loop3A_793, %parallel_loop3A_794] {strides = array<i32>} : memref<32x256xf32, #tpu.memory_space<vmem>>, vector<16xf32>,
          %parallel_loop3A_796 = vector.bitcast %parallel_loop3A_795 : vector<16xf32> to vector<16xi32>
          %parallel_loop3A_797 = arith.index_cast %parallel_loop3A_496 : i32 to index
          %parallel_loop3A_798 = arith.constant 240 : index
          %parallel_loop3A_799 = tpu.vector_load %arg11[%parallel_loop3A_797, %parallel_loop3A_798] {strides = array<i32>} : memref<32x256xf32, #tpu.memory_space<vmem>>, vector<16xf32>,
          %parallel_loop3A_800 = vector.bitcast %parallel_loop3A_799 : vector<16xf32> to vector<16xi32>
          %parallel_loop3A_801 = arith.shli %parallel_loop3A_796, %broadcast_in_dim3A_101 : vector<16xi32>
          %parallel_loop3A_802 = vector.bitcast %parallel_loop3A_801 : vector<16xi32> to vector<16xf32>
          %parallel_loop3A_803 = arith.andi %parallel_loop3A_796, %broadcast_in_dim3A_99 : vector<16xi32>
          %parallel_loop3A_804 = vector.bitcast %parallel_loop3A_803 : vector<16xi32> to vector<16xf32>
          %parallel_loop3A_805 = arith.shli %parallel_loop3A_800, %broadcast_in_dim3A_101 : vector<16xi32>
          %parallel_loop3A_806 = vector.bitcast %parallel_loop3A_805 : vector<16xi32> to vector<16xf32>
          %parallel_loop3A_807 = arith.andi %parallel_loop3A_800, %broadcast_in_dim3A_99 : vector<16xi32>
          %parallel_loop3A_808 = vector.bitcast %parallel_loop3A_807 : vector<16xi32> to vector<16xf32>
          %parallel_loop3A_809 = arith.mulf %parallel_loop3A_802, %parallel_loop3A_806 : vector<16xf32>
          %parallel_loop3A_810 = arith.addf %parallel_loop3A_770, %parallel_loop3A_809 : vector<16xf32>
          %parallel_loop3A_811 = arith.mulf %parallel_loop3A_804, %parallel_loop3A_808 : vector<16xf32>
          %parallel_loop3A_812 = arith.addf %parallel_loop3A_772, %parallel_loop3A_811 : vector<16xf32>
          %parallel_loop3A_813 = arith.addf %parallel_loop3A_790, %parallel_loop3A_792 : vector<16xf32>
          %parallel_loop3A_814 = arith.addf %parallel_loop3A_810, %parallel_loop3A_812 : vector<16xf32>
          %parallel_loop3A_815 = arith.addf %parallel_loop3A_813, %parallel_loop3A_814 : vector<16xf32>
          %parallel_loop3A_816 = arith.index_cast %parallel_loop3A_496 : i32 to index
          %parallel_loop3A_817 = arith.constant 0 : index
          %parallel_loop3A_818 = tpu.vector_load %arg18[%parallel_loop3A_816, %parallel_loop3A_817] {strides = array<i32>} : memref<32x16xf32, #tpu.memory_space<vmem>>, vector<16xf32>,
          tpu.vector_store %arg18[%parallel_loop3A_816, %parallel_loop3A_817], %parallel_loop3A_815 {strides = array<i32>} : memref<32x16xf32, #tpu.memory_space<vmem>>, vector<16xf32>,
        } {sc.loop_unroll_factor = 2 : i64, sc.parallel_access}
        %add3A_104 = arith.constant 0 : i32
        %add3A_105 = vector.broadcast %add3A_104 : i32 to vector<16xi32>
        %add3A_106 = arith.addi %add3A_105, %iota3A : vector<16xi32>
        %broadcast_in_dim3A_107 = arith.constant 0 : i32
        %broadcast_in_dim3A_108 = vector.broadcast %broadcast_in_dim3A_107 : i32 to vector<16xi32>
        %gather3A = tpu.vector_load_idx %arg18[%add3A_106, %broadcast_in_dim3A_108] : memref<32x16xf32, #tpu.memory_space<vmem>>[vector<16xi32>, vector<16xi32>], vector<16xf32>,
        %broadcast_in_dim3A_109 = arith.constant 1 : i32
        %broadcast_in_dim3A_110 = vector.broadcast %broadcast_in_dim3A_109 : i32 to vector<16xi32>
        %gather3A_111 = tpu.vector_load_idx %arg18[%add3A_106, %broadcast_in_dim3A_110] : memref<32x16xf32, #tpu.memory_space<vmem>>[vector<16xi32>, vector<16xi32>], vector<16xf32>,
        %broadcast_in_dim3A_112 = arith.constant 2 : i32
        %broadcast_in_dim3A_113 = vector.broadcast %broadcast_in_dim3A_112 : i32 to vector<16xi32>
        %gather3A_114 = tpu.vector_load_idx %arg18[%add3A_106, %broadcast_in_dim3A_113] : memref<32x16xf32, #tpu.memory_space<vmem>>[vector<16xi32>, vector<16xi32>], vector<16xf32>,
        %broadcast_in_dim3A_115 = arith.constant 3 : i32
        %broadcast_in_dim3A_116 = vector.broadcast %broadcast_in_dim3A_115 : i32 to vector<16xi32>
        %gather3A_117 = tpu.vector_load_idx %arg18[%add3A_106, %broadcast_in_dim3A_116] : memref<32x16xf32, #tpu.memory_space<vmem>>[vector<16xi32>, vector<16xi32>], vector<16xf32>,
        %broadcast_in_dim3A_118 = arith.constant 4 : i32
        %broadcast_in_dim3A_119 = vector.broadcast %broadcast_in_dim3A_118 : i32 to vector<16xi32>
        %gather3A_120 = tpu.vector_load_idx %arg18[%add3A_106, %broadcast_in_dim3A_119] : memref<32x16xf32, #tpu.memory_space<vmem>>[vector<16xi32>, vector<16xi32>], vector<16xf32>,
        %add3A_121 = arith.addf %gather3A, %gather3A_120 : vector<16xf32>
        %broadcast_in_dim3A_122 = arith.constant 5 : i32
        %broadcast_in_dim3A_123 = vector.broadcast %broadcast_in_dim3A_122 : i32 to vector<16xi32>
        %gather3A_124 = tpu.vector_load_idx %arg18[%add3A_106, %broadcast_in_dim3A_123] : memref<32x16xf32, #tpu.memory_space<vmem>>[vector<16xi32>, vector<16xi32>], vector<16xf32>,
        %add3A_125 = arith.addf %gather3A_111, %gather3A_124 : vector<16xf32>
        %broadcast_in_dim3A_126 = arith.constant 6 : i32
        %broadcast_in_dim3A_127 = vector.broadcast %broadcast_in_dim3A_126 : i32 to vector<16xi32>
        %gather3A_128 = tpu.vector_load_idx %arg18[%add3A_106, %broadcast_in_dim3A_127] : memref<32x16xf32, #tpu.memory_space<vmem>>[vector<16xi32>, vector<16xi32>], vector<16xf32>,
        %add3A_129 = arith.addf %gather3A_114, %gather3A_128 : vector<16xf32>
        %broadcast_in_dim3A_130 = arith.constant 7 : i32
        %broadcast_in_dim3A_131 = vector.broadcast %broadcast_in_dim3A_130 : i32 to vector<16xi32>
        %gather3A_132 = tpu.vector_load_idx %arg18[%add3A_106, %broadcast_in_dim3A_131] : memref<32x16xf32, #tpu.memory_space<vmem>>[vector<16xi32>, vector<16xi32>], vector<16xf32>,
        %add3A_133 = arith.addf %gather3A_117, %gather3A_132 : vector<16xf32>
        %broadcast_in_dim3A_134 = arith.constant 8 : i32
        %broadcast_in_dim3A_135 = vector.broadcast %broadcast_in_dim3A_134 : i32 to vector<16xi32>
        %gather3A_136 = tpu.vector_load_idx %arg18[%add3A_106, %broadcast_in_dim3A_135] : memref<32x16xf32, #tpu.memory_space<vmem>>[vector<16xi32>, vector<16xi32>], vector<16xf32>,
        %add3A_137 = arith.addf %add3A_121, %gather3A_136 : vector<16xf32>
        %broadcast_in_dim3A_138 = arith.constant 9 : i32
        %broadcast_in_dim3A_139 = vector.broadcast %broadcast_in_dim3A_138 : i32 to vector<16xi32>
        %gather3A_140 = tpu.vector_load_idx %arg18[%add3A_106, %broadcast_in_dim3A_139] : memref<32x16xf32, #tpu.memory_space<vmem>>[vector<16xi32>, vector<16xi32>], vector<16xf32>,
        %add3A_141 = arith.addf %add3A_125, %gather3A_140 : vector<16xf32>
        %broadcast_in_dim3A_142 = arith.constant 10 : i32
        %broadcast_in_dim3A_143 = vector.broadcast %broadcast_in_dim3A_142 : i32 to vector<16xi32>
        %gather3A_144 = tpu.vector_load_idx %arg18[%add3A_106, %broadcast_in_dim3A_143] : memref<32x16xf32, #tpu.memory_space<vmem>>[vector<16xi32>, vector<16xi32>], vector<16xf32>,
        %add3A_145 = arith.addf %add3A_129, %gather3A_144 : vector<16xf32>
        %broadcast_in_dim3A_146 = arith.constant 11 : i32
        %broadcast_in_dim3A_147 = vector.broadcast %broadcast_in_dim3A_146 : i32 to vector<16xi32>
        %gather3A_148 = tpu.vector_load_idx %arg18[%add3A_106, %broadcast_in_dim3A_147] : memref<32x16xf32, #tpu.memory_space<vmem>>[vector<16xi32>, vector<16xi32>], vector<16xf32>,
        %add3A_149 = arith.addf %add3A_133, %gather3A_148 : vector<16xf32>
        %broadcast_in_dim3A_150 = arith.constant 12 : i32
        %broadcast_in_dim3A_151 = vector.broadcast %broadcast_in_dim3A_150 : i32 to vector<16xi32>
        %gather3A_152 = tpu.vector_load_idx %arg18[%add3A_106, %broadcast_in_dim3A_151] : memref<32x16xf32, #tpu.memory_space<vmem>>[vector<16xi32>, vector<16xi32>], vector<16xf32>,
        %add3A_153 = arith.addf %add3A_137, %gather3A_152 : vector<16xf32>
        %broadcast_in_dim3A_154 = arith.constant 13 : i32
        %broadcast_in_dim3A_155 = vector.broadcast %broadcast_in_dim3A_154 : i32 to vector<16xi32>
        %gather3A_156 = tpu.vector_load_idx %arg18[%add3A_106, %broadcast_in_dim3A_155] : memref<32x16xf32, #tpu.memory_space<vmem>>[vector<16xi32>, vector<16xi32>], vector<16xf32>,
        %add3A_157 = arith.addf %add3A_141, %gather3A_156 : vector<16xf32>
        %broadcast_in_dim3A_158 = arith.constant 14 : i32
        %broadcast_in_dim3A_159 = vector.broadcast %broadcast_in_dim3A_158 : i32 to vector<16xi32>
        %gather3A_160 = tpu.vector_load_idx %arg18[%add3A_106, %broadcast_in_dim3A_159] : memref<32x16xf32, #tpu.memory_space<vmem>>[vector<16xi32>, vector<16xi32>], vector<16xf32>,
        %add3A_161 = arith.addf %add3A_145, %gather3A_160 : vector<16xf32>
        %broadcast_in_dim3A_162 = arith.constant 15 : i32
        %broadcast_in_dim3A_163 = vector.broadcast %broadcast_in_dim3A_162 : i32 to vector<16xi32>
        %gather3A_164 = tpu.vector_load_idx %arg18[%add3A_106, %broadcast_in_dim3A_163] : memref<32x16xf32, #tpu.memory_space<vmem>>[vector<16xi32>, vector<16xi32>], vector<16xf32>,
        %add3A_165 = arith.addf %add3A_149, %gather3A_164 : vector<16xf32>
        %add3A_166 = arith.addf %add3A_153, %add3A_157 : vector<16xf32>
        %add3A_167 = arith.addf %add3A_161, %add3A_165 : vector<16xf32>
        %add3A_168 = arith.addf %add3A_166, %add3A_167 : vector<16xf32>
        %get3A_169 = arith.constant 0 : index
        %get3A_170 = tpu.vector_load %arg14[%get3A_169] {strides = array<i32>} : memref<32xi32, #tpu.memory_space<vmem>>, vector<16xi32>,
        %gather3A_171 = tpu.vector_load_idx %arg9[%get3A_170] : memref<10000xf32, #tpu.memory_space<vmem>>[vector<16xi32>], vector<16xf32>,
        %mul3A_172 = arith.constant 32 : i32
        %mul3A_173 = arith.muli %mul3A_52, %mul3A_172 : i32
        %add3A_174 = arith.addi %mul3A_18, %mul3A_173 : i32
        %add3A_175 = arith.constant 0 : i32
        %add3A_176 = arith.addi %add3A_174, %add3A_175 : i32
        %add3A_177 = vector.broadcast %add3A_176 : i32 to vector<16xi32>
        %add3A_178 = arith.addi %add3A_177, %iota3A : vector<16xi32>
        %lt3A = arith.constant 160000 : i32
        %lt3A_179 = vector.broadcast %lt3A : i32 to vector<16xi32>
        %lt3A_180 = arith.cmpi slt, %add3A_178, %lt3A_179 : vector<16xi32>
        %mul3A_181 = arith.mulf %gather3A_171, %add3A_168 : vector<16xf32>
        %jit3A = arith.constant 0.000000e+00 : f32
        %broadcast_in_dim3A_182 = vector.broadcast %jit3A : f32 to vector<16xf32>
        %select_n3A = arith.select %lt3A_180, %mul3A_181, %broadcast_in_dim3A_182 : vector<16xi1>, vector<16xf32>
        %swap3A_183 = arith.constant 0 : index
        %swap3A_184 = tpu.vector_load %arg19[%swap3A_183] {strides = array<i32>} : memref<32xf32, #tpu.memory_space<vmem>>, vector<16xf32>,
        tpu.vector_store %arg19[%swap3A_183], %select_n3A {strides = array<i32>} : memref<32xf32, #tpu.memory_space<vmem>>, vector<16xf32>,
        %add3A_185 = arith.constant 16 : i32
        %add3A_186 = vector.broadcast %add3A_185 : i32 to vector<16xi32>
        %add3A_187 = arith.addi %add3A_186, %iota3A : vector<16xi32>
        %broadcast_in_dim3A_188 = arith.constant 0 : i32
        %broadcast_in_dim3A_189 = vector.broadcast %broadcast_in_dim3A_188 : i32 to vector<16xi32>
        %gather3A_190 = tpu.vector_load_idx %arg18[%add3A_187, %broadcast_in_dim3A_189] : memref<32x16xf32, #tpu.memory_space<vmem>>[vector<16xi32>, vector<16xi32>], vector<16xf32>,
        %broadcast_in_dim3A_191 = arith.constant 1 : i32
        %broadcast_in_dim3A_192 = vector.broadcast %broadcast_in_dim3A_191 : i32 to vector<16xi32>
        %gather3A_193 = tpu.vector_load_idx %arg18[%add3A_187, %broadcast_in_dim3A_192] : memref<32x16xf32, #tpu.memory_space<vmem>>[vector<16xi32>, vector<16xi32>], vector<16xf32>,
        %broadcast_in_dim3A_194 = arith.constant 2 : i32
        %broadcast_in_dim3A_195 = vector.broadcast %broadcast_in_dim3A_194 : i32 to vector<16xi32>
        %gather3A_196 = tpu.vector_load_idx %arg18[%add3A_187, %broadcast_in_dim3A_195] : memref<32x16xf32, #tpu.memory_space<vmem>>[vector<16xi32>, vector<16xi32>], vector<16xf32>,
        %broadcast_in_dim3A_197 = arith.constant 3 : i32
        %broadcast_in_dim3A_198 = vector.broadcast %broadcast_in_dim3A_197 : i32 to vector<16xi32>
        %gather3A_199 = tpu.vector_load_idx %arg18[%add3A_187, %broadcast_in_dim3A_198] : memref<32x16xf32, #tpu.memory_space<vmem>>[vector<16xi32>, vector<16xi32>], vector<16xf32>,
        %broadcast_in_dim3A_200 = arith.constant 4 : i32
        %broadcast_in_dim3A_201 = vector.broadcast %broadcast_in_dim3A_200 : i32 to vector<16xi32>
        %gather3A_202 = tpu.vector_load_idx %arg18[%add3A_187, %broadcast_in_dim3A_201] : memref<32x16xf32, #tpu.memory_space<vmem>>[vector<16xi32>, vector<16xi32>], vector<16xf32>,
        %add3A_203 = arith.addf %gather3A_190, %gather3A_202 : vector<16xf32>
        %broadcast_in_dim3A_204 = arith.constant 5 : i32
        %broadcast_in_dim3A_205 = vector.broadcast %broadcast_in_dim3A_204 : i32 to vector<16xi32>
        %gather3A_206 = tpu.vector_load_idx %arg18[%add3A_187, %broadcast_in_dim3A_205] : memref<32x16xf32, #tpu.memory_space<vmem>>[vector<16xi32>, vector<16xi32>], vector<16xf32>,
        %add3A_207 = arith.addf %gather3A_193, %gather3A_206 : vector<16xf32>
        %broadcast_in_dim3A_208 = arith.constant 6 : i32
        %broadcast_in_dim3A_209 = vector.broadcast %broadcast_in_dim3A_208 : i32 to vector<16xi32>
        %gather3A_210 = tpu.vector_load_idx %arg18[%add3A_187, %broadcast_in_dim3A_209] : memref<32x16xf32, #tpu.memory_space<vmem>>[vector<16xi32>, vector<16xi32>], vector<16xf32>,
        %add3A_211 = arith.addf %gather3A_196, %gather3A_210 : vector<16xf32>
        %broadcast_in_dim3A_212 = arith.constant 7 : i32
        %broadcast_in_dim3A_213 = vector.broadcast %broadcast_in_dim3A_212 : i32 to vector<16xi32>
        %gather3A_214 = tpu.vector_load_idx %arg18[%add3A_187, %broadcast_in_dim3A_213] : memref<32x16xf32, #tpu.memory_space<vmem>>[vector<16xi32>, vector<16xi32>], vector<16xf32>,
        %add3A_215 = arith.addf %gather3A_199, %gather3A_214 : vector<16xf32>
        %broadcast_in_dim3A_216 = arith.constant 8 : i32
        %broadcast_in_dim3A_217 = vector.broadcast %broadcast_in_dim3A_216 : i32 to vector<16xi32>
        %gather3A_218 = tpu.vector_load_idx %arg18[%add3A_187, %broadcast_in_dim3A_217] : memref<32x16xf32, #tpu.memory_space<vmem>>[vector<16xi32>, vector<16xi32>], vector<16xf32>,
        %add3A_219 = arith.addf %add3A_203, %gather3A_218 : vector<16xf32>
        %broadcast_in_dim3A_220 = arith.constant 9 : i32
        %broadcast_in_dim3A_221 = vector.broadcast %broadcast_in_dim3A_220 : i32 to vector<16xi32>
        %gather3A_222 = tpu.vector_load_idx %arg18[%add3A_187, %broadcast_in_dim3A_221] : memref<32x16xf32, #tpu.memory_space<vmem>>[vector<16xi32>, vector<16xi32>], vector<16xf32>,
        %add3A_223 = arith.addf %add3A_207, %gather3A_222 : vector<16xf32>
        %broadcast_in_dim3A_224 = arith.constant 10 : i32
        %broadcast_in_dim3A_225 = vector.broadcast %broadcast_in_dim3A_224 : i32 to vector<16xi32>
        %gather3A_226 = tpu.vector_load_idx %arg18[%add3A_187, %broadcast_in_dim3A_225] : memref<32x16xf32, #tpu.memory_space<vmem>>[vector<16xi32>, vector<16xi32>], vector<16xf32>,
        %add3A_227 = arith.addf %add3A_211, %gather3A_226 : vector<16xf32>
        %broadcast_in_dim3A_228 = arith.constant 11 : i32
        %broadcast_in_dim3A_229 = vector.broadcast %broadcast_in_dim3A_228 : i32 to vector<16xi32>
        %gather3A_230 = tpu.vector_load_idx %arg18[%add3A_187, %broadcast_in_dim3A_229] : memref<32x16xf32, #tpu.memory_space<vmem>>[vector<16xi32>, vector<16xi32>], vector<16xf32>,
        %add3A_231 = arith.addf %add3A_215, %gather3A_230 : vector<16xf32>
        %broadcast_in_dim3A_232 = arith.constant 12 : i32
        %broadcast_in_dim3A_233 = vector.broadcast %broadcast_in_dim3A_232 : i32 to vector<16xi32>
        %gather3A_234 = tpu.vector_load_idx %arg18[%add3A_187, %broadcast_in_dim3A_233] : memref<32x16xf32, #tpu.memory_space<vmem>>[vector<16xi32>, vector<16xi32>], vector<16xf32>,
        %add3A_235 = arith.addf %add3A_219, %gather3A_234 : vector<16xf32>
        %broadcast_in_dim3A_236 = arith.constant 13 : i32
        %broadcast_in_dim3A_237 = vector.broadcast %broadcast_in_dim3A_236 : i32 to vector<16xi32>
        %gather3A_238 = tpu.vector_load_idx %arg18[%add3A_187, %broadcast_in_dim3A_237] : memref<32x16xf32, #tpu.memory_space<vmem>>[vector<16xi32>, vector<16xi32>], vector<16xf32>,
        %add3A_239 = arith.addf %add3A_223, %gather3A_238 : vector<16xf32>
        %broadcast_in_dim3A_240 = arith.constant 14 : i32
        %broadcast_in_dim3A_241 = vector.broadcast %broadcast_in_dim3A_240 : i32 to vector<16xi32>
        %gather3A_242 = tpu.vector_load_idx %arg18[%add3A_187, %broadcast_in_dim3A_241] : memref<32x16xf32, #tpu.memory_space<vmem>>[vector<16xi32>, vector<16xi32>], vector<16xf32>,
        %add3A_243 = arith.addf %add3A_227, %gather3A_242 : vector<16xf32>
        %broadcast_in_dim3A_244 = arith.constant 15 : i32
        %broadcast_in_dim3A_245 = vector.broadcast %broadcast_in_dim3A_244 : i32 to vector<16xi32>
        %gather3A_246 = tpu.vector_load_idx %arg18[%add3A_187, %broadcast_in_dim3A_245] : memref<32x16xf32, #tpu.memory_space<vmem>>[vector<16xi32>, vector<16xi32>], vector<16xf32>,
        %add3A_247 = arith.addf %add3A_231, %gather3A_246 : vector<16xf32>
        %add3A_248 = arith.addf %add3A_235, %add3A_239 : vector<16xf32>
        %add3A_249 = arith.addf %add3A_243, %add3A_247 : vector<16xf32>
        %add3A_250 = arith.addf %add3A_248, %add3A_249 : vector<16xf32>
        %get3A_251 = arith.constant 16 : index
        %get3A_252 = tpu.vector_load %arg14[%get3A_251] {strides = array<i32>} : memref<32xi32, #tpu.memory_space<vmem>>, vector<16xi32>,
        %gather3A_253 = tpu.vector_load_idx %arg9[%get3A_252] : memref<10000xf32, #tpu.memory_space<vmem>>[vector<16xi32>], vector<16xf32>,
        %mul3A_254 = arith.constant 32 : i32
        %mul3A_255 = arith.muli %mul3A_52, %mul3A_254 : i32
        %add3A_256 = arith.addi %mul3A_18, %mul3A_255 : i32
        %add3A_257 = arith.constant 16 : i32
        %add3A_258 = arith.addi %add3A_256, %add3A_257 : i32
        %add3A_259 = vector.broadcast %add3A_258 : i32 to vector<16xi32>
        %add3A_260 = arith.addi %add3A_259, %iota3A : vector<16xi32>
        %lt3A_261 = arith.constant 160000 : i32
        %lt3A_262 = vector.broadcast %lt3A_261 : i32 to vector<16xi32>
        %lt3A_263 = arith.cmpi slt, %add3A_260, %lt3A_262 : vector<16xi32>
        %mul3A_264 = arith.mulf %gather3A_253, %add3A_250 : vector<16xf32>
        %jit3A_265 = arith.constant 0.000000e+00 : f32
        %broadcast_in_dim3A_266 = vector.broadcast %jit3A_265 : f32 to vector<16xf32>
        %select_n3A_267 = arith.select %lt3A_263, %mul3A_264, %broadcast_in_dim3A_266 : vector<16xi1>, vector<16xf32>
        %swap3A_268 = arith.constant 16 : index
        %swap3A_269 = tpu.vector_load %arg19[%swap3A_268] {strides = array<i32>} : memref<32xf32, #tpu.memory_space<vmem>>, vector<16xf32>,
        tpu.vector_store %arg19[%swap3A_268], %select_n3A_267 {strides = array<i32>} : memref<32xf32, #tpu.memory_space<vmem>>, vector<16xf32>,
        "tpu.region"() ({
          %run_scoped3A = tpu.sem_alloc : memref<!tpu.dma_semaphore, #tpu.memory_space<semaphore_mem>>
          %dma_start3A_496 = arith.constant 0 : i32
          %dma_start3A_497 = tpu.memref_slice %arg21[%dma_start3A_496] : memref<10000xf32, #tpu.memory_space<vmem_shared>> -> memref<10000xf32, #tpu.memory_space<vmem_shared>>
          tpu.enqueue_indirect_dma source(%arg19 : memref<32xf32, #tpu.memory_space<vmem>>) target(%dma_start3A_497 : memref<10000xf32, #tpu.memory_space<vmem_shared>>) offsets(%arg15 : memref<32xi32, #tpu.memory_space<vmem>>) semaphore(%run_scoped3A : memref<!tpu.dma_semaphore, #tpu.memory_space<semaphore_mem>>) {add = true}
          %dma_wait3A_498 = arith.constant 0 : i32
          %dma_wait3A_499 = tpu.memref_slice %arg21[%dma_wait3A_498] : memref<10000xf32, #tpu.memory_space<vmem_shared>> -> memref<10000xf32, #tpu.memory_space<vmem_shared>>
          tpu.wait_indirect_dma semaphore(%run_scoped3A : memref<!tpu.dma_semaphore, #tpu.memory_space<semaphore_mem>>) src(%arg19 : memref<32xf32, #tpu.memory_space<vmem>>) dst(%dma_wait3A_499 : memref<10000xf32, #tpu.memory_space<vmem_shared>>)
          tpu.yield
        }) : () -> ()
        %add3A_270 = arith.constant 2 : i32
        %add3A_271 = arith.addi %mul3A_52, %add3A_270 : i32
        %min3A = arith.constant 113 : i32
        %min3A_272 = arith.minsi %add3A_271, %min3A : i32
        %mul3A_273 = arith.constant 32 : i32
        %mul3A_274 = arith.muli %min3A_272, %mul3A_273 : i32
        %add3A_275 = arith.constant 0 : i32
        %add3A_276 = arith.addi %mul3A_274, %add3A_275 : i32
        %get3A_277 = arith.index_cast %add3A_276 : i32 to index
        %get3A_278 = tpu.vector_load %arg7[%get3A_277] {strides = array<i32>} : memref<6528xi32, #tpu.memory_space<vmem>>, vector<16xi32>,
        %swap3A_279 = arith.constant 0 : index
        %swap3A_280 = tpu.vector_load %arg14[%swap3A_279] {strides = array<i32>} : memref<32xi32, #tpu.memory_space<vmem>>, vector<16xi32>,
        tpu.vector_store %arg14[%swap3A_279], %get3A_278 {strides = array<i32>} : memref<32xi32, #tpu.memory_space<vmem>>, vector<16xi32>,
        %mul3A_281 = arith.constant 32 : i32
        %mul3A_282 = arith.muli %min3A_272, %mul3A_281 : i32
        %add3A_283 = arith.constant 0 : i32
        %add3A_284 = arith.addi %mul3A_282, %add3A_283 : i32
        %get3A_285 = arith.index_cast %add3A_284 : i32 to index
        %get3A_286 = tpu.vector_load %arg8[%get3A_285] {strides = array<i32>} : memref<6528xi32, #tpu.memory_space<vmem>>, vector<16xi32>,
        %swap3A_287 = arith.constant 0 : index
        %swap3A_288 = tpu.vector_load %arg15[%swap3A_287] {strides = array<i32>} : memref<32xi32, #tpu.memory_space<vmem>>, vector<16xi32>,
        tpu.vector_store %arg15[%swap3A_287], %get3A_286 {strides = array<i32>} : memref<32xi32, #tpu.memory_space<vmem>>, vector<16xi32>,
        %mul3A_289 = arith.constant 32 : i32
        %mul3A_290 = arith.muli %min3A_272, %mul3A_289 : i32
        %add3A_291 = arith.constant 16 : i32
        %add3A_292 = arith.addi %mul3A_290, %add3A_291 : i32
        %get3A_293 = arith.index_cast %add3A_292 : i32 to index
        %get3A_294 = tpu.vector_load %arg7[%get3A_293] {strides = array<i32>} : memref<6528xi32, #tpu.memory_space<vmem>>, vector<16xi32>,
        %swap3A_295 = arith.constant 16 : index
        %swap3A_296 = tpu.vector_load %arg14[%swap3A_295] {strides = array<i32>} : memref<32xi32, #tpu.memory_space<vmem>>, vector<16xi32>,
        tpu.vector_store %arg14[%swap3A_295], %get3A_294 {strides = array<i32>} : memref<32xi32, #tpu.memory_space<vmem>>, vector<16xi32>,
        %mul3A_297 = arith.constant 32 : i32
        %mul3A_298 = arith.muli %min3A_272, %mul3A_297 : i32
        %add3A_299 = arith.constant 16 : i32
        %add3A_300 = arith.addi %mul3A_298, %add3A_299 : i32
        %get3A_301 = arith.index_cast %add3A_300 : i32 to index
        %get3A_302 = tpu.vector_load %arg8[%get3A_301] {strides = array<i32>} : memref<6528xi32, #tpu.memory_space<vmem>>, vector<16xi32>,
        %swap3A_303 = arith.constant 16 : index
        %swap3A_304 = tpu.vector_load %arg15[%swap3A_303] {strides = array<i32>} : memref<32xi32, #tpu.memory_space<vmem>>, vector<16xi32>,
        tpu.vector_store %arg15[%swap3A_303], %get3A_302 {strides = array<i32>} : memref<32xi32, #tpu.memory_space<vmem>>, vector<16xi32>,
        %dma_start3A_305 = arith.constant 0 : i32
        %dma_start3A_306 = arith.constant 0 : i32
        %dma_start3A_307 = tpu.memref_slice %arg3[%dma_start3A_305, %dma_start3A_306] : memref<10000x256xf32, #tpu.memory_space<hbm>> -> memref<10000x256xf32, #tpu.memory_space<hbm>>
        tpu.enqueue_indirect_dma source(%dma_start3A_307 : memref<10000x256xf32, #tpu.memory_space<hbm>>) target(%arg10 : memref<32x256xf32, #tpu.memory_space<vmem>>) offsets(%arg14 : memref<32xi32, #tpu.memory_space<vmem>>) semaphore(%arg22 : memref<!tpu.dma_semaphore, #tpu.memory_space<semaphore_mem>>)
        %dma_start3A_308 = arith.constant 0 : i32
        %dma_start3A_309 = arith.constant 0 : i32
        %dma_start3A_310 = tpu.memref_slice %arg3[%dma_start3A_308, %dma_start3A_309] : memref<10000x256xf32, #tpu.memory_space<hbm>> -> memref<10000x256xf32, #tpu.memory_space<hbm>>
        tpu.enqueue_indirect_dma source(%dma_start3A_310 : memref<10000x256xf32, #tpu.memory_space<hbm>>) target(%arg11 : memref<32x256xf32, #tpu.memory_space<vmem>>) offsets(%arg15 : memref<32xi32, #tpu.memory_space<vmem>>) semaphore(%arg23 : memref<!tpu.dma_semaphore, #tpu.memory_space<semaphore_mem>>)
        %dma_wait3A_311 = arith.constant 0 : i32
        %dma_wait3A_312 = arith.constant 0 : i32
        %dma_wait3A_313 = tpu.memref_slice %arg3[%dma_wait3A_311, %dma_wait3A_312] : memref<10000x256xf32, #tpu.memory_space<hbm>> -> memref<10000x256xf32, #tpu.memory_space<hbm>>
        tpu.wait_indirect_dma semaphore(%arg24 : memref<!tpu.dma_semaphore, #tpu.memory_space<semaphore_mem>>) src(%dma_wait3A_313 : memref<10000x256xf32, #tpu.memory_space<hbm>>) dst(%arg12 : memref<32x256xf32, #tpu.memory_space<vmem>>)
        %dma_wait3A_314 = arith.constant 0 : i32
        %dma_wait3A_315 = arith.constant 0 : i32
        %dma_wait3A_316 = tpu.memref_slice %arg3[%dma_wait3A_314, %dma_wait3A_315] : memref<10000x256xf32, #tpu.memory_space<hbm>> -> memref<10000x256xf32, #tpu.memory_space<hbm>>
        tpu.wait_indirect_dma semaphore(%arg25 : memref<!tpu.dma_semaphore, #tpu.memory_space<semaphore_mem>>) src(%dma_wait3A_316 : memref<10000x256xf32, #tpu.memory_space<hbm>>) dst(%arg13 : memref<32x256xf32, #tpu.memory_space<vmem>>)
        %add3A_317 = arith.constant 1 : i32
        %add3A_318 = arith.addi %mul3A_52, %add3A_317 : i32
        %broadcast_in_dim3A_319 = arith.constant -65536 : i32
        %broadcast_in_dim3A_320 = vector.broadcast %broadcast_in_dim3A_319 : i32 to vector<16xi32>
        %broadcast_in_dim3A_321 = arith.constant 16 : i32
        %broadcast_in_dim3A_322 = vector.broadcast %broadcast_in_dim3A_321 : i32 to vector<16xi32>
        %parallel_loop3A_323 = arith.constant 0 : i32
        %parallel_loop3A_324 = arith.constant 32 : i32
        %parallel_loop3A_325 = arith.constant 1 : i32
        scf.for %parallel_loop3A_496 = %parallel_loop3A_323 to %parallel_loop3A_324 step %parallel_loop3A_325  : i32 {
          %parallel_loop3A_497 = arith.index_cast %parallel_loop3A_496 : i32 to index
          %parallel_loop3A_498 = arith.constant 0 : index
          %parallel_loop3A_499 = tpu.vector_load %arg12[%parallel_loop3A_497, %parallel_loop3A_498] {strides = array<i32>} : memref<32x256xf32, #tpu.memory_space<vmem>>, vector<16xf32>,
          %parallel_loop3A_500 = vector.bitcast %parallel_loop3A_499 : vector<16xf32> to vector<16xi32>
          %parallel_loop3A_501 = arith.index_cast %parallel_loop3A_496 : i32 to index
          %parallel_loop3A_502 = arith.constant 0 : index
          %parallel_loop3A_503 = tpu.vector_load %arg13[%parallel_loop3A_501, %parallel_loop3A_502] {strides = array<i32>} : memref<32x256xf32, #tpu.memory_space<vmem>>, vector<16xf32>,
          %parallel_loop3A_504 = vector.bitcast %parallel_loop3A_503 : vector<16xf32> to vector<16xi32>
          %parallel_loop3A_505 = arith.shli %parallel_loop3A_500, %broadcast_in_dim3A_322 : vector<16xi32>
          %parallel_loop3A_506 = vector.bitcast %parallel_loop3A_505 : vector<16xi32> to vector<16xf32>
          %parallel_loop3A_507 = arith.andi %parallel_loop3A_500, %broadcast_in_dim3A_320 : vector<16xi32>
          %parallel_loop3A_508 = vector.bitcast %parallel_loop3A_507 : vector<16xi32> to vector<16xf32>
          %parallel_loop3A_509 = arith.shli %parallel_loop3A_504, %broadcast_in_dim3A_322 : vector<16xi32>
          %parallel_loop3A_510 = vector.bitcast %parallel_loop3A_509 : vector<16xi32> to vector<16xf32>
          %parallel_loop3A_511 = arith.andi %parallel_loop3A_504, %broadcast_in_dim3A_320 : vector<16xi32>
          %parallel_loop3A_512 = vector.bitcast %parallel_loop3A_511 : vector<16xi32> to vector<16xf32>
          %parallel_loop3A_513 = arith.mulf %parallel_loop3A_506, %parallel_loop3A_510 : vector<16xf32>
          %parallel_loop3A_514 = arith.mulf %parallel_loop3A_508, %parallel_loop3A_512 : vector<16xf32>
          %parallel_loop3A_515 = arith.index_cast %parallel_loop3A_496 : i32 to index
          %parallel_loop3A_516 = arith.constant 16 : index
          %parallel_loop3A_517 = tpu.vector_load %arg12[%parallel_loop3A_515, %parallel_loop3A_516] {strides = array<i32>} : memref<32x256xf32, #tpu.memory_space<vmem>>, vector<16xf32>,
          %parallel_loop3A_518 = vector.bitcast %parallel_loop3A_517 : vector<16xf32> to vector<16xi32>
          %parallel_loop3A_519 = arith.index_cast %parallel_loop3A_496 : i32 to index
          %parallel_loop3A_520 = arith.constant 16 : index
          %parallel_loop3A_521 = tpu.vector_load %arg13[%parallel_loop3A_519, %parallel_loop3A_520] {strides = array<i32>} : memref<32x256xf32, #tpu.memory_space<vmem>>, vector<16xf32>,
          %parallel_loop3A_522 = vector.bitcast %parallel_loop3A_521 : vector<16xf32> to vector<16xi32>
          %parallel_loop3A_523 = arith.shli %parallel_loop3A_518, %broadcast_in_dim3A_322 : vector<16xi32>
          %parallel_loop3A_524 = vector.bitcast %parallel_loop3A_523 : vector<16xi32> to vector<16xf32>
          %parallel_loop3A_525 = arith.andi %parallel_loop3A_518, %broadcast_in_dim3A_320 : vector<16xi32>
          %parallel_loop3A_526 = vector.bitcast %parallel_loop3A_525 : vector<16xi32> to vector<16xf32>
          %parallel_loop3A_527 = arith.shli %parallel_loop3A_522, %broadcast_in_dim3A_322 : vector<16xi32>
          %parallel_loop3A_528 = vector.bitcast %parallel_loop3A_527 : vector<16xi32> to vector<16xf32>
          %parallel_loop3A_529 = arith.andi %parallel_loop3A_522, %broadcast_in_dim3A_320 : vector<16xi32>
          %parallel_loop3A_530 = vector.bitcast %parallel_loop3A_529 : vector<16xi32> to vector<16xf32>
          %parallel_loop3A_531 = arith.mulf %parallel_loop3A_524, %parallel_loop3A_528 : vector<16xf32>
          %parallel_loop3A_532 = arith.mulf %parallel_loop3A_526, %parallel_loop3A_530 : vector<16xf32>
          %parallel_loop3A_533 = arith.index_cast %parallel_loop3A_496 : i32 to index
          %parallel_loop3A_534 = arith.constant 32 : index
          %parallel_loop3A_535 = tpu.vector_load %arg12[%parallel_loop3A_533, %parallel_loop3A_534] {strides = array<i32>} : memref<32x256xf32, #tpu.memory_space<vmem>>, vector<16xf32>,
          %parallel_loop3A_536 = vector.bitcast %parallel_loop3A_535 : vector<16xf32> to vector<16xi32>
          %parallel_loop3A_537 = arith.index_cast %parallel_loop3A_496 : i32 to index
          %parallel_loop3A_538 = arith.constant 32 : index
          %parallel_loop3A_539 = tpu.vector_load %arg13[%parallel_loop3A_537, %parallel_loop3A_538] {strides = array<i32>} : memref<32x256xf32, #tpu.memory_space<vmem>>, vector<16xf32>,
          %parallel_loop3A_540 = vector.bitcast %parallel_loop3A_539 : vector<16xf32> to vector<16xi32>
          %parallel_loop3A_541 = arith.shli %parallel_loop3A_536, %broadcast_in_dim3A_322 : vector<16xi32>
          %parallel_loop3A_542 = vector.bitcast %parallel_loop3A_541 : vector<16xi32> to vector<16xf32>
          %parallel_loop3A_543 = arith.andi %parallel_loop3A_536, %broadcast_in_dim3A_320 : vector<16xi32>
          %parallel_loop3A_544 = vector.bitcast %parallel_loop3A_543 : vector<16xi32> to vector<16xf32>
          %parallel_loop3A_545 = arith.shli %parallel_loop3A_540, %broadcast_in_dim3A_322 : vector<16xi32>
          %parallel_loop3A_546 = vector.bitcast %parallel_loop3A_545 : vector<16xi32> to vector<16xf32>
          %parallel_loop3A_547 = arith.andi %parallel_loop3A_540, %broadcast_in_dim3A_320 : vector<16xi32>
          %parallel_loop3A_548 = vector.bitcast %parallel_loop3A_547 : vector<16xi32> to vector<16xf32>
          %parallel_loop3A_549 = arith.mulf %parallel_loop3A_542, %parallel_loop3A_546 : vector<16xf32>
          %parallel_loop3A_550 = arith.addf %parallel_loop3A_513, %parallel_loop3A_549 : vector<16xf32>
          %parallel_loop3A_551 = arith.mulf %parallel_loop3A_544, %parallel_loop3A_548 : vector<16xf32>
          %parallel_loop3A_552 = arith.addf %parallel_loop3A_514, %parallel_loop3A_551 : vector<16xf32>
          %parallel_loop3A_553 = arith.index_cast %parallel_loop3A_496 : i32 to index
          %parallel_loop3A_554 = arith.constant 48 : index
          %parallel_loop3A_555 = tpu.vector_load %arg12[%parallel_loop3A_553, %parallel_loop3A_554] {strides = array<i32>} : memref<32x256xf32, #tpu.memory_space<vmem>>, vector<16xf32>,
          %parallel_loop3A_556 = vector.bitcast %parallel_loop3A_555 : vector<16xf32> to vector<16xi32>
          %parallel_loop3A_557 = arith.index_cast %parallel_loop3A_496 : i32 to index
          %parallel_loop3A_558 = arith.constant 48 : index
          %parallel_loop3A_559 = tpu.vector_load %arg13[%parallel_loop3A_557, %parallel_loop3A_558] {strides = array<i32>} : memref<32x256xf32, #tpu.memory_space<vmem>>, vector<16xf32>,
          %parallel_loop3A_560 = vector.bitcast %parallel_loop3A_559 : vector<16xf32> to vector<16xi32>
          %parallel_loop3A_561 = arith.shli %parallel_loop3A_556, %broadcast_in_dim3A_322 : vector<16xi32>
          %parallel_loop3A_562 = vector.bitcast %parallel_loop3A_561 : vector<16xi32> to vector<16xf32>
          %parallel_loop3A_563 = arith.andi %parallel_loop3A_556, %broadcast_in_dim3A_320 : vector<16xi32>
          %parallel_loop3A_564 = vector.bitcast %parallel_loop3A_563 : vector<16xi32> to vector<16xf32>
          %parallel_loop3A_565 = arith.shli %parallel_loop3A_560, %broadcast_in_dim3A_322 : vector<16xi32>
          %parallel_loop3A_566 = vector.bitcast %parallel_loop3A_565 : vector<16xi32> to vector<16xf32>
          %parallel_loop3A_567 = arith.andi %parallel_loop3A_560, %broadcast_in_dim3A_320 : vector<16xi32>
          %parallel_loop3A_568 = vector.bitcast %parallel_loop3A_567 : vector<16xi32> to vector<16xf32>
          %parallel_loop3A_569 = arith.mulf %parallel_loop3A_562, %parallel_loop3A_566 : vector<16xf32>
          %parallel_loop3A_570 = arith.addf %parallel_loop3A_531, %parallel_loop3A_569 : vector<16xf32>
          %parallel_loop3A_571 = arith.mulf %parallel_loop3A_564, %parallel_loop3A_568 : vector<16xf32>
          %parallel_loop3A_572 = arith.addf %parallel_loop3A_532, %parallel_loop3A_571 : vector<16xf32>
          %parallel_loop3A_573 = arith.index_cast %parallel_loop3A_496 : i32 to index
          %parallel_loop3A_574 = arith.constant 64 : index
          %parallel_loop3A_575 = tpu.vector_load %arg12[%parallel_loop3A_573, %parallel_loop3A_574] {strides = array<i32>} : memref<32x256xf32, #tpu.memory_space<vmem>>, vector<16xf32>,
          %parallel_loop3A_576 = vector.bitcast %parallel_loop3A_575 : vector<16xf32> to vector<16xi32>
          %parallel_loop3A_577 = arith.index_cast %parallel_loop3A_496 : i32 to index
          %parallel_loop3A_578 = arith.constant 64 : index
          %parallel_loop3A_579 = tpu.vector_load %arg13[%parallel_loop3A_577, %parallel_loop3A_578] {strides = array<i32>} : memref<32x256xf32, #tpu.memory_space<vmem>>, vector<16xf32>,
          %parallel_loop3A_580 = vector.bitcast %parallel_loop3A_579 : vector<16xf32> to vector<16xi32>
          %parallel_loop3A_581 = arith.shli %parallel_loop3A_576, %broadcast_in_dim3A_322 : vector<16xi32>
          %parallel_loop3A_582 = vector.bitcast %parallel_loop3A_581 : vector<16xi32> to vector<16xf32>
          %parallel_loop3A_583 = arith.andi %parallel_loop3A_576, %broadcast_in_dim3A_320 : vector<16xi32>
          %parallel_loop3A_584 = vector.bitcast %parallel_loop3A_583 : vector<16xi32> to vector<16xf32>
          %parallel_loop3A_585 = arith.shli %parallel_loop3A_580, %broadcast_in_dim3A_322 : vector<16xi32>
          %parallel_loop3A_586 = vector.bitcast %parallel_loop3A_585 : vector<16xi32> to vector<16xf32>
          %parallel_loop3A_587 = arith.andi %parallel_loop3A_580, %broadcast_in_dim3A_320 : vector<16xi32>
          %parallel_loop3A_588 = vector.bitcast %parallel_loop3A_587 : vector<16xi32> to vector<16xf32>
          %parallel_loop3A_589 = arith.mulf %parallel_loop3A_582, %parallel_loop3A_586 : vector<16xf32>
          %parallel_loop3A_590 = arith.addf %parallel_loop3A_550, %parallel_loop3A_589 : vector<16xf32>
          %parallel_loop3A_591 = arith.mulf %parallel_loop3A_584, %parallel_loop3A_588 : vector<16xf32>
          %parallel_loop3A_592 = arith.addf %parallel_loop3A_552, %parallel_loop3A_591 : vector<16xf32>
          %parallel_loop3A_593 = arith.index_cast %parallel_loop3A_496 : i32 to index
          %parallel_loop3A_594 = arith.constant 80 : index
          %parallel_loop3A_595 = tpu.vector_load %arg12[%parallel_loop3A_593, %parallel_loop3A_594] {strides = array<i32>} : memref<32x256xf32, #tpu.memory_space<vmem>>, vector<16xf32>,
          %parallel_loop3A_596 = vector.bitcast %parallel_loop3A_595 : vector<16xf32> to vector<16xi32>
          %parallel_loop3A_597 = arith.index_cast %parallel_loop3A_496 : i32 to index
          %parallel_loop3A_598 = arith.constant 80 : index
          %parallel_loop3A_599 = tpu.vector_load %arg13[%parallel_loop3A_597, %parallel_loop3A_598] {strides = array<i32>} : memref<32x256xf32, #tpu.memory_space<vmem>>, vector<16xf32>,
          %parallel_loop3A_600 = vector.bitcast %parallel_loop3A_599 : vector<16xf32> to vector<16xi32>
          %parallel_loop3A_601 = arith.shli %parallel_loop3A_596, %broadcast_in_dim3A_322 : vector<16xi32>
          %parallel_loop3A_602 = vector.bitcast %parallel_loop3A_601 : vector<16xi32> to vector<16xf32>
          %parallel_loop3A_603 = arith.andi %parallel_loop3A_596, %broadcast_in_dim3A_320 : vector<16xi32>
          %parallel_loop3A_604 = vector.bitcast %parallel_loop3A_603 : vector<16xi32> to vector<16xf32>
          %parallel_loop3A_605 = arith.shli %parallel_loop3A_600, %broadcast_in_dim3A_322 : vector<16xi32>
          %parallel_loop3A_606 = vector.bitcast %parallel_loop3A_605 : vector<16xi32> to vector<16xf32>
          %parallel_loop3A_607 = arith.andi %parallel_loop3A_600, %broadcast_in_dim3A_320 : vector<16xi32>
          %parallel_loop3A_608 = vector.bitcast %parallel_loop3A_607 : vector<16xi32> to vector<16xf32>
          %parallel_loop3A_609 = arith.mulf %parallel_loop3A_602, %parallel_loop3A_606 : vector<16xf32>
          %parallel_loop3A_610 = arith.addf %parallel_loop3A_570, %parallel_loop3A_609 : vector<16xf32>
          %parallel_loop3A_611 = arith.mulf %parallel_loop3A_604, %parallel_loop3A_608 : vector<16xf32>
          %parallel_loop3A_612 = arith.addf %parallel_loop3A_572, %parallel_loop3A_611 : vector<16xf32>
          %parallel_loop3A_613 = arith.index_cast %parallel_loop3A_496 : i32 to index
          %parallel_loop3A_614 = arith.constant 96 : index
          %parallel_loop3A_615 = tpu.vector_load %arg12[%parallel_loop3A_613, %parallel_loop3A_614] {strides = array<i32>} : memref<32x256xf32, #tpu.memory_space<vmem>>, vector<16xf32>,
          %parallel_loop3A_616 = vector.bitcast %parallel_loop3A_615 : vector<16xf32> to vector<16xi32>
          %parallel_loop3A_617 = arith.index_cast %parallel_loop3A_496 : i32 to index
          %parallel_loop3A_618 = arith.constant 96 : index
          %parallel_loop3A_619 = tpu.vector_load %arg13[%parallel_loop3A_617, %parallel_loop3A_618] {strides = array<i32>} : memref<32x256xf32, #tpu.memory_space<vmem>>, vector<16xf32>,
          %parallel_loop3A_620 = vector.bitcast %parallel_loop3A_619 : vector<16xf32> to vector<16xi32>
          %parallel_loop3A_621 = arith.shli %parallel_loop3A_616, %broadcast_in_dim3A_322 : vector<16xi32>
          %parallel_loop3A_622 = vector.bitcast %parallel_loop3A_621 : vector<16xi32> to vector<16xf32>
          %parallel_loop3A_623 = arith.andi %parallel_loop3A_616, %broadcast_in_dim3A_320 : vector<16xi32>
          %parallel_loop3A_624 = vector.bitcast %parallel_loop3A_623 : vector<16xi32> to vector<16xf32>
          %parallel_loop3A_625 = arith.shli %parallel_loop3A_620, %broadcast_in_dim3A_322 : vector<16xi32>
          %parallel_loop3A_626 = vector.bitcast %parallel_loop3A_625 : vector<16xi32> to vector<16xf32>
          %parallel_loop3A_627 = arith.andi %parallel_loop3A_620, %broadcast_in_dim3A_320 : vector<16xi32>
          %parallel_loop3A_628 = vector.bitcast %parallel_loop3A_627 : vector<16xi32> to vector<16xf32>
          %parallel_loop3A_629 = arith.mulf %parallel_loop3A_622, %parallel_loop3A_626 : vector<16xf32>
          %parallel_loop3A_630 = arith.addf %parallel_loop3A_590, %parallel_loop3A_629 : vector<16xf32>
          %parallel_loop3A_631 = arith.mulf %parallel_loop3A_624, %parallel_loop3A_628 : vector<16xf32>
          %parallel_loop3A_632 = arith.addf %parallel_loop3A_592, %parallel_loop3A_631 : vector<16xf32>
          %parallel_loop3A_633 = arith.index_cast %parallel_loop3A_496 : i32 to index
          %parallel_loop3A_634 = arith.constant 112 : index
          %parallel_loop3A_635 = tpu.vector_load %arg12[%parallel_loop3A_633, %parallel_loop3A_634] {strides = array<i32>} : memref<32x256xf32, #tpu.memory_space<vmem>>, vector<16xf32>,
          %parallel_loop3A_636 = vector.bitcast %parallel_loop3A_635 : vector<16xf32> to vector<16xi32>
          %parallel_loop3A_637 = arith.index_cast %parallel_loop3A_496 : i32 to index
          %parallel_loop3A_638 = arith.constant 112 : index
          %parallel_loop3A_639 = tpu.vector_load %arg13[%parallel_loop3A_637, %parallel_loop3A_638] {strides = array<i32>} : memref<32x256xf32, #tpu.memory_space<vmem>>, vector<16xf32>,
          %parallel_loop3A_640 = vector.bitcast %parallel_loop3A_639 : vector<16xf32> to vector<16xi32>
          %parallel_loop3A_641 = arith.shli %parallel_loop3A_636, %broadcast_in_dim3A_322 : vector<16xi32>
          %parallel_loop3A_642 = vector.bitcast %parallel_loop3A_641 : vector<16xi32> to vector<16xf32>
          %parallel_loop3A_643 = arith.andi %parallel_loop3A_636, %broadcast_in_dim3A_320 : vector<16xi32>
          %parallel_loop3A_644 = vector.bitcast %parallel_loop3A_643 : vector<16xi32> to vector<16xf32>
          %parallel_loop3A_645 = arith.shli %parallel_loop3A_640, %broadcast_in_dim3A_322 : vector<16xi32>
          %parallel_loop3A_646 = vector.bitcast %parallel_loop3A_645 : vector<16xi32> to vector<16xf32>
          %parallel_loop3A_647 = arith.andi %parallel_loop3A_640, %broadcast_in_dim3A_320 : vector<16xi32>
          %parallel_loop3A_648 = vector.bitcast %parallel_loop3A_647 : vector<16xi32> to vector<16xf32>
          %parallel_loop3A_649 = arith.mulf %parallel_loop3A_642, %parallel_loop3A_646 : vector<16xf32>
          %parallel_loop3A_650 = arith.addf %parallel_loop3A_610, %parallel_loop3A_649 : vector<16xf32>
          %parallel_loop3A_651 = arith.mulf %parallel_loop3A_644, %parallel_loop3A_648 : vector<16xf32>
          %parallel_loop3A_652 = arith.addf %parallel_loop3A_612, %parallel_loop3A_651 : vector<16xf32>
          %parallel_loop3A_653 = arith.index_cast %parallel_loop3A_496 : i32 to index
          %parallel_loop3A_654 = arith.constant 128 : index
          %parallel_loop3A_655 = tpu.vector_load %arg12[%parallel_loop3A_653, %parallel_loop3A_654] {strides = array<i32>} : memref<32x256xf32, #tpu.memory_space<vmem>>, vector<16xf32>,
          %parallel_loop3A_656 = vector.bitcast %parallel_loop3A_655 : vector<16xf32> to vector<16xi32>
          %parallel_loop3A_657 = arith.index_cast %parallel_loop3A_496 : i32 to index
          %parallel_loop3A_658 = arith.constant 128 : index
          %parallel_loop3A_659 = tpu.vector_load %arg13[%parallel_loop3A_657, %parallel_loop3A_658] {strides = array<i32>} : memref<32x256xf32, #tpu.memory_space<vmem>>, vector<16xf32>,
          %parallel_loop3A_660 = vector.bitcast %parallel_loop3A_659 : vector<16xf32> to vector<16xi32>
          %parallel_loop3A_661 = arith.shli %parallel_loop3A_656, %broadcast_in_dim3A_322 : vector<16xi32>
          %parallel_loop3A_662 = vector.bitcast %parallel_loop3A_661 : vector<16xi32> to vector<16xf32>
          %parallel_loop3A_663 = arith.andi %parallel_loop3A_656, %broadcast_in_dim3A_320 : vector<16xi32>
          %parallel_loop3A_664 = vector.bitcast %parallel_loop3A_663 : vector<16xi32> to vector<16xf32>
          %parallel_loop3A_665 = arith.shli %parallel_loop3A_660, %broadcast_in_dim3A_322 : vector<16xi32>
          %parallel_loop3A_666 = vector.bitcast %parallel_loop3A_665 : vector<16xi32> to vector<16xf32>
          %parallel_loop3A_667 = arith.andi %parallel_loop3A_660, %broadcast_in_dim3A_320 : vector<16xi32>
          %parallel_loop3A_668 = vector.bitcast %parallel_loop3A_667 : vector<16xi32> to vector<16xf32>
          %parallel_loop3A_669 = arith.mulf %parallel_loop3A_662, %parallel_loop3A_666 : vector<16xf32>
          %parallel_loop3A_670 = arith.addf %parallel_loop3A_630, %parallel_loop3A_669 : vector<16xf32>
          %parallel_loop3A_671 = arith.mulf %parallel_loop3A_664, %parallel_loop3A_668 : vector<16xf32>
          %parallel_loop3A_672 = arith.addf %parallel_loop3A_632, %parallel_loop3A_671 : vector<16xf32>
          %parallel_loop3A_673 = arith.index_cast %parallel_loop3A_496 : i32 to index
          %parallel_loop3A_674 = arith.constant 144 : index
          %parallel_loop3A_675 = tpu.vector_load %arg12[%parallel_loop3A_673, %parallel_loop3A_674] {strides = array<i32>} : memref<32x256xf32, #tpu.memory_space<vmem>>, vector<16xf32>,
          %parallel_loop3A_676 = vector.bitcast %parallel_loop3A_675 : vector<16xf32> to vector<16xi32>
          %parallel_loop3A_677 = arith.index_cast %parallel_loop3A_496 : i32 to index
          %parallel_loop3A_678 = arith.constant 144 : index
          %parallel_loop3A_679 = tpu.vector_load %arg13[%parallel_loop3A_677, %parallel_loop3A_678] {strides = array<i32>} : memref<32x256xf32, #tpu.memory_space<vmem>>, vector<16xf32>,
          %parallel_loop3A_680 = vector.bitcast %parallel_loop3A_679 : vector<16xf32> to vector<16xi32>
          %parallel_loop3A_681 = arith.shli %parallel_loop3A_676, %broadcast_in_dim3A_322 : vector<16xi32>
          %parallel_loop3A_682 = vector.bitcast %parallel_loop3A_681 : vector<16xi32> to vector<16xf32>
          %parallel_loop3A_683 = arith.andi %parallel_loop3A_676, %broadcast_in_dim3A_320 : vector<16xi32>
          %parallel_loop3A_684 = vector.bitcast %parallel_loop3A_683 : vector<16xi32> to vector<16xf32>
          %parallel_loop3A_685 = arith.shli %parallel_loop3A_680, %broadcast_in_dim3A_322 : vector<16xi32>
          %parallel_loop3A_686 = vector.bitcast %parallel_loop3A_685 : vector<16xi32> to vector<16xf32>
          %parallel_loop3A_687 = arith.andi %parallel_loop3A_680, %broadcast_in_dim3A_320 : vector<16xi32>
          %parallel_loop3A_688 = vector.bitcast %parallel_loop3A_687 : vector<16xi32> to vector<16xf32>
          %parallel_loop3A_689 = arith.mulf %parallel_loop3A_682, %parallel_loop3A_686 : vector<16xf32>
          %parallel_loop3A_690 = arith.addf %parallel_loop3A_650, %parallel_loop3A_689 : vector<16xf32>
          %parallel_loop3A_691 = arith.mulf %parallel_loop3A_684, %parallel_loop3A_688 : vector<16xf32>
          %parallel_loop3A_692 = arith.addf %parallel_loop3A_652, %parallel_loop3A_691 : vector<16xf32>
          %parallel_loop3A_693 = arith.index_cast %parallel_loop3A_496 : i32 to index
          %parallel_loop3A_694 = arith.constant 160 : index
          %parallel_loop3A_695 = tpu.vector_load %arg12[%parallel_loop3A_693, %parallel_loop3A_694] {strides = array<i32>} : memref<32x256xf32, #tpu.memory_space<vmem>>, vector<16xf32>,
          %parallel_loop3A_696 = vector.bitcast %parallel_loop3A_695 : vector<16xf32> to vector<16xi32>
          %parallel_loop3A_697 = arith.index_cast %parallel_loop3A_496 : i32 to index
          %parallel_loop3A_698 = arith.constant 160 : index
          %parallel_loop3A_699 = tpu.vector_load %arg13[%parallel_loop3A_697, %parallel_loop3A_698] {strides = array<i32>} : memref<32x256xf32, #tpu.memory_space<vmem>>, vector<16xf32>,
          %parallel_loop3A_700 = vector.bitcast %parallel_loop3A_699 : vector<16xf32> to vector<16xi32>
          %parallel_loop3A_701 = arith.shli %parallel_loop3A_696, %broadcast_in_dim3A_322 : vector<16xi32>
          %parallel_loop3A_702 = vector.bitcast %parallel_loop3A_701 : vector<16xi32> to vector<16xf32>
          %parallel_loop3A_703 = arith.andi %parallel_loop3A_696, %broadcast_in_dim3A_320 : vector<16xi32>
          %parallel_loop3A_704 = vector.bitcast %parallel_loop3A_703 : vector<16xi32> to vector<16xf32>
          %parallel_loop3A_705 = arith.shli %parallel_loop3A_700, %broadcast_in_dim3A_322 : vector<16xi32>
          %parallel_loop3A_706 = vector.bitcast %parallel_loop3A_705 : vector<16xi32> to vector<16xf32>
          %parallel_loop3A_707 = arith.andi %parallel_loop3A_700, %broadcast_in_dim3A_320 : vector<16xi32>
          %parallel_loop3A_708 = vector.bitcast %parallel_loop3A_707 : vector<16xi32> to vector<16xf32>
          %parallel_loop3A_709 = arith.mulf %parallel_loop3A_702, %parallel_loop3A_706 : vector<16xf32>
          %parallel_loop3A_710 = arith.addf %parallel_loop3A_670, %parallel_loop3A_709 : vector<16xf32>
          %parallel_loop3A_711 = arith.mulf %parallel_loop3A_704, %parallel_loop3A_708 : vector<16xf32>
          %parallel_loop3A_712 = arith.addf %parallel_loop3A_672, %parallel_loop3A_711 : vector<16xf32>
          %parallel_loop3A_713 = arith.index_cast %parallel_loop3A_496 : i32 to index
          %parallel_loop3A_714 = arith.constant 176 : index
          %parallel_loop3A_715 = tpu.vector_load %arg12[%parallel_loop3A_713, %parallel_loop3A_714] {strides = array<i32>} : memref<32x256xf32, #tpu.memory_space<vmem>>, vector<16xf32>,
          %parallel_loop3A_716 = vector.bitcast %parallel_loop3A_715 : vector<16xf32> to vector<16xi32>
          %parallel_loop3A_717 = arith.index_cast %parallel_loop3A_496 : i32 to index
          %parallel_loop3A_718 = arith.constant 176 : index
          %parallel_loop3A_719 = tpu.vector_load %arg13[%parallel_loop3A_717, %parallel_loop3A_718] {strides = array<i32>} : memref<32x256xf32, #tpu.memory_space<vmem>>, vector<16xf32>,
          %parallel_loop3A_720 = vector.bitcast %parallel_loop3A_719 : vector<16xf32> to vector<16xi32>
          %parallel_loop3A_721 = arith.shli %parallel_loop3A_716, %broadcast_in_dim3A_322 : vector<16xi32>
          %parallel_loop3A_722 = vector.bitcast %parallel_loop3A_721 : vector<16xi32> to vector<16xf32>
          %parallel_loop3A_723 = arith.andi %parallel_loop3A_716, %broadcast_in_dim3A_320 : vector<16xi32>
          %parallel_loop3A_724 = vector.bitcast %parallel_loop3A_723 : vector<16xi32> to vector<16xf32>
          %parallel_loop3A_725 = arith.shli %parallel_loop3A_720, %broadcast_in_dim3A_322 : vector<16xi32>
          %parallel_loop3A_726 = vector.bitcast %parallel_loop3A_725 : vector<16xi32> to vector<16xf32>
          %parallel_loop3A_727 = arith.andi %parallel_loop3A_720, %broadcast_in_dim3A_320 : vector<16xi32>
          %parallel_loop3A_728 = vector.bitcast %parallel_loop3A_727 : vector<16xi32> to vector<16xf32>
          %parallel_loop3A_729 = arith.mulf %parallel_loop3A_722, %parallel_loop3A_726 : vector<16xf32>
          %parallel_loop3A_730 = arith.addf %parallel_loop3A_690, %parallel_loop3A_729 : vector<16xf32>
          %parallel_loop3A_731 = arith.mulf %parallel_loop3A_724, %parallel_loop3A_728 : vector<16xf32>
          %parallel_loop3A_732 = arith.addf %parallel_loop3A_692, %parallel_loop3A_731 : vector<16xf32>
          %parallel_loop3A_733 = arith.index_cast %parallel_loop3A_496 : i32 to index
          %parallel_loop3A_734 = arith.constant 192 : index
          %parallel_loop3A_735 = tpu.vector_load %arg12[%parallel_loop3A_733, %parallel_loop3A_734] {strides = array<i32>} : memref<32x256xf32, #tpu.memory_space<vmem>>, vector<16xf32>,
          %parallel_loop3A_736 = vector.bitcast %parallel_loop3A_735 : vector<16xf32> to vector<16xi32>
          %parallel_loop3A_737 = arith.index_cast %parallel_loop3A_496 : i32 to index
          %parallel_loop3A_738 = arith.constant 192 : index
          %parallel_loop3A_739 = tpu.vector_load %arg13[%parallel_loop3A_737, %parallel_loop3A_738] {strides = array<i32>} : memref<32x256xf32, #tpu.memory_space<vmem>>, vector<16xf32>,
          %parallel_loop3A_740 = vector.bitcast %parallel_loop3A_739 : vector<16xf32> to vector<16xi32>
          %parallel_loop3A_741 = arith.shli %parallel_loop3A_736, %broadcast_in_dim3A_322 : vector<16xi32>
          %parallel_loop3A_742 = vector.bitcast %parallel_loop3A_741 : vector<16xi32> to vector<16xf32>
          %parallel_loop3A_743 = arith.andi %parallel_loop3A_736, %broadcast_in_dim3A_320 : vector<16xi32>
          %parallel_loop3A_744 = vector.bitcast %parallel_loop3A_743 : vector<16xi32> to vector<16xf32>
          %parallel_loop3A_745 = arith.shli %parallel_loop3A_740, %broadcast_in_dim3A_322 : vector<16xi32>
          %parallel_loop3A_746 = vector.bitcast %parallel_loop3A_745 : vector<16xi32> to vector<16xf32>
          %parallel_loop3A_747 = arith.andi %parallel_loop3A_740, %broadcast_in_dim3A_320 : vector<16xi32>
          %parallel_loop3A_748 = vector.bitcast %parallel_loop3A_747 : vector<16xi32> to vector<16xf32>
          %parallel_loop3A_749 = arith.mulf %parallel_loop3A_742, %parallel_loop3A_746 : vector<16xf32>
          %parallel_loop3A_750 = arith.addf %parallel_loop3A_710, %parallel_loop3A_749 : vector<16xf32>
          %parallel_loop3A_751 = arith.mulf %parallel_loop3A_744, %parallel_loop3A_748 : vector<16xf32>
          %parallel_loop3A_752 = arith.addf %parallel_loop3A_712, %parallel_loop3A_751 : vector<16xf32>
          %parallel_loop3A_753 = arith.index_cast %parallel_loop3A_496 : i32 to index
          %parallel_loop3A_754 = arith.constant 208 : index
          %parallel_loop3A_755 = tpu.vector_load %arg12[%parallel_loop3A_753, %parallel_loop3A_754] {strides = array<i32>} : memref<32x256xf32, #tpu.memory_space<vmem>>, vector<16xf32>,
          %parallel_loop3A_756 = vector.bitcast %parallel_loop3A_755 : vector<16xf32> to vector<16xi32>
          %parallel_loop3A_757 = arith.index_cast %parallel_loop3A_496 : i32 to index
          %parallel_loop3A_758 = arith.constant 208 : index
          %parallel_loop3A_759 = tpu.vector_load %arg13[%parallel_loop3A_757, %parallel_loop3A_758] {strides = array<i32>} : memref<32x256xf32, #tpu.memory_space<vmem>>, vector<16xf32>,
          %parallel_loop3A_760 = vector.bitcast %parallel_loop3A_759 : vector<16xf32> to vector<16xi32>
          %parallel_loop3A_761 = arith.shli %parallel_loop3A_756, %broadcast_in_dim3A_322 : vector<16xi32>
          %parallel_loop3A_762 = vector.bitcast %parallel_loop3A_761 : vector<16xi32> to vector<16xf32>
          %parallel_loop3A_763 = arith.andi %parallel_loop3A_756, %broadcast_in_dim3A_320 : vector<16xi32>
          %parallel_loop3A_764 = vector.bitcast %parallel_loop3A_763 : vector<16xi32> to vector<16xf32>
          %parallel_loop3A_765 = arith.shli %parallel_loop3A_760, %broadcast_in_dim3A_322 : vector<16xi32>
          %parallel_loop3A_766 = vector.bitcast %parallel_loop3A_765 : vector<16xi32> to vector<16xf32>
          %parallel_loop3A_767 = arith.andi %parallel_loop3A_760, %broadcast_in_dim3A_320 : vector<16xi32>
          %parallel_loop3A_768 = vector.bitcast %parallel_loop3A_767 : vector<16xi32> to vector<16xf32>
          %parallel_loop3A_769 = arith.mulf %parallel_loop3A_762, %parallel_loop3A_766 : vector<16xf32>
          %parallel_loop3A_770 = arith.addf %parallel_loop3A_730, %parallel_loop3A_769 : vector<16xf32>
          %parallel_loop3A_771 = arith.mulf %parallel_loop3A_764, %parallel_loop3A_768 : vector<16xf32>
          %parallel_loop3A_772 = arith.addf %parallel_loop3A_732, %parallel_loop3A_771 : vector<16xf32>
          %parallel_loop3A_773 = arith.index_cast %parallel_loop3A_496 : i32 to index
          %parallel_loop3A_774 = arith.constant 224 : index
          %parallel_loop3A_775 = tpu.vector_load %arg12[%parallel_loop3A_773, %parallel_loop3A_774] {strides = array<i32>} : memref<32x256xf32, #tpu.memory_space<vmem>>, vector<16xf32>,
          %parallel_loop3A_776 = vector.bitcast %parallel_loop3A_775 : vector<16xf32> to vector<16xi32>
          %parallel_loop3A_777 = arith.index_cast %parallel_loop3A_496 : i32 to index
          %parallel_loop3A_778 = arith.constant 224 : index
          %parallel_loop3A_779 = tpu.vector_load %arg13[%parallel_loop3A_777, %parallel_loop3A_778] {strides = array<i32>} : memref<32x256xf32, #tpu.memory_space<vmem>>, vector<16xf32>,
          %parallel_loop3A_780 = vector.bitcast %parallel_loop3A_779 : vector<16xf32> to vector<16xi32>
          %parallel_loop3A_781 = arith.shli %parallel_loop3A_776, %broadcast_in_dim3A_322 : vector<16xi32>
          %parallel_loop3A_782 = vector.bitcast %parallel_loop3A_781 : vector<16xi32> to vector<16xf32>
          %parallel_loop3A_783 = arith.andi %parallel_loop3A_776, %broadcast_in_dim3A_320 : vector<16xi32>
          %parallel_loop3A_784 = vector.bitcast %parallel_loop3A_783 : vector<16xi32> to vector<16xf32>
          %parallel_loop3A_785 = arith.shli %parallel_loop3A_780, %broadcast_in_dim3A_322 : vector<16xi32>
          %parallel_loop3A_786 = vector.bitcast %parallel_loop3A_785 : vector<16xi32> to vector<16xf32>
          %parallel_loop3A_787 = arith.andi %parallel_loop3A_780, %broadcast_in_dim3A_320 : vector<16xi32>
          %parallel_loop3A_788 = vector.bitcast %parallel_loop3A_787 : vector<16xi32> to vector<16xf32>
          %parallel_loop3A_789 = arith.mulf %parallel_loop3A_782, %parallel_loop3A_786 : vector<16xf32>
          %parallel_loop3A_790 = arith.addf %parallel_loop3A_750, %parallel_loop3A_789 : vector<16xf32>
          %parallel_loop3A_791 = arith.mulf %parallel_loop3A_784, %parallel_loop3A_788 : vector<16xf32>
          %parallel_loop3A_792 = arith.addf %parallel_loop3A_752, %parallel_loop3A_791 : vector<16xf32>
          %parallel_loop3A_793 = arith.index_cast %parallel_loop3A_496 : i32 to index
          %parallel_loop3A_794 = arith.constant 240 : index
          %parallel_loop3A_795 = tpu.vector_load %arg12[%parallel_loop3A_793, %parallel_loop3A_794] {strides = array<i32>} : memref<32x256xf32, #tpu.memory_space<vmem>>, vector<16xf32>,
          %parallel_loop3A_796 = vector.bitcast %parallel_loop3A_795 : vector<16xf32> to vector<16xi32>
          %parallel_loop3A_797 = arith.index_cast %parallel_loop3A_496 : i32 to index
          %parallel_loop3A_798 = arith.constant 240 : index
          %parallel_loop3A_799 = tpu.vector_load %arg13[%parallel_loop3A_797, %parallel_loop3A_798] {strides = array<i32>} : memref<32x256xf32, #tpu.memory_space<vmem>>, vector<16xf32>,
          %parallel_loop3A_800 = vector.bitcast %parallel_loop3A_799 : vector<16xf32> to vector<16xi32>
          %parallel_loop3A_801 = arith.shli %parallel_loop3A_796, %broadcast_in_dim3A_322 : vector<16xi32>
          %parallel_loop3A_802 = vector.bitcast %parallel_loop3A_801 : vector<16xi32> to vector<16xf32>
          %parallel_loop3A_803 = arith.andi %parallel_loop3A_796, %broadcast_in_dim3A_320 : vector<16xi32>
          %parallel_loop3A_804 = vector.bitcast %parallel_loop3A_803 : vector<16xi32> to vector<16xf32>
          %parallel_loop3A_805 = arith.shli %parallel_loop3A_800, %broadcast_in_dim3A_322 : vector<16xi32>
          %parallel_loop3A_806 = vector.bitcast %parallel_loop3A_805 : vector<16xi32> to vector<16xf32>
          %parallel_loop3A_807 = arith.andi %parallel_loop3A_800, %broadcast_in_dim3A_320 : vector<16xi32>
          %parallel_loop3A_808 = vector.bitcast %parallel_loop3A_807 : vector<16xi32> to vector<16xf32>
          %parallel_loop3A_809 = arith.mulf %parallel_loop3A_802, %parallel_loop3A_806 : vector<16xf32>
          %parallel_loop3A_810 = arith.addf %parallel_loop3A_770, %parallel_loop3A_809 : vector<16xf32>
          %parallel_loop3A_811 = arith.mulf %parallel_loop3A_804, %parallel_loop3A_808 : vector<16xf32>
          %parallel_loop3A_812 = arith.addf %parallel_loop3A_772, %parallel_loop3A_811 : vector<16xf32>
          %parallel_loop3A_813 = arith.addf %parallel_loop3A_790, %parallel_loop3A_792 : vector<16xf32>
          %parallel_loop3A_814 = arith.addf %parallel_loop3A_810, %parallel_loop3A_812 : vector<16xf32>
          %parallel_loop3A_815 = arith.addf %parallel_loop3A_813, %parallel_loop3A_814 : vector<16xf32>
          %parallel_loop3A_816 = arith.index_cast %parallel_loop3A_496 : i32 to index
          %parallel_loop3A_817 = arith.constant 0 : index
          %parallel_loop3A_818 = tpu.vector_load %arg18[%parallel_loop3A_816, %parallel_loop3A_817] {strides = array<i32>} : memref<32x16xf32, #tpu.memory_space<vmem>>, vector<16xf32>,
          tpu.vector_store %arg18[%parallel_loop3A_816, %parallel_loop3A_817], %parallel_loop3A_815 {strides = array<i32>} : memref<32x16xf32, #tpu.memory_space<vmem>>, vector<16xf32>,
        } {sc.loop_unroll_factor = 2 : i64, sc.parallel_access}
        %add3A_326 = arith.constant 0 : i32
        %add3A_327 = vector.broadcast %add3A_326 : i32 to vector<16xi32>
        %add3A_328 = arith.addi %add3A_327, %iota3A : vector<16xi32>
        %broadcast_in_dim3A_329 = arith.constant 0 : i32
        %broadcast_in_dim3A_330 = vector.broadcast %broadcast_in_dim3A_329 : i32 to vector<16xi32>
        %gather3A_331 = tpu.vector_load_idx %arg18[%add3A_328, %broadcast_in_dim3A_330] : memref<32x16xf32, #tpu.memory_space<vmem>>[vector<16xi32>, vector<16xi32>], vector<16xf32>,
        %broadcast_in_dim3A_332 = arith.constant 1 : i32
        %broadcast_in_dim3A_333 = vector.broadcast %broadcast_in_dim3A_332 : i32 to vector<16xi32>
        %gather3A_334 = tpu.vector_load_idx %arg18[%add3A_328, %broadcast_in_dim3A_333] : memref<32x16xf32, #tpu.memory_space<vmem>>[vector<16xi32>, vector<16xi32>], vector<16xf32>,
        %broadcast_in_dim3A_335 = arith.constant 2 : i32
        %broadcast_in_dim3A_336 = vector.broadcast %broadcast_in_dim3A_335 : i32 to vector<16xi32>
        %gather3A_337 = tpu.vector_load_idx %arg18[%add3A_328, %broadcast_in_dim3A_336] : memref<32x16xf32, #tpu.memory_space<vmem>>[vector<16xi32>, vector<16xi32>], vector<16xf32>,
        %broadcast_in_dim3A_338 = arith.constant 3 : i32
        %broadcast_in_dim3A_339 = vector.broadcast %broadcast_in_dim3A_338 : i32 to vector<16xi32>
        %gather3A_340 = tpu.vector_load_idx %arg18[%add3A_328, %broadcast_in_dim3A_339] : memref<32x16xf32, #tpu.memory_space<vmem>>[vector<16xi32>, vector<16xi32>], vector<16xf32>,
        %broadcast_in_dim3A_341 = arith.constant 4 : i32
        %broadcast_in_dim3A_342 = vector.broadcast %broadcast_in_dim3A_341 : i32 to vector<16xi32>
        %gather3A_343 = tpu.vector_load_idx %arg18[%add3A_328, %broadcast_in_dim3A_342] : memref<32x16xf32, #tpu.memory_space<vmem>>[vector<16xi32>, vector<16xi32>], vector<16xf32>,
        %add3A_344 = arith.addf %gather3A_331, %gather3A_343 : vector<16xf32>
        %broadcast_in_dim3A_345 = arith.constant 5 : i32
        %broadcast_in_dim3A_346 = vector.broadcast %broadcast_in_dim3A_345 : i32 to vector<16xi32>
        %gather3A_347 = tpu.vector_load_idx %arg18[%add3A_328, %broadcast_in_dim3A_346] : memref<32x16xf32, #tpu.memory_space<vmem>>[vector<16xi32>, vector<16xi32>], vector<16xf32>,
        %add3A_348 = arith.addf %gather3A_334, %gather3A_347 : vector<16xf32>
        %broadcast_in_dim3A_349 = arith.constant 6 : i32
        %broadcast_in_dim3A_350 = vector.broadcast %broadcast_in_dim3A_349 : i32 to vector<16xi32>
        %gather3A_351 = tpu.vector_load_idx %arg18[%add3A_328, %broadcast_in_dim3A_350] : memref<32x16xf32, #tpu.memory_space<vmem>>[vector<16xi32>, vector<16xi32>], vector<16xf32>,
        %add3A_352 = arith.addf %gather3A_337, %gather3A_351 : vector<16xf32>
        %broadcast_in_dim3A_353 = arith.constant 7 : i32
        %broadcast_in_dim3A_354 = vector.broadcast %broadcast_in_dim3A_353 : i32 to vector<16xi32>
        %gather3A_355 = tpu.vector_load_idx %arg18[%add3A_328, %broadcast_in_dim3A_354] : memref<32x16xf32, #tpu.memory_space<vmem>>[vector<16xi32>, vector<16xi32>], vector<16xf32>,
        %add3A_356 = arith.addf %gather3A_340, %gather3A_355 : vector<16xf32>
        %broadcast_in_dim3A_357 = arith.constant 8 : i32
        %broadcast_in_dim3A_358 = vector.broadcast %broadcast_in_dim3A_357 : i32 to vector<16xi32>
        %gather3A_359 = tpu.vector_load_idx %arg18[%add3A_328, %broadcast_in_dim3A_358] : memref<32x16xf32, #tpu.memory_space<vmem>>[vector<16xi32>, vector<16xi32>], vector<16xf32>,
        %add3A_360 = arith.addf %add3A_344, %gather3A_359 : vector<16xf32>
        %broadcast_in_dim3A_361 = arith.constant 9 : i32
        %broadcast_in_dim3A_362 = vector.broadcast %broadcast_in_dim3A_361 : i32 to vector<16xi32>
        %gather3A_363 = tpu.vector_load_idx %arg18[%add3A_328, %broadcast_in_dim3A_362] : memref<32x16xf32, #tpu.memory_space<vmem>>[vector<16xi32>, vector<16xi32>], vector<16xf32>,
        %add3A_364 = arith.addf %add3A_348, %gather3A_363 : vector<16xf32>
        %broadcast_in_dim3A_365 = arith.constant 10 : i32
        %broadcast_in_dim3A_366 = vector.broadcast %broadcast_in_dim3A_365 : i32 to vector<16xi32>
        %gather3A_367 = tpu.vector_load_idx %arg18[%add3A_328, %broadcast_in_dim3A_366] : memref<32x16xf32, #tpu.memory_space<vmem>>[vector<16xi32>, vector<16xi32>], vector<16xf32>,
        %add3A_368 = arith.addf %add3A_352, %gather3A_367 : vector<16xf32>
        %broadcast_in_dim3A_369 = arith.constant 11 : i32
        %broadcast_in_dim3A_370 = vector.broadcast %broadcast_in_dim3A_369 : i32 to vector<16xi32>
        %gather3A_371 = tpu.vector_load_idx %arg18[%add3A_328, %broadcast_in_dim3A_370] : memref<32x16xf32, #tpu.memory_space<vmem>>[vector<16xi32>, vector<16xi32>], vector<16xf32>,
        %add3A_372 = arith.addf %add3A_356, %gather3A_371 : vector<16xf32>
        %broadcast_in_dim3A_373 = arith.constant 12 : i32
        %broadcast_in_dim3A_374 = vector.broadcast %broadcast_in_dim3A_373 : i32 to vector<16xi32>
        %gather3A_375 = tpu.vector_load_idx %arg18[%add3A_328, %broadcast_in_dim3A_374] : memref<32x16xf32, #tpu.memory_space<vmem>>[vector<16xi32>, vector<16xi32>], vector<16xf32>,
        %add3A_376 = arith.addf %add3A_360, %gather3A_375 : vector<16xf32>
        %broadcast_in_dim3A_377 = arith.constant 13 : i32
        %broadcast_in_dim3A_378 = vector.broadcast %broadcast_in_dim3A_377 : i32 to vector<16xi32>
        %gather3A_379 = tpu.vector_load_idx %arg18[%add3A_328, %broadcast_in_dim3A_378] : memref<32x16xf32, #tpu.memory_space<vmem>>[vector<16xi32>, vector<16xi32>], vector<16xf32>,
        %add3A_380 = arith.addf %add3A_364, %gather3A_379 : vector<16xf32>
        %broadcast_in_dim3A_381 = arith.constant 14 : i32
        %broadcast_in_dim3A_382 = vector.broadcast %broadcast_in_dim3A_381 : i32 to vector<16xi32>
        %gather3A_383 = tpu.vector_load_idx %arg18[%add3A_328, %broadcast_in_dim3A_382] : memref<32x16xf32, #tpu.memory_space<vmem>>[vector<16xi32>, vector<16xi32>], vector<16xf32>,
        %add3A_384 = arith.addf %add3A_368, %gather3A_383 : vector<16xf32>
        %broadcast_in_dim3A_385 = arith.constant 15 : i32
        %broadcast_in_dim3A_386 = vector.broadcast %broadcast_in_dim3A_385 : i32 to vector<16xi32>
        %gather3A_387 = tpu.vector_load_idx %arg18[%add3A_328, %broadcast_in_dim3A_386] : memref<32x16xf32, #tpu.memory_space<vmem>>[vector<16xi32>, vector<16xi32>], vector<16xf32>,
        %add3A_388 = arith.addf %add3A_372, %gather3A_387 : vector<16xf32>
        %add3A_389 = arith.addf %add3A_376, %add3A_380 : vector<16xf32>
        %add3A_390 = arith.addf %add3A_384, %add3A_388 : vector<16xf32>
        %add3A_391 = arith.addf %add3A_389, %add3A_390 : vector<16xf32>
        %get3A_392 = arith.constant 0 : index
        %get3A_393 = tpu.vector_load %arg16[%get3A_392] {strides = array<i32>} : memref<32xi32, #tpu.memory_space<vmem>>, vector<16xi32>,
        %gather3A_394 = tpu.vector_load_idx %arg9[%get3A_393] : memref<10000xf32, #tpu.memory_space<vmem>>[vector<16xi32>], vector<16xf32>,
        %mul3A_395 = arith.constant 32 : i32
        %mul3A_396 = arith.muli %add3A_318, %mul3A_395 : i32
        %add3A_397 = arith.addi %mul3A_18, %mul3A_396 : i32
        %add3A_398 = arith.constant 0 : i32
        %add3A_399 = arith.addi %add3A_397, %add3A_398 : i32
        %add3A_400 = vector.broadcast %add3A_399 : i32 to vector<16xi32>
        %add3A_401 = arith.addi %add3A_400, %iota3A : vector<16xi32>
        %lt3A_402 = arith.constant 160000 : i32
        %lt3A_403 = vector.broadcast %lt3A_402 : i32 to vector<16xi32>
        %lt3A_404 = arith.cmpi slt, %add3A_401, %lt3A_403 : vector<16xi32>
        %mul3A_405 = arith.mulf %gather3A_394, %add3A_391 : vector<16xf32>
        %jit3A_406 = arith.constant 0.000000e+00 : f32
        %broadcast_in_dim3A_407 = vector.broadcast %jit3A_406 : f32 to vector<16xf32>
        %select_n3A_408 = arith.select %lt3A_404, %mul3A_405, %broadcast_in_dim3A_407 : vector<16xi1>, vector<16xf32>
        %swap3A_409 = arith.constant 0 : index
        %swap3A_410 = tpu.vector_load %arg19[%swap3A_409] {strides = array<i32>} : memref<32xf32, #tpu.memory_space<vmem>>, vector<16xf32>,
        tpu.vector_store %arg19[%swap3A_409], %select_n3A_408 {strides = array<i32>} : memref<32xf32, #tpu.memory_space<vmem>>, vector<16xf32>,
        %add3A_411 = arith.constant 16 : i32
        %add3A_412 = vector.broadcast %add3A_411 : i32 to vector<16xi32>
        %add3A_413 = arith.addi %add3A_412, %iota3A : vector<16xi32>
        %broadcast_in_dim3A_414 = arith.constant 0 : i32
        %broadcast_in_dim3A_415 = vector.broadcast %broadcast_in_dim3A_414 : i32 to vector<16xi32>
        %gather3A_416 = tpu.vector_load_idx %arg18[%add3A_413, %broadcast_in_dim3A_415] : memref<32x16xf32, #tpu.memory_space<vmem>>[vector<16xi32>, vector<16xi32>], vector<16xf32>,
        %broadcast_in_dim3A_417 = arith.constant 1 : i32
        %broadcast_in_dim3A_418 = vector.broadcast %broadcast_in_dim3A_417 : i32 to vector<16xi32>
        %gather3A_419 = tpu.vector_load_idx %arg18[%add3A_413, %broadcast_in_dim3A_418] : memref<32x16xf32, #tpu.memory_space<vmem>>[vector<16xi32>, vector<16xi32>], vector<16xf32>,
        %broadcast_in_dim3A_420 = arith.constant 2 : i32
        %broadcast_in_dim3A_421 = vector.broadcast %broadcast_in_dim3A_420 : i32 to vector<16xi32>
        %gather3A_422 = tpu.vector_load_idx %arg18[%add3A_413, %broadcast_in_dim3A_421] : memref<32x16xf32, #tpu.memory_space<vmem>>[vector<16xi32>, vector<16xi32>], vector<16xf32>,
        %broadcast_in_dim3A_423 = arith.constant 3 : i32
        %broadcast_in_dim3A_424 = vector.broadcast %broadcast_in_dim3A_423 : i32 to vector<16xi32>
        %gather3A_425 = tpu.vector_load_idx %arg18[%add3A_413, %broadcast_in_dim3A_424] : memref<32x16xf32, #tpu.memory_space<vmem>>[vector<16xi32>, vector<16xi32>], vector<16xf32>,
        %broadcast_in_dim3A_426 = arith.constant 4 : i32
        %broadcast_in_dim3A_427 = vector.broadcast %broadcast_in_dim3A_426 : i32 to vector<16xi32>
        %gather3A_428 = tpu.vector_load_idx %arg18[%add3A_413, %broadcast_in_dim3A_427] : memref<32x16xf32, #tpu.memory_space<vmem>>[vector<16xi32>, vector<16xi32>], vector<16xf32>,
        %add3A_429 = arith.addf %gather3A_416, %gather3A_428 : vector<16xf32>
        %broadcast_in_dim3A_430 = arith.constant 5 : i32
        %broadcast_in_dim3A_431 = vector.broadcast %broadcast_in_dim3A_430 : i32 to vector<16xi32>
        %gather3A_432 = tpu.vector_load_idx %arg18[%add3A_413, %broadcast_in_dim3A_431] : memref<32x16xf32, #tpu.memory_space<vmem>>[vector<16xi32>, vector<16xi32>], vector<16xf32>,
        %add3A_433 = arith.addf %gather3A_419, %gather3A_432 : vector<16xf32>
        %broadcast_in_dim3A_434 = arith.constant 6 : i32
        %broadcast_in_dim3A_435 = vector.broadcast %broadcast_in_dim3A_434 : i32 to vector<16xi32>
        %gather3A_436 = tpu.vector_load_idx %arg18[%add3A_413, %broadcast_in_dim3A_435] : memref<32x16xf32, #tpu.memory_space<vmem>>[vector<16xi32>, vector<16xi32>], vector<16xf32>,
        %add3A_437 = arith.addf %gather3A_422, %gather3A_436 : vector<16xf32>
        %broadcast_in_dim3A_438 = arith.constant 7 : i32
        %broadcast_in_dim3A_439 = vector.broadcast %broadcast_in_dim3A_438 : i32 to vector<16xi32>
        %gather3A_440 = tpu.vector_load_idx %arg18[%add3A_413, %broadcast_in_dim3A_439] : memref<32x16xf32, #tpu.memory_space<vmem>>[vector<16xi32>, vector<16xi32>], vector<16xf32>,
        %add3A_441 = arith.addf %gather3A_425, %gather3A_440 : vector<16xf32>
        %broadcast_in_dim3A_442 = arith.constant 8 : i32
        %broadcast_in_dim3A_443 = vector.broadcast %broadcast_in_dim3A_442 : i32 to vector<16xi32>
        %gather3A_444 = tpu.vector_load_idx %arg18[%add3A_413, %broadcast_in_dim3A_443] : memref<32x16xf32, #tpu.memory_space<vmem>>[vector<16xi32>, vector<16xi32>], vector<16xf32>,
        %add3A_445 = arith.addf %add3A_429, %gather3A_444 : vector<16xf32>
        %broadcast_in_dim3A_446 = arith.constant 9 : i32
        %broadcast_in_dim3A_447 = vector.broadcast %broadcast_in_dim3A_446 : i32 to vector<16xi32>
        %gather3A_448 = tpu.vector_load_idx %arg18[%add3A_413, %broadcast_in_dim3A_447] : memref<32x16xf32, #tpu.memory_space<vmem>>[vector<16xi32>, vector<16xi32>], vector<16xf32>,
        %add3A_449 = arith.addf %add3A_433, %gather3A_448 : vector<16xf32>
        %broadcast_in_dim3A_450 = arith.constant 10 : i32
        %broadcast_in_dim3A_451 = vector.broadcast %broadcast_in_dim3A_450 : i32 to vector<16xi32>
        %gather3A_452 = tpu.vector_load_idx %arg18[%add3A_413, %broadcast_in_dim3A_451] : memref<32x16xf32, #tpu.memory_space<vmem>>[vector<16xi32>, vector<16xi32>], vector<16xf32>,
        %add3A_453 = arith.addf %add3A_437, %gather3A_452 : vector<16xf32>
        %broadcast_in_dim3A_454 = arith.constant 11 : i32
        %broadcast_in_dim3A_455 = vector.broadcast %broadcast_in_dim3A_454 : i32 to vector<16xi32>
        %gather3A_456 = tpu.vector_load_idx %arg18[%add3A_413, %broadcast_in_dim3A_455] : memref<32x16xf32, #tpu.memory_space<vmem>>[vector<16xi32>, vector<16xi32>], vector<16xf32>,
        %add3A_457 = arith.addf %add3A_441, %gather3A_456 : vector<16xf32>
        %broadcast_in_dim3A_458 = arith.constant 12 : i32
        %broadcast_in_dim3A_459 = vector.broadcast %broadcast_in_dim3A_458 : i32 to vector<16xi32>
        %gather3A_460 = tpu.vector_load_idx %arg18[%add3A_413, %broadcast_in_dim3A_459] : memref<32x16xf32, #tpu.memory_space<vmem>>[vector<16xi32>, vector<16xi32>], vector<16xf32>,
        %add3A_461 = arith.addf %add3A_445, %gather3A_460 : vector<16xf32>
        %broadcast_in_dim3A_462 = arith.constant 13 : i32
        %broadcast_in_dim3A_463 = vector.broadcast %broadcast_in_dim3A_462 : i32 to vector<16xi32>
        %gather3A_464 = tpu.vector_load_idx %arg18[%add3A_413, %broadcast_in_dim3A_463] : memref<32x16xf32, #tpu.memory_space<vmem>>[vector<16xi32>, vector<16xi32>], vector<16xf32>,
        %add3A_465 = arith.addf %add3A_449, %gather3A_464 : vector<16xf32>
        %broadcast_in_dim3A_466 = arith.constant 14 : i32
        %broadcast_in_dim3A_467 = vector.broadcast %broadcast_in_dim3A_466 : i32 to vector<16xi32>
        %gather3A_468 = tpu.vector_load_idx %arg18[%add3A_413, %broadcast_in_dim3A_467] : memref<32x16xf32, #tpu.memory_space<vmem>>[vector<16xi32>, vector<16xi32>], vector<16xf32>,
        %add3A_469 = arith.addf %add3A_453, %gather3A_468 : vector<16xf32>
        %broadcast_in_dim3A_470 = arith.constant 15 : i32
        %broadcast_in_dim3A_471 = vector.broadcast %broadcast_in_dim3A_470 : i32 to vector<16xi32>
        %gather3A_472 = tpu.vector_load_idx %arg18[%add3A_413, %broadcast_in_dim3A_471] : memref<32x16xf32, #tpu.memory_space<vmem>>[vector<16xi32>, vector<16xi32>], vector<16xf32>,
        %add3A_473 = arith.addf %add3A_457, %gather3A_472 : vector<16xf32>
        %add3A_474 = arith.addf %add3A_461, %add3A_465 : vector<16xf32>
        %add3A_475 = arith.addf %add3A_469, %add3A_473 : vector<16xf32>
        %add3A_476 = arith.addf %add3A_474, %add3A_475 : vector<16xf32>
        %get3A_477 = arith.constant 16 : index
        %get3A_478 = tpu.vector_load %arg16[%get3A_477] {strides = array<i32>} : memref<32xi32, #tpu.memory_space<vmem>>, vector<16xi32>,
        %gather3A_479 = tpu.vector_load_idx %arg9[%get3A_478] : memref<10000xf32, #tpu.memory_space<vmem>>[vector<16xi32>], vector<16xf32>,
        %mul3A_480 = arith.constant 32 : i32
        %mul3A_481 = arith.muli %add3A_318, %mul3A_480 : i32
        %add3A_482 = arith.addi %mul3A_18, %mul3A_481 : i32
        %add3A_483 = arith.constant 16 : i32
        %add3A_484 = arith.addi %add3A_482, %add3A_483 : i32
        %add3A_485 = vector.broadcast %add3A_484 : i32 to vector<16xi32>
        %add3A_486 = arith.addi %add3A_485, %iota3A : vector<16xi32>
        %lt3A_487 = arith.constant 160000 : i32
        %lt3A_488 = vector.broadcast %lt3A_487 : i32 to vector<16xi32>
        %lt3A_489 = arith.cmpi slt, %add3A_486, %lt3A_488 : vector<16xi32>
        %mul3A_490 = arith.mulf %gather3A_479, %add3A_476 : vector<16xf32>
        %jit3A_491 = arith.constant 0.000000e+00 : f32
        %broadcast_in_dim3A_492 = vector.broadcast %jit3A_491 : f32 to vector<16xf32>
        %select_n3A_493 = arith.select %lt3A_489, %mul3A_490, %broadcast_in_dim3A_492 : vector<16xi1>, vector<16xf32>
        %swap3A_494 = arith.constant 16 : index
        %swap3A_495 = tpu.vector_load %arg19[%swap3A_494] {strides = array<i32>} : memref<32xf32, #tpu.memory_space<vmem>>, vector<16xf32>,
        tpu.vector_store %arg19[%swap3A_494], %select_n3A_493 {strides = array<i32>} : memref<32xf32, #tpu.memory_space<vmem>>, vector<16xf32>,
        "tpu.region"() ({
          %run_scoped3A = tpu.sem_alloc : memref<!tpu.dma_semaphore, #tpu.memory_space<semaphore_mem>>
          %dma_start3A_496 = arith.constant 0 : i32
          %dma_start3A_497 = tpu.memref_slice %arg21[%dma_start3A_496] : memref<10000xf32, #tpu.memory_space<vmem_shared>> -> memref<10000xf32, #tpu.memory_space<vmem_shared>>
          tpu.enqueue_indirect_dma source(%arg19 : memref<32xf32, #tpu.memory_space<vmem>>) target(%dma_start3A_497 : memref<10000xf32, #tpu.memory_space<vmem_shared>>) offsets(%arg17 : memref<32xi32, #tpu.memory_space<vmem>>) semaphore(%run_scoped3A : memref<!tpu.dma_semaphore, #tpu.memory_space<semaphore_mem>>) {add = true}
          %dma_wait3A_498 = arith.constant 0 : i32
          %dma_wait3A_499 = tpu.memref_slice %arg21[%dma_wait3A_498] : memref<10000xf32, #tpu.memory_space<vmem_shared>> -> memref<10000xf32, #tpu.memory_space<vmem_shared>>
          tpu.wait_indirect_dma semaphore(%run_scoped3A : memref<!tpu.dma_semaphore, #tpu.memory_space<semaphore_mem>>) src(%arg19 : memref<32xf32, #tpu.memory_space<vmem>>) dst(%dma_wait3A_499 : memref<10000xf32, #tpu.memory_space<vmem_shared>>)
          tpu.yield
        }) : () -> ()
      }
      %scan3A_41 = arith.constant 57 : i32
      %dma_wait3A = arith.constant 0 : i32
      %dma_wait3A_42 = arith.constant 0 : i32
      %dma_wait3A_43 = tpu.memref_slice %arg3[%dma_wait3A, %dma_wait3A_42] : memref<10000x256xf32, #tpu.memory_space<hbm>> -> memref<10000x256xf32, #tpu.memory_space<hbm>>
      tpu.wait_indirect_dma semaphore(%arg22 : memref<!tpu.dma_semaphore, #tpu.memory_space<semaphore_mem>>) src(%dma_wait3A_43 : memref<10000x256xf32, #tpu.memory_space<hbm>>) dst(%arg10 : memref<32x256xf32, #tpu.memory_space<vmem>>)
      %dma_wait3A_44 = arith.constant 0 : i32
      %dma_wait3A_45 = arith.constant 0 : i32
      %dma_wait3A_46 = tpu.memref_slice %arg3[%dma_wait3A_44, %dma_wait3A_45] : memref<10000x256xf32, #tpu.memory_space<hbm>> -> memref<10000x256xf32, #tpu.memory_space<hbm>>
      tpu.wait_indirect_dma semaphore(%arg23 : memref<!tpu.dma_semaphore, #tpu.memory_space<semaphore_mem>>) src(%dma_wait3A_46 : memref<10000x256xf32, #tpu.memory_space<hbm>>) dst(%arg11 : memref<32x256xf32, #tpu.memory_space<vmem>>)
    } else {
    }
    %eq3A_7 = arith.constant 1 : i32
    %eq3A_8 = arith.cmpi eq, %arg0, %eq3A_7 : i32
    %convert_element_type3A_9 = arith.extui %eq3A_8 : i1 to i32
    %cond3A_10 = arith.constant 0 : i32
    %cond3A_11 = arith.cmpi ne, %convert_element_type3A_9, %cond3A_10 : i32
    scf.if %cond3A_11 {
      %mul3A = arith.constant 6528 : i32
      %mul3A_18 = arith.muli %arg1, %mul3A : i32
      %add3A = arith.constant 58368 : i32
      %add3A_19 = arith.addi %add3A, %mul3A_18 : i32
      "tpu.region"() ({
        %run_scoped3A = tpu.sem_alloc : memref<!tpu.dma_semaphore, #tpu.memory_space<semaphore_mem>>
        %dma_start3A_48 = arith.constant 0 : i32
        %dma_start3A_49 = tpu.memref_slice %arg7[%dma_start3A_48] : memref<6528xi32, #tpu.memory_space<vmem>> -> memref<6528xi32, #tpu.memory_space<vmem>>
        %dma_start3A_50 = tpu.memref_slice %arg4[%add3A_19] : memref<162816xi32, #tpu.memory_space<hbm>> -> memref<6528xi32, #tpu.memory_space<hbm>>
        %dma_start3A_51 = arith.constant 0 : i32
        %dma_start3A_52 = tpu.memref_slice %arg7[%dma_start3A_51] : memref<6528xi32, #tpu.memory_space<vmem>> -> memref<6528xi32, #tpu.memory_space<vmem>>
        %dma_start3A_53 = tpu.memref_slice %arg4[%add3A_19] : memref<162816xi32, #tpu.memory_space<hbm>> -> memref<6528xi32, #tpu.memory_space<hbm>>
        tpu.enqueue_dma source(%dma_start3A_53 : memref<6528xi32, #tpu.memory_space<hbm>>) target(%dma_start3A_52 : memref<6528xi32, #tpu.memory_space<vmem>>) target_semaphore(%run_scoped3A : memref<!tpu.dma_semaphore, #tpu.memory_space<semaphore_mem>>)
        %dma_wait3A_54 = arith.constant 0 : i32
        %dma_wait3A_55 = tpu.memref_slice %arg7[%dma_wait3A_54] : memref<6528xi32, #tpu.memory_space<vmem>> -> memref<6528xi32, #tpu.memory_space<vmem>>
        %dma_wait3A_56 = tpu.memref_slice %arg4[%add3A_19] : memref<162816xi32, #tpu.memory_space<hbm>> -> memref<6528xi32, #tpu.memory_space<hbm>>
        %dma_wait3A_57 = arith.constant 0 : i32
        %dma_wait3A_58 = tpu.memref_slice %arg7[%dma_wait3A_57] : memref<6528xi32, #tpu.memory_space<vmem>> -> memref<6528xi32, #tpu.memory_space<vmem>>
        %dma_wait3A_59 = tpu.memref_slice %arg4[%add3A_19] : memref<162816xi32, #tpu.memory_space<hbm>> -> memref<6528xi32, #tpu.memory_space<hbm>>
        tpu.wait_dma2 semaphore(%run_scoped3A : memref<!tpu.dma_semaphore, #tpu.memory_space<semaphore_mem>>) src(%dma_wait3A_59 : memref<6528xi32, #tpu.memory_space<hbm>>) dst(%dma_wait3A_58 : memref<6528xi32, #tpu.memory_space<vmem>>)
        tpu.yield
      }) : () -> ()
      "tpu.region"() ({
        %run_scoped3A = tpu.sem_alloc : memref<!tpu.dma_semaphore, #tpu.memory_space<semaphore_mem>>
        %dma_start3A_48 = arith.constant 0 : i32
        %dma_start3A_49 = tpu.memref_slice %arg8[%dma_start3A_48] : memref<6528xi32, #tpu.memory_space<vmem>> -> memref<6528xi32, #tpu.memory_space<vmem>>
        %dma_start3A_50 = tpu.memref_slice %arg5[%add3A_19] : memref<162816xi32, #tpu.memory_space<hbm>> -> memref<6528xi32, #tpu.memory_space<hbm>>
        %dma_start3A_51 = arith.constant 0 : i32
        %dma_start3A_52 = tpu.memref_slice %arg8[%dma_start3A_51] : memref<6528xi32, #tpu.memory_space<vmem>> -> memref<6528xi32, #tpu.memory_space<vmem>>
        %dma_start3A_53 = tpu.memref_slice %arg5[%add3A_19] : memref<162816xi32, #tpu.memory_space<hbm>> -> memref<6528xi32, #tpu.memory_space<hbm>>
        tpu.enqueue_dma source(%dma_start3A_53 : memref<6528xi32, #tpu.memory_space<hbm>>) target(%dma_start3A_52 : memref<6528xi32, #tpu.memory_space<vmem>>) target_semaphore(%run_scoped3A : memref<!tpu.dma_semaphore, #tpu.memory_space<semaphore_mem>>)
        %dma_wait3A_54 = arith.constant 0 : i32
        %dma_wait3A_55 = tpu.memref_slice %arg8[%dma_wait3A_54] : memref<6528xi32, #tpu.memory_space<vmem>> -> memref<6528xi32, #tpu.memory_space<vmem>>
        %dma_wait3A_56 = tpu.memref_slice %arg5[%add3A_19] : memref<162816xi32, #tpu.memory_space<hbm>> -> memref<6528xi32, #tpu.memory_space<hbm>>
        %dma_wait3A_57 = arith.constant 0 : i32
        %dma_wait3A_58 = tpu.memref_slice %arg8[%dma_wait3A_57] : memref<6528xi32, #tpu.memory_space<vmem>> -> memref<6528xi32, #tpu.memory_space<vmem>>
        %dma_wait3A_59 = tpu.memref_slice %arg5[%add3A_19] : memref<162816xi32, #tpu.memory_space<hbm>> -> memref<6528xi32, #tpu.memory_space<hbm>>
        tpu.wait_dma2 semaphore(%run_scoped3A : memref<!tpu.dma_semaphore, #tpu.memory_space<semaphore_mem>>) src(%dma_wait3A_59 : memref<6528xi32, #tpu.memory_space<hbm>>) dst(%dma_wait3A_58 : memref<6528xi32, #tpu.memory_space<vmem>>)
        tpu.yield
      }) : () -> ()
      %get3A = arith.constant 0 : index
      %get3A_20 = tpu.vector_load %arg7[%get3A] {strides = array<i32>} : memref<6528xi32, #tpu.memory_space<vmem>>, vector<16xi32>,
      %swap3A = arith.constant 0 : index
      %swap3A_21 = tpu.vector_load %arg14[%swap3A] {strides = array<i32>} : memref<32xi32, #tpu.memory_space<vmem>>, vector<16xi32>,
      tpu.vector_store %arg14[%swap3A], %get3A_20 {strides = array<i32>} : memref<32xi32, #tpu.memory_space<vmem>>, vector<16xi32>,
      %get3A_22 = arith.constant 0 : index
      %get3A_23 = tpu.vector_load %arg8[%get3A_22] {strides = array<i32>} : memref<6528xi32, #tpu.memory_space<vmem>>, vector<16xi32>,
      %swap3A_24 = arith.constant 0 : index
      %swap3A_25 = tpu.vector_load %arg15[%swap3A_24] {strides = array<i32>} : memref<32xi32, #tpu.memory_space<vmem>>, vector<16xi32>,
      tpu.vector_store %arg15[%swap3A_24], %get3A_23 {strides = array<i32>} : memref<32xi32, #tpu.memory_space<vmem>>, vector<16xi32>,
      %get3A_26 = arith.constant 16 : index
      %get3A_27 = tpu.vector_load %arg7[%get3A_26] {strides = array<i32>} : memref<6528xi32, #tpu.memory_space<vmem>>, vector<16xi32>,
      %swap3A_28 = arith.constant 16 : index
      %swap3A_29 = tpu.vector_load %arg14[%swap3A_28] {strides = array<i32>} : memref<32xi32, #tpu.memory_space<vmem>>, vector<16xi32>,
      tpu.vector_store %arg14[%swap3A_28], %get3A_27 {strides = array<i32>} : memref<32xi32, #tpu.memory_space<vmem>>, vector<16xi32>,
      %get3A_30 = arith.constant 16 : index
      %get3A_31 = tpu.vector_load %arg8[%get3A_30] {strides = array<i32>} : memref<6528xi32, #tpu.memory_space<vmem>>, vector<16xi32>,
      %swap3A_32 = arith.constant 16 : index
      %swap3A_33 = tpu.vector_load %arg15[%swap3A_32] {strides = array<i32>} : memref<32xi32, #tpu.memory_space<vmem>>, vector<16xi32>,
      tpu.vector_store %arg15[%swap3A_32], %get3A_31 {strides = array<i32>} : memref<32xi32, #tpu.memory_space<vmem>>, vector<16xi32>,
      %dma_start3A = arith.constant 0 : i32
      %dma_start3A_34 = arith.constant 0 : i32
      %dma_start3A_35 = tpu.memref_slice %arg3[%dma_start3A, %dma_start3A_34] : memref<10000x256xf32, #tpu.memory_space<hbm>> -> memref<10000x256xf32, #tpu.memory_space<hbm>>
      tpu.enqueue_indirect_dma source(%dma_start3A_35 : memref<10000x256xf32, #tpu.memory_space<hbm>>) target(%arg10 : memref<32x256xf32, #tpu.memory_space<vmem>>) offsets(%arg14 : memref<32xi32, #tpu.memory_space<vmem>>) semaphore(%arg22 : memref<!tpu.dma_semaphore, #tpu.memory_space<semaphore_mem>>)
      %dma_start3A_36 = arith.constant 0 : i32
      %dma_start3A_37 = arith.constant 0 : i32
      %dma_start3A_38 = tpu.memref_slice %arg3[%dma_start3A_36, %dma_start3A_37] : memref<10000x256xf32, #tpu.memory_space<hbm>> -> memref<10000x256xf32, #tpu.memory_space<hbm>>
      tpu.enqueue_indirect_dma source(%dma_start3A_38 : memref<10000x256xf32, #tpu.memory_space<hbm>>) target(%arg11 : memref<32x256xf32, #tpu.memory_space<vmem>>) offsets(%arg15 : memref<32xi32, #tpu.memory_space<vmem>>) semaphore(%arg23 : memref<!tpu.dma_semaphore, #tpu.memory_space<semaphore_mem>>)
      %scan3A = arith.constant 0 : i32
      %scan3A_39 = arith.constant 102 : i32
      %scan3A_40 = arith.addi %scan3A, %scan3A_39 : i32
      %scan3A_41 = arith.constant 1 : i32
      scf.for %scan3A_48 = %scan3A to %scan3A_40 step %scan3A_41  : i32 {
        %mul3A_49 = arith.constant 1 : i32
        %mul3A_50 = arith.muli %scan3A_48, %mul3A_49 : i32
        %add3A_51 = arith.constant 0 : i32
        %add3A_52 = arith.addi %add3A_51, %mul3A_50 : i32
        %mul3A_53 = arith.constant 2 : i32
        %mul3A_54 = arith.muli %mul3A_53, %add3A_52 : i32
        %add3A_55 = arith.constant 1 : i32
        %add3A_56 = arith.addi %mul3A_54, %add3A_55 : i32
        %mul3A_57 = arith.constant 32 : i32
        %mul3A_58 = arith.muli %add3A_56, %mul3A_57 : i32
        %add3A_59 = arith.constant 0 : i32
        %add3A_60 = arith.addi %mul3A_58, %add3A_59 : i32
        %get3A_61 = arith.index_cast %add3A_60 : i32 to index
        %get3A_62 = tpu.vector_load %arg7[%get3A_61] {strides = array<i32>} : memref<6528xi32, #tpu.memory_space<vmem>>, vector<16xi32>,
        %swap3A_63 = arith.constant 0 : index
        %swap3A_64 = tpu.vector_load %arg16[%swap3A_63] {strides = array<i32>} : memref<32xi32, #tpu.memory_space<vmem>>, vector<16xi32>,
        tpu.vector_store %arg16[%swap3A_63], %get3A_62 {strides = array<i32>} : memref<32xi32, #tpu.memory_space<vmem>>, vector<16xi32>,
        %mul3A_65 = arith.constant 32 : i32
        %mul3A_66 = arith.muli %add3A_56, %mul3A_65 : i32
        %add3A_67 = arith.constant 0 : i32
        %add3A_68 = arith.addi %mul3A_66, %add3A_67 : i32
        %get3A_69 = arith.index_cast %add3A_68 : i32 to index
        %get3A_70 = tpu.vector_load %arg8[%get3A_69] {strides = array<i32>} : memref<6528xi32, #tpu.memory_space<vmem>>, vector<16xi32>,
        %swap3A_71 = arith.constant 0 : index
        %swap3A_72 = tpu.vector_load %arg17[%swap3A_71] {strides = array<i32>} : memref<32xi32, #tpu.memory_space<vmem>>, vector<16xi32>,
        tpu.vector_store %arg17[%swap3A_71], %get3A_70 {strides = array<i32>} : memref<32xi32, #tpu.memory_space<vmem>>, vector<16xi32>,
        %mul3A_73 = arith.constant 32 : i32
        %mul3A_74 = arith.muli %add3A_56, %mul3A_73 : i32
        %add3A_75 = arith.constant 16 : i32
        %add3A_76 = arith.addi %mul3A_74, %add3A_75 : i32
        %get3A_77 = arith.index_cast %add3A_76 : i32 to index
        %get3A_78 = tpu.vector_load %arg7[%get3A_77] {strides = array<i32>} : memref<6528xi32, #tpu.memory_space<vmem>>, vector<16xi32>,
        %swap3A_79 = arith.constant 16 : index
        %swap3A_80 = tpu.vector_load %arg16[%swap3A_79] {strides = array<i32>} : memref<32xi32, #tpu.memory_space<vmem>>, vector<16xi32>,
        tpu.vector_store %arg16[%swap3A_79], %get3A_78 {strides = array<i32>} : memref<32xi32, #tpu.memory_space<vmem>>, vector<16xi32>,
        %mul3A_81 = arith.constant 32 : i32
        %mul3A_82 = arith.muli %add3A_56, %mul3A_81 : i32
        %add3A_83 = arith.constant 16 : i32
        %add3A_84 = arith.addi %mul3A_82, %add3A_83 : i32
        %get3A_85 = arith.index_cast %add3A_84 : i32 to index
        %get3A_86 = tpu.vector_load %arg8[%get3A_85] {strides = array<i32>} : memref<6528xi32, #tpu.memory_space<vmem>>, vector<16xi32>,
        %swap3A_87 = arith.constant 16 : index
        %swap3A_88 = tpu.vector_load %arg17[%swap3A_87] {strides = array<i32>} : memref<32xi32, #tpu.memory_space<vmem>>, vector<16xi32>,
        tpu.vector_store %arg17[%swap3A_87], %get3A_86 {strides = array<i32>} : memref<32xi32, #tpu.memory_space<vmem>>, vector<16xi32>,
        %dma_start3A_89 = arith.constant 0 : i32
        %dma_start3A_90 = arith.constant 0 : i32
        %dma_start3A_91 = tpu.memref_slice %arg3[%dma_start3A_89, %dma_start3A_90] : memref<10000x256xf32, #tpu.memory_space<hbm>> -> memref<10000x256xf32, #tpu.memory_space<hbm>>
        tpu.enqueue_indirect_dma source(%dma_start3A_91 : memref<10000x256xf32, #tpu.memory_space<hbm>>) target(%arg12 : memref<32x256xf32, #tpu.memory_space<vmem>>) offsets(%arg16 : memref<32xi32, #tpu.memory_space<vmem>>) semaphore(%arg24 : memref<!tpu.dma_semaphore, #tpu.memory_space<semaphore_mem>>)
        %dma_start3A_92 = arith.constant 0 : i32
        %dma_start3A_93 = arith.constant 0 : i32
        %dma_start3A_94 = tpu.memref_slice %arg3[%dma_start3A_92, %dma_start3A_93] : memref<10000x256xf32, #tpu.memory_space<hbm>> -> memref<10000x256xf32, #tpu.memory_space<hbm>>
        tpu.enqueue_indirect_dma source(%dma_start3A_94 : memref<10000x256xf32, #tpu.memory_space<hbm>>) target(%arg13 : memref<32x256xf32, #tpu.memory_space<vmem>>) offsets(%arg17 : memref<32xi32, #tpu.memory_space<vmem>>) semaphore(%arg25 : memref<!tpu.dma_semaphore, #tpu.memory_space<semaphore_mem>>)
        %dma_wait3A_95 = arith.constant 0 : i32
        %dma_wait3A_96 = arith.constant 0 : i32
        %dma_wait3A_97 = tpu.memref_slice %arg3[%dma_wait3A_95, %dma_wait3A_96] : memref<10000x256xf32, #tpu.memory_space<hbm>> -> memref<10000x256xf32, #tpu.memory_space<hbm>>
        tpu.wait_indirect_dma semaphore(%arg22 : memref<!tpu.dma_semaphore, #tpu.memory_space<semaphore_mem>>) src(%dma_wait3A_97 : memref<10000x256xf32, #tpu.memory_space<hbm>>) dst(%arg10 : memref<32x256xf32, #tpu.memory_space<vmem>>)
        %dma_wait3A_98 = arith.constant 0 : i32
        %dma_wait3A_99 = arith.constant 0 : i32
        %dma_wait3A_100 = tpu.memref_slice %arg3[%dma_wait3A_98, %dma_wait3A_99] : memref<10000x256xf32, #tpu.memory_space<hbm>> -> memref<10000x256xf32, #tpu.memory_space<hbm>>
        tpu.wait_indirect_dma semaphore(%arg23 : memref<!tpu.dma_semaphore, #tpu.memory_space<semaphore_mem>>) src(%dma_wait3A_100 : memref<10000x256xf32, #tpu.memory_space<hbm>>) dst(%arg11 : memref<32x256xf32, #tpu.memory_space<vmem>>)
        %broadcast_in_dim3A = arith.constant -65536 : i32
        %broadcast_in_dim3A_101 = vector.broadcast %broadcast_in_dim3A : i32 to vector<16xi32>
        %broadcast_in_dim3A_102 = arith.constant 16 : i32
        %broadcast_in_dim3A_103 = vector.broadcast %broadcast_in_dim3A_102 : i32 to vector<16xi32>
        %parallel_loop3A = arith.constant 0 : i32
        %parallel_loop3A_104 = arith.constant 32 : i32
        %parallel_loop3A_105 = arith.constant 1 : i32
        scf.for %parallel_loop3A_498 = %parallel_loop3A to %parallel_loop3A_104 step %parallel_loop3A_105  : i32 {
          %parallel_loop3A_499 = arith.index_cast %parallel_loop3A_498 : i32 to index
          %parallel_loop3A_500 = arith.constant 0 : index
          %parallel_loop3A_501 = tpu.vector_load %arg10[%parallel_loop3A_499, %parallel_loop3A_500] {strides = array<i32>} : memref<32x256xf32, #tpu.memory_space<vmem>>, vector<16xf32>,
          %parallel_loop3A_502 = vector.bitcast %parallel_loop3A_501 : vector<16xf32> to vector<16xi32>
          %parallel_loop3A_503 = arith.index_cast %parallel_loop3A_498 : i32 to index
          %parallel_loop3A_504 = arith.constant 0 : index
          %parallel_loop3A_505 = tpu.vector_load %arg11[%parallel_loop3A_503, %parallel_loop3A_504] {strides = array<i32>} : memref<32x256xf32, #tpu.memory_space<vmem>>, vector<16xf32>,
          %parallel_loop3A_506 = vector.bitcast %parallel_loop3A_505 : vector<16xf32> to vector<16xi32>
          %parallel_loop3A_507 = arith.shli %parallel_loop3A_502, %broadcast_in_dim3A_103 : vector<16xi32>
          %parallel_loop3A_508 = vector.bitcast %parallel_loop3A_507 : vector<16xi32> to vector<16xf32>
          %parallel_loop3A_509 = arith.andi %parallel_loop3A_502, %broadcast_in_dim3A_101 : vector<16xi32>
          %parallel_loop3A_510 = vector.bitcast %parallel_loop3A_509 : vector<16xi32> to vector<16xf32>
          %parallel_loop3A_511 = arith.shli %parallel_loop3A_506, %broadcast_in_dim3A_103 : vector<16xi32>
          %parallel_loop3A_512 = vector.bitcast %parallel_loop3A_511 : vector<16xi32> to vector<16xf32>
          %parallel_loop3A_513 = arith.andi %parallel_loop3A_506, %broadcast_in_dim3A_101 : vector<16xi32>
          %parallel_loop3A_514 = vector.bitcast %parallel_loop3A_513 : vector<16xi32> to vector<16xf32>
          %parallel_loop3A_515 = arith.mulf %parallel_loop3A_508, %parallel_loop3A_512 : vector<16xf32>
          %parallel_loop3A_516 = arith.mulf %parallel_loop3A_510, %parallel_loop3A_514 : vector<16xf32>
          %parallel_loop3A_517 = arith.index_cast %parallel_loop3A_498 : i32 to index
          %parallel_loop3A_518 = arith.constant 16 : index
          %parallel_loop3A_519 = tpu.vector_load %arg10[%parallel_loop3A_517, %parallel_loop3A_518] {strides = array<i32>} : memref<32x256xf32, #tpu.memory_space<vmem>>, vector<16xf32>,
          %parallel_loop3A_520 = vector.bitcast %parallel_loop3A_519 : vector<16xf32> to vector<16xi32>
          %parallel_loop3A_521 = arith.index_cast %parallel_loop3A_498 : i32 to index
          %parallel_loop3A_522 = arith.constant 16 : index
          %parallel_loop3A_523 = tpu.vector_load %arg11[%parallel_loop3A_521, %parallel_loop3A_522] {strides = array<i32>} : memref<32x256xf32, #tpu.memory_space<vmem>>, vector<16xf32>,
          %parallel_loop3A_524 = vector.bitcast %parallel_loop3A_523 : vector<16xf32> to vector<16xi32>
          %parallel_loop3A_525 = arith.shli %parallel_loop3A_520, %broadcast_in_dim3A_103 : vector<16xi32>
          %parallel_loop3A_526 = vector.bitcast %parallel_loop3A_525 : vector<16xi32> to vector<16xf32>
          %parallel_loop3A_527 = arith.andi %parallel_loop3A_520, %broadcast_in_dim3A_101 : vector<16xi32>
          %parallel_loop3A_528 = vector.bitcast %parallel_loop3A_527 : vector<16xi32> to vector<16xf32>
          %parallel_loop3A_529 = arith.shli %parallel_loop3A_524, %broadcast_in_dim3A_103 : vector<16xi32>
          %parallel_loop3A_530 = vector.bitcast %parallel_loop3A_529 : vector<16xi32> to vector<16xf32>
          %parallel_loop3A_531 = arith.andi %parallel_loop3A_524, %broadcast_in_dim3A_101 : vector<16xi32>
          %parallel_loop3A_532 = vector.bitcast %parallel_loop3A_531 : vector<16xi32> to vector<16xf32>
          %parallel_loop3A_533 = arith.mulf %parallel_loop3A_526, %parallel_loop3A_530 : vector<16xf32>
          %parallel_loop3A_534 = arith.mulf %parallel_loop3A_528, %parallel_loop3A_532 : vector<16xf32>
          %parallel_loop3A_535 = arith.index_cast %parallel_loop3A_498 : i32 to index
          %parallel_loop3A_536 = arith.constant 32 : index
          %parallel_loop3A_537 = tpu.vector_load %arg10[%parallel_loop3A_535, %parallel_loop3A_536] {strides = array<i32>} : memref<32x256xf32, #tpu.memory_space<vmem>>, vector<16xf32>,
          %parallel_loop3A_538 = vector.bitcast %parallel_loop3A_537 : vector<16xf32> to vector<16xi32>
          %parallel_loop3A_539 = arith.index_cast %parallel_loop3A_498 : i32 to index
          %parallel_loop3A_540 = arith.constant 32 : index
          %parallel_loop3A_541 = tpu.vector_load %arg11[%parallel_loop3A_539, %parallel_loop3A_540] {strides = array<i32>} : memref<32x256xf32, #tpu.memory_space<vmem>>, vector<16xf32>,
          %parallel_loop3A_542 = vector.bitcast %parallel_loop3A_541 : vector<16xf32> to vector<16xi32>
          %parallel_loop3A_543 = arith.shli %parallel_loop3A_538, %broadcast_in_dim3A_103 : vector<16xi32>
          %parallel_loop3A_544 = vector.bitcast %parallel_loop3A_543 : vector<16xi32> to vector<16xf32>
          %parallel_loop3A_545 = arith.andi %parallel_loop3A_538, %broadcast_in_dim3A_101 : vector<16xi32>
          %parallel_loop3A_546 = vector.bitcast %parallel_loop3A_545 : vector<16xi32> to vector<16xf32>
          %parallel_loop3A_547 = arith.shli %parallel_loop3A_542, %broadcast_in_dim3A_103 : vector<16xi32>
          %parallel_loop3A_548 = vector.bitcast %parallel_loop3A_547 : vector<16xi32> to vector<16xf32>
          %parallel_loop3A_549 = arith.andi %parallel_loop3A_542, %broadcast_in_dim3A_101 : vector<16xi32>
          %parallel_loop3A_550 = vector.bitcast %parallel_loop3A_549 : vector<16xi32> to vector<16xf32>
          %parallel_loop3A_551 = arith.mulf %parallel_loop3A_544, %parallel_loop3A_548 : vector<16xf32>
          %parallel_loop3A_552 = arith.addf %parallel_loop3A_515, %parallel_loop3A_551 : vector<16xf32>
          %parallel_loop3A_553 = arith.mulf %parallel_loop3A_546, %parallel_loop3A_550 : vector<16xf32>
          %parallel_loop3A_554 = arith.addf %parallel_loop3A_516, %parallel_loop3A_553 : vector<16xf32>
          %parallel_loop3A_555 = arith.index_cast %parallel_loop3A_498 : i32 to index
          %parallel_loop3A_556 = arith.constant 48 : index
          %parallel_loop3A_557 = tpu.vector_load %arg10[%parallel_loop3A_555, %parallel_loop3A_556] {strides = array<i32>} : memref<32x256xf32, #tpu.memory_space<vmem>>, vector<16xf32>,
          %parallel_loop3A_558 = vector.bitcast %parallel_loop3A_557 : vector<16xf32> to vector<16xi32>
          %parallel_loop3A_559 = arith.index_cast %parallel_loop3A_498 : i32 to index
          %parallel_loop3A_560 = arith.constant 48 : index
          %parallel_loop3A_561 = tpu.vector_load %arg11[%parallel_loop3A_559, %parallel_loop3A_560] {strides = array<i32>} : memref<32x256xf32, #tpu.memory_space<vmem>>, vector<16xf32>,
          %parallel_loop3A_562 = vector.bitcast %parallel_loop3A_561 : vector<16xf32> to vector<16xi32>
          %parallel_loop3A_563 = arith.shli %parallel_loop3A_558, %broadcast_in_dim3A_103 : vector<16xi32>
          %parallel_loop3A_564 = vector.bitcast %parallel_loop3A_563 : vector<16xi32> to vector<16xf32>
          %parallel_loop3A_565 = arith.andi %parallel_loop3A_558, %broadcast_in_dim3A_101 : vector<16xi32>
          %parallel_loop3A_566 = vector.bitcast %parallel_loop3A_565 : vector<16xi32> to vector<16xf32>
          %parallel_loop3A_567 = arith.shli %parallel_loop3A_562, %broadcast_in_dim3A_103 : vector<16xi32>
          %parallel_loop3A_568 = vector.bitcast %parallel_loop3A_567 : vector<16xi32> to vector<16xf32>
          %parallel_loop3A_569 = arith.andi %parallel_loop3A_562, %broadcast_in_dim3A_101 : vector<16xi32>
          %parallel_loop3A_570 = vector.bitcast %parallel_loop3A_569 : vector<16xi32> to vector<16xf32>
          %parallel_loop3A_571 = arith.mulf %parallel_loop3A_564, %parallel_loop3A_568 : vector<16xf32>
          %parallel_loop3A_572 = arith.addf %parallel_loop3A_533, %parallel_loop3A_571 : vector<16xf32>
          %parallel_loop3A_573 = arith.mulf %parallel_loop3A_566, %parallel_loop3A_570 : vector<16xf32>
          %parallel_loop3A_574 = arith.addf %parallel_loop3A_534, %parallel_loop3A_573 : vector<16xf32>
          %parallel_loop3A_575 = arith.index_cast %parallel_loop3A_498 : i32 to index
          %parallel_loop3A_576 = arith.constant 64 : index
          %parallel_loop3A_577 = tpu.vector_load %arg10[%parallel_loop3A_575, %parallel_loop3A_576] {strides = array<i32>} : memref<32x256xf32, #tpu.memory_space<vmem>>, vector<16xf32>,
          %parallel_loop3A_578 = vector.bitcast %parallel_loop3A_577 : vector<16xf32> to vector<16xi32>
          %parallel_loop3A_579 = arith.index_cast %parallel_loop3A_498 : i32 to index
          %parallel_loop3A_580 = arith.constant 64 : index
          %parallel_loop3A_581 = tpu.vector_load %arg11[%parallel_loop3A_579, %parallel_loop3A_580] {strides = array<i32>} : memref<32x256xf32, #tpu.memory_space<vmem>>, vector<16xf32>,
          %parallel_loop3A_582 = vector.bitcast %parallel_loop3A_581 : vector<16xf32> to vector<16xi32>
          %parallel_loop3A_583 = arith.shli %parallel_loop3A_578, %broadcast_in_dim3A_103 : vector<16xi32>
          %parallel_loop3A_584 = vector.bitcast %parallel_loop3A_583 : vector<16xi32> to vector<16xf32>
          %parallel_loop3A_585 = arith.andi %parallel_loop3A_578, %broadcast_in_dim3A_101 : vector<16xi32>
          %parallel_loop3A_586 = vector.bitcast %parallel_loop3A_585 : vector<16xi32> to vector<16xf32>
          %parallel_loop3A_587 = arith.shli %parallel_loop3A_582, %broadcast_in_dim3A_103 : vector<16xi32>
          %parallel_loop3A_588 = vector.bitcast %parallel_loop3A_587 : vector<16xi32> to vector<16xf32>
          %parallel_loop3A_589 = arith.andi %parallel_loop3A_582, %broadcast_in_dim3A_101 : vector<16xi32>
          %parallel_loop3A_590 = vector.bitcast %parallel_loop3A_589 : vector<16xi32> to vector<16xf32>
          %parallel_loop3A_591 = arith.mulf %parallel_loop3A_584, %parallel_loop3A_588 : vector<16xf32>
          %parallel_loop3A_592 = arith.addf %parallel_loop3A_552, %parallel_loop3A_591 : vector<16xf32>
          %parallel_loop3A_593 = arith.mulf %parallel_loop3A_586, %parallel_loop3A_590 : vector<16xf32>
          %parallel_loop3A_594 = arith.addf %parallel_loop3A_554, %parallel_loop3A_593 : vector<16xf32>
          %parallel_loop3A_595 = arith.index_cast %parallel_loop3A_498 : i32 to index
          %parallel_loop3A_596 = arith.constant 80 : index
          %parallel_loop3A_597 = tpu.vector_load %arg10[%parallel_loop3A_595, %parallel_loop3A_596] {strides = array<i32>} : memref<32x256xf32, #tpu.memory_space<vmem>>, vector<16xf32>,
          %parallel_loop3A_598 = vector.bitcast %parallel_loop3A_597 : vector<16xf32> to vector<16xi32>
          %parallel_loop3A_599 = arith.index_cast %parallel_loop3A_498 : i32 to index
          %parallel_loop3A_600 = arith.constant 80 : index
          %parallel_loop3A_601 = tpu.vector_load %arg11[%parallel_loop3A_599, %parallel_loop3A_600] {strides = array<i32>} : memref<32x256xf32, #tpu.memory_space<vmem>>, vector<16xf32>,
          %parallel_loop3A_602 = vector.bitcast %parallel_loop3A_601 : vector<16xf32> to vector<16xi32>
          %parallel_loop3A_603 = arith.shli %parallel_loop3A_598, %broadcast_in_dim3A_103 : vector<16xi32>
          %parallel_loop3A_604 = vector.bitcast %parallel_loop3A_603 : vector<16xi32> to vector<16xf32>
          %parallel_loop3A_605 = arith.andi %parallel_loop3A_598, %broadcast_in_dim3A_101 : vector<16xi32>
          %parallel_loop3A_606 = vector.bitcast %parallel_loop3A_605 : vector<16xi32> to vector<16xf32>
          %parallel_loop3A_607 = arith.shli %parallel_loop3A_602, %broadcast_in_dim3A_103 : vector<16xi32>
          %parallel_loop3A_608 = vector.bitcast %parallel_loop3A_607 : vector<16xi32> to vector<16xf32>
          %parallel_loop3A_609 = arith.andi %parallel_loop3A_602, %broadcast_in_dim3A_101 : vector<16xi32>
          %parallel_loop3A_610 = vector.bitcast %parallel_loop3A_609 : vector<16xi32> to vector<16xf32>
          %parallel_loop3A_611 = arith.mulf %parallel_loop3A_604, %parallel_loop3A_608 : vector<16xf32>
          %parallel_loop3A_612 = arith.addf %parallel_loop3A_572, %parallel_loop3A_611 : vector<16xf32>
          %parallel_loop3A_613 = arith.mulf %parallel_loop3A_606, %parallel_loop3A_610 : vector<16xf32>
          %parallel_loop3A_614 = arith.addf %parallel_loop3A_574, %parallel_loop3A_613 : vector<16xf32>
          %parallel_loop3A_615 = arith.index_cast %parallel_loop3A_498 : i32 to index
          %parallel_loop3A_616 = arith.constant 96 : index
          %parallel_loop3A_617 = tpu.vector_load %arg10[%parallel_loop3A_615, %parallel_loop3A_616] {strides = array<i32>} : memref<32x256xf32, #tpu.memory_space<vmem>>, vector<16xf32>,
          %parallel_loop3A_618 = vector.bitcast %parallel_loop3A_617 : vector<16xf32> to vector<16xi32>
          %parallel_loop3A_619 = arith.index_cast %parallel_loop3A_498 : i32 to index
          %parallel_loop3A_620 = arith.constant 96 : index
          %parallel_loop3A_621 = tpu.vector_load %arg11[%parallel_loop3A_619, %parallel_loop3A_620] {strides = array<i32>} : memref<32x256xf32, #tpu.memory_space<vmem>>, vector<16xf32>,
          %parallel_loop3A_622 = vector.bitcast %parallel_loop3A_621 : vector<16xf32> to vector<16xi32>
          %parallel_loop3A_623 = arith.shli %parallel_loop3A_618, %broadcast_in_dim3A_103 : vector<16xi32>
          %parallel_loop3A_624 = vector.bitcast %parallel_loop3A_623 : vector<16xi32> to vector<16xf32>
          %parallel_loop3A_625 = arith.andi %parallel_loop3A_618, %broadcast_in_dim3A_101 : vector<16xi32>
          %parallel_loop3A_626 = vector.bitcast %parallel_loop3A_625 : vector<16xi32> to vector<16xf32>
          %parallel_loop3A_627 = arith.shli %parallel_loop3A_622, %broadcast_in_dim3A_103 : vector<16xi32>
          %parallel_loop3A_628 = vector.bitcast %parallel_loop3A_627 : vector<16xi32> to vector<16xf32>
          %parallel_loop3A_629 = arith.andi %parallel_loop3A_622, %broadcast_in_dim3A_101 : vector<16xi32>
          %parallel_loop3A_630 = vector.bitcast %parallel_loop3A_629 : vector<16xi32> to vector<16xf32>
          %parallel_loop3A_631 = arith.mulf %parallel_loop3A_624, %parallel_loop3A_628 : vector<16xf32>
          %parallel_loop3A_632 = arith.addf %parallel_loop3A_592, %parallel_loop3A_631 : vector<16xf32>
          %parallel_loop3A_633 = arith.mulf %parallel_loop3A_626, %parallel_loop3A_630 : vector<16xf32>
          %parallel_loop3A_634 = arith.addf %parallel_loop3A_594, %parallel_loop3A_633 : vector<16xf32>
          %parallel_loop3A_635 = arith.index_cast %parallel_loop3A_498 : i32 to index
          %parallel_loop3A_636 = arith.constant 112 : index
          %parallel_loop3A_637 = tpu.vector_load %arg10[%parallel_loop3A_635, %parallel_loop3A_636] {strides = array<i32>} : memref<32x256xf32, #tpu.memory_space<vmem>>, vector<16xf32>,
          %parallel_loop3A_638 = vector.bitcast %parallel_loop3A_637 : vector<16xf32> to vector<16xi32>
          %parallel_loop3A_639 = arith.index_cast %parallel_loop3A_498 : i32 to index
          %parallel_loop3A_640 = arith.constant 112 : index
          %parallel_loop3A_641 = tpu.vector_load %arg11[%parallel_loop3A_639, %parallel_loop3A_640] {strides = array<i32>} : memref<32x256xf32, #tpu.memory_space<vmem>>, vector<16xf32>,
          %parallel_loop3A_642 = vector.bitcast %parallel_loop3A_641 : vector<16xf32> to vector<16xi32>
          %parallel_loop3A_643 = arith.shli %parallel_loop3A_638, %broadcast_in_dim3A_103 : vector<16xi32>
          %parallel_loop3A_644 = vector.bitcast %parallel_loop3A_643 : vector<16xi32> to vector<16xf32>
          %parallel_loop3A_645 = arith.andi %parallel_loop3A_638, %broadcast_in_dim3A_101 : vector<16xi32>
          %parallel_loop3A_646 = vector.bitcast %parallel_loop3A_645 : vector<16xi32> to vector<16xf32>
          %parallel_loop3A_647 = arith.shli %parallel_loop3A_642, %broadcast_in_dim3A_103 : vector<16xi32>
          %parallel_loop3A_648 = vector.bitcast %parallel_loop3A_647 : vector<16xi32> to vector<16xf32>
          %parallel_loop3A_649 = arith.andi %parallel_loop3A_642, %broadcast_in_dim3A_101 : vector<16xi32>
          %parallel_loop3A_650 = vector.bitcast %parallel_loop3A_649 : vector<16xi32> to vector<16xf32>
          %parallel_loop3A_651 = arith.mulf %parallel_loop3A_644, %parallel_loop3A_648 : vector<16xf32>
          %parallel_loop3A_652 = arith.addf %parallel_loop3A_612, %parallel_loop3A_651 : vector<16xf32>
          %parallel_loop3A_653 = arith.mulf %parallel_loop3A_646, %parallel_loop3A_650 : vector<16xf32>
          %parallel_loop3A_654 = arith.addf %parallel_loop3A_614, %parallel_loop3A_653 : vector<16xf32>
          %parallel_loop3A_655 = arith.index_cast %parallel_loop3A_498 : i32 to index
          %parallel_loop3A_656 = arith.constant 128 : index
          %parallel_loop3A_657 = tpu.vector_load %arg10[%parallel_loop3A_655, %parallel_loop3A_656] {strides = array<i32>} : memref<32x256xf32, #tpu.memory_space<vmem>>, vector<16xf32>,
          %parallel_loop3A_658 = vector.bitcast %parallel_loop3A_657 : vector<16xf32> to vector<16xi32>
          %parallel_loop3A_659 = arith.index_cast %parallel_loop3A_498 : i32 to index
          %parallel_loop3A_660 = arith.constant 128 : index
          %parallel_loop3A_661 = tpu.vector_load %arg11[%parallel_loop3A_659, %parallel_loop3A_660] {strides = array<i32>} : memref<32x256xf32, #tpu.memory_space<vmem>>, vector<16xf32>,
          %parallel_loop3A_662 = vector.bitcast %parallel_loop3A_661 : vector<16xf32> to vector<16xi32>
          %parallel_loop3A_663 = arith.shli %parallel_loop3A_658, %broadcast_in_dim3A_103 : vector<16xi32>
          %parallel_loop3A_664 = vector.bitcast %parallel_loop3A_663 : vector<16xi32> to vector<16xf32>
          %parallel_loop3A_665 = arith.andi %parallel_loop3A_658, %broadcast_in_dim3A_101 : vector<16xi32>
          %parallel_loop3A_666 = vector.bitcast %parallel_loop3A_665 : vector<16xi32> to vector<16xf32>
          %parallel_loop3A_667 = arith.shli %parallel_loop3A_662, %broadcast_in_dim3A_103 : vector<16xi32>
          %parallel_loop3A_668 = vector.bitcast %parallel_loop3A_667 : vector<16xi32> to vector<16xf32>
          %parallel_loop3A_669 = arith.andi %parallel_loop3A_662, %broadcast_in_dim3A_101 : vector<16xi32>
          %parallel_loop3A_670 = vector.bitcast %parallel_loop3A_669 : vector<16xi32> to vector<16xf32>
          %parallel_loop3A_671 = arith.mulf %parallel_loop3A_664, %parallel_loop3A_668 : vector<16xf32>
          %parallel_loop3A_672 = arith.addf %parallel_loop3A_632, %parallel_loop3A_671 : vector<16xf32>
          %parallel_loop3A_673 = arith.mulf %parallel_loop3A_666, %parallel_loop3A_670 : vector<16xf32>
          %parallel_loop3A_674 = arith.addf %parallel_loop3A_634, %parallel_loop3A_673 : vector<16xf32>
          %parallel_loop3A_675 = arith.index_cast %parallel_loop3A_498 : i32 to index
          %parallel_loop3A_676 = arith.constant 144 : index
          %parallel_loop3A_677 = tpu.vector_load %arg10[%parallel_loop3A_675, %parallel_loop3A_676] {strides = array<i32>} : memref<32x256xf32, #tpu.memory_space<vmem>>, vector<16xf32>,
          %parallel_loop3A_678 = vector.bitcast %parallel_loop3A_677 : vector<16xf32> to vector<16xi32>
          %parallel_loop3A_679 = arith.index_cast %parallel_loop3A_498 : i32 to index
          %parallel_loop3A_680 = arith.constant 144 : index
          %parallel_loop3A_681 = tpu.vector_load %arg11[%parallel_loop3A_679, %parallel_loop3A_680] {strides = array<i32>} : memref<32x256xf32, #tpu.memory_space<vmem>>, vector<16xf32>,
          %parallel_loop3A_682 = vector.bitcast %parallel_loop3A_681 : vector<16xf32> to vector<16xi32>
          %parallel_loop3A_683 = arith.shli %parallel_loop3A_678, %broadcast_in_dim3A_103 : vector<16xi32>
          %parallel_loop3A_684 = vector.bitcast %parallel_loop3A_683 : vector<16xi32> to vector<16xf32>
          %parallel_loop3A_685 = arith.andi %parallel_loop3A_678, %broadcast_in_dim3A_101 : vector<16xi32>
          %parallel_loop3A_686 = vector.bitcast %parallel_loop3A_685 : vector<16xi32> to vector<16xf32>
          %parallel_loop3A_687 = arith.shli %parallel_loop3A_682, %broadcast_in_dim3A_103 : vector<16xi32>
          %parallel_loop3A_688 = vector.bitcast %parallel_loop3A_687 : vector<16xi32> to vector<16xf32>
          %parallel_loop3A_689 = arith.andi %parallel_loop3A_682, %broadcast_in_dim3A_101 : vector<16xi32>
          %parallel_loop3A_690 = vector.bitcast %parallel_loop3A_689 : vector<16xi32> to vector<16xf32>
          %parallel_loop3A_691 = arith.mulf %parallel_loop3A_684, %parallel_loop3A_688 : vector<16xf32>
          %parallel_loop3A_692 = arith.addf %parallel_loop3A_652, %parallel_loop3A_691 : vector<16xf32>
          %parallel_loop3A_693 = arith.mulf %parallel_loop3A_686, %parallel_loop3A_690 : vector<16xf32>
          %parallel_loop3A_694 = arith.addf %parallel_loop3A_654, %parallel_loop3A_693 : vector<16xf32>
          %parallel_loop3A_695 = arith.index_cast %parallel_loop3A_498 : i32 to index
          %parallel_loop3A_696 = arith.constant 160 : index
          %parallel_loop3A_697 = tpu.vector_load %arg10[%parallel_loop3A_695, %parallel_loop3A_696] {strides = array<i32>} : memref<32x256xf32, #tpu.memory_space<vmem>>, vector<16xf32>,
          %parallel_loop3A_698 = vector.bitcast %parallel_loop3A_697 : vector<16xf32> to vector<16xi32>
          %parallel_loop3A_699 = arith.index_cast %parallel_loop3A_498 : i32 to index
          %parallel_loop3A_700 = arith.constant 160 : index
          %parallel_loop3A_701 = tpu.vector_load %arg11[%parallel_loop3A_699, %parallel_loop3A_700] {strides = array<i32>} : memref<32x256xf32, #tpu.memory_space<vmem>>, vector<16xf32>,
          %parallel_loop3A_702 = vector.bitcast %parallel_loop3A_701 : vector<16xf32> to vector<16xi32>
          %parallel_loop3A_703 = arith.shli %parallel_loop3A_698, %broadcast_in_dim3A_103 : vector<16xi32>
          %parallel_loop3A_704 = vector.bitcast %parallel_loop3A_703 : vector<16xi32> to vector<16xf32>
          %parallel_loop3A_705 = arith.andi %parallel_loop3A_698, %broadcast_in_dim3A_101 : vector<16xi32>
          %parallel_loop3A_706 = vector.bitcast %parallel_loop3A_705 : vector<16xi32> to vector<16xf32>
          %parallel_loop3A_707 = arith.shli %parallel_loop3A_702, %broadcast_in_dim3A_103 : vector<16xi32>
          %parallel_loop3A_708 = vector.bitcast %parallel_loop3A_707 : vector<16xi32> to vector<16xf32>
          %parallel_loop3A_709 = arith.andi %parallel_loop3A_702, %broadcast_in_dim3A_101 : vector<16xi32>
          %parallel_loop3A_710 = vector.bitcast %parallel_loop3A_709 : vector<16xi32> to vector<16xf32>
          %parallel_loop3A_711 = arith.mulf %parallel_loop3A_704, %parallel_loop3A_708 : vector<16xf32>
          %parallel_loop3A_712 = arith.addf %parallel_loop3A_672, %parallel_loop3A_711 : vector<16xf32>
          %parallel_loop3A_713 = arith.mulf %parallel_loop3A_706, %parallel_loop3A_710 : vector<16xf32>
          %parallel_loop3A_714 = arith.addf %parallel_loop3A_674, %parallel_loop3A_713 : vector<16xf32>
          %parallel_loop3A_715 = arith.index_cast %parallel_loop3A_498 : i32 to index
          %parallel_loop3A_716 = arith.constant 176 : index
          %parallel_loop3A_717 = tpu.vector_load %arg10[%parallel_loop3A_715, %parallel_loop3A_716] {strides = array<i32>} : memref<32x256xf32, #tpu.memory_space<vmem>>, vector<16xf32>,
          %parallel_loop3A_718 = vector.bitcast %parallel_loop3A_717 : vector<16xf32> to vector<16xi32>
          %parallel_loop3A_719 = arith.index_cast %parallel_loop3A_498 : i32 to index
          %parallel_loop3A_720 = arith.constant 176 : index
          %parallel_loop3A_721 = tpu.vector_load %arg11[%parallel_loop3A_719, %parallel_loop3A_720] {strides = array<i32>} : memref<32x256xf32, #tpu.memory_space<vmem>>, vector<16xf32>,
          %parallel_loop3A_722 = vector.bitcast %parallel_loop3A_721 : vector<16xf32> to vector<16xi32>
          %parallel_loop3A_723 = arith.shli %parallel_loop3A_718, %broadcast_in_dim3A_103 : vector<16xi32>
          %parallel_loop3A_724 = vector.bitcast %parallel_loop3A_723 : vector<16xi32> to vector<16xf32>
          %parallel_loop3A_725 = arith.andi %parallel_loop3A_718, %broadcast_in_dim3A_101 : vector<16xi32>
          %parallel_loop3A_726 = vector.bitcast %parallel_loop3A_725 : vector<16xi32> to vector<16xf32>
          %parallel_loop3A_727 = arith.shli %parallel_loop3A_722, %broadcast_in_dim3A_103 : vector<16xi32>
          %parallel_loop3A_728 = vector.bitcast %parallel_loop3A_727 : vector<16xi32> to vector<16xf32>
          %parallel_loop3A_729 = arith.andi %parallel_loop3A_722, %broadcast_in_dim3A_101 : vector<16xi32>
          %parallel_loop3A_730 = vector.bitcast %parallel_loop3A_729 : vector<16xi32> to vector<16xf32>
          %parallel_loop3A_731 = arith.mulf %parallel_loop3A_724, %parallel_loop3A_728 : vector<16xf32>
          %parallel_loop3A_732 = arith.addf %parallel_loop3A_692, %parallel_loop3A_731 : vector<16xf32>
          %parallel_loop3A_733 = arith.mulf %parallel_loop3A_726, %parallel_loop3A_730 : vector<16xf32>
          %parallel_loop3A_734 = arith.addf %parallel_loop3A_694, %parallel_loop3A_733 : vector<16xf32>
          %parallel_loop3A_735 = arith.index_cast %parallel_loop3A_498 : i32 to index
          %parallel_loop3A_736 = arith.constant 192 : index
          %parallel_loop3A_737 = tpu.vector_load %arg10[%parallel_loop3A_735, %parallel_loop3A_736] {strides = array<i32>} : memref<32x256xf32, #tpu.memory_space<vmem>>, vector<16xf32>,
          %parallel_loop3A_738 = vector.bitcast %parallel_loop3A_737 : vector<16xf32> to vector<16xi32>
          %parallel_loop3A_739 = arith.index_cast %parallel_loop3A_498 : i32 to index
          %parallel_loop3A_740 = arith.constant 192 : index
          %parallel_loop3A_741 = tpu.vector_load %arg11[%parallel_loop3A_739, %parallel_loop3A_740] {strides = array<i32>} : memref<32x256xf32, #tpu.memory_space<vmem>>, vector<16xf32>,
          %parallel_loop3A_742 = vector.bitcast %parallel_loop3A_741 : vector<16xf32> to vector<16xi32>
          %parallel_loop3A_743 = arith.shli %parallel_loop3A_738, %broadcast_in_dim3A_103 : vector<16xi32>
          %parallel_loop3A_744 = vector.bitcast %parallel_loop3A_743 : vector<16xi32> to vector<16xf32>
          %parallel_loop3A_745 = arith.andi %parallel_loop3A_738, %broadcast_in_dim3A_101 : vector<16xi32>
          %parallel_loop3A_746 = vector.bitcast %parallel_loop3A_745 : vector<16xi32> to vector<16xf32>
          %parallel_loop3A_747 = arith.shli %parallel_loop3A_742, %broadcast_in_dim3A_103 : vector<16xi32>
          %parallel_loop3A_748 = vector.bitcast %parallel_loop3A_747 : vector<16xi32> to vector<16xf32>
          %parallel_loop3A_749 = arith.andi %parallel_loop3A_742, %broadcast_in_dim3A_101 : vector<16xi32>
          %parallel_loop3A_750 = vector.bitcast %parallel_loop3A_749 : vector<16xi32> to vector<16xf32>
          %parallel_loop3A_751 = arith.mulf %parallel_loop3A_744, %parallel_loop3A_748 : vector<16xf32>
          %parallel_loop3A_752 = arith.addf %parallel_loop3A_712, %parallel_loop3A_751 : vector<16xf32>
          %parallel_loop3A_753 = arith.mulf %parallel_loop3A_746, %parallel_loop3A_750 : vector<16xf32>
          %parallel_loop3A_754 = arith.addf %parallel_loop3A_714, %parallel_loop3A_753 : vector<16xf32>
          %parallel_loop3A_755 = arith.index_cast %parallel_loop3A_498 : i32 to index
          %parallel_loop3A_756 = arith.constant 208 : index
          %parallel_loop3A_757 = tpu.vector_load %arg10[%parallel_loop3A_755, %parallel_loop3A_756] {strides = array<i32>} : memref<32x256xf32, #tpu.memory_space<vmem>>, vector<16xf32>,
          %parallel_loop3A_758 = vector.bitcast %parallel_loop3A_757 : vector<16xf32> to vector<16xi32>
          %parallel_loop3A_759 = arith.index_cast %parallel_loop3A_498 : i32 to index
          %parallel_loop3A_760 = arith.constant 208 : index
          %parallel_loop3A_761 = tpu.vector_load %arg11[%parallel_loop3A_759, %parallel_loop3A_760] {strides = array<i32>} : memref<32x256xf32, #tpu.memory_space<vmem>>, vector<16xf32>,
          %parallel_loop3A_762 = vector.bitcast %parallel_loop3A_761 : vector<16xf32> to vector<16xi32>
          %parallel_loop3A_763 = arith.shli %parallel_loop3A_758, %broadcast_in_dim3A_103 : vector<16xi32>
          %parallel_loop3A_764 = vector.bitcast %parallel_loop3A_763 : vector<16xi32> to vector<16xf32>
          %parallel_loop3A_765 = arith.andi %parallel_loop3A_758, %broadcast_in_dim3A_101 : vector<16xi32>
          %parallel_loop3A_766 = vector.bitcast %parallel_loop3A_765 : vector<16xi32> to vector<16xf32>
          %parallel_loop3A_767 = arith.shli %parallel_loop3A_762, %broadcast_in_dim3A_103 : vector<16xi32>
          %parallel_loop3A_768 = vector.bitcast %parallel_loop3A_767 : vector<16xi32> to vector<16xf32>
          %parallel_loop3A_769 = arith.andi %parallel_loop3A_762, %broadcast_in_dim3A_101 : vector<16xi32>
          %parallel_loop3A_770 = vector.bitcast %parallel_loop3A_769 : vector<16xi32> to vector<16xf32>
          %parallel_loop3A_771 = arith.mulf %parallel_loop3A_764, %parallel_loop3A_768 : vector<16xf32>
          %parallel_loop3A_772 = arith.addf %parallel_loop3A_732, %parallel_loop3A_771 : vector<16xf32>
          %parallel_loop3A_773 = arith.mulf %parallel_loop3A_766, %parallel_loop3A_770 : vector<16xf32>
          %parallel_loop3A_774 = arith.addf %parallel_loop3A_734, %parallel_loop3A_773 : vector<16xf32>
          %parallel_loop3A_775 = arith.index_cast %parallel_loop3A_498 : i32 to index
          %parallel_loop3A_776 = arith.constant 224 : index
          %parallel_loop3A_777 = tpu.vector_load %arg10[%parallel_loop3A_775, %parallel_loop3A_776] {strides = array<i32>} : memref<32x256xf32, #tpu.memory_space<vmem>>, vector<16xf32>,
          %parallel_loop3A_778 = vector.bitcast %parallel_loop3A_777 : vector<16xf32> to vector<16xi32>
          %parallel_loop3A_779 = arith.index_cast %parallel_loop3A_498 : i32 to index
          %parallel_loop3A_780 = arith.constant 224 : index
          %parallel_loop3A_781 = tpu.vector_load %arg11[%parallel_loop3A_779, %parallel_loop3A_780] {strides = array<i32>} : memref<32x256xf32, #tpu.memory_space<vmem>>, vector<16xf32>,
          %parallel_loop3A_782 = vector.bitcast %parallel_loop3A_781 : vector<16xf32> to vector<16xi32>
          %parallel_loop3A_783 = arith.shli %parallel_loop3A_778, %broadcast_in_dim3A_103 : vector<16xi32>
          %parallel_loop3A_784 = vector.bitcast %parallel_loop3A_783 : vector<16xi32> to vector<16xf32>
          %parallel_loop3A_785 = arith.andi %parallel_loop3A_778, %broadcast_in_dim3A_101 : vector<16xi32>
          %parallel_loop3A_786 = vector.bitcast %parallel_loop3A_785 : vector<16xi32> to vector<16xf32>
          %parallel_loop3A_787 = arith.shli %parallel_loop3A_782, %broadcast_in_dim3A_103 : vector<16xi32>
          %parallel_loop3A_788 = vector.bitcast %parallel_loop3A_787 : vector<16xi32> to vector<16xf32>
          %parallel_loop3A_789 = arith.andi %parallel_loop3A_782, %broadcast_in_dim3A_101 : vector<16xi32>
          %parallel_loop3A_790 = vector.bitcast %parallel_loop3A_789 : vector<16xi32> to vector<16xf32>
          %parallel_loop3A_791 = arith.mulf %parallel_loop3A_784, %parallel_loop3A_788 : vector<16xf32>
          %parallel_loop3A_792 = arith.addf %parallel_loop3A_752, %parallel_loop3A_791 : vector<16xf32>
          %parallel_loop3A_793 = arith.mulf %parallel_loop3A_786, %parallel_loop3A_790 : vector<16xf32>
          %parallel_loop3A_794 = arith.addf %parallel_loop3A_754, %parallel_loop3A_793 : vector<16xf32>
          %parallel_loop3A_795 = arith.index_cast %parallel_loop3A_498 : i32 to index
          %parallel_loop3A_796 = arith.constant 240 : index
          %parallel_loop3A_797 = tpu.vector_load %arg10[%parallel_loop3A_795, %parallel_loop3A_796] {strides = array<i32>} : memref<32x256xf32, #tpu.memory_space<vmem>>, vector<16xf32>,
          %parallel_loop3A_798 = vector.bitcast %parallel_loop3A_797 : vector<16xf32> to vector<16xi32>
          %parallel_loop3A_799 = arith.index_cast %parallel_loop3A_498 : i32 to index
          %parallel_loop3A_800 = arith.constant 240 : index
          %parallel_loop3A_801 = tpu.vector_load %arg11[%parallel_loop3A_799, %parallel_loop3A_800] {strides = array<i32>} : memref<32x256xf32, #tpu.memory_space<vmem>>, vector<16xf32>,
          %parallel_loop3A_802 = vector.bitcast %parallel_loop3A_801 : vector<16xf32> to vector<16xi32>
          %parallel_loop3A_803 = arith.shli %parallel_loop3A_798, %broadcast_in_dim3A_103 : vector<16xi32>
          %parallel_loop3A_804 = vector.bitcast %parallel_loop3A_803 : vector<16xi32> to vector<16xf32>
          %parallel_loop3A_805 = arith.andi %parallel_loop3A_798, %broadcast_in_dim3A_101 : vector<16xi32>
          %parallel_loop3A_806 = vector.bitcast %parallel_loop3A_805 : vector<16xi32> to vector<16xf32>
          %parallel_loop3A_807 = arith.shli %parallel_loop3A_802, %broadcast_in_dim3A_103 : vector<16xi32>
          %parallel_loop3A_808 = vector.bitcast %parallel_loop3A_807 : vector<16xi32> to vector<16xf32>
          %parallel_loop3A_809 = arith.andi %parallel_loop3A_802, %broadcast_in_dim3A_101 : vector<16xi32>
          %parallel_loop3A_810 = vector.bitcast %parallel_loop3A_809 : vector<16xi32> to vector<16xf32>
          %parallel_loop3A_811 = arith.mulf %parallel_loop3A_804, %parallel_loop3A_808 : vector<16xf32>
          %parallel_loop3A_812 = arith.addf %parallel_loop3A_772, %parallel_loop3A_811 : vector<16xf32>
          %parallel_loop3A_813 = arith.mulf %parallel_loop3A_806, %parallel_loop3A_810 : vector<16xf32>
          %parallel_loop3A_814 = arith.addf %parallel_loop3A_774, %parallel_loop3A_813 : vector<16xf32>
          %parallel_loop3A_815 = arith.addf %parallel_loop3A_792, %parallel_loop3A_794 : vector<16xf32>
          %parallel_loop3A_816 = arith.addf %parallel_loop3A_812, %parallel_loop3A_814 : vector<16xf32>
          %parallel_loop3A_817 = arith.addf %parallel_loop3A_815, %parallel_loop3A_816 : vector<16xf32>
          %parallel_loop3A_818 = arith.index_cast %parallel_loop3A_498 : i32 to index
          %parallel_loop3A_819 = arith.constant 0 : index
          %parallel_loop3A_820 = tpu.vector_load %arg18[%parallel_loop3A_818, %parallel_loop3A_819] {strides = array<i32>} : memref<32x16xf32, #tpu.memory_space<vmem>>, vector<16xf32>,
          tpu.vector_store %arg18[%parallel_loop3A_818, %parallel_loop3A_819], %parallel_loop3A_817 {strides = array<i32>} : memref<32x16xf32, #tpu.memory_space<vmem>>, vector<16xf32>,
        } {sc.loop_unroll_factor = 2 : i64, sc.parallel_access}
        %add3A_106 = arith.constant 0 : i32
        %add3A_107 = vector.broadcast %add3A_106 : i32 to vector<16xi32>
        %add3A_108 = arith.addi %add3A_107, %iota3A : vector<16xi32>
        %broadcast_in_dim3A_109 = arith.constant 0 : i32
        %broadcast_in_dim3A_110 = vector.broadcast %broadcast_in_dim3A_109 : i32 to vector<16xi32>
        %gather3A = tpu.vector_load_idx %arg18[%add3A_108, %broadcast_in_dim3A_110] : memref<32x16xf32, #tpu.memory_space<vmem>>[vector<16xi32>, vector<16xi32>], vector<16xf32>,
        %broadcast_in_dim3A_111 = arith.constant 1 : i32
        %broadcast_in_dim3A_112 = vector.broadcast %broadcast_in_dim3A_111 : i32 to vector<16xi32>
        %gather3A_113 = tpu.vector_load_idx %arg18[%add3A_108, %broadcast_in_dim3A_112] : memref<32x16xf32, #tpu.memory_space<vmem>>[vector<16xi32>, vector<16xi32>], vector<16xf32>,
        %broadcast_in_dim3A_114 = arith.constant 2 : i32
        %broadcast_in_dim3A_115 = vector.broadcast %broadcast_in_dim3A_114 : i32 to vector<16xi32>
        %gather3A_116 = tpu.vector_load_idx %arg18[%add3A_108, %broadcast_in_dim3A_115] : memref<32x16xf32, #tpu.memory_space<vmem>>[vector<16xi32>, vector<16xi32>], vector<16xf32>,
        %broadcast_in_dim3A_117 = arith.constant 3 : i32
        %broadcast_in_dim3A_118 = vector.broadcast %broadcast_in_dim3A_117 : i32 to vector<16xi32>
        %gather3A_119 = tpu.vector_load_idx %arg18[%add3A_108, %broadcast_in_dim3A_118] : memref<32x16xf32, #tpu.memory_space<vmem>>[vector<16xi32>, vector<16xi32>], vector<16xf32>,
        %broadcast_in_dim3A_120 = arith.constant 4 : i32
        %broadcast_in_dim3A_121 = vector.broadcast %broadcast_in_dim3A_120 : i32 to vector<16xi32>
        %gather3A_122 = tpu.vector_load_idx %arg18[%add3A_108, %broadcast_in_dim3A_121] : memref<32x16xf32, #tpu.memory_space<vmem>>[vector<16xi32>, vector<16xi32>], vector<16xf32>,
        %add3A_123 = arith.addf %gather3A, %gather3A_122 : vector<16xf32>
        %broadcast_in_dim3A_124 = arith.constant 5 : i32
        %broadcast_in_dim3A_125 = vector.broadcast %broadcast_in_dim3A_124 : i32 to vector<16xi32>
        %gather3A_126 = tpu.vector_load_idx %arg18[%add3A_108, %broadcast_in_dim3A_125] : memref<32x16xf32, #tpu.memory_space<vmem>>[vector<16xi32>, vector<16xi32>], vector<16xf32>,
        %add3A_127 = arith.addf %gather3A_113, %gather3A_126 : vector<16xf32>
        %broadcast_in_dim3A_128 = arith.constant 6 : i32
        %broadcast_in_dim3A_129 = vector.broadcast %broadcast_in_dim3A_128 : i32 to vector<16xi32>
        %gather3A_130 = tpu.vector_load_idx %arg18[%add3A_108, %broadcast_in_dim3A_129] : memref<32x16xf32, #tpu.memory_space<vmem>>[vector<16xi32>, vector<16xi32>], vector<16xf32>,
        %add3A_131 = arith.addf %gather3A_116, %gather3A_130 : vector<16xf32>
        %broadcast_in_dim3A_132 = arith.constant 7 : i32
        %broadcast_in_dim3A_133 = vector.broadcast %broadcast_in_dim3A_132 : i32 to vector<16xi32>
        %gather3A_134 = tpu.vector_load_idx %arg18[%add3A_108, %broadcast_in_dim3A_133] : memref<32x16xf32, #tpu.memory_space<vmem>>[vector<16xi32>, vector<16xi32>], vector<16xf32>,
        %add3A_135 = arith.addf %gather3A_119, %gather3A_134 : vector<16xf32>
        %broadcast_in_dim3A_136 = arith.constant 8 : i32
        %broadcast_in_dim3A_137 = vector.broadcast %broadcast_in_dim3A_136 : i32 to vector<16xi32>
        %gather3A_138 = tpu.vector_load_idx %arg18[%add3A_108, %broadcast_in_dim3A_137] : memref<32x16xf32, #tpu.memory_space<vmem>>[vector<16xi32>, vector<16xi32>], vector<16xf32>,
        %add3A_139 = arith.addf %add3A_123, %gather3A_138 : vector<16xf32>
        %broadcast_in_dim3A_140 = arith.constant 9 : i32
        %broadcast_in_dim3A_141 = vector.broadcast %broadcast_in_dim3A_140 : i32 to vector<16xi32>
        %gather3A_142 = tpu.vector_load_idx %arg18[%add3A_108, %broadcast_in_dim3A_141] : memref<32x16xf32, #tpu.memory_space<vmem>>[vector<16xi32>, vector<16xi32>], vector<16xf32>,
        %add3A_143 = arith.addf %add3A_127, %gather3A_142 : vector<16xf32>
        %broadcast_in_dim3A_144 = arith.constant 10 : i32
        %broadcast_in_dim3A_145 = vector.broadcast %broadcast_in_dim3A_144 : i32 to vector<16xi32>
        %gather3A_146 = tpu.vector_load_idx %arg18[%add3A_108, %broadcast_in_dim3A_145] : memref<32x16xf32, #tpu.memory_space<vmem>>[vector<16xi32>, vector<16xi32>], vector<16xf32>,
        %add3A_147 = arith.addf %add3A_131, %gather3A_146 : vector<16xf32>
        %broadcast_in_dim3A_148 = arith.constant 11 : i32
        %broadcast_in_dim3A_149 = vector.broadcast %broadcast_in_dim3A_148 : i32 to vector<16xi32>
        %gather3A_150 = tpu.vector_load_idx %arg18[%add3A_108, %broadcast_in_dim3A_149] : memref<32x16xf32, #tpu.memory_space<vmem>>[vector<16xi32>, vector<16xi32>], vector<16xf32>,
        %add3A_151 = arith.addf %add3A_135, %gather3A_150 : vector<16xf32>
        %broadcast_in_dim3A_152 = arith.constant 12 : i32
        %broadcast_in_dim3A_153 = vector.broadcast %broadcast_in_dim3A_152 : i32 to vector<16xi32>
        %gather3A_154 = tpu.vector_load_idx %arg18[%add3A_108, %broadcast_in_dim3A_153] : memref<32x16xf32, #tpu.memory_space<vmem>>[vector<16xi32>, vector<16xi32>], vector<16xf32>,
        %add3A_155 = arith.addf %add3A_139, %gather3A_154 : vector<16xf32>
        %broadcast_in_dim3A_156 = arith.constant 13 : i32
        %broadcast_in_dim3A_157 = vector.broadcast %broadcast_in_dim3A_156 : i32 to vector<16xi32>
        %gather3A_158 = tpu.vector_load_idx %arg18[%add3A_108, %broadcast_in_dim3A_157] : memref<32x16xf32, #tpu.memory_space<vmem>>[vector<16xi32>, vector<16xi32>], vector<16xf32>,
        %add3A_159 = arith.addf %add3A_143, %gather3A_158 : vector<16xf32>
        %broadcast_in_dim3A_160 = arith.constant 14 : i32
        %broadcast_in_dim3A_161 = vector.broadcast %broadcast_in_dim3A_160 : i32 to vector<16xi32>
        %gather3A_162 = tpu.vector_load_idx %arg18[%add3A_108, %broadcast_in_dim3A_161] : memref<32x16xf32, #tpu.memory_space<vmem>>[vector<16xi32>, vector<16xi32>], vector<16xf32>,
        %add3A_163 = arith.addf %add3A_147, %gather3A_162 : vector<16xf32>
        %broadcast_in_dim3A_164 = arith.constant 15 : i32
        %broadcast_in_dim3A_165 = vector.broadcast %broadcast_in_dim3A_164 : i32 to vector<16xi32>
        %gather3A_166 = tpu.vector_load_idx %arg18[%add3A_108, %broadcast_in_dim3A_165] : memref<32x16xf32, #tpu.memory_space<vmem>>[vector<16xi32>, vector<16xi32>], vector<16xf32>,
        %add3A_167 = arith.addf %add3A_151, %gather3A_166 : vector<16xf32>
        %add3A_168 = arith.addf %add3A_155, %add3A_159 : vector<16xf32>
        %add3A_169 = arith.addf %add3A_163, %add3A_167 : vector<16xf32>
        %add3A_170 = arith.addf %add3A_168, %add3A_169 : vector<16xf32>
        %get3A_171 = arith.constant 0 : index
        %get3A_172 = tpu.vector_load %arg14[%get3A_171] {strides = array<i32>} : memref<32xi32, #tpu.memory_space<vmem>>, vector<16xi32>,
        %gather3A_173 = tpu.vector_load_idx %arg9[%get3A_172] : memref<10000xf32, #tpu.memory_space<vmem>>[vector<16xi32>], vector<16xf32>,
        %mul3A_174 = arith.constant 32 : i32
        %mul3A_175 = arith.muli %mul3A_54, %mul3A_174 : i32
        %add3A_176 = arith.addi %add3A_19, %mul3A_175 : i32
        %add3A_177 = arith.constant 0 : i32
        %add3A_178 = arith.addi %add3A_176, %add3A_177 : i32
        %add3A_179 = vector.broadcast %add3A_178 : i32 to vector<16xi32>
        %add3A_180 = arith.addi %add3A_179, %iota3A : vector<16xi32>
        %lt3A = arith.constant 160000 : i32
        %lt3A_181 = vector.broadcast %lt3A : i32 to vector<16xi32>
        %lt3A_182 = arith.cmpi slt, %add3A_180, %lt3A_181 : vector<16xi32>
        %mul3A_183 = arith.mulf %gather3A_173, %add3A_170 : vector<16xf32>
        %jit3A = arith.constant 0.000000e+00 : f32
        %broadcast_in_dim3A_184 = vector.broadcast %jit3A : f32 to vector<16xf32>
        %select_n3A = arith.select %lt3A_182, %mul3A_183, %broadcast_in_dim3A_184 : vector<16xi1>, vector<16xf32>
        %swap3A_185 = arith.constant 0 : index
        %swap3A_186 = tpu.vector_load %arg19[%swap3A_185] {strides = array<i32>} : memref<32xf32, #tpu.memory_space<vmem>>, vector<16xf32>,
        tpu.vector_store %arg19[%swap3A_185], %select_n3A {strides = array<i32>} : memref<32xf32, #tpu.memory_space<vmem>>, vector<16xf32>,
        %add3A_187 = arith.constant 16 : i32
        %add3A_188 = vector.broadcast %add3A_187 : i32 to vector<16xi32>
        %add3A_189 = arith.addi %add3A_188, %iota3A : vector<16xi32>
        %broadcast_in_dim3A_190 = arith.constant 0 : i32
        %broadcast_in_dim3A_191 = vector.broadcast %broadcast_in_dim3A_190 : i32 to vector<16xi32>
        %gather3A_192 = tpu.vector_load_idx %arg18[%add3A_189, %broadcast_in_dim3A_191] : memref<32x16xf32, #tpu.memory_space<vmem>>[vector<16xi32>, vector<16xi32>], vector<16xf32>,
        %broadcast_in_dim3A_193 = arith.constant 1 : i32
        %broadcast_in_dim3A_194 = vector.broadcast %broadcast_in_dim3A_193 : i32 to vector<16xi32>
        %gather3A_195 = tpu.vector_load_idx %arg18[%add3A_189, %broadcast_in_dim3A_194] : memref<32x16xf32, #tpu.memory_space<vmem>>[vector<16xi32>, vector<16xi32>], vector<16xf32>,
        %broadcast_in_dim3A_196 = arith.constant 2 : i32
        %broadcast_in_dim3A_197 = vector.broadcast %broadcast_in_dim3A_196 : i32 to vector<16xi32>
        %gather3A_198 = tpu.vector_load_idx %arg18[%add3A_189, %broadcast_in_dim3A_197] : memref<32x16xf32, #tpu.memory_space<vmem>>[vector<16xi32>, vector<16xi32>], vector<16xf32>,
        %broadcast_in_dim3A_199 = arith.constant 3 : i32
        %broadcast_in_dim3A_200 = vector.broadcast %broadcast_in_dim3A_199 : i32 to vector<16xi32>
        %gather3A_201 = tpu.vector_load_idx %arg18[%add3A_189, %broadcast_in_dim3A_200] : memref<32x16xf32, #tpu.memory_space<vmem>>[vector<16xi32>, vector<16xi32>], vector<16xf32>,
        %broadcast_in_dim3A_202 = arith.constant 4 : i32
        %broadcast_in_dim3A_203 = vector.broadcast %broadcast_in_dim3A_202 : i32 to vector<16xi32>
        %gather3A_204 = tpu.vector_load_idx %arg18[%add3A_189, %broadcast_in_dim3A_203] : memref<32x16xf32, #tpu.memory_space<vmem>>[vector<16xi32>, vector<16xi32>], vector<16xf32>,
        %add3A_205 = arith.addf %gather3A_192, %gather3A_204 : vector<16xf32>
        %broadcast_in_dim3A_206 = arith.constant 5 : i32
        %broadcast_in_dim3A_207 = vector.broadcast %broadcast_in_dim3A_206 : i32 to vector<16xi32>
        %gather3A_208 = tpu.vector_load_idx %arg18[%add3A_189, %broadcast_in_dim3A_207] : memref<32x16xf32, #tpu.memory_space<vmem>>[vector<16xi32>, vector<16xi32>], vector<16xf32>,
        %add3A_209 = arith.addf %gather3A_195, %gather3A_208 : vector<16xf32>
        %broadcast_in_dim3A_210 = arith.constant 6 : i32
        %broadcast_in_dim3A_211 = vector.broadcast %broadcast_in_dim3A_210 : i32 to vector<16xi32>
        %gather3A_212 = tpu.vector_load_idx %arg18[%add3A_189, %broadcast_in_dim3A_211] : memref<32x16xf32, #tpu.memory_space<vmem>>[vector<16xi32>, vector<16xi32>], vector<16xf32>,
        %add3A_213 = arith.addf %gather3A_198, %gather3A_212 : vector<16xf32>
        %broadcast_in_dim3A_214 = arith.constant 7 : i32
        %broadcast_in_dim3A_215 = vector.broadcast %broadcast_in_dim3A_214 : i32 to vector<16xi32>
        %gather3A_216 = tpu.vector_load_idx %arg18[%add3A_189, %broadcast_in_dim3A_215] : memref<32x16xf32, #tpu.memory_space<vmem>>[vector<16xi32>, vector<16xi32>], vector<16xf32>,
        %add3A_217 = arith.addf %gather3A_201, %gather3A_216 : vector<16xf32>
        %broadcast_in_dim3A_218 = arith.constant 8 : i32
        %broadcast_in_dim3A_219 = vector.broadcast %broadcast_in_dim3A_218 : i32 to vector<16xi32>
        %gather3A_220 = tpu.vector_load_idx %arg18[%add3A_189, %broadcast_in_dim3A_219] : memref<32x16xf32, #tpu.memory_space<vmem>>[vector<16xi32>, vector<16xi32>], vector<16xf32>,
        %add3A_221 = arith.addf %add3A_205, %gather3A_220 : vector<16xf32>
        %broadcast_in_dim3A_222 = arith.constant 9 : i32
        %broadcast_in_dim3A_223 = vector.broadcast %broadcast_in_dim3A_222 : i32 to vector<16xi32>
        %gather3A_224 = tpu.vector_load_idx %arg18[%add3A_189, %broadcast_in_dim3A_223] : memref<32x16xf32, #tpu.memory_space<vmem>>[vector<16xi32>, vector<16xi32>], vector<16xf32>,
        %add3A_225 = arith.addf %add3A_209, %gather3A_224 : vector<16xf32>
        %broadcast_in_dim3A_226 = arith.constant 10 : i32
        %broadcast_in_dim3A_227 = vector.broadcast %broadcast_in_dim3A_226 : i32 to vector<16xi32>
        %gather3A_228 = tpu.vector_load_idx %arg18[%add3A_189, %broadcast_in_dim3A_227] : memref<32x16xf32, #tpu.memory_space<vmem>>[vector<16xi32>, vector<16xi32>], vector<16xf32>,
        %add3A_229 = arith.addf %add3A_213, %gather3A_228 : vector<16xf32>
        %broadcast_in_dim3A_230 = arith.constant 11 : i32
        %broadcast_in_dim3A_231 = vector.broadcast %broadcast_in_dim3A_230 : i32 to vector<16xi32>
        %gather3A_232 = tpu.vector_load_idx %arg18[%add3A_189, %broadcast_in_dim3A_231] : memref<32x16xf32, #tpu.memory_space<vmem>>[vector<16xi32>, vector<16xi32>], vector<16xf32>,
        %add3A_233 = arith.addf %add3A_217, %gather3A_232 : vector<16xf32>
        %broadcast_in_dim3A_234 = arith.constant 12 : i32
        %broadcast_in_dim3A_235 = vector.broadcast %broadcast_in_dim3A_234 : i32 to vector<16xi32>
        %gather3A_236 = tpu.vector_load_idx %arg18[%add3A_189, %broadcast_in_dim3A_235] : memref<32x16xf32, #tpu.memory_space<vmem>>[vector<16xi32>, vector<16xi32>], vector<16xf32>,
        %add3A_237 = arith.addf %add3A_221, %gather3A_236 : vector<16xf32>
        %broadcast_in_dim3A_238 = arith.constant 13 : i32
        %broadcast_in_dim3A_239 = vector.broadcast %broadcast_in_dim3A_238 : i32 to vector<16xi32>
        %gather3A_240 = tpu.vector_load_idx %arg18[%add3A_189, %broadcast_in_dim3A_239] : memref<32x16xf32, #tpu.memory_space<vmem>>[vector<16xi32>, vector<16xi32>], vector<16xf32>,
        %add3A_241 = arith.addf %add3A_225, %gather3A_240 : vector<16xf32>
        %broadcast_in_dim3A_242 = arith.constant 14 : i32
        %broadcast_in_dim3A_243 = vector.broadcast %broadcast_in_dim3A_242 : i32 to vector<16xi32>
        %gather3A_244 = tpu.vector_load_idx %arg18[%add3A_189, %broadcast_in_dim3A_243] : memref<32x16xf32, #tpu.memory_space<vmem>>[vector<16xi32>, vector<16xi32>], vector<16xf32>,
        %add3A_245 = arith.addf %add3A_229, %gather3A_244 : vector<16xf32>
        %broadcast_in_dim3A_246 = arith.constant 15 : i32
        %broadcast_in_dim3A_247 = vector.broadcast %broadcast_in_dim3A_246 : i32 to vector<16xi32>
        %gather3A_248 = tpu.vector_load_idx %arg18[%add3A_189, %broadcast_in_dim3A_247] : memref<32x16xf32, #tpu.memory_space<vmem>>[vector<16xi32>, vector<16xi32>], vector<16xf32>,
        %add3A_249 = arith.addf %add3A_233, %gather3A_248 : vector<16xf32>
        %add3A_250 = arith.addf %add3A_237, %add3A_241 : vector<16xf32>
        %add3A_251 = arith.addf %add3A_245, %add3A_249 : vector<16xf32>
        %add3A_252 = arith.addf %add3A_250, %add3A_251 : vector<16xf32>
        %get3A_253 = arith.constant 16 : index
        %get3A_254 = tpu.vector_load %arg14[%get3A_253] {strides = array<i32>} : memref<32xi32, #tpu.memory_space<vmem>>, vector<16xi32>,
        %gather3A_255 = tpu.vector_load_idx %arg9[%get3A_254] : memref<10000xf32, #tpu.memory_space<vmem>>[vector<16xi32>], vector<16xf32>,
        %mul3A_256 = arith.constant 32 : i32
        %mul3A_257 = arith.muli %mul3A_54, %mul3A_256 : i32
        %add3A_258 = arith.addi %add3A_19, %mul3A_257 : i32
        %add3A_259 = arith.constant 16 : i32
        %add3A_260 = arith.addi %add3A_258, %add3A_259 : i32
        %add3A_261 = vector.broadcast %add3A_260 : i32 to vector<16xi32>
        %add3A_262 = arith.addi %add3A_261, %iota3A : vector<16xi32>
        %lt3A_263 = arith.constant 160000 : i32
        %lt3A_264 = vector.broadcast %lt3A_263 : i32 to vector<16xi32>
        %lt3A_265 = arith.cmpi slt, %add3A_262, %lt3A_264 : vector<16xi32>
        %mul3A_266 = arith.mulf %gather3A_255, %add3A_252 : vector<16xf32>
        %jit3A_267 = arith.constant 0.000000e+00 : f32
        %broadcast_in_dim3A_268 = vector.broadcast %jit3A_267 : f32 to vector<16xf32>
        %select_n3A_269 = arith.select %lt3A_265, %mul3A_266, %broadcast_in_dim3A_268 : vector<16xi1>, vector<16xf32>
        %swap3A_270 = arith.constant 16 : index
        %swap3A_271 = tpu.vector_load %arg19[%swap3A_270] {strides = array<i32>} : memref<32xf32, #tpu.memory_space<vmem>>, vector<16xf32>,
        tpu.vector_store %arg19[%swap3A_270], %select_n3A_269 {strides = array<i32>} : memref<32xf32, #tpu.memory_space<vmem>>, vector<16xf32>,
        "tpu.region"() ({
          %run_scoped3A = tpu.sem_alloc : memref<!tpu.dma_semaphore, #tpu.memory_space<semaphore_mem>>
          %dma_start3A_498 = arith.constant 0 : i32
          %dma_start3A_499 = tpu.memref_slice %arg21[%dma_start3A_498] : memref<10000xf32, #tpu.memory_space<vmem_shared>> -> memref<10000xf32, #tpu.memory_space<vmem_shared>>
          tpu.enqueue_indirect_dma source(%arg19 : memref<32xf32, #tpu.memory_space<vmem>>) target(%dma_start3A_499 : memref<10000xf32, #tpu.memory_space<vmem_shared>>) offsets(%arg15 : memref<32xi32, #tpu.memory_space<vmem>>) semaphore(%run_scoped3A : memref<!tpu.dma_semaphore, #tpu.memory_space<semaphore_mem>>) {add = true}
          %dma_wait3A_500 = arith.constant 0 : i32
          %dma_wait3A_501 = tpu.memref_slice %arg21[%dma_wait3A_500] : memref<10000xf32, #tpu.memory_space<vmem_shared>> -> memref<10000xf32, #tpu.memory_space<vmem_shared>>
          tpu.wait_indirect_dma semaphore(%run_scoped3A : memref<!tpu.dma_semaphore, #tpu.memory_space<semaphore_mem>>) src(%arg19 : memref<32xf32, #tpu.memory_space<vmem>>) dst(%dma_wait3A_501 : memref<10000xf32, #tpu.memory_space<vmem_shared>>)
          tpu.yield
        }) : () -> ()
        %add3A_272 = arith.constant 2 : i32
        %add3A_273 = arith.addi %mul3A_54, %add3A_272 : i32
        %min3A = arith.constant 203 : i32
        %min3A_274 = arith.minsi %add3A_273, %min3A : i32
        %mul3A_275 = arith.constant 32 : i32
        %mul3A_276 = arith.muli %min3A_274, %mul3A_275 : i32
        %add3A_277 = arith.constant 0 : i32
        %add3A_278 = arith.addi %mul3A_276, %add3A_277 : i32
        %get3A_279 = arith.index_cast %add3A_278 : i32 to index
        %get3A_280 = tpu.vector_load %arg7[%get3A_279] {strides = array<i32>} : memref<6528xi32, #tpu.memory_space<vmem>>, vector<16xi32>,
        %swap3A_281 = arith.constant 0 : index
        %swap3A_282 = tpu.vector_load %arg14[%swap3A_281] {strides = array<i32>} : memref<32xi32, #tpu.memory_space<vmem>>, vector<16xi32>,
        tpu.vector_store %arg14[%swap3A_281], %get3A_280 {strides = array<i32>} : memref<32xi32, #tpu.memory_space<vmem>>, vector<16xi32>,
        %mul3A_283 = arith.constant 32 : i32
        %mul3A_284 = arith.muli %min3A_274, %mul3A_283 : i32
        %add3A_285 = arith.constant 0 : i32
        %add3A_286 = arith.addi %mul3A_284, %add3A_285 : i32
        %get3A_287 = arith.index_cast %add3A_286 : i32 to index
        %get3A_288 = tpu.vector_load %arg8[%get3A_287] {strides = array<i32>} : memref<6528xi32, #tpu.memory_space<vmem>>, vector<16xi32>,
        %swap3A_289 = arith.constant 0 : index
        %swap3A_290 = tpu.vector_load %arg15[%swap3A_289] {strides = array<i32>} : memref<32xi32, #tpu.memory_space<vmem>>, vector<16xi32>,
        tpu.vector_store %arg15[%swap3A_289], %get3A_288 {strides = array<i32>} : memref<32xi32, #tpu.memory_space<vmem>>, vector<16xi32>,
        %mul3A_291 = arith.constant 32 : i32
        %mul3A_292 = arith.muli %min3A_274, %mul3A_291 : i32
        %add3A_293 = arith.constant 16 : i32
        %add3A_294 = arith.addi %mul3A_292, %add3A_293 : i32
        %get3A_295 = arith.index_cast %add3A_294 : i32 to index
        %get3A_296 = tpu.vector_load %arg7[%get3A_295] {strides = array<i32>} : memref<6528xi32, #tpu.memory_space<vmem>>, vector<16xi32>,
        %swap3A_297 = arith.constant 16 : index
        %swap3A_298 = tpu.vector_load %arg14[%swap3A_297] {strides = array<i32>} : memref<32xi32, #tpu.memory_space<vmem>>, vector<16xi32>,
        tpu.vector_store %arg14[%swap3A_297], %get3A_296 {strides = array<i32>} : memref<32xi32, #tpu.memory_space<vmem>>, vector<16xi32>,
        %mul3A_299 = arith.constant 32 : i32
        %mul3A_300 = arith.muli %min3A_274, %mul3A_299 : i32
        %add3A_301 = arith.constant 16 : i32
        %add3A_302 = arith.addi %mul3A_300, %add3A_301 : i32
        %get3A_303 = arith.index_cast %add3A_302 : i32 to index
        %get3A_304 = tpu.vector_load %arg8[%get3A_303] {strides = array<i32>} : memref<6528xi32, #tpu.memory_space<vmem>>, vector<16xi32>,
        %swap3A_305 = arith.constant 16 : index
        %swap3A_306 = tpu.vector_load %arg15[%swap3A_305] {strides = array<i32>} : memref<32xi32, #tpu.memory_space<vmem>>, vector<16xi32>,
        tpu.vector_store %arg15[%swap3A_305], %get3A_304 {strides = array<i32>} : memref<32xi32, #tpu.memory_space<vmem>>, vector<16xi32>,
        %dma_start3A_307 = arith.constant 0 : i32
        %dma_start3A_308 = arith.constant 0 : i32
        %dma_start3A_309 = tpu.memref_slice %arg3[%dma_start3A_307, %dma_start3A_308] : memref<10000x256xf32, #tpu.memory_space<hbm>> -> memref<10000x256xf32, #tpu.memory_space<hbm>>
        tpu.enqueue_indirect_dma source(%dma_start3A_309 : memref<10000x256xf32, #tpu.memory_space<hbm>>) target(%arg10 : memref<32x256xf32, #tpu.memory_space<vmem>>) offsets(%arg14 : memref<32xi32, #tpu.memory_space<vmem>>) semaphore(%arg22 : memref<!tpu.dma_semaphore, #tpu.memory_space<semaphore_mem>>)
        %dma_start3A_310 = arith.constant 0 : i32
        %dma_start3A_311 = arith.constant 0 : i32
        %dma_start3A_312 = tpu.memref_slice %arg3[%dma_start3A_310, %dma_start3A_311] : memref<10000x256xf32, #tpu.memory_space<hbm>> -> memref<10000x256xf32, #tpu.memory_space<hbm>>
        tpu.enqueue_indirect_dma source(%dma_start3A_312 : memref<10000x256xf32, #tpu.memory_space<hbm>>) target(%arg11 : memref<32x256xf32, #tpu.memory_space<vmem>>) offsets(%arg15 : memref<32xi32, #tpu.memory_space<vmem>>) semaphore(%arg23 : memref<!tpu.dma_semaphore, #tpu.memory_space<semaphore_mem>>)
        %dma_wait3A_313 = arith.constant 0 : i32
        %dma_wait3A_314 = arith.constant 0 : i32
        %dma_wait3A_315 = tpu.memref_slice %arg3[%dma_wait3A_313, %dma_wait3A_314] : memref<10000x256xf32, #tpu.memory_space<hbm>> -> memref<10000x256xf32, #tpu.memory_space<hbm>>
        tpu.wait_indirect_dma semaphore(%arg24 : memref<!tpu.dma_semaphore, #tpu.memory_space<semaphore_mem>>) src(%dma_wait3A_315 : memref<10000x256xf32, #tpu.memory_space<hbm>>) dst(%arg12 : memref<32x256xf32, #tpu.memory_space<vmem>>)
        %dma_wait3A_316 = arith.constant 0 : i32
        %dma_wait3A_317 = arith.constant 0 : i32
        %dma_wait3A_318 = tpu.memref_slice %arg3[%dma_wait3A_316, %dma_wait3A_317] : memref<10000x256xf32, #tpu.memory_space<hbm>> -> memref<10000x256xf32, #tpu.memory_space<hbm>>
        tpu.wait_indirect_dma semaphore(%arg25 : memref<!tpu.dma_semaphore, #tpu.memory_space<semaphore_mem>>) src(%dma_wait3A_318 : memref<10000x256xf32, #tpu.memory_space<hbm>>) dst(%arg13 : memref<32x256xf32, #tpu.memory_space<vmem>>)
        %add3A_319 = arith.constant 1 : i32
        %add3A_320 = arith.addi %mul3A_54, %add3A_319 : i32
        %broadcast_in_dim3A_321 = arith.constant -65536 : i32
        %broadcast_in_dim3A_322 = vector.broadcast %broadcast_in_dim3A_321 : i32 to vector<16xi32>
        %broadcast_in_dim3A_323 = arith.constant 16 : i32
        %broadcast_in_dim3A_324 = vector.broadcast %broadcast_in_dim3A_323 : i32 to vector<16xi32>
        %parallel_loop3A_325 = arith.constant 0 : i32
        %parallel_loop3A_326 = arith.constant 32 : i32
        %parallel_loop3A_327 = arith.constant 1 : i32
        scf.for %parallel_loop3A_498 = %parallel_loop3A_325 to %parallel_loop3A_326 step %parallel_loop3A_327  : i32 {
          %parallel_loop3A_499 = arith.index_cast %parallel_loop3A_498 : i32 to index
          %parallel_loop3A_500 = arith.constant 0 : index
          %parallel_loop3A_501 = tpu.vector_load %arg12[%parallel_loop3A_499, %parallel_loop3A_500] {strides = array<i32>} : memref<32x256xf32, #tpu.memory_space<vmem>>, vector<16xf32>,
          %parallel_loop3A_502 = vector.bitcast %parallel_loop3A_501 : vector<16xf32> to vector<16xi32>
          %parallel_loop3A_503 = arith.index_cast %parallel_loop3A_498 : i32 to index
          %parallel_loop3A_504 = arith.constant 0 : index
          %parallel_loop3A_505 = tpu.vector_load %arg13[%parallel_loop3A_503, %parallel_loop3A_504] {strides = array<i32>} : memref<32x256xf32, #tpu.memory_space<vmem>>, vector<16xf32>,
          %parallel_loop3A_506 = vector.bitcast %parallel_loop3A_505 : vector<16xf32> to vector<16xi32>
          %parallel_loop3A_507 = arith.shli %parallel_loop3A_502, %broadcast_in_dim3A_324 : vector<16xi32>
          %parallel_loop3A_508 = vector.bitcast %parallel_loop3A_507 : vector<16xi32> to vector<16xf32>
          %parallel_loop3A_509 = arith.andi %parallel_loop3A_502, %broadcast_in_dim3A_322 : vector<16xi32>
          %parallel_loop3A_510 = vector.bitcast %parallel_loop3A_509 : vector<16xi32> to vector<16xf32>
          %parallel_loop3A_511 = arith.shli %parallel_loop3A_506, %broadcast_in_dim3A_324 : vector<16xi32>
          %parallel_loop3A_512 = vector.bitcast %parallel_loop3A_511 : vector<16xi32> to vector<16xf32>
          %parallel_loop3A_513 = arith.andi %parallel_loop3A_506, %broadcast_in_dim3A_322 : vector<16xi32>
          %parallel_loop3A_514 = vector.bitcast %parallel_loop3A_513 : vector<16xi32> to vector<16xf32>
          %parallel_loop3A_515 = arith.mulf %parallel_loop3A_508, %parallel_loop3A_512 : vector<16xf32>
          %parallel_loop3A_516 = arith.mulf %parallel_loop3A_510, %parallel_loop3A_514 : vector<16xf32>
          %parallel_loop3A_517 = arith.index_cast %parallel_loop3A_498 : i32 to index
          %parallel_loop3A_518 = arith.constant 16 : index
          %parallel_loop3A_519 = tpu.vector_load %arg12[%parallel_loop3A_517, %parallel_loop3A_518] {strides = array<i32>} : memref<32x256xf32, #tpu.memory_space<vmem>>, vector<16xf32>,
          %parallel_loop3A_520 = vector.bitcast %parallel_loop3A_519 : vector<16xf32> to vector<16xi32>
          %parallel_loop3A_521 = arith.index_cast %parallel_loop3A_498 : i32 to index
          %parallel_loop3A_522 = arith.constant 16 : index
          %parallel_loop3A_523 = tpu.vector_load %arg13[%parallel_loop3A_521, %parallel_loop3A_522] {strides = array<i32>} : memref<32x256xf32, #tpu.memory_space<vmem>>, vector<16xf32>,
          %parallel_loop3A_524 = vector.bitcast %parallel_loop3A_523 : vector<16xf32> to vector<16xi32>
          %parallel_loop3A_525 = arith.shli %parallel_loop3A_520, %broadcast_in_dim3A_324 : vector<16xi32>
          %parallel_loop3A_526 = vector.bitcast %parallel_loop3A_525 : vector<16xi32> to vector<16xf32>
          %parallel_loop3A_527 = arith.andi %parallel_loop3A_520, %broadcast_in_dim3A_322 : vector<16xi32>
          %parallel_loop3A_528 = vector.bitcast %parallel_loop3A_527 : vector<16xi32> to vector<16xf32>
          %parallel_loop3A_529 = arith.shli %parallel_loop3A_524, %broadcast_in_dim3A_324 : vector<16xi32>
          %parallel_loop3A_530 = vector.bitcast %parallel_loop3A_529 : vector<16xi32> to vector<16xf32>
          %parallel_loop3A_531 = arith.andi %parallel_loop3A_524, %broadcast_in_dim3A_322 : vector<16xi32>
          %parallel_loop3A_532 = vector.bitcast %parallel_loop3A_531 : vector<16xi32> to vector<16xf32>
          %parallel_loop3A_533 = arith.mulf %parallel_loop3A_526, %parallel_loop3A_530 : vector<16xf32>
          %parallel_loop3A_534 = arith.mulf %parallel_loop3A_528, %parallel_loop3A_532 : vector<16xf32>
          %parallel_loop3A_535 = arith.index_cast %parallel_loop3A_498 : i32 to index
          %parallel_loop3A_536 = arith.constant 32 : index
          %parallel_loop3A_537 = tpu.vector_load %arg12[%parallel_loop3A_535, %parallel_loop3A_536] {strides = array<i32>} : memref<32x256xf32, #tpu.memory_space<vmem>>, vector<16xf32>,
          %parallel_loop3A_538 = vector.bitcast %parallel_loop3A_537 : vector<16xf32> to vector<16xi32>
          %parallel_loop3A_539 = arith.index_cast %parallel_loop3A_498 : i32 to index
          %parallel_loop3A_540 = arith.constant 32 : index
          %parallel_loop3A_541 = tpu.vector_load %arg13[%parallel_loop3A_539, %parallel_loop3A_540] {strides = array<i32>} : memref<32x256xf32, #tpu.memory_space<vmem>>, vector<16xf32>,
          %parallel_loop3A_542 = vector.bitcast %parallel_loop3A_541 : vector<16xf32> to vector<16xi32>
          %parallel_loop3A_543 = arith.shli %parallel_loop3A_538, %broadcast_in_dim3A_324 : vector<16xi32>
          %parallel_loop3A_544 = vector.bitcast %parallel_loop3A_543 : vector<16xi32> to vector<16xf32>
          %parallel_loop3A_545 = arith.andi %parallel_loop3A_538, %broadcast_in_dim3A_322 : vector<16xi32>
          %parallel_loop3A_546 = vector.bitcast %parallel_loop3A_545 : vector<16xi32> to vector<16xf32>
          %parallel_loop3A_547 = arith.shli %parallel_loop3A_542, %broadcast_in_dim3A_324 : vector<16xi32>
          %parallel_loop3A_548 = vector.bitcast %parallel_loop3A_547 : vector<16xi32> to vector<16xf32>
          %parallel_loop3A_549 = arith.andi %parallel_loop3A_542, %broadcast_in_dim3A_322 : vector<16xi32>
          %parallel_loop3A_550 = vector.bitcast %parallel_loop3A_549 : vector<16xi32> to vector<16xf32>
          %parallel_loop3A_551 = arith.mulf %parallel_loop3A_544, %parallel_loop3A_548 : vector<16xf32>
          %parallel_loop3A_552 = arith.addf %parallel_loop3A_515, %parallel_loop3A_551 : vector<16xf32>
          %parallel_loop3A_553 = arith.mulf %parallel_loop3A_546, %parallel_loop3A_550 : vector<16xf32>
          %parallel_loop3A_554 = arith.addf %parallel_loop3A_516, %parallel_loop3A_553 : vector<16xf32>
          %parallel_loop3A_555 = arith.index_cast %parallel_loop3A_498 : i32 to index
          %parallel_loop3A_556 = arith.constant 48 : index
          %parallel_loop3A_557 = tpu.vector_load %arg12[%parallel_loop3A_555, %parallel_loop3A_556] {strides = array<i32>} : memref<32x256xf32, #tpu.memory_space<vmem>>, vector<16xf32>,
          %parallel_loop3A_558 = vector.bitcast %parallel_loop3A_557 : vector<16xf32> to vector<16xi32>
          %parallel_loop3A_559 = arith.index_cast %parallel_loop3A_498 : i32 to index
          %parallel_loop3A_560 = arith.constant 48 : index
          %parallel_loop3A_561 = tpu.vector_load %arg13[%parallel_loop3A_559, %parallel_loop3A_560] {strides = array<i32>} : memref<32x256xf32, #tpu.memory_space<vmem>>, vector<16xf32>,
          %parallel_loop3A_562 = vector.bitcast %parallel_loop3A_561 : vector<16xf32> to vector<16xi32>
          %parallel_loop3A_563 = arith.shli %parallel_loop3A_558, %broadcast_in_dim3A_324 : vector<16xi32>
          %parallel_loop3A_564 = vector.bitcast %parallel_loop3A_563 : vector<16xi32> to vector<16xf32>
          %parallel_loop3A_565 = arith.andi %parallel_loop3A_558, %broadcast_in_dim3A_322 : vector<16xi32>
          %parallel_loop3A_566 = vector.bitcast %parallel_loop3A_565 : vector<16xi32> to vector<16xf32>
          %parallel_loop3A_567 = arith.shli %parallel_loop3A_562, %broadcast_in_dim3A_324 : vector<16xi32>
          %parallel_loop3A_568 = vector.bitcast %parallel_loop3A_567 : vector<16xi32> to vector<16xf32>
          %parallel_loop3A_569 = arith.andi %parallel_loop3A_562, %broadcast_in_dim3A_322 : vector<16xi32>
          %parallel_loop3A_570 = vector.bitcast %parallel_loop3A_569 : vector<16xi32> to vector<16xf32>
          %parallel_loop3A_571 = arith.mulf %parallel_loop3A_564, %parallel_loop3A_568 : vector<16xf32>
          %parallel_loop3A_572 = arith.addf %parallel_loop3A_533, %parallel_loop3A_571 : vector<16xf32>
          %parallel_loop3A_573 = arith.mulf %parallel_loop3A_566, %parallel_loop3A_570 : vector<16xf32>
          %parallel_loop3A_574 = arith.addf %parallel_loop3A_534, %parallel_loop3A_573 : vector<16xf32>
          %parallel_loop3A_575 = arith.index_cast %parallel_loop3A_498 : i32 to index
          %parallel_loop3A_576 = arith.constant 64 : index
          %parallel_loop3A_577 = tpu.vector_load %arg12[%parallel_loop3A_575, %parallel_loop3A_576] {strides = array<i32>} : memref<32x256xf32, #tpu.memory_space<vmem>>, vector<16xf32>,
          %parallel_loop3A_578 = vector.bitcast %parallel_loop3A_577 : vector<16xf32> to vector<16xi32>
          %parallel_loop3A_579 = arith.index_cast %parallel_loop3A_498 : i32 to index
          %parallel_loop3A_580 = arith.constant 64 : index
          %parallel_loop3A_581 = tpu.vector_load %arg13[%parallel_loop3A_579, %parallel_loop3A_580] {strides = array<i32>} : memref<32x256xf32, #tpu.memory_space<vmem>>, vector<16xf32>,
          %parallel_loop3A_582 = vector.bitcast %parallel_loop3A_581 : vector<16xf32> to vector<16xi32>
          %parallel_loop3A_583 = arith.shli %parallel_loop3A_578, %broadcast_in_dim3A_324 : vector<16xi32>
          %parallel_loop3A_584 = vector.bitcast %parallel_loop3A_583 : vector<16xi32> to vector<16xf32>
          %parallel_loop3A_585 = arith.andi %parallel_loop3A_578, %broadcast_in_dim3A_322 : vector<16xi32>
          %parallel_loop3A_586 = vector.bitcast %parallel_loop3A_585 : vector<16xi32> to vector<16xf32>
          %parallel_loop3A_587 = arith.shli %parallel_loop3A_582, %broadcast_in_dim3A_324 : vector<16xi32>
          %parallel_loop3A_588 = vector.bitcast %parallel_loop3A_587 : vector<16xi32> to vector<16xf32>
          %parallel_loop3A_589 = arith.andi %parallel_loop3A_582, %broadcast_in_dim3A_322 : vector<16xi32>
          %parallel_loop3A_590 = vector.bitcast %parallel_loop3A_589 : vector<16xi32> to vector<16xf32>
          %parallel_loop3A_591 = arith.mulf %parallel_loop3A_584, %parallel_loop3A_588 : vector<16xf32>
          %parallel_loop3A_592 = arith.addf %parallel_loop3A_552, %parallel_loop3A_591 : vector<16xf32>
          %parallel_loop3A_593 = arith.mulf %parallel_loop3A_586, %parallel_loop3A_590 : vector<16xf32>
          %parallel_loop3A_594 = arith.addf %parallel_loop3A_554, %parallel_loop3A_593 : vector<16xf32>
          %parallel_loop3A_595 = arith.index_cast %parallel_loop3A_498 : i32 to index
          %parallel_loop3A_596 = arith.constant 80 : index
          %parallel_loop3A_597 = tpu.vector_load %arg12[%parallel_loop3A_595, %parallel_loop3A_596] {strides = array<i32>} : memref<32x256xf32, #tpu.memory_space<vmem>>, vector<16xf32>,
          %parallel_loop3A_598 = vector.bitcast %parallel_loop3A_597 : vector<16xf32> to vector<16xi32>
          %parallel_loop3A_599 = arith.index_cast %parallel_loop3A_498 : i32 to index
          %parallel_loop3A_600 = arith.constant 80 : index
          %parallel_loop3A_601 = tpu.vector_load %arg13[%parallel_loop3A_599, %parallel_loop3A_600] {strides = array<i32>} : memref<32x256xf32, #tpu.memory_space<vmem>>, vector<16xf32>,
          %parallel_loop3A_602 = vector.bitcast %parallel_loop3A_601 : vector<16xf32> to vector<16xi32>
          %parallel_loop3A_603 = arith.shli %parallel_loop3A_598, %broadcast_in_dim3A_324 : vector<16xi32>
          %parallel_loop3A_604 = vector.bitcast %parallel_loop3A_603 : vector<16xi32> to vector<16xf32>
          %parallel_loop3A_605 = arith.andi %parallel_loop3A_598, %broadcast_in_dim3A_322 : vector<16xi32>
          %parallel_loop3A_606 = vector.bitcast %parallel_loop3A_605 : vector<16xi32> to vector<16xf32>
          %parallel_loop3A_607 = arith.shli %parallel_loop3A_602, %broadcast_in_dim3A_324 : vector<16xi32>
          %parallel_loop3A_608 = vector.bitcast %parallel_loop3A_607 : vector<16xi32> to vector<16xf32>
          %parallel_loop3A_609 = arith.andi %parallel_loop3A_602, %broadcast_in_dim3A_322 : vector<16xi32>
          %parallel_loop3A_610 = vector.bitcast %parallel_loop3A_609 : vector<16xi32> to vector<16xf32>
          %parallel_loop3A_611 = arith.mulf %parallel_loop3A_604, %parallel_loop3A_608 : vector<16xf32>
          %parallel_loop3A_612 = arith.addf %parallel_loop3A_572, %parallel_loop3A_611 : vector<16xf32>
          %parallel_loop3A_613 = arith.mulf %parallel_loop3A_606, %parallel_loop3A_610 : vector<16xf32>
          %parallel_loop3A_614 = arith.addf %parallel_loop3A_574, %parallel_loop3A_613 : vector<16xf32>
          %parallel_loop3A_615 = arith.index_cast %parallel_loop3A_498 : i32 to index
          %parallel_loop3A_616 = arith.constant 96 : index
          %parallel_loop3A_617 = tpu.vector_load %arg12[%parallel_loop3A_615, %parallel_loop3A_616] {strides = array<i32>} : memref<32x256xf32, #tpu.memory_space<vmem>>, vector<16xf32>,
          %parallel_loop3A_618 = vector.bitcast %parallel_loop3A_617 : vector<16xf32> to vector<16xi32>
          %parallel_loop3A_619 = arith.index_cast %parallel_loop3A_498 : i32 to index
          %parallel_loop3A_620 = arith.constant 96 : index
          %parallel_loop3A_621 = tpu.vector_load %arg13[%parallel_loop3A_619, %parallel_loop3A_620] {strides = array<i32>} : memref<32x256xf32, #tpu.memory_space<vmem>>, vector<16xf32>,
          %parallel_loop3A_622 = vector.bitcast %parallel_loop3A_621 : vector<16xf32> to vector<16xi32>
          %parallel_loop3A_623 = arith.shli %parallel_loop3A_618, %broadcast_in_dim3A_324 : vector<16xi32>
          %parallel_loop3A_624 = vector.bitcast %parallel_loop3A_623 : vector<16xi32> to vector<16xf32>
          %parallel_loop3A_625 = arith.andi %parallel_loop3A_618, %broadcast_in_dim3A_322 : vector<16xi32>
          %parallel_loop3A_626 = vector.bitcast %parallel_loop3A_625 : vector<16xi32> to vector<16xf32>
          %parallel_loop3A_627 = arith.shli %parallel_loop3A_622, %broadcast_in_dim3A_324 : vector<16xi32>
          %parallel_loop3A_628 = vector.bitcast %parallel_loop3A_627 : vector<16xi32> to vector<16xf32>
          %parallel_loop3A_629 = arith.andi %parallel_loop3A_622, %broadcast_in_dim3A_322 : vector<16xi32>
          %parallel_loop3A_630 = vector.bitcast %parallel_loop3A_629 : vector<16xi32> to vector<16xf32>
          %parallel_loop3A_631 = arith.mulf %parallel_loop3A_624, %parallel_loop3A_628 : vector<16xf32>
          %parallel_loop3A_632 = arith.addf %parallel_loop3A_592, %parallel_loop3A_631 : vector<16xf32>
          %parallel_loop3A_633 = arith.mulf %parallel_loop3A_626, %parallel_loop3A_630 : vector<16xf32>
          %parallel_loop3A_634 = arith.addf %parallel_loop3A_594, %parallel_loop3A_633 : vector<16xf32>
          %parallel_loop3A_635 = arith.index_cast %parallel_loop3A_498 : i32 to index
          %parallel_loop3A_636 = arith.constant 112 : index
          %parallel_loop3A_637 = tpu.vector_load %arg12[%parallel_loop3A_635, %parallel_loop3A_636] {strides = array<i32>} : memref<32x256xf32, #tpu.memory_space<vmem>>, vector<16xf32>,
          %parallel_loop3A_638 = vector.bitcast %parallel_loop3A_637 : vector<16xf32> to vector<16xi32>
          %parallel_loop3A_639 = arith.index_cast %parallel_loop3A_498 : i32 to index
          %parallel_loop3A_640 = arith.constant 112 : index
          %parallel_loop3A_641 = tpu.vector_load %arg13[%parallel_loop3A_639, %parallel_loop3A_640] {strides = array<i32>} : memref<32x256xf32, #tpu.memory_space<vmem>>, vector<16xf32>,
          %parallel_loop3A_642 = vector.bitcast %parallel_loop3A_641 : vector<16xf32> to vector<16xi32>
          %parallel_loop3A_643 = arith.shli %parallel_loop3A_638, %broadcast_in_dim3A_324 : vector<16xi32>
          %parallel_loop3A_644 = vector.bitcast %parallel_loop3A_643 : vector<16xi32> to vector<16xf32>
          %parallel_loop3A_645 = arith.andi %parallel_loop3A_638, %broadcast_in_dim3A_322 : vector<16xi32>
          %parallel_loop3A_646 = vector.bitcast %parallel_loop3A_645 : vector<16xi32> to vector<16xf32>
          %parallel_loop3A_647 = arith.shli %parallel_loop3A_642, %broadcast_in_dim3A_324 : vector<16xi32>
          %parallel_loop3A_648 = vector.bitcast %parallel_loop3A_647 : vector<16xi32> to vector<16xf32>
          %parallel_loop3A_649 = arith.andi %parallel_loop3A_642, %broadcast_in_dim3A_322 : vector<16xi32>
          %parallel_loop3A_650 = vector.bitcast %parallel_loop3A_649 : vector<16xi32> to vector<16xf32>
          %parallel_loop3A_651 = arith.mulf %parallel_loop3A_644, %parallel_loop3A_648 : vector<16xf32>
          %parallel_loop3A_652 = arith.addf %parallel_loop3A_612, %parallel_loop3A_651 : vector<16xf32>
          %parallel_loop3A_653 = arith.mulf %parallel_loop3A_646, %parallel_loop3A_650 : vector<16xf32>
          %parallel_loop3A_654 = arith.addf %parallel_loop3A_614, %parallel_loop3A_653 : vector<16xf32>
          %parallel_loop3A_655 = arith.index_cast %parallel_loop3A_498 : i32 to index
          %parallel_loop3A_656 = arith.constant 128 : index
          %parallel_loop3A_657 = tpu.vector_load %arg12[%parallel_loop3A_655, %parallel_loop3A_656] {strides = array<i32>} : memref<32x256xf32, #tpu.memory_space<vmem>>, vector<16xf32>,
          %parallel_loop3A_658 = vector.bitcast %parallel_loop3A_657 : vector<16xf32> to vector<16xi32>
          %parallel_loop3A_659 = arith.index_cast %parallel_loop3A_498 : i32 to index
          %parallel_loop3A_660 = arith.constant 128 : index
          %parallel_loop3A_661 = tpu.vector_load %arg13[%parallel_loop3A_659, %parallel_loop3A_660] {strides = array<i32>} : memref<32x256xf32, #tpu.memory_space<vmem>>, vector<16xf32>,
          %parallel_loop3A_662 = vector.bitcast %parallel_loop3A_661 : vector<16xf32> to vector<16xi32>
          %parallel_loop3A_663 = arith.shli %parallel_loop3A_658, %broadcast_in_dim3A_324 : vector<16xi32>
          %parallel_loop3A_664 = vector.bitcast %parallel_loop3A_663 : vector<16xi32> to vector<16xf32>
          %parallel_loop3A_665 = arith.andi %parallel_loop3A_658, %broadcast_in_dim3A_322 : vector<16xi32>
          %parallel_loop3A_666 = vector.bitcast %parallel_loop3A_665 : vector<16xi32> to vector<16xf32>
          %parallel_loop3A_667 = arith.shli %parallel_loop3A_662, %broadcast_in_dim3A_324 : vector<16xi32>
          %parallel_loop3A_668 = vector.bitcast %parallel_loop3A_667 : vector<16xi32> to vector<16xf32>
          %parallel_loop3A_669 = arith.andi %parallel_loop3A_662, %broadcast_in_dim3A_322 : vector<16xi32>
          %parallel_loop3A_670 = vector.bitcast %parallel_loop3A_669 : vector<16xi32> to vector<16xf32>
          %parallel_loop3A_671 = arith.mulf %parallel_loop3A_664, %parallel_loop3A_668 : vector<16xf32>
          %parallel_loop3A_672 = arith.addf %parallel_loop3A_632, %parallel_loop3A_671 : vector<16xf32>
          %parallel_loop3A_673 = arith.mulf %parallel_loop3A_666, %parallel_loop3A_670 : vector<16xf32>
          %parallel_loop3A_674 = arith.addf %parallel_loop3A_634, %parallel_loop3A_673 : vector<16xf32>
          %parallel_loop3A_675 = arith.index_cast %parallel_loop3A_498 : i32 to index
          %parallel_loop3A_676 = arith.constant 144 : index
          %parallel_loop3A_677 = tpu.vector_load %arg12[%parallel_loop3A_675, %parallel_loop3A_676] {strides = array<i32>} : memref<32x256xf32, #tpu.memory_space<vmem>>, vector<16xf32>,
          %parallel_loop3A_678 = vector.bitcast %parallel_loop3A_677 : vector<16xf32> to vector<16xi32>
          %parallel_loop3A_679 = arith.index_cast %parallel_loop3A_498 : i32 to index
          %parallel_loop3A_680 = arith.constant 144 : index
          %parallel_loop3A_681 = tpu.vector_load %arg13[%parallel_loop3A_679, %parallel_loop3A_680] {strides = array<i32>} : memref<32x256xf32, #tpu.memory_space<vmem>>, vector<16xf32>,
          %parallel_loop3A_682 = vector.bitcast %parallel_loop3A_681 : vector<16xf32> to vector<16xi32>
          %parallel_loop3A_683 = arith.shli %parallel_loop3A_678, %broadcast_in_dim3A_324 : vector<16xi32>
          %parallel_loop3A_684 = vector.bitcast %parallel_loop3A_683 : vector<16xi32> to vector<16xf32>
          %parallel_loop3A_685 = arith.andi %parallel_loop3A_678, %broadcast_in_dim3A_322 : vector<16xi32>
          %parallel_loop3A_686 = vector.bitcast %parallel_loop3A_685 : vector<16xi32> to vector<16xf32>
          %parallel_loop3A_687 = arith.shli %parallel_loop3A_682, %broadcast_in_dim3A_324 : vector<16xi32>
          %parallel_loop3A_688 = vector.bitcast %parallel_loop3A_687 : vector<16xi32> to vector<16xf32>
          %parallel_loop3A_689 = arith.andi %parallel_loop3A_682, %broadcast_in_dim3A_322 : vector<16xi32>
          %parallel_loop3A_690 = vector.bitcast %parallel_loop3A_689 : vector<16xi32> to vector<16xf32>
          %parallel_loop3A_691 = arith.mulf %parallel_loop3A_684, %parallel_loop3A_688 : vector<16xf32>
          %parallel_loop3A_692 = arith.addf %parallel_loop3A_652, %parallel_loop3A_691 : vector<16xf32>
          %parallel_loop3A_693 = arith.mulf %parallel_loop3A_686, %parallel_loop3A_690 : vector<16xf32>
          %parallel_loop3A_694 = arith.addf %parallel_loop3A_654, %parallel_loop3A_693 : vector<16xf32>
          %parallel_loop3A_695 = arith.index_cast %parallel_loop3A_498 : i32 to index
          %parallel_loop3A_696 = arith.constant 160 : index
          %parallel_loop3A_697 = tpu.vector_load %arg12[%parallel_loop3A_695, %parallel_loop3A_696] {strides = array<i32>} : memref<32x256xf32, #tpu.memory_space<vmem>>, vector<16xf32>,
          %parallel_loop3A_698 = vector.bitcast %parallel_loop3A_697 : vector<16xf32> to vector<16xi32>
          %parallel_loop3A_699 = arith.index_cast %parallel_loop3A_498 : i32 to index
          %parallel_loop3A_700 = arith.constant 160 : index
          %parallel_loop3A_701 = tpu.vector_load %arg13[%parallel_loop3A_699, %parallel_loop3A_700] {strides = array<i32>} : memref<32x256xf32, #tpu.memory_space<vmem>>, vector<16xf32>,
          %parallel_loop3A_702 = vector.bitcast %parallel_loop3A_701 : vector<16xf32> to vector<16xi32>
          %parallel_loop3A_703 = arith.shli %parallel_loop3A_698, %broadcast_in_dim3A_324 : vector<16xi32>
          %parallel_loop3A_704 = vector.bitcast %parallel_loop3A_703 : vector<16xi32> to vector<16xf32>
          %parallel_loop3A_705 = arith.andi %parallel_loop3A_698, %broadcast_in_dim3A_322 : vector<16xi32>
          %parallel_loop3A_706 = vector.bitcast %parallel_loop3A_705 : vector<16xi32> to vector<16xf32>
          %parallel_loop3A_707 = arith.shli %parallel_loop3A_702, %broadcast_in_dim3A_324 : vector<16xi32>
          %parallel_loop3A_708 = vector.bitcast %parallel_loop3A_707 : vector<16xi32> to vector<16xf32>
          %parallel_loop3A_709 = arith.andi %parallel_loop3A_702, %broadcast_in_dim3A_322 : vector<16xi32>
          %parallel_loop3A_710 = vector.bitcast %parallel_loop3A_709 : vector<16xi32> to vector<16xf32>
          %parallel_loop3A_711 = arith.mulf %parallel_loop3A_704, %parallel_loop3A_708 : vector<16xf32>
          %parallel_loop3A_712 = arith.addf %parallel_loop3A_672, %parallel_loop3A_711 : vector<16xf32>
          %parallel_loop3A_713 = arith.mulf %parallel_loop3A_706, %parallel_loop3A_710 : vector<16xf32>
          %parallel_loop3A_714 = arith.addf %parallel_loop3A_674, %parallel_loop3A_713 : vector<16xf32>
          %parallel_loop3A_715 = arith.index_cast %parallel_loop3A_498 : i32 to index
          %parallel_loop3A_716 = arith.constant 176 : index
          %parallel_loop3A_717 = tpu.vector_load %arg12[%parallel_loop3A_715, %parallel_loop3A_716] {strides = array<i32>} : memref<32x256xf32, #tpu.memory_space<vmem>>, vector<16xf32>,
          %parallel_loop3A_718 = vector.bitcast %parallel_loop3A_717 : vector<16xf32> to vector<16xi32>
          %parallel_loop3A_719 = arith.index_cast %parallel_loop3A_498 : i32 to index
          %parallel_loop3A_720 = arith.constant 176 : index
          %parallel_loop3A_721 = tpu.vector_load %arg13[%parallel_loop3A_719, %parallel_loop3A_720] {strides = array<i32>} : memref<32x256xf32, #tpu.memory_space<vmem>>, vector<16xf32>,
          %parallel_loop3A_722 = vector.bitcast %parallel_loop3A_721 : vector<16xf32> to vector<16xi32>
          %parallel_loop3A_723 = arith.shli %parallel_loop3A_718, %broadcast_in_dim3A_324 : vector<16xi32>
          %parallel_loop3A_724 = vector.bitcast %parallel_loop3A_723 : vector<16xi32> to vector<16xf32>
          %parallel_loop3A_725 = arith.andi %parallel_loop3A_718, %broadcast_in_dim3A_322 : vector<16xi32>
          %parallel_loop3A_726 = vector.bitcast %parallel_loop3A_725 : vector<16xi32> to vector<16xf32>
          %parallel_loop3A_727 = arith.shli %parallel_loop3A_722, %broadcast_in_dim3A_324 : vector<16xi32>
          %parallel_loop3A_728 = vector.bitcast %parallel_loop3A_727 : vector<16xi32> to vector<16xf32>
          %parallel_loop3A_729 = arith.andi %parallel_loop3A_722, %broadcast_in_dim3A_322 : vector<16xi32>
          %parallel_loop3A_730 = vector.bitcast %parallel_loop3A_729 : vector<16xi32> to vector<16xf32>
          %parallel_loop3A_731 = arith.mulf %parallel_loop3A_724, %parallel_loop3A_728 : vector<16xf32>
          %parallel_loop3A_732 = arith.addf %parallel_loop3A_692, %parallel_loop3A_731 : vector<16xf32>
          %parallel_loop3A_733 = arith.mulf %parallel_loop3A_726, %parallel_loop3A_730 : vector<16xf32>
          %parallel_loop3A_734 = arith.addf %parallel_loop3A_694, %parallel_loop3A_733 : vector<16xf32>
          %parallel_loop3A_735 = arith.index_cast %parallel_loop3A_498 : i32 to index
          %parallel_loop3A_736 = arith.constant 192 : index
          %parallel_loop3A_737 = tpu.vector_load %arg12[%parallel_loop3A_735, %parallel_loop3A_736] {strides = array<i32>} : memref<32x256xf32, #tpu.memory_space<vmem>>, vector<16xf32>,
          %parallel_loop3A_738 = vector.bitcast %parallel_loop3A_737 : vector<16xf32> to vector<16xi32>
          %parallel_loop3A_739 = arith.index_cast %parallel_loop3A_498 : i32 to index
          %parallel_loop3A_740 = arith.constant 192 : index
          %parallel_loop3A_741 = tpu.vector_load %arg13[%parallel_loop3A_739, %parallel_loop3A_740] {strides = array<i32>} : memref<32x256xf32, #tpu.memory_space<vmem>>, vector<16xf32>,
          %parallel_loop3A_742 = vector.bitcast %parallel_loop3A_741 : vector<16xf32> to vector<16xi32>
          %parallel_loop3A_743 = arith.shli %parallel_loop3A_738, %broadcast_in_dim3A_324 : vector<16xi32>
          %parallel_loop3A_744 = vector.bitcast %parallel_loop3A_743 : vector<16xi32> to vector<16xf32>
          %parallel_loop3A_745 = arith.andi %parallel_loop3A_738, %broadcast_in_dim3A_322 : vector<16xi32>
          %parallel_loop3A_746 = vector.bitcast %parallel_loop3A_745 : vector<16xi32> to vector<16xf32>
          %parallel_loop3A_747 = arith.shli %parallel_loop3A_742, %broadcast_in_dim3A_324 : vector<16xi32>
          %parallel_loop3A_748 = vector.bitcast %parallel_loop3A_747 : vector<16xi32> to vector<16xf32>
          %parallel_loop3A_749 = arith.andi %parallel_loop3A_742, %broadcast_in_dim3A_322 : vector<16xi32>
          %parallel_loop3A_750 = vector.bitcast %parallel_loop3A_749 : vector<16xi32> to vector<16xf32>
          %parallel_loop3A_751 = arith.mulf %parallel_loop3A_744, %parallel_loop3A_748 : vector<16xf32>
          %parallel_loop3A_752 = arith.addf %parallel_loop3A_712, %parallel_loop3A_751 : vector<16xf32>
          %parallel_loop3A_753 = arith.mulf %parallel_loop3A_746, %parallel_loop3A_750 : vector<16xf32>
          %parallel_loop3A_754 = arith.addf %parallel_loop3A_714, %parallel_loop3A_753 : vector<16xf32>
          %parallel_loop3A_755 = arith.index_cast %parallel_loop3A_498 : i32 to index
          %parallel_loop3A_756 = arith.constant 208 : index
          %parallel_loop3A_757 = tpu.vector_load %arg12[%parallel_loop3A_755, %parallel_loop3A_756] {strides = array<i32>} : memref<32x256xf32, #tpu.memory_space<vmem>>, vector<16xf32>,
          %parallel_loop3A_758 = vector.bitcast %parallel_loop3A_757 : vector<16xf32> to vector<16xi32>
          %parallel_loop3A_759 = arith.index_cast %parallel_loop3A_498 : i32 to index
          %parallel_loop3A_760 = arith.constant 208 : index
          %parallel_loop3A_761 = tpu.vector_load %arg13[%parallel_loop3A_759, %parallel_loop3A_760] {strides = array<i32>} : memref<32x256xf32, #tpu.memory_space<vmem>>, vector<16xf32>,
          %parallel_loop3A_762 = vector.bitcast %parallel_loop3A_761 : vector<16xf32> to vector<16xi32>
          %parallel_loop3A_763 = arith.shli %parallel_loop3A_758, %broadcast_in_dim3A_324 : vector<16xi32>
          %parallel_loop3A_764 = vector.bitcast %parallel_loop3A_763 : vector<16xi32> to vector<16xf32>
          %parallel_loop3A_765 = arith.andi %parallel_loop3A_758, %broadcast_in_dim3A_322 : vector<16xi32>
          %parallel_loop3A_766 = vector.bitcast %parallel_loop3A_765 : vector<16xi32> to vector<16xf32>
          %parallel_loop3A_767 = arith.shli %parallel_loop3A_762, %broadcast_in_dim3A_324 : vector<16xi32>
          %parallel_loop3A_768 = vector.bitcast %parallel_loop3A_767 : vector<16xi32> to vector<16xf32>
          %parallel_loop3A_769 = arith.andi %parallel_loop3A_762, %broadcast_in_dim3A_322 : vector<16xi32>
          %parallel_loop3A_770 = vector.bitcast %parallel_loop3A_769 : vector<16xi32> to vector<16xf32>
          %parallel_loop3A_771 = arith.mulf %parallel_loop3A_764, %parallel_loop3A_768 : vector<16xf32>
          %parallel_loop3A_772 = arith.addf %parallel_loop3A_732, %parallel_loop3A_771 : vector<16xf32>
          %parallel_loop3A_773 = arith.mulf %parallel_loop3A_766, %parallel_loop3A_770 : vector<16xf32>
          %parallel_loop3A_774 = arith.addf %parallel_loop3A_734, %parallel_loop3A_773 : vector<16xf32>
          %parallel_loop3A_775 = arith.index_cast %parallel_loop3A_498 : i32 to index
          %parallel_loop3A_776 = arith.constant 224 : index
          %parallel_loop3A_777 = tpu.vector_load %arg12[%parallel_loop3A_775, %parallel_loop3A_776] {strides = array<i32>} : memref<32x256xf32, #tpu.memory_space<vmem>>, vector<16xf32>,
          %parallel_loop3A_778 = vector.bitcast %parallel_loop3A_777 : vector<16xf32> to vector<16xi32>
          %parallel_loop3A_779 = arith.index_cast %parallel_loop3A_498 : i32 to index
          %parallel_loop3A_780 = arith.constant 224 : index
          %parallel_loop3A_781 = tpu.vector_load %arg13[%parallel_loop3A_779, %parallel_loop3A_780] {strides = array<i32>} : memref<32x256xf32, #tpu.memory_space<vmem>>, vector<16xf32>,
          %parallel_loop3A_782 = vector.bitcast %parallel_loop3A_781 : vector<16xf32> to vector<16xi32>
          %parallel_loop3A_783 = arith.shli %parallel_loop3A_778, %broadcast_in_dim3A_324 : vector<16xi32>
          %parallel_loop3A_784 = vector.bitcast %parallel_loop3A_783 : vector<16xi32> to vector<16xf32>
          %parallel_loop3A_785 = arith.andi %parallel_loop3A_778, %broadcast_in_dim3A_322 : vector<16xi32>
          %parallel_loop3A_786 = vector.bitcast %parallel_loop3A_785 : vector<16xi32> to vector<16xf32>
          %parallel_loop3A_787 = arith.shli %parallel_loop3A_782, %broadcast_in_dim3A_324 : vector<16xi32>
          %parallel_loop3A_788 = vector.bitcast %parallel_loop3A_787 : vector<16xi32> to vector<16xf32>
          %parallel_loop3A_789 = arith.andi %parallel_loop3A_782, %broadcast_in_dim3A_322 : vector<16xi32>
          %parallel_loop3A_790 = vector.bitcast %parallel_loop3A_789 : vector<16xi32> to vector<16xf32>
          %parallel_loop3A_791 = arith.mulf %parallel_loop3A_784, %parallel_loop3A_788 : vector<16xf32>
          %parallel_loop3A_792 = arith.addf %parallel_loop3A_752, %parallel_loop3A_791 : vector<16xf32>
          %parallel_loop3A_793 = arith.mulf %parallel_loop3A_786, %parallel_loop3A_790 : vector<16xf32>
          %parallel_loop3A_794 = arith.addf %parallel_loop3A_754, %parallel_loop3A_793 : vector<16xf32>
          %parallel_loop3A_795 = arith.index_cast %parallel_loop3A_498 : i32 to index
          %parallel_loop3A_796 = arith.constant 240 : index
          %parallel_loop3A_797 = tpu.vector_load %arg12[%parallel_loop3A_795, %parallel_loop3A_796] {strides = array<i32>} : memref<32x256xf32, #tpu.memory_space<vmem>>, vector<16xf32>,
          %parallel_loop3A_798 = vector.bitcast %parallel_loop3A_797 : vector<16xf32> to vector<16xi32>
          %parallel_loop3A_799 = arith.index_cast %parallel_loop3A_498 : i32 to index
          %parallel_loop3A_800 = arith.constant 240 : index
          %parallel_loop3A_801 = tpu.vector_load %arg13[%parallel_loop3A_799, %parallel_loop3A_800] {strides = array<i32>} : memref<32x256xf32, #tpu.memory_space<vmem>>, vector<16xf32>,
          %parallel_loop3A_802 = vector.bitcast %parallel_loop3A_801 : vector<16xf32> to vector<16xi32>
          %parallel_loop3A_803 = arith.shli %parallel_loop3A_798, %broadcast_in_dim3A_324 : vector<16xi32>
          %parallel_loop3A_804 = vector.bitcast %parallel_loop3A_803 : vector<16xi32> to vector<16xf32>
          %parallel_loop3A_805 = arith.andi %parallel_loop3A_798, %broadcast_in_dim3A_322 : vector<16xi32>
          %parallel_loop3A_806 = vector.bitcast %parallel_loop3A_805 : vector<16xi32> to vector<16xf32>
          %parallel_loop3A_807 = arith.shli %parallel_loop3A_802, %broadcast_in_dim3A_324 : vector<16xi32>
          %parallel_loop3A_808 = vector.bitcast %parallel_loop3A_807 : vector<16xi32> to vector<16xf32>
          %parallel_loop3A_809 = arith.andi %parallel_loop3A_802, %broadcast_in_dim3A_322 : vector<16xi32>
          %parallel_loop3A_810 = vector.bitcast %parallel_loop3A_809 : vector<16xi32> to vector<16xf32>
          %parallel_loop3A_811 = arith.mulf %parallel_loop3A_804, %parallel_loop3A_808 : vector<16xf32>
          %parallel_loop3A_812 = arith.addf %parallel_loop3A_772, %parallel_loop3A_811 : vector<16xf32>
          %parallel_loop3A_813 = arith.mulf %parallel_loop3A_806, %parallel_loop3A_810 : vector<16xf32>
          %parallel_loop3A_814 = arith.addf %parallel_loop3A_774, %parallel_loop3A_813 : vector<16xf32>
          %parallel_loop3A_815 = arith.addf %parallel_loop3A_792, %parallel_loop3A_794 : vector<16xf32>
          %parallel_loop3A_816 = arith.addf %parallel_loop3A_812, %parallel_loop3A_814 : vector<16xf32>
          %parallel_loop3A_817 = arith.addf %parallel_loop3A_815, %parallel_loop3A_816 : vector<16xf32>
          %parallel_loop3A_818 = arith.index_cast %parallel_loop3A_498 : i32 to index
          %parallel_loop3A_819 = arith.constant 0 : index
          %parallel_loop3A_820 = tpu.vector_load %arg18[%parallel_loop3A_818, %parallel_loop3A_819] {strides = array<i32>} : memref<32x16xf32, #tpu.memory_space<vmem>>, vector<16xf32>,
          tpu.vector_store %arg18[%parallel_loop3A_818, %parallel_loop3A_819], %parallel_loop3A_817 {strides = array<i32>} : memref<32x16xf32, #tpu.memory_space<vmem>>, vector<16xf32>,
        } {sc.loop_unroll_factor = 2 : i64, sc.parallel_access}
        %add3A_328 = arith.constant 0 : i32
        %add3A_329 = vector.broadcast %add3A_328 : i32 to vector<16xi32>
        %add3A_330 = arith.addi %add3A_329, %iota3A : vector<16xi32>
        %broadcast_in_dim3A_331 = arith.constant 0 : i32
        %broadcast_in_dim3A_332 = vector.broadcast %broadcast_in_dim3A_331 : i32 to vector<16xi32>
        %gather3A_333 = tpu.vector_load_idx %arg18[%add3A_330, %broadcast_in_dim3A_332] : memref<32x16xf32, #tpu.memory_space<vmem>>[vector<16xi32>, vector<16xi32>], vector<16xf32>,
        %broadcast_in_dim3A_334 = arith.constant 1 : i32
        %broadcast_in_dim3A_335 = vector.broadcast %broadcast_in_dim3A_334 : i32 to vector<16xi32>
        %gather3A_336 = tpu.vector_load_idx %arg18[%add3A_330, %broadcast_in_dim3A_335] : memref<32x16xf32, #tpu.memory_space<vmem>>[vector<16xi32>, vector<16xi32>], vector<16xf32>,
        %broadcast_in_dim3A_337 = arith.constant 2 : i32
        %broadcast_in_dim3A_338 = vector.broadcast %broadcast_in_dim3A_337 : i32 to vector<16xi32>
        %gather3A_339 = tpu.vector_load_idx %arg18[%add3A_330, %broadcast_in_dim3A_338] : memref<32x16xf32, #tpu.memory_space<vmem>>[vector<16xi32>, vector<16xi32>], vector<16xf32>,
        %broadcast_in_dim3A_340 = arith.constant 3 : i32
        %broadcast_in_dim3A_341 = vector.broadcast %broadcast_in_dim3A_340 : i32 to vector<16xi32>
        %gather3A_342 = tpu.vector_load_idx %arg18[%add3A_330, %broadcast_in_dim3A_341] : memref<32x16xf32, #tpu.memory_space<vmem>>[vector<16xi32>, vector<16xi32>], vector<16xf32>,
        %broadcast_in_dim3A_343 = arith.constant 4 : i32
        %broadcast_in_dim3A_344 = vector.broadcast %broadcast_in_dim3A_343 : i32 to vector<16xi32>
        %gather3A_345 = tpu.vector_load_idx %arg18[%add3A_330, %broadcast_in_dim3A_344] : memref<32x16xf32, #tpu.memory_space<vmem>>[vector<16xi32>, vector<16xi32>], vector<16xf32>,
        %add3A_346 = arith.addf %gather3A_333, %gather3A_345 : vector<16xf32>
        %broadcast_in_dim3A_347 = arith.constant 5 : i32
        %broadcast_in_dim3A_348 = vector.broadcast %broadcast_in_dim3A_347 : i32 to vector<16xi32>
        %gather3A_349 = tpu.vector_load_idx %arg18[%add3A_330, %broadcast_in_dim3A_348] : memref<32x16xf32, #tpu.memory_space<vmem>>[vector<16xi32>, vector<16xi32>], vector<16xf32>,
        %add3A_350 = arith.addf %gather3A_336, %gather3A_349 : vector<16xf32>
        %broadcast_in_dim3A_351 = arith.constant 6 : i32
        %broadcast_in_dim3A_352 = vector.broadcast %broadcast_in_dim3A_351 : i32 to vector<16xi32>
        %gather3A_353 = tpu.vector_load_idx %arg18[%add3A_330, %broadcast_in_dim3A_352] : memref<32x16xf32, #tpu.memory_space<vmem>>[vector<16xi32>, vector<16xi32>], vector<16xf32>,
        %add3A_354 = arith.addf %gather3A_339, %gather3A_353 : vector<16xf32>
        %broadcast_in_dim3A_355 = arith.constant 7 : i32
        %broadcast_in_dim3A_356 = vector.broadcast %broadcast_in_dim3A_355 : i32 to vector<16xi32>
        %gather3A_357 = tpu.vector_load_idx %arg18[%add3A_330, %broadcast_in_dim3A_356] : memref<32x16xf32, #tpu.memory_space<vmem>>[vector<16xi32>, vector<16xi32>], vector<16xf32>,
        %add3A_358 = arith.addf %gather3A_342, %gather3A_357 : vector<16xf32>
        %broadcast_in_dim3A_359 = arith.constant 8 : i32
        %broadcast_in_dim3A_360 = vector.broadcast %broadcast_in_dim3A_359 : i32 to vector<16xi32>
        %gather3A_361 = tpu.vector_load_idx %arg18[%add3A_330, %broadcast_in_dim3A_360] : memref<32x16xf32, #tpu.memory_space<vmem>>[vector<16xi32>, vector<16xi32>], vector<16xf32>,
        %add3A_362 = arith.addf %add3A_346, %gather3A_361 : vector<16xf32>
        %broadcast_in_dim3A_363 = arith.constant 9 : i32
        %broadcast_in_dim3A_364 = vector.broadcast %broadcast_in_dim3A_363 : i32 to vector<16xi32>
        %gather3A_365 = tpu.vector_load_idx %arg18[%add3A_330, %broadcast_in_dim3A_364] : memref<32x16xf32, #tpu.memory_space<vmem>>[vector<16xi32>, vector<16xi32>], vector<16xf32>,
        %add3A_366 = arith.addf %add3A_350, %gather3A_365 : vector<16xf32>
        %broadcast_in_dim3A_367 = arith.constant 10 : i32
        %broadcast_in_dim3A_368 = vector.broadcast %broadcast_in_dim3A_367 : i32 to vector<16xi32>
        %gather3A_369 = tpu.vector_load_idx %arg18[%add3A_330, %broadcast_in_dim3A_368] : memref<32x16xf32, #tpu.memory_space<vmem>>[vector<16xi32>, vector<16xi32>], vector<16xf32>,
        %add3A_370 = arith.addf %add3A_354, %gather3A_369 : vector<16xf32>
        %broadcast_in_dim3A_371 = arith.constant 11 : i32
        %broadcast_in_dim3A_372 = vector.broadcast %broadcast_in_dim3A_371 : i32 to vector<16xi32>
        %gather3A_373 = tpu.vector_load_idx %arg18[%add3A_330, %broadcast_in_dim3A_372] : memref<32x16xf32, #tpu.memory_space<vmem>>[vector<16xi32>, vector<16xi32>], vector<16xf32>,
        %add3A_374 = arith.addf %add3A_358, %gather3A_373 : vector<16xf32>
        %broadcast_in_dim3A_375 = arith.constant 12 : i32
        %broadcast_in_dim3A_376 = vector.broadcast %broadcast_in_dim3A_375 : i32 to vector<16xi32>
        %gather3A_377 = tpu.vector_load_idx %arg18[%add3A_330, %broadcast_in_dim3A_376] : memref<32x16xf32, #tpu.memory_space<vmem>>[vector<16xi32>, vector<16xi32>], vector<16xf32>,
        %add3A_378 = arith.addf %add3A_362, %gather3A_377 : vector<16xf32>
        %broadcast_in_dim3A_379 = arith.constant 13 : i32
        %broadcast_in_dim3A_380 = vector.broadcast %broadcast_in_dim3A_379 : i32 to vector<16xi32>
        %gather3A_381 = tpu.vector_load_idx %arg18[%add3A_330, %broadcast_in_dim3A_380] : memref<32x16xf32, #tpu.memory_space<vmem>>[vector<16xi32>, vector<16xi32>], vector<16xf32>,
        %add3A_382 = arith.addf %add3A_366, %gather3A_381 : vector<16xf32>
        %broadcast_in_dim3A_383 = arith.constant 14 : i32
        %broadcast_in_dim3A_384 = vector.broadcast %broadcast_in_dim3A_383 : i32 to vector<16xi32>
        %gather3A_385 = tpu.vector_load_idx %arg18[%add3A_330, %broadcast_in_dim3A_384] : memref<32x16xf32, #tpu.memory_space<vmem>>[vector<16xi32>, vector<16xi32>], vector<16xf32>,
        %add3A_386 = arith.addf %add3A_370, %gather3A_385 : vector<16xf32>
        %broadcast_in_dim3A_387 = arith.constant 15 : i32
        %broadcast_in_dim3A_388 = vector.broadcast %broadcast_in_dim3A_387 : i32 to vector<16xi32>
        %gather3A_389 = tpu.vector_load_idx %arg18[%add3A_330, %broadcast_in_dim3A_388] : memref<32x16xf32, #tpu.memory_space<vmem>>[vector<16xi32>, vector<16xi32>], vector<16xf32>,
        %add3A_390 = arith.addf %add3A_374, %gather3A_389 : vector<16xf32>
        %add3A_391 = arith.addf %add3A_378, %add3A_382 : vector<16xf32>
        %add3A_392 = arith.addf %add3A_386, %add3A_390 : vector<16xf32>
        %add3A_393 = arith.addf %add3A_391, %add3A_392 : vector<16xf32>
        %get3A_394 = arith.constant 0 : index
        %get3A_395 = tpu.vector_load %arg16[%get3A_394] {strides = array<i32>} : memref<32xi32, #tpu.memory_space<vmem>>, vector<16xi32>,
        %gather3A_396 = tpu.vector_load_idx %arg9[%get3A_395] : memref<10000xf32, #tpu.memory_space<vmem>>[vector<16xi32>], vector<16xf32>,
        %mul3A_397 = arith.constant 32 : i32
        %mul3A_398 = arith.muli %add3A_320, %mul3A_397 : i32
        %add3A_399 = arith.addi %add3A_19, %mul3A_398 : i32
        %add3A_400 = arith.constant 0 : i32
        %add3A_401 = arith.addi %add3A_399, %add3A_400 : i32
        %add3A_402 = vector.broadcast %add3A_401 : i32 to vector<16xi32>
        %add3A_403 = arith.addi %add3A_402, %iota3A : vector<16xi32>
        %lt3A_404 = arith.constant 160000 : i32
        %lt3A_405 = vector.broadcast %lt3A_404 : i32 to vector<16xi32>
        %lt3A_406 = arith.cmpi slt, %add3A_403, %lt3A_405 : vector<16xi32>
        %mul3A_407 = arith.mulf %gather3A_396, %add3A_393 : vector<16xf32>
        %jit3A_408 = arith.constant 0.000000e+00 : f32
        %broadcast_in_dim3A_409 = vector.broadcast %jit3A_408 : f32 to vector<16xf32>
        %select_n3A_410 = arith.select %lt3A_406, %mul3A_407, %broadcast_in_dim3A_409 : vector<16xi1>, vector<16xf32>
        %swap3A_411 = arith.constant 0 : index
        %swap3A_412 = tpu.vector_load %arg19[%swap3A_411] {strides = array<i32>} : memref<32xf32, #tpu.memory_space<vmem>>, vector<16xf32>,
        tpu.vector_store %arg19[%swap3A_411], %select_n3A_410 {strides = array<i32>} : memref<32xf32, #tpu.memory_space<vmem>>, vector<16xf32>,
        %add3A_413 = arith.constant 16 : i32
        %add3A_414 = vector.broadcast %add3A_413 : i32 to vector<16xi32>
        %add3A_415 = arith.addi %add3A_414, %iota3A : vector<16xi32>
        %broadcast_in_dim3A_416 = arith.constant 0 : i32
        %broadcast_in_dim3A_417 = vector.broadcast %broadcast_in_dim3A_416 : i32 to vector<16xi32>
        %gather3A_418 = tpu.vector_load_idx %arg18[%add3A_415, %broadcast_in_dim3A_417] : memref<32x16xf32, #tpu.memory_space<vmem>>[vector<16xi32>, vector<16xi32>], vector<16xf32>,
        %broadcast_in_dim3A_419 = arith.constant 1 : i32
        %broadcast_in_dim3A_420 = vector.broadcast %broadcast_in_dim3A_419 : i32 to vector<16xi32>
        %gather3A_421 = tpu.vector_load_idx %arg18[%add3A_415, %broadcast_in_dim3A_420] : memref<32x16xf32, #tpu.memory_space<vmem>>[vector<16xi32>, vector<16xi32>], vector<16xf32>,
        %broadcast_in_dim3A_422 = arith.constant 2 : i32
        %broadcast_in_dim3A_423 = vector.broadcast %broadcast_in_dim3A_422 : i32 to vector<16xi32>
        %gather3A_424 = tpu.vector_load_idx %arg18[%add3A_415, %broadcast_in_dim3A_423] : memref<32x16xf32, #tpu.memory_space<vmem>>[vector<16xi32>, vector<16xi32>], vector<16xf32>,
        %broadcast_in_dim3A_425 = arith.constant 3 : i32
        %broadcast_in_dim3A_426 = vector.broadcast %broadcast_in_dim3A_425 : i32 to vector<16xi32>
        %gather3A_427 = tpu.vector_load_idx %arg18[%add3A_415, %broadcast_in_dim3A_426] : memref<32x16xf32, #tpu.memory_space<vmem>>[vector<16xi32>, vector<16xi32>], vector<16xf32>,
        %broadcast_in_dim3A_428 = arith.constant 4 : i32
        %broadcast_in_dim3A_429 = vector.broadcast %broadcast_in_dim3A_428 : i32 to vector<16xi32>
        %gather3A_430 = tpu.vector_load_idx %arg18[%add3A_415, %broadcast_in_dim3A_429] : memref<32x16xf32, #tpu.memory_space<vmem>>[vector<16xi32>, vector<16xi32>], vector<16xf32>,
        %add3A_431 = arith.addf %gather3A_418, %gather3A_430 : vector<16xf32>
        %broadcast_in_dim3A_432 = arith.constant 5 : i32
        %broadcast_in_dim3A_433 = vector.broadcast %broadcast_in_dim3A_432 : i32 to vector<16xi32>
        %gather3A_434 = tpu.vector_load_idx %arg18[%add3A_415, %broadcast_in_dim3A_433] : memref<32x16xf32, #tpu.memory_space<vmem>>[vector<16xi32>, vector<16xi32>], vector<16xf32>,
        %add3A_435 = arith.addf %gather3A_421, %gather3A_434 : vector<16xf32>
        %broadcast_in_dim3A_436 = arith.constant 6 : i32
        %broadcast_in_dim3A_437 = vector.broadcast %broadcast_in_dim3A_436 : i32 to vector<16xi32>
        %gather3A_438 = tpu.vector_load_idx %arg18[%add3A_415, %broadcast_in_dim3A_437] : memref<32x16xf32, #tpu.memory_space<vmem>>[vector<16xi32>, vector<16xi32>], vector<16xf32>,
        %add3A_439 = arith.addf %gather3A_424, %gather3A_438 : vector<16xf32>
        %broadcast_in_dim3A_440 = arith.constant 7 : i32
        %broadcast_in_dim3A_441 = vector.broadcast %broadcast_in_dim3A_440 : i32 to vector<16xi32>
        %gather3A_442 = tpu.vector_load_idx %arg18[%add3A_415, %broadcast_in_dim3A_441] : memref<32x16xf32, #tpu.memory_space<vmem>>[vector<16xi32>, vector<16xi32>], vector<16xf32>,
        %add3A_443 = arith.addf %gather3A_427, %gather3A_442 : vector<16xf32>
        %broadcast_in_dim3A_444 = arith.constant 8 : i32
        %broadcast_in_dim3A_445 = vector.broadcast %broadcast_in_dim3A_444 : i32 to vector<16xi32>
        %gather3A_446 = tpu.vector_load_idx %arg18[%add3A_415, %broadcast_in_dim3A_445] : memref<32x16xf32, #tpu.memory_space<vmem>>[vector<16xi32>, vector<16xi32>], vector<16xf32>,
        %add3A_447 = arith.addf %add3A_431, %gather3A_446 : vector<16xf32>
        %broadcast_in_dim3A_448 = arith.constant 9 : i32
        %broadcast_in_dim3A_449 = vector.broadcast %broadcast_in_dim3A_448 : i32 to vector<16xi32>
        %gather3A_450 = tpu.vector_load_idx %arg18[%add3A_415, %broadcast_in_dim3A_449] : memref<32x16xf32, #tpu.memory_space<vmem>>[vector<16xi32>, vector<16xi32>], vector<16xf32>,
        %add3A_451 = arith.addf %add3A_435, %gather3A_450 : vector<16xf32>
        %broadcast_in_dim3A_452 = arith.constant 10 : i32
        %broadcast_in_dim3A_453 = vector.broadcast %broadcast_in_dim3A_452 : i32 to vector<16xi32>
        %gather3A_454 = tpu.vector_load_idx %arg18[%add3A_415, %broadcast_in_dim3A_453] : memref<32x16xf32, #tpu.memory_space<vmem>>[vector<16xi32>, vector<16xi32>], vector<16xf32>,
        %add3A_455 = arith.addf %add3A_439, %gather3A_454 : vector<16xf32>
        %broadcast_in_dim3A_456 = arith.constant 11 : i32
        %broadcast_in_dim3A_457 = vector.broadcast %broadcast_in_dim3A_456 : i32 to vector<16xi32>
        %gather3A_458 = tpu.vector_load_idx %arg18[%add3A_415, %broadcast_in_dim3A_457] : memref<32x16xf32, #tpu.memory_space<vmem>>[vector<16xi32>, vector<16xi32>], vector<16xf32>,
        %add3A_459 = arith.addf %add3A_443, %gather3A_458 : vector<16xf32>
        %broadcast_in_dim3A_460 = arith.constant 12 : i32
        %broadcast_in_dim3A_461 = vector.broadcast %broadcast_in_dim3A_460 : i32 to vector<16xi32>
        %gather3A_462 = tpu.vector_load_idx %arg18[%add3A_415, %broadcast_in_dim3A_461] : memref<32x16xf32, #tpu.memory_space<vmem>>[vector<16xi32>, vector<16xi32>], vector<16xf32>,
        %add3A_463 = arith.addf %add3A_447, %gather3A_462 : vector<16xf32>
        %broadcast_in_dim3A_464 = arith.constant 13 : i32
        %broadcast_in_dim3A_465 = vector.broadcast %broadcast_in_dim3A_464 : i32 to vector<16xi32>
        %gather3A_466 = tpu.vector_load_idx %arg18[%add3A_415, %broadcast_in_dim3A_465] : memref<32x16xf32, #tpu.memory_space<vmem>>[vector<16xi32>, vector<16xi32>], vector<16xf32>,
        %add3A_467 = arith.addf %add3A_451, %gather3A_466 : vector<16xf32>
        %broadcast_in_dim3A_468 = arith.constant 14 : i32
        %broadcast_in_dim3A_469 = vector.broadcast %broadcast_in_dim3A_468 : i32 to vector<16xi32>
        %gather3A_470 = tpu.vector_load_idx %arg18[%add3A_415, %broadcast_in_dim3A_469] : memref<32x16xf32, #tpu.memory_space<vmem>>[vector<16xi32>, vector<16xi32>], vector<16xf32>,
        %add3A_471 = arith.addf %add3A_455, %gather3A_470 : vector<16xf32>
        %broadcast_in_dim3A_472 = arith.constant 15 : i32
        %broadcast_in_dim3A_473 = vector.broadcast %broadcast_in_dim3A_472 : i32 to vector<16xi32>
        %gather3A_474 = tpu.vector_load_idx %arg18[%add3A_415, %broadcast_in_dim3A_473] : memref<32x16xf32, #tpu.memory_space<vmem>>[vector<16xi32>, vector<16xi32>], vector<16xf32>,
        %add3A_475 = arith.addf %add3A_459, %gather3A_474 : vector<16xf32>
        %add3A_476 = arith.addf %add3A_463, %add3A_467 : vector<16xf32>
        %add3A_477 = arith.addf %add3A_471, %add3A_475 : vector<16xf32>
        %add3A_478 = arith.addf %add3A_476, %add3A_477 : vector<16xf32>
        %get3A_479 = arith.constant 16 : index
        %get3A_480 = tpu.vector_load %arg16[%get3A_479] {strides = array<i32>} : memref<32xi32, #tpu.memory_space<vmem>>, vector<16xi32>,
        %gather3A_481 = tpu.vector_load_idx %arg9[%get3A_480] : memref<10000xf32, #tpu.memory_space<vmem>>[vector<16xi32>], vector<16xf32>,
        %mul3A_482 = arith.constant 32 : i32
        %mul3A_483 = arith.muli %add3A_320, %mul3A_482 : i32
        %add3A_484 = arith.addi %add3A_19, %mul3A_483 : i32
        %add3A_485 = arith.constant 16 : i32
        %add3A_486 = arith.addi %add3A_484, %add3A_485 : i32
        %add3A_487 = vector.broadcast %add3A_486 : i32 to vector<16xi32>
        %add3A_488 = arith.addi %add3A_487, %iota3A : vector<16xi32>
        %lt3A_489 = arith.constant 160000 : i32
        %lt3A_490 = vector.broadcast %lt3A_489 : i32 to vector<16xi32>
        %lt3A_491 = arith.cmpi slt, %add3A_488, %lt3A_490 : vector<16xi32>
        %mul3A_492 = arith.mulf %gather3A_481, %add3A_478 : vector<16xf32>
        %jit3A_493 = arith.constant 0.000000e+00 : f32
        %broadcast_in_dim3A_494 = vector.broadcast %jit3A_493 : f32 to vector<16xf32>
        %select_n3A_495 = arith.select %lt3A_491, %mul3A_492, %broadcast_in_dim3A_494 : vector<16xi1>, vector<16xf32>
        %swap3A_496 = arith.constant 16 : index
        %swap3A_497 = tpu.vector_load %arg19[%swap3A_496] {strides = array<i32>} : memref<32xf32, #tpu.memory_space<vmem>>, vector<16xf32>,
        tpu.vector_store %arg19[%swap3A_496], %select_n3A_495 {strides = array<i32>} : memref<32xf32, #tpu.memory_space<vmem>>, vector<16xf32>,
        "tpu.region"() ({
          %run_scoped3A = tpu.sem_alloc : memref<!tpu.dma_semaphore, #tpu.memory_space<semaphore_mem>>
          %dma_start3A_498 = arith.constant 0 : i32
          %dma_start3A_499 = tpu.memref_slice %arg21[%dma_start3A_498] : memref<10000xf32, #tpu.memory_space<vmem_shared>> -> memref<10000xf32, #tpu.memory_space<vmem_shared>>
          tpu.enqueue_indirect_dma source(%arg19 : memref<32xf32, #tpu.memory_space<vmem>>) target(%dma_start3A_499 : memref<10000xf32, #tpu.memory_space<vmem_shared>>) offsets(%arg17 : memref<32xi32, #tpu.memory_space<vmem>>) semaphore(%run_scoped3A : memref<!tpu.dma_semaphore, #tpu.memory_space<semaphore_mem>>) {add = true}
          %dma_wait3A_500 = arith.constant 0 : i32
          %dma_wait3A_501 = tpu.memref_slice %arg21[%dma_wait3A_500] : memref<10000xf32, #tpu.memory_space<vmem_shared>> -> memref<10000xf32, #tpu.memory_space<vmem_shared>>
          tpu.wait_indirect_dma semaphore(%run_scoped3A : memref<!tpu.dma_semaphore, #tpu.memory_space<semaphore_mem>>) src(%arg19 : memref<32xf32, #tpu.memory_space<vmem>>) dst(%dma_wait3A_501 : memref<10000xf32, #tpu.memory_space<vmem_shared>>)
          tpu.yield
        }) : () -> ()
      }
      %scan3A_42 = arith.constant 102 : i32
      %dma_wait3A = arith.constant 0 : i32
      %dma_wait3A_43 = arith.constant 0 : i32
      %dma_wait3A_44 = tpu.memref_slice %arg3[%dma_wait3A, %dma_wait3A_43] : memref<10000x256xf32, #tpu.memory_space<hbm>> -> memref<10000x256xf32, #tpu.memory_space<hbm>>
      tpu.wait_indirect_dma semaphore(%arg22 : memref<!tpu.dma_semaphore, #tpu.memory_space<semaphore_mem>>) src(%dma_wait3A_44 : memref<10000x256xf32, #tpu.memory_space<hbm>>) dst(%arg10 : memref<32x256xf32, #tpu.memory_space<vmem>>)
      %dma_wait3A_45 = arith.constant 0 : i32
      %dma_wait3A_46 = arith.constant 0 : i32
      %dma_wait3A_47 = tpu.memref_slice %arg3[%dma_wait3A_45, %dma_wait3A_46] : memref<10000x256xf32, #tpu.memory_space<hbm>> -> memref<10000x256xf32, #tpu.memory_space<hbm>>
      tpu.wait_indirect_dma semaphore(%arg23 : memref<!tpu.dma_semaphore, #tpu.memory_space<semaphore_mem>>) src(%dma_wait3A_47 : memref<10000x256xf32, #tpu.memory_space<hbm>>) dst(%arg11 : memref<32x256xf32, #tpu.memory_space<vmem>>)
    } else {
    }
    %barrier3A_12 = arith.constant 0 : index
    tpu.barrier barrier_id(%barrier3A_12)
    %eq3A_13 = arith.constant 0 : i32
    %eq3A_14 = arith.cmpi eq, %arg1, %eq3A_13 : i32
    %convert_element_type3A_15 = arith.extui %eq3A_14 : i1 to i32
    %cond3A_16 = arith.constant 0 : i32
    %cond3A_17 = arith.cmpi ne, %convert_element_type3A_15, %cond3A_16 : i32
    scf.if %cond3A_17 {
      "tpu.region"() ({
        %run_scoped3A = tpu.sem_alloc : memref<!tpu.dma_semaphore, #tpu.memory_space<semaphore_mem>>
        %dma_start3A = arith.constant 0 : i32
        %dma_start3A_18 = tpu.memref_slice %arg6[%arg0, %dma_start3A] : memref<2x10000xf32, #tpu.memory_space<hbm>> -> memref<1x10000xf32, #tpu.memory_space<hbm>>
        %dma_start3A_19 = tpu.memref_squeeze %dma_start3A_18 : memref<1x10000xf32, #tpu.memory_space<hbm>> -> memref<10000xf32, #tpu.memory_space<hbm>>
        tpu.enqueue_dma source(%arg21 : memref<10000xf32, #tpu.memory_space<vmem_shared>>) target(%dma_start3A_19 : memref<10000xf32, #tpu.memory_space<hbm>>) target_semaphore(%run_scoped3A : memref<!tpu.dma_semaphore, #tpu.memory_space<semaphore_mem>>)
        %dma_wait3A = arith.constant 0 : i32
        %dma_wait3A_20 = tpu.memref_slice %arg6[%arg0, %dma_wait3A] : memref<2x10000xf32, #tpu.memory_space<hbm>> -> memref<1x10000xf32, #tpu.memory_space<hbm>>
        %dma_wait3A_21 = tpu.memref_squeeze %dma_wait3A_20 : memref<1x10000xf32, #tpu.memory_space<hbm>> -> memref<10000xf32, #tpu.memory_space<hbm>>
        tpu.wait_dma2 semaphore(%run_scoped3A : memref<!tpu.dma_semaphore, #tpu.memory_space<semaphore_mem>>) src(%arg21 : memref<10000xf32, #tpu.memory_space<vmem_shared>>) dst(%dma_wait3A_21 : memref<10000xf32, #tpu.memory_space<hbm>>)
        tpu.yield
      }) : () -> ()
    } else {
    }
    return
  }
}

module attributes {stable_mosaic.version = 14 : i64} {
  func.func @_gtable_kernel(%arg0: i32, %arg1: memref<2000x512xf32, #tpu.memory_space<vmem>>, %arg2: memref<2000x512xbf16, #tpu.memory_space<vmem>>) attributes {dimension_semantics = [#tpu.dimension_semantics<arbitrary>], iteration_bounds = array<i64: 5>, scalar_prefetch = 0 : i64, scratch_operands = 0 : i64, tpu.core_type = #tpu.core_type<tc>, window_params = [{transform_indices = @transform_0, window_bounds = array<i64: 2000, 512>}, {transform_indices = @transform_1, window_bounds = array<i64: 2000, 512>}]} {
    %get3A = arith.constant 0 : index
    %get3A_0 = arith.constant 0 : index
    %get3A_1 = vector.load %arg1[%get3A, %get3A_0] : memref<2000x512xf32, #tpu.memory_space<vmem>>, vector<2000x512xf32>
    %mul3A = arith.mulf %get3A_1, %get3A_1 : vector<2000x512xf32>
    %reduce_sum3A = arith.constant dense<0.000000e+00> : vector<2000xf32>
    %reduce_sum3A_2 = vector.multi_reduction <add>, %mul3A, %reduce_sum3A [1] : vector<2000x512xf32> to vector<2000xf32>
    %broadcast_in_dim3A = vector.shape_cast %reduce_sum3A_2 : vector<2000xf32> to vector<2000x1xf32>
    %rsqrt3A = math.rsqrt %broadcast_in_dim3A : vector<2000x1xf32>
    %mul3A_3 = vector.broadcast %rsqrt3A : vector<2000x1xf32> to vector<2000x512xf32>
    %mul3A_4 = arith.mulf %get3A_1, %mul3A_3 : vector<2000x512xf32>
    %convert_element_type3A = arith.truncf %mul3A_4 : vector<2000x512xf32> to vector<2000x512xbf16>
    %swap3A = arith.constant 0 : index
    %swap3A_5 = arith.constant 0 : index
    %swap3A_6 = vector.load %arg2[%swap3A, %swap3A_5] : memref<2000x512xbf16, #tpu.memory_space<vmem>>, vector<2000x512xbf16>
    tpu.vector_store %arg2[%swap3A, %swap3A_5], %convert_element_type3A {strides = array<i32>} : memref<2000x512xbf16, #tpu.memory_space<vmem>>, vector<2000x512xbf16>,
    return
  }
  func.func @transform_0(%arg0: i32) -> (i32, i32) {
    %c0_i32 = arith.constant 0 : i32
    %c0_i32_0 = arith.constant 0 : i32
    return %arg0, %c0_i32 : i32, i32
  }
  func.func @transform_1(%arg0: i32) -> (i32, i32) {
    %c0_i32 = arith.constant 0 : i32
    %c0_i32_0 = arith.constant 0 : i32
    return %arg0, %c0_i32 : i32, i32
  }
}

module attributes {stable_mosaic.version = 14 : i64} {
  func.func @_mlp_q_kernel(%arg0: memref<10000x2xf32, #tpu.memory_space<vmem>>, %arg1: memref<2x32xf32, #tpu.memory_space<vmem>>, %arg2: memref<1x32xf32, #tpu.memory_space<vmem>>, %arg3: memref<1x32xf32, #tpu.memory_space<vmem>>, %arg4: memref<1x32xf32, #tpu.memory_space<vmem>>, %arg5: memref<1x1xf32, #tpu.memory_space<vmem>>, %arg6: memref<32x32xf32, #tpu.memory_space<vmem>>, %arg7: memref<1x32xf32, #tpu.memory_space<vmem>>, %arg8: memref<32x32xf32, #tpu.memory_space<vmem>>, %arg9: memref<1x32xf32, #tpu.memory_space<vmem>>, %arg10: memref<32x1xf32, #tpu.memory_space<vmem>>, %arg11: memref<10000x1xf32, #tpu.memory_space<vmem>>) attributes {dimension_semantics = [], scalar_prefetch = 0 : i64, scratch_operands = 0 : i64, tpu.core_type = #tpu.core_type<tc>} {
    %get3A = arith.constant 0 : index
    %get3A_0 = arith.constant 0 : index
    %get3A_1 = vector.load %arg0[%get3A, %get3A_0] : memref<10000x2xf32, #tpu.memory_space<vmem>>, vector<10000x2xf32>
    %get3A_2 = arith.constant 0 : index
    %get3A_3 = arith.constant 0 : index
    %get3A_4 = vector.load %arg1[%get3A_2, %get3A_3] : memref<2x32xf32, #tpu.memory_space<vmem>>, vector<2x32xf32>
    %dot_general3A = arith.constant dense<0.000000e+00> : vector<10000x32xf32>
    %dot_general3A_5 = tpu.matmul %get3A_1, %get3A_4, %dot_general3A {dimension_numbers = #tpu.dot_dimension_numbers<[1], [0], [0], [1], [0, 0, 1, 1], [], []>, transpose_lhs_hint = false} : vector<10000x2xf32>, vector<2x32xf32>, vector<10000x32xf32> -> vector<10000x32xf32>
    %get3A_6 = arith.constant 0 : index
    %get3A_7 = arith.constant 0 : index
    %get3A_8 = vector.load %arg2[%get3A_6, %get3A_7] : memref<1x32xf32, #tpu.memory_space<vmem>>, vector<1x32xf32>
    %add3A = vector.broadcast %get3A_8 : vector<1x32xf32> to vector<10000x32xf32>
    %add3A_9 = arith.addf %dot_general3A_5, %add3A : vector<10000x32xf32>
    %reduce_sum3A = arith.constant dense<0.000000e+00> : vector<32xf32>
    %reduce_sum3A_10 = vector.multi_reduction <add>, %add3A_9, %reduce_sum3A [0] : vector<10000x32xf32> to vector<32xf32>
    %broadcast_in_dim3A = vector.shape_cast %reduce_sum3A_10 : vector<32xf32> to vector<1x32xf32>
    %div3A = arith.constant 1.000000e+04 : f32
    %div3A_11 = vector.broadcast %div3A : f32 to vector<1x32xf32>
    %div3A_12 = arith.divf %broadcast_in_dim3A, %div3A_11 : vector<1x32xf32>
    %sub3A = vector.broadcast %div3A_12 : vector<1x32xf32> to vector<10000x32xf32>
    %sub3A_13 = arith.subf %add3A_9, %sub3A : vector<10000x32xf32>
    %integer_pow3A = arith.mulf %sub3A_13, %sub3A_13 : vector<10000x32xf32>
    %reduce_sum3A_14 = arith.constant dense<0.000000e+00> : vector<32xf32>
    %reduce_sum3A_15 = vector.multi_reduction <add>, %integer_pow3A, %reduce_sum3A_14 [0] : vector<10000x32xf32> to vector<32xf32>
    %broadcast_in_dim3A_16 = vector.shape_cast %reduce_sum3A_15 : vector<32xf32> to vector<1x32xf32>
    %div3A_17 = arith.constant 1.000000e+04 : f32
    %div3A_18 = vector.broadcast %div3A_17 : f32 to vector<1x32xf32>
    %div3A_19 = arith.divf %broadcast_in_dim3A_16, %div3A_18 : vector<1x32xf32>
    %sub3A_20 = vector.broadcast %div3A_12 : vector<1x32xf32> to vector<10000x32xf32>
    %sub3A_21 = arith.subf %add3A_9, %sub3A_20 : vector<10000x32xf32>
    %add3A_22 = arith.constant 9.99999974E-6 : f32
    %add3A_23 = vector.broadcast %add3A_22 : f32 to vector<1x32xf32>
    %add3A_24 = arith.addf %div3A_19, %add3A_23 : vector<1x32xf32>
    %sqrt3A = math.sqrt %add3A_24 : vector<1x32xf32>
    %div3A_25 = vector.broadcast %sqrt3A : vector<1x32xf32> to vector<10000x32xf32>
    %div3A_26 = arith.divf %sub3A_21, %div3A_25 : vector<10000x32xf32>
    %get3A_27 = arith.constant 0 : index
    %get3A_28 = arith.constant 0 : index
    %get3A_29 = vector.load %arg3[%get3A_27, %get3A_28] : memref<1x32xf32, #tpu.memory_space<vmem>>, vector<1x32xf32>
    %mul3A = vector.broadcast %get3A_29 : vector<1x32xf32> to vector<10000x32xf32>
    %mul3A_30 = arith.mulf %div3A_26, %mul3A : vector<10000x32xf32>
    %get3A_31 = arith.constant 0 : index
    %get3A_32 = arith.constant 0 : index
    %get3A_33 = vector.load %arg4[%get3A_31, %get3A_32] : memref<1x32xf32, #tpu.memory_space<vmem>>, vector<1x32xf32>
    %add3A_34 = vector.broadcast %get3A_33 : vector<1x32xf32> to vector<10000x32xf32>
    %add3A_35 = arith.addf %mul3A_30, %add3A_34 : vector<10000x32xf32>
    %ge3A = arith.constant 0.000000e+00 : f32
    %ge3A_36 = vector.broadcast %ge3A : f32 to vector<10000x32xf32>
    %ge3A_37 = arith.cmpf oge, %add3A_35, %ge3A_36 : vector<10000x32xf32>
    %get3A_38 = arith.constant 0 : index
    %get3A_39 = arith.constant 0 : index
    %get3A_40 = vector.load %arg5[%get3A_38, %get3A_39] : memref<1x1xf32, #tpu.memory_space<vmem>>, vector<1x1xf32>
    %get3A_41 = vector.extract %get3A_40[0, 0] : f32 from vector<1x1xf32>
    %mul3A_42 = vector.broadcast %get3A_41 : f32 to vector<10000x32xf32>
    %mul3A_43 = arith.mulf %mul3A_42, %add3A_35 : vector<10000x32xf32>
    %select_n3A = arith.select %ge3A_37, %add3A_35, %mul3A_43 : vector<10000x32xi1>, vector<10000x32xf32>
    %get3A_44 = arith.constant 0 : index
    %get3A_45 = arith.constant 0 : index
    %get3A_46 = vector.load %arg6[%get3A_44, %get3A_45] : memref<32x32xf32, #tpu.memory_space<vmem>>, vector<32x32xf32>
    %dot_general3A_47 = arith.constant dense<0.000000e+00> : vector<10000x32xf32>
    %dot_general3A_48 = tpu.matmul %select_n3A, %get3A_46, %dot_general3A_47 {dimension_numbers = #tpu.dot_dimension_numbers<[1], [0], [0], [1], [0, 0, 1, 1], [], []>, transpose_lhs_hint = false} : vector<10000x32xf32>, vector<32x32xf32>, vector<10000x32xf32> -> vector<10000x32xf32>
    %get3A_49 = arith.constant 0 : index
    %get3A_50 = arith.constant 0 : index
    %get3A_51 = vector.load %arg7[%get3A_49, %get3A_50] : memref<1x32xf32, #tpu.memory_space<vmem>>, vector<1x32xf32>
    %add3A_52 = vector.broadcast %get3A_51 : vector<1x32xf32> to vector<10000x32xf32>
    %add3A_53 = arith.addf %dot_general3A_48, %add3A_52 : vector<10000x32xf32>
    %get3A_54 = arith.constant 0 : index
    %get3A_55 = arith.constant 0 : index
    %get3A_56 = vector.load %arg8[%get3A_54, %get3A_55] : memref<32x32xf32, #tpu.memory_space<vmem>>, vector<32x32xf32>
    %get3A_57 = arith.constant 0 : index
    %get3A_58 = arith.constant 0 : index
    %get3A_59 = vector.load %arg10[%get3A_57, %get3A_58] : memref<32x1xf32, #tpu.memory_space<vmem>>, vector<32x1xf32>
    %dot_general3A_60 = arith.constant dense<0.000000e+00> : vector<32x1xf32>
    %dot_general3A_61 = tpu.matmul %get3A_56, %get3A_59, %dot_general3A_60 {dimension_numbers = #tpu.dot_dimension_numbers<[1], [0], [0], [1], [0, 0, 1, 1], [], []>, transpose_lhs_hint = false} : vector<32x32xf32>, vector<32x1xf32>, vector<32x1xf32> -> vector<32x1xf32>
    %get3A_62 = arith.constant 0 : index
    %get3A_63 = arith.constant 0 : index
    %get3A_64 = vector.load %arg9[%get3A_62, %get3A_63] : memref<1x32xf32, #tpu.memory_space<vmem>>, vector<1x32xf32>
    %get3A_65 = arith.constant 0 : index
    %get3A_66 = arith.constant 0 : index
    %get3A_67 = vector.load %arg10[%get3A_65, %get3A_66] : memref<32x1xf32, #tpu.memory_space<vmem>>, vector<32x1xf32>
    %dot_general3A_68 = arith.constant dense<0.000000e+00> : vector<1x1xf32>
    %dot_general3A_69 = tpu.matmul %get3A_64, %get3A_67, %dot_general3A_68 {dimension_numbers = #tpu.dot_dimension_numbers<[1], [0], [0], [1], [0, 0, 1, 1], [], []>, transpose_lhs_hint = false} : vector<1x32xf32>, vector<32x1xf32>, vector<1x1xf32> -> vector<1x1xf32>
    %dot_general3A_70 = arith.constant dense<0.000000e+00> : vector<10000x1xf32>
    %dot_general3A_71 = tpu.matmul %add3A_53, %dot_general3A_61, %dot_general3A_70 {dimension_numbers = #tpu.dot_dimension_numbers<[1], [0], [0], [1], [0, 0, 1, 1], [], []>, transpose_lhs_hint = false} : vector<10000x32xf32>, vector<32x1xf32>, vector<10000x1xf32> -> vector<10000x1xf32>
    %squeeze3A = vector.extract %dot_general3A_69[0, 0] : f32 from vector<1x1xf32>
    %add3A_72 = vector.broadcast %squeeze3A : f32 to vector<10000x1xf32>
    %add3A_73 = arith.addf %dot_general3A_71, %add3A_72 : vector<10000x1xf32>
    %swap3A = arith.constant 0 : index
    %swap3A_74 = arith.constant 0 : index
    %swap3A_75 = vector.load %arg11[%swap3A, %swap3A_74] : memref<10000x1xf32, #tpu.memory_space<vmem>>, vector<10000x1xf32>
    tpu.vector_store %arg11[%swap3A, %swap3A_74], %add3A_73 {strides = array<i32>} : memref<10000x1xf32, #tpu.memory_space<vmem>>, vector<10000x1xf32>,
    return
  }
}

module attributes {stable_mosaic.version = 14 : i64} {
  func.func @_finish_kernel(%arg0: memref<2x10000xf32, #tpu.memory_space<vmem>>, %arg1: memref<1x1xf32, #tpu.memory_space<vmem>>, %arg2: memref<1x10000xf32, #tpu.memory_space<vmem>>) attributes {dimension_semantics = [], scalar_prefetch = 0 : i64, scratch_operands = 0 : i64, tpu.core_type = #tpu.core_type<tc>} {
    %get3A = arith.constant 0 : index
    %get3A_0 = arith.constant 0 : index
    %get3A_1 = vector.load %arg0[%get3A, %get3A_0] : memref<2x10000xf32, #tpu.memory_space<vmem>>, vector<1x10000xf32>
    %get3A_2 = arith.constant 1 : index
    %get3A_3 = arith.constant 0 : index
    %get3A_4 = vector.load %arg0[%get3A_2, %get3A_3] : memref<2x10000xf32, #tpu.memory_space<vmem>>, vector<1x10000xf32>
    %add3A = arith.addf %get3A_1, %get3A_4 : vector<1x10000xf32>
    %get3A_5 = arith.constant 0 : index
    %get3A_6 = arith.constant 0 : index
    %get3A_7 = vector.load %arg1[%get3A_5, %get3A_6] : memref<1x1xf32, #tpu.memory_space<vmem>>, vector<1x1xf32>
    %get3A_8 = vector.extract %get3A_7[0, 0] : f32 from vector<1x1xf32>
    %add3A_9 = vector.broadcast %get3A_8 : f32 to vector<1x10000xf32>
    %add3A_10 = arith.addf %add3A, %add3A_9 : vector<1x10000xf32>
    %swap3A = arith.constant 0 : index
    %swap3A_11 = arith.constant 0 : index
    %swap3A_12 = vector.load %arg2[%swap3A, %swap3A_11] : memref<1x10000xf32, #tpu.memory_space<vmem>>, vector<1x10000xf32>
    tpu.vector_store %arg2[%swap3A, %swap3A_11], %add3A_10 {strides = array<i32>} : memref<1x10000xf32, #tpu.memory_space<vmem>>, vector<1x10000xf32>,
    return
  }
}

</mosaic_0001>

<sc_bundles>
// kernel: kernel.6.cloned.1.call-start
scs
__scs_entry_jumppad:
0x0: {  	(pc) =	sbr.rel $0x88, $3  }
0x1: {  	(tag) =	ssettag $0x0;
	lr =	simm.s32 $0x1  }
0x2: {  	[smem:$0x3F93] =	sst lr;
	_ =	strace $0xD0000000  }
0x3: {  	_ = 	snop  }
0x4: {  	_ = 	snop  }
0x5: {  	_ = 	snop  }
0x6: {  	_ = 	snop  }
0x7: {  	_ = 	snop  }
__scs_overlays_trampoline_lowered:
0x8: {  	[smem:$0x3FA2] =	sst s0  }
0x9: {  	[smem:$0x3FA3] =	sst s1  }
0xa: {  	[smem:$0x3FA4] =	sst s2  }
0xb: {  	[smem:$0x3FA5] =	sst s3  }
0xc: {  	[smem:$0x3FA6] =	sst s4  }
0xd: {  	[smem:$0x3FA7] =	sst s5  }
0xe: {  	[smem:$0x3FA8] =	sst s6  }
0xf: {  	[smem:$0x3FA9] =	sst s7  }
0x10: {  	[smem:$0x3FAA] =	sst s8  }
0x11: {  	[smem:$0x3FAB] =	sst s9;
	s0 =	simm.s32 @!p0 $0x0  }
0x12: {  	s1 =	sld [smem:$0x3F91];
	s0 =	simm.s32 @p0 $0x1  }
0x13: {  	[smem:$0x3FAC] =	sst s0;
	s0 =	simm.s32 @!p1 $0x0  }
0x14: {  	s2 =	sld [smem:$0x3F90];
	s0 =	simm.s32 @p1 $0x1  }
0x15: {  	[smem:$0x3FAD] =	sst s0;
	s0 =	simm.s32 @!p2 $0x0  }
0x16: {  	s3 =	sld [smem:$0x3FDB];
	s0 =	simm.s32 @p2 $0x1  }
0x17: {  	s4 =	simm.s32 $0x1BF5;
	[smem:$0x3FAF] =	sst s0  }
0x18: {  	s0 =	sld [smem:$0x3F92];
	_ =	swait.ge [sflag:s4], $0x0  }
0x19: {  	s7 =	sld [smem:$0x3F93]  }
0x1a: {  	s8 =	sadd.s32 $0xFFFFE003, lr  }
0x1b: {  	s9 =	sadd.s32 $0xFFFFFEF7, lr;
	s5 =	simm.s32 $0xFFFFFFFF;
	p2 =	slt.u32 s8, $0xFFFFF086  }
0x1c: {  	p1 =	slt.u32 s9, $0xF7A;
	s5 =	simm.s32 @!p2 $0x0  }
0x1d: {  	s5 =	simm.s32 @p1 $0x1;
	p0 =	seq.s32 s7, s2  }
0x1e: {  	s7 =	smul.u32 @!p0 $0xF7A, s2;
	p2 =	seq.s32 @!p0 s5, $0x0  }
0x1f: {  	s9 =	smul.u32 $0xF7A, s1;
	s8 =	simm.s32 @!p0 $0x1BF5;
	p2 =	por !p2, p0  }
0x20: {  	[sflag:s8] =	ssyncset.s32 @!p0 $0xFFFFF086;
	s6 =	sadd.s32 @!p0 s3, s7;
	s7 =	simm.s32 @!p0 $0x108  }
0x21: {  	s3 =	sadd.s32 s3, s9;
	s6 =	sadd.s32 @!p0 $0x88, s6;
	s7 =	simm.s32 @p2 $0x1082  }
0x22: {  	[simem:s7], [sflag:s8] =	dma.local @!p0 [hbm:s6], $0xF7A  }
0x23: {  	s9 =	sor.u32 $0xD0000000, s2;
	s6 =	simm.s32 $0x108;
	_ =	swait.ge @!p0 [sflag:s8], $0x0  }
0x24: {  	s3 =	sadd.s32 $0x88, s3;
	s6 =	simm.s32 @!p1 $0x1082;
	[sflag:s4] =	ssyncset.s32 $0xFFFFF086  }
0x25: {  	[simem:s6], [sflag:s4] =	dma.local [hbm:s3], $0xF7A  }
0x26: {  	[smem:$0x3F93] =	sst s1;
	(tag) =	ssettag s2;
	_ =	strace s9  }
0x27: {  	s1 =	sld [smem:$0x3FA3]  }
0x28: {  	s2 =	sld [smem:$0x3FA4]  }
0x29: {  	s4 =	sld [smem:$0x3FA6]  }
0x2a: {  	p0 =	seq.s32 s5, $0x0;
	s5 =	sld [smem:$0x3FA7]  }
0x2b: {  	s6 =	sld [smem:$0x3FA8]  }
0x2c: {  	s7 =	sld [smem:$0x3FA9]  }
0x2d: {  	s3 =	simm.s32 $0x108;
	s8 =	sld [smem:$0x3FAA]  }
0x2e: {  	s3 =	simm.s32 @!p0 $0x1082;
	s9 =	sld [smem:$0x3FAB]  }
0x2f: {  	lr =	sadd.s32 s0, s3;
	s0 =	sld [smem:$0x3FA2]  }
0x30: {  	s3 =	sld [smem:$0x3FA5]  }
0x31: {  	[smem:$0x3FAE] =	sst s10  }
0x32: {  	s10 =	sld [smem:$0x3FAC];
	_ =	sdelay $0x3  }
0x33: {  	p0 =	seq.s32 s10, $0x1;
	s10 =	sld [smem:$0x3FAE];
	_ =	sdelay $0x3  }
0x34: {  	[smem:$0x3FAE] =	sst s10  }
0x35: {  	s10 =	sld [smem:$0x3FAD];
	_ =	sdelay $0x3  }
0x36: {  	p1 =	seq.s32 s10, $0x1;
	s10 =	sld [smem:$0x3FAE];
	_ =	sdelay $0x3  }
0x37: {  	[smem:$0x3FAE] =	sst s10  }
0x38: {  	s10 =	sld [smem:$0x3FAF]  }
0x39: {  	_ = 	snop;
	(pc) =	sbr.ind lr, $3  }
0x3a: {  	_ = 	snop  }
0x3b: {  	_ = 	snop  }
0x3c: {  	p2 =	seq.s32 s10, $0x1;
	s10 =	sld [smem:$0x3FAE]  }
0x3d: {  	_ =	shalt  }
0x3e: {  	_ =	shalt  }
0x3f: {  	_ =	shalt  }
0x40: {  	_ =	shalt  }
0x41: {  	_ =	shalt  }
0x42: {  	_ =	shalt  }
0x43: {  	_ =	shalt  }
0x44: {  	_ =	shalt  }
0x45: {  	_ =	shalt  }
0x46: {  	_ =	shalt  }
0x47: {  	_ =	shalt  }
0x48: {  	_ =	shalt  }
0x49: {  	_ =	shalt  }
0x4a: {  	_ =	shalt  }
0x4b: {  	_ =	shalt  }
0x4c: {  	_ =	shalt  }
0x4d: {  	_ =	shalt  }
0x4e: {  	_ =	shalt  }
0x4f: {  	_ =	shalt  }
0x50: {  	_ =	shalt  }
0x51: {  	_ =	shalt  }
0x52: {  	_ =	shalt  }
0x53: {  	_ =	shalt  }
0x54: {  	_ =	shalt  }
0x55: {  	_ =	shalt  }
0x56: {  	_ =	shalt  }
0x57: {  	_ =	shalt  }
0x58: {  	_ =	shalt  }
0x59: {  	_ =	shalt  }
0x5a: {  	_ =	shalt  }
0x5b: {  	_ =	shalt  }
0x5c: {  	_ =	shalt  }
0x5d: {  	_ =	shalt  }
0x5e: {  	_ =	shalt  }
0x5f: {  	_ =	shalt  }
0x60: {  	_ =	shalt  }
0x61: {  	_ =	shalt  }
0x62: {  	_ =	shalt  }
0x63: {  	_ =	shalt  }
0x64: {  	_ =	shalt  }
0x65: {  	_ =	shalt  }
0x66: {  	_ =	shalt  }
0x67: {  	_ =	shalt  }
0x68: {  	_ =	shalt  }
0x69: {  	_ =	shalt  }
0x6a: {  	_ =	shalt  }
0x6b: {  	_ =	shalt  }
0x6c: {  	_ =	shalt  }
0x6d: {  	_ =	shalt  }
0x6e: {  	_ =	shalt  }
0x6f: {  	_ =	shalt  }
0x70: {  	_ =	shalt  }
0x71: {  	_ =	shalt  }
0x72: {  	_ =	shalt  }
0x73: {  	_ =	shalt  }
0x74: {  	_ =	shalt  }
0x75: {  	_ =	shalt  }
0x76: {  	_ =	shalt  }
0x77: {  	_ =	shalt  }
0x78: {  	_ =	shalt  }
0x79: {  	_ =	shalt  }
0x7a: {  	_ =	shalt  }
0x7b: {  	_ =	shalt  }
0x7c: {  	_ =	shalt  }
0x7d: {  	_ =	shalt  }
0x7e: {  	_ =	shalt  }
0x7f: {  	_ =	shalt  }
0x80: {  	_ =	shalt  }
0x81: {  	_ =	shalt  }
0x82: {  	_ =	shalt  }
0x83: {  	_ =	shalt  }
0x84: {  	_ =	shalt  }
0x85: {  	_ =	shalt  }
0x86: {  	_ =	shalt  }
0x87: {  	_ =	shalt  }
.Lfunc_end0:
.L_simem_size_0:
called_computation_lowered:
.L_overlay_start_0:
0x88: {  	s2 =	sld [smem:$0x3FD9]  }
0x89: {  	s3 =	sld [smem:$0x3FFE];
	_ =	sdelay $0x1  }
0x8a: {  	s1 =	srdreg.scid  }
0x8b: {  	s0 =	sand.u32 $0x1, s1  }
0x8c: {  	s17 =	sshll.u32 s0, $0xA;
	s2 =	sadd.s32 s3, s2  }
0x8d: {  	s2 =	sadd.s32 s2, s17  }
0x8e: {  	[smem:$0x3FBA] =	sst s2  }
0x8f: {  	_ = 	snop  }
0x90: {  	s2 =	sld [smem:$0x3FD0];
	(tm) =	ssettm $0x1  }
0x91: {  	s18 =	sld [smem:$0x3FFB];
	_ =	sdelay $0x3  }
0x92: {  	_ =	strace s18  }
0x93: {  	s3 =	sld [smem:$0x3FFC];
	_ =	sdelay $0x3  }
0x94: {  	_ =	strace s3  }
0x95: {  	s3 =	sld [smem:$0x3FFD];
	_ =	sdelay $0x3  }
0x96: {  	_ =	strace s3  }
0x97: {  	_ =	strace $0x8FFFFFFF  }
0x98: {  	s19 =	sld [smem:$0x3FDB];
	_ =	sdelay $0x1  }
0x99: {  	s4 =	simm.s32 $_scs_section_size  }
0x9a: {  	s5 =	simm.s32 $_size__tile_overlayer_lowered;
	s6 =	simm.s32 $_tile_overlayer_lowered  }
0x9b: {  	s22 =	simm.s32 $0x1BFF;
	s21 =	sshll.u32 s6, $0x1;
	s3 =	sadd.s32 s4, s19  }
0x9c: {  	s7 =	simm.s32 $0x0;
	s20 =	sshll.u32 s5, $0x1;
	s5 =	sadd.s32 s21, s3  }
0x9d: {  	[timem:s7], [sflag:s22] =	dma.local [hbm:s5], s20  }
0x9e: {  	_ =	swait.ge [sflag:s22], s20  }
0x9f: {  	s4 =	ssub.s32 $0x0, s20;
	[sflag:s22] =	ssyncset.done $0x0  }
0xa0: {  	[sflag:s22] =	ssyncadd.s32 s4;
	_ =	sdelay $0x1  }
0xa1: {  	s23 =	simm.s32 $0x1B8B  }
0xa2: {  	_ =	swait.ge [sflag:s23], $0x1  }
0xa3: {  	[sflag:s23] =	ssyncset.done $0x0  }
0xa4: {  	s25 =	simm.s32 $0x1B8E;
	s24 =	sld [smem:$0x3FFE];
	[sflag:s23] =	ssyncadd.s32 $0xFFFFFFFF  }
0xa5: {  	s26 =	simm.s32 $execute0_lowered;
	[smem:$0x3FD2] =	sst s25  }
0xa6: {  	s5 =	sshll.u32 s26, $0x1;
	_ =	strace $0x80000046;
	[dreg:$0x1] =	wrdreg $0xFFFFFFFF  }
0xa7: {  	s28 =	simm.s32 $_size_execute0_lowered;
	s3 =	sadd.s32 s3, s5;
	[dreg:$0x0] =	wrdreg $0x0  }
0xa8: {  	s5 =	sshll.u32 s28, $0x1;
	[dreg:$0x2] =	wrdreg s3  }
0xa9: {  	[dreg:$0x3] =	wrdreg s5  }
0xaa: {  	[dreg:$0x4] =	wrdreg $0xC0  }
0xab: {  	_ =	task [dreg:s7], $0x5FFFF  }
0xac: {  	[dreg:$0x1] =	wrdreg $0xFFFFFFFF  }
0xad: {  	[dreg:$0x0] =	wrdreg $0x60  }
0xae: {  	[dreg:$0x2] =	wrdreg s2  }
0xaf: {  	[dreg:$0x3] =	wrdreg s24  }
0xb0: {  	[dreg:$0x4] =	wrdreg $0xF5000  }
0xb1: {  	[dreg:$0x5] =	wrdreg $0x9  }
0xb2: {  	_ =	task.clear_ibuf [dreg:s7], $0x6FFFF;
	_ =	strace $0x90000046  }
0xb3: {  	s29 =	simm.s32 $0x9;
	_ =	strace $0x80000048  }
0xb4: {  	_ =	swait.ge [sflag:s29], $0x1  }
0xb5: {  	[sflag:s29] =	ssyncadd.s32 $0xFFFFFFFF  }
0xb6: {  	_ =	strace $0x90000048  }
0xb7: {  	_ =	sfence  }
0xb8: {  	s30 =	sld [smem:$0x0];
	_ =	sdelay $0x2  }
0xb9: {  	s31 =	sshll.u32 s1, $0xD;
	s1 =	sshrl.u32 s1, $0x2  }
0xba: {  	s3 =	sand.u32 $0x4000, s31;
	s1 =	sadd.s32 s1, s30  }
0xbb: {  	s0 =	sor.u32 s3, s0;
	s1 =	sshll.u32 s1, $0x11  }
0xbc: {  	s0 =	sor.u32 s1, s0  }
0xbd: {  	s0 =	sadd.s32 $0x8F2B, s0  }
0xbe: {  	[sflag:s0] =	ssyncadd.remote.s32 $0x1  }
0xbf: {  	_ =	sfence.sel $0xFFFF  }
0xc0: {  	[dreg:$0x0] =	wrdreg $0xFFFFFFFF;
	(pc) =	sbr.abs _section_cstart, $3  }
0xc1: {  	[dreg:$0x1] =	wrdreg $0xFFFFFFFF  }
0xc2: {  	_ =	task.clear_ibuf [dreg:s7], $0x2FFFF;
	_ =	strace $0x9FFFFFFF  }
0xc3: {  	(tm) =	ssettm $0x7FFFFFFF  }
tec
execute0_lowered:
.L_overlay_start_1:
0x0: {  	(tag) =	ssettag $0x1  }
0x1: {  	s2 =	rddreg [dreg:$0x1]  }
0x2: {  	s3 =	rddreg [dreg:$0x2]  }
0x3: {  	s0 =	simm.s32 $0x0;
	s19 =	srdreg.scid;
	s4 =	stileid.u32  }
0x4: {  	s18 =	simm.s32 $0x5;
	s28 =	simm.s32 $0x8A80;
	s29 =	simm.s32 $0x9280  }
0x5: {  	s17 =	simm.s32 $0x3;
	[smem:$0x7FF] =	sst s0;
	s1 =	sadd.s32 $0x4E200, s2  }
0x6: {  	s0 =	sand.u32 $0x1, s19;
	s7 =	sadd.s32 $0x53200, s2;
	s8 =	smul.u32 $0x1980, s4  }
0x7: {  	s5 =	smul.u32 $0xE40, s4;
	s25 =	sadd.s32 $0x7D0, s3;
	s26 =	sadd.s32 $0xFA0, s3  }
0x8: {  	s30 =	sadd.s32 $0x1770, s3;
	s31 =	sadd.s32 $0x1F40, s3;
	p1 =	seq.s32 s4, $0x0  }
0x9: {  	s19 =	simm.s32 $0x3300;
	_ =	strace $0x80000047;
	[dreg:$0xa] =	wrdreg s25  }
0xa: {  	p2 =	sne.s32 s4, $0x0;
	s4 =	simm.s32 $0x2;
	[dreg:$0xb] =	wrdreg s26  }
0xb: {  	s6 =	ssub.s32 $0x2, s0;
	s9 =	sshll.u32 s0, $0x4;
	[dreg:$0xc] =	wrdreg s30  }
0xc: {  	p0 =	seq.s32 s0, $0x1;
	[dreg:$0xd] =	wrdreg s31;
	s25 =	simm.s32 $0x7A80  }
0xd: {  	s26 =	simm.s32 $0x8280;
	s10 =	sshrl.u32 s6, $0x1;
	s9 =	sadd.s32 s9, s2  }
0xe: {  	s20 =	sshrl.u32 s5, $0x3;
	s10 =	ssub.s32 s6, s10;
	s6 =	sadd.s32 $0xE400, s8  }
0xf: {  	s11 =	sadd.s32 s1, s20;
	s0 =	sadd.s32 s7, s20;
	s23 =	sadd.s32 $0x58200, s9  }
0x10: {  	s20 =	simm.s32 $0x1;
	s9 =	simm.s32 $0x0;
	[dreg:$0x4] =	wrdreg s11  }
.Ltmp0:
0x11: {  	v0 =	vlaneseq.u32;
	s8 =	sshrl.u32 s6, $0x3;
	[dreg:$0x5] =	wrdreg s0;
	(pc) =	sbr.rel .LBB2_1-.Ltmp0, $4  }
0x12: {  	v1 =	vand.u32 $0x7, v0;
	v3 =	vshrl.u32 v0, $0x3;
	[dreg:$0x8] =	wrdreg s23;
	s24 =	smax.u32 s10, $0x1;
	s10 =	simm.s32 $0xEC80  }
0x13: {  	v0 =	vor.u32 $0x8, v0;
	[tilespmem:$0x1FFD0] =	vst v1;
	v63 =	vmul.u32 $0x8, v3;
	s11 =	simm.s32 $0x4;
	s21 =	sadd.s32 s1, s8;
	[dreg:$0x9] =	wrdreg s24  }
0x14: {  	[tilespmem:$0x1FFF0] =	vst v0;
	s22 =	sadd.s32 s7, s8;
	s24 =	simm.s32 $0x7280;
	[dreg:$0x6] =	wrdreg s21  }
0x15: {  	vm0 =	vmmov $0xffff;
	[tilespmem:$0x1FFE0] =	vst v63;
	s7 =	simm.s32 $0xDC80;
	s8 =	simm.s32 $0x20;
	[dreg:$0x7] =	wrdreg s22  }
.LBB2_18:
0x16: {  	_ =	swait.ge [sflag:s20], $0x2000  }
0x17: {  	[sflag:s20] =	ssyncset.done $0x0  }
0x18: {  	[sflag:s20] =	ssyncadd.s32 $0xFFFFE000  }
0x19: {  	_ =	swait.ge [sflag:s4], $0x2000  }
0x1a: {  	[sflag:s4] =	ssyncset.done $0x0  }
0x1b: {  	s0 =	sshrl.u32 @!p2 s3, $0x3;
	[sflag:s4] =	ssyncadd.s32 $0xFFFFE000  }
0x1c: {  	s1 =	simm.s32 @!p2 $0x1;
	s9 =	simm.s32 @!p2 $0x20;
	[bflag:$0x0] =	sbarrier.arrive $0xFFFF  }
0x1d: {  	s12 =	simm.s32 @!p2 $0x10;
	s13 =	simm.s32 @!p2 $0x1C05;
	s14 =	rddreg [dreg:$0x8]  }
0x1e: {  	[hbm:s14@s9], [sflag:s13] =	dma.strided @!p2 [spmem:s0@s12], $0x4F0, s1, $0x10   }
0x1f: {  	s0 =	simm.s32 @!p2 $0x5  }
0x20: {  	_ =	swait.ge @!p2 [sflag:s0], $0x4F0  }
0x21: {  	s30 =	rddreg [dreg:$0xe]  }
0x22: {  	s31 =	rddreg [dreg:$0x9];
	s9 =	sadd.s32 $0x1, s30  }
0x23: {  	p3 =	sne.s32 s9, s31  }
.Ltmp1:
0x24: {  	_ = 	snop;
	(pc) =	sbr.rel @!p3 .LBB2_19-.Ltmp1, $3  }
0x25: {  	_ =	sdelay $0x1  }
0x26: {  	[sflag:s0] =	ssyncset.done @!p2 $0x0  }
0x27: {  	[sflag:s0] =	ssyncadd.s32 @!p2 $0xFFFFFB10  }
.LBB2_1:
.Ltmp2:
0x28: {  	(pc) =	sbr.rel @!p1 .LBB2_5-.Ltmp2, $1  }
0x29: {  	_ =	sdelay $0x3  }
0x2a: {  	s0 =	simm.s32 $0x40;
	s1 =	simm.s32 $0x0;
	v0 =	vimm.f32 $0.0e+00  }
.LBB2_3:
0x2b: {  	p3 =	seq.s32 s0, $0x1F00;
	[tilespmem:s1+$0xED00] =	vst v0;
	s1 =	smov.u32 s0;
	s0 =	sadd.s32 $0x40, s0  }
.Ltmp3:
0x2c: {  	(pc) =	sbr.rel @!p3 .LBB2_3-.Ltmp3, $2  }
0x2d: {  	_ =	sdelay $0x2  }
0x2e: {  	s1 =	sshra.s32 s1, $0x2  }
0x2f: {  	[tilespmem:s1+$0xED00] =	vst v0;
	s22 =	simm.s32 $0xED00  }
0x30: {  	[spmem:s3] =	stream.linear.scatter [tilespmem:s22], [sflag:$0x5], $0x7D0, $0x38;
	[tilespmem:$0xF778] =	vst v63  }
0x31: {  	_ =	swait.ge [sflag:s18], $0x7D0  }
0x32: {  	[sflag:s18] =	ssyncset.done $0x0  }
0x33: {  	s0 =	rddreg [dreg:$0xa];
	[sflag:s18] =	ssyncadd.s32 $0xFFFFF830  }
0x34: {  	[spmem:s0] =	stream.linear.scatter [tilespmem:s22], [sflag:$0x5], $0x7D0, $0x38;
	[tilespmem:$0xF778] =	vst v63  }
0x35: {  	_ =	swait.ge [sflag:s18], $0x7D0  }
0x36: {  	[sflag:s18] =	ssyncset.done $0x0  }
0x37: {  	s23 =	rddreg [dreg:$0xb];
	[sflag:s18] =	ssyncadd.s32 $0xFFFFF830  }
0x38: {  	[spmem:s23] =	stream.linear.scatter [tilespmem:s22], [sflag:$0x5], $0x7D0, $0x38;
	[tilespmem:$0xF778] =	vst v63  }
0x39: {  	_ =	swait.ge [sflag:s18], $0x7D0  }
0x3a: {  	[sflag:s18] =	ssyncset.done $0x0  }
0x3b: {  	s30 =	rddreg [dreg:$0xc];
	[sflag:s18] =	ssyncadd.s32 $0xFFFFF830  }
0x3c: {  	[spmem:s30] =	stream.linear.scatter [tilespmem:s22], [sflag:$0x5], $0x7D0, $0x38;
	[tilespmem:$0xF778] =	vst v63  }
0x3d: {  	_ =	swait.ge [sflag:s18], $0x7D0  }
0x3e: {  	[sflag:s18] =	ssyncset.done $0x0  }
0x3f: {  	s31 =	rddreg [dreg:$0xd];
	[sflag:s18] =	ssyncadd.s32 $0xFFFFF830  }
0x40: {  	[spmem:s31] =	stream.linear.scatter [tilespmem:s22], [sflag:$0x5], $0x7D0, $0x38;
	[tilespmem:$0xF778] =	vst v63  }
0x41: {  	_ =	swait.ge [sflag:s18], $0x7D0  }
0x42: {  	[sflag:s18] =	ssyncset.done $0x0  }
0x43: {  	[sflag:s18] =	ssyncadd.s32 $0xFFFFF830  }
.LBB2_5:
0x44: {  	[bflag:$0x0] =	sbarrier.arrive $0xFFFF  }
.Ltmp4:
0x45: {  	s1 =	simm.s32 $0x0;
	s0 =	rddreg [dreg:$0x0];
	(pc) =	sbr.rel @!p0 .LBB2_6-.Ltmp4, $4  }
0x46: {  	[tilespmem:s19], [sflag:$0x5] =	stream.linear.gather [hbm4b:s0+s1], $0x2780, $0x38;
	[tilespmem:$0xF778] =	vst v63  }
0x47: {  	_ =	swait.ge [sflag:s18], $0x2780  }
0x48: {  	[sflag:s18] =	ssyncset.done $0x0  }
0x49: {  	s30 =	simm.s32 $0x0;
	[dreg:$0xe] =	wrdreg s9;
	[sflag:s18] =	ssyncadd.s32 $0xFFFFD880  }
0x4a: {  	s0 =	rddreg [dreg:$0x6]  }
0x4b: {  	[tilespmem:s30], [sflag:$0x5] =	stream.linear.gather [hbm4b:s0+s30], $0x1980, $0x38;
	[tilespmem:$0xF778] =	vst v63  }
0x4c: {  	_ =	swait.ge [sflag:s18], $0x1980  }
0x4d: {  	[sflag:s18] =	ssyncset.done $0x0  }
0x4e: {  	s1 =	simm.s32 $0x1980;
	s16 =	rddreg [dreg:$0x7];
	[sflag:s18] =	ssyncadd.s32 $0xFFFFE680  }
0x4f: {  	[tilespmem:s1], [sflag:$0x5] =	stream.linear.gather [hbm4b:s16+s30], $0x1980, $0x38;
	[tilespmem:$0xF778] =	vst v63  }
0x50: {  	_ =	swait.ge [sflag:s18], $0x1980  }
0x51: {  	[sflag:s18] =	ssyncset.done $0x0  }
0x52: {  	[sflag:s18] =	ssyncadd.s32 $0xFFFFE680  }
0x53: {  	v0 =	vld [tilespmem:$0x0];
	_ =	sdelay $0x4  }
0x54: {  	[tilespmem:$0xDA80] =	vst v0  }
0x55: {  	v0 =	vld [tilespmem:$0xDA80];
	_ =	sdelay $0x2  }
0x56: {  	v5 =	vld [tilespmem:$0x1FFD0]  }
0x57: {  	v6 =	vld [tilespmem:$0x1FFE0]  }
0x58: {  	v7 =	vld [tilespmem:$0x1FFF0];
	v1 =	vshll.u32 v0, $0x1  }
0x59: {  	v0 =	vand.u32 $0x7, v0;
	v1 =	vand.u32 $0xFFFFFFF0, v1  }
0x5a: {  	v2 =	vld [tilespmem:$0x1980];
	v0 =	vor.u32 v0, v1  }
0x5b: {  	v60 =	vld [tilespmem:$0x10];
	v3 =	vperm.xlane v0, v5  }
0x5c: {  	v4 =	vld [tilespmem:$0x1990]  }
0x5d: {  	v0 =	vperm.xlane v0, v7;
	v3 =	vadd.s32 v6, v3;
	_ =	sdelay $0x1  }
0x5e: {  	[tilespmem:$0xDB00] =	vst v2;
	v0 =	vadd.s32 v6, v0  }
0x5f: {  	[tilespmem:$0xDA90] =	vst v60  }
0x60: {  	s21 =	simm.s32 $0x5A80;
	[tilespmem:$0xDB10] =	vst v4  }
0x61: {  	[tilespmem:s21], [sflag:$0x1] =	stream.indirect_vreg.gather [hbm4b:s2+s30], $0x80, v3, vm0, $0xb8;
	[tilespmem:$0xF778] =	vst v63  }
0x62: {  	s22 =	simm.s32 $0x6280  }
0x63: {  	[tilespmem:s22], [sflag:$0x1] =	stream.indirect_vreg.gather [hbm4b:s2+s30], $0x80, v0, vm0, $0xb8;
	[tilespmem:$0xF778] =	vst v63  }
0x64: {  	v0 =	vld [tilespmem:$0xDA90];
	_ =	sdelay $0x4  }
0x65: {  	v61 =	vshll.u32 v0, $0x1  }
0x66: {  	v0 =	vand.u32 $0x7, v0;
	v1 =	vand.u32 $0xFFFFFFF0, v61  }
0x67: {  	v0 =	vor.u32 v0, v1  }
0x68: {  	v1 =	vperm.xlane v0, v5;
	_ =	sdelay $0x1  }
0x69: {  	v0 =	vperm.xlane v0, v7;
	v1 =	vadd.s32 v6, v1;
	_ =	sdelay $0x1  }
0x6a: {  	v0 =	vadd.s32 v6, v0;
	_ =	sdelay $0x1  }
0x6b: {  	s23 =	simm.s32 $0x6A80  }
0x6c: {  	[tilespmem:s23], [sflag:$0x1] =	stream.indirect_vreg.gather [hbm4b:s2+s30], $0x80, v1, vm0, $0xb8;
	[tilespmem:$0xF778] =	vst v63  }
0x6d: {  	_ = 	snop  }
0x6e: {  	[tilespmem:s24], [sflag:$0x1] =	stream.indirect_vreg.gather [hbm4b:s2+s30], $0x80, v0, vm0, $0xb8;
	[tilespmem:$0xF778] =	vst v63  }
0x6f: {  	v0 =	vld [tilespmem:$0xDB00];
	_ =	sdelay $0x4  }
0x70: {  	v62 =	vshll.u32 v0, $0x1  }
0x71: {  	v0 =	vand.u32 $0x7, v0;
	v1 =	vand.u32 $0xFFFFFFF0, v62  }
0x72: {  	v0 =	vor.u32 v0, v1  }
0x73: {  	v1 =	vperm.xlane v0, v5;
	_ =	sdelay $0x1  }
0x74: {  	v0 =	vperm.xlane v0, v7;
	v1 =	vadd.s32 v6, v1;
	_ =	sdelay $0x1  }
0x75: {  	v0 =	vadd.s32 v6, v0;
	_ =	sdelay $0x2  }
0x76: {  	[tilespmem:s25], [sflag:$0x2] =	stream.indirect_vreg.gather [hbm4b:s2+s30], $0x80, v1, vm0, $0xb8;
	[tilespmem:$0xF778] =	vst v63  }
0x77: {  	_ = 	snop  }
0x78: {  	[tilespmem:s26], [sflag:$0x2] =	stream.indirect_vreg.gather [hbm4b:s2+s30], $0x80, v0, vm0, $0xb8;
	[tilespmem:$0xF778] =	vst v63  }
0x79: {  	v0 =	vld [tilespmem:$0xDB10];
	_ =	sdelay $0x4  }
0x7a: {  	v63 =	vshll.u32 v0, $0x1  }
0x7b: {  	v0 =	vand.u32 $0x7, v0;
	v1 =	vand.u32 $0xFFFFFFF0, v63  }
0x7c: {  	v0 =	vor.u32 v0, v1  }
0x7d: {  	v1 =	vperm.xlane v0, v5;
	_ =	sdelay $0x1  }
0x7e: {  	v0 =	vperm.xlane v0, v7;
	v1 =	vadd.s32 v6, v1;
	_ =	sdelay $0x1  }
0x7f: {  	v0 =	vadd.s32 v6, v0;
	_ =	sdelay $0x2  }
0x80: {  	[tilespmem:s28], [sflag:$0x2] =	stream.indirect_vreg.gather [hbm4b:s2+s30], $0x80, v1, vm0, $0xb8;
	[tilespmem:$0xF778] =	vst v63  }
0x81: {  	s31 =	simm.s32 $0x0  }
0x82: {  	[tilespmem:s29], [sflag:$0x2] =	stream.indirect_vreg.gather [hbm4b:s2+s30], $0x80, v0, vm0, $0xb8;
	[tilespmem:$0xF778] =	vst v63  }
.LBB2_13:
0x83: {  	s13 =	sshll.u32 s31, $0x6  }
0x84: {  	v0 =	vld [tilespmem:s13+$0x20];
	_ =	sdelay $0x4  }
0x85: {  	[tilespmem:$0xDB80] =	vst v0  }
0x86: {  	v0 =	vld [tilespmem:s13+$0x19A0];
	_ =	sdelay $0x2  }
0x87: {  	v1 =	vld [tilespmem:$0xDB80];
	_ =	sdelay $0x1  }
0x88: {  	v3 =	vld [tilespmem:$0x1FFD0];
	[tilespmem:$0xDC00] =	vst v0  }
0x89: {  	v0 =	vld [tilespmem:s13+$0x30]  }
0x8a: {  	v4 =	vld [tilespmem:$0x1FFE0]  }
0x8b: {  	v5 =	vld [tilespmem:$0x1FFF0];
	v2 =	vshll.u32 v1, $0x1  }
0x8c: {  	v1 =	vand.u32 $0x7, v1;
	v2 =	vand.u32 $0xFFFFFFF0, v2  }
0x8d: {  	v1 =	vor.u32 v1, v2  }
0x8e: {  	v62 =	vperm.xlane v1, v3;
	[tilespmem:$0xDB90] =	vst v0  }
0x8f: {  	v63 =	vld [tilespmem:s13+$0x19B0]  }
0x90: {  	v1 =	vperm.xlane v1, v5;
	v0 =	vadd.s32 v4, v62;
	_ =	sdelay $0x1  }
0x91: {  	v1 =	vadd.s32 v4, v1;
	_ =	sdelay $0x1  }
0x92: {  	s0 =	simm.s32 $0x9A80;
	[tilespmem:$0xDC10] =	vst v63  }
0x93: {  	[tilespmem:s0], [sflag:$0x3] =	stream.indirect_vreg.gather [hbm4b:s2+s30], $0x80, v0, vm0, $0xb8;
	[tilespmem:$0xF778] =	vst v63  }
0x94: {  	s16 =	simm.s32 $0xA280  }
0x95: {  	[tilespmem:s16], [sflag:$0x3] =	stream.indirect_vreg.gather [hbm4b:s2+s30], $0x80, v1, vm0, $0xb8;
	[tilespmem:$0xF778] =	vst v63  }
0x96: {  	v0 =	vld [tilespmem:$0xDB90];
	_ =	sdelay $0x4  }
0x97: {  	v32 =	vshll.u32 v0, $0x1  }
0x98: {  	v0 =	vand.u32 $0x7, v0;
	v1 =	vand.u32 $0xFFFFFFF0, v32  }
0x99: {  	v0 =	vor.u32 v0, v1  }
0x9a: {  	v1 =	vperm.xlane v0, v3;
	_ =	sdelay $0x1  }
0x9b: {  	v0 =	vperm.xlane v0, v5;
	v1 =	vadd.s32 v4, v1;
	_ =	sdelay $0x1  }
0x9c: {  	v0 =	vadd.s32 v4, v0;
	_ =	sdelay $0x1  }
0x9d: {  	s21 =	simm.s32 $0xAA80  }
0x9e: {  	[tilespmem:s21], [sflag:$0x3] =	stream.indirect_vreg.gather [hbm4b:s2+s30], $0x80, v1, vm0, $0xb8;
	[tilespmem:$0xF778] =	vst v63  }
0x9f: {  	s22 =	simm.s32 $0xB280  }
0xa0: {  	[tilespmem:s22], [sflag:$0x3] =	stream.indirect_vreg.gather [hbm4b:s2+s30], $0x80, v0, vm0, $0xb8;
	[tilespmem:$0xF778] =	vst v63  }
0xa1: {  	v0 =	vld [tilespmem:$0xDC00];
	_ =	sdelay $0x4  }
0xa2: {  	v33 =	vshll.u32 v0, $0x1  }
0xa3: {  	v0 =	vand.u32 $0x7, v0;
	v1 =	vand.u32 $0xFFFFFFF0, v33  }
0xa4: {  	v0 =	vor.u32 v0, v1  }
0xa5: {  	v1 =	vperm.xlane v0, v3;
	_ =	sdelay $0x1  }
0xa6: {  	v0 =	vperm.xlane v0, v5;
	v1 =	vadd.s32 v4, v1;
	_ =	sdelay $0x1  }
0xa7: {  	v0 =	vadd.s32 v4, v0;
	_ =	sdelay $0x1  }
0xa8: {  	s23 =	simm.s32 $0xBA80  }
0xa9: {  	[tilespmem:s23], [sflag:$0x4] =	stream.indirect_vreg.gather [hbm4b:s2+s30], $0x80, v1, vm0, $0xb8;
	[tilespmem:$0xF778] =	vst v63  }
0xaa: {  	s1 =	simm.s32 $0xC280  }
0xab: {  	[tilespmem:s1], [sflag:$0x4] =	stream.indirect_vreg.gather [hbm4b:s2+s30], $0x80, v0, vm0, $0xb8;
	[tilespmem:$0xF778] =	vst v63  }
0xac: {  	v0 =	vld [tilespmem:$0xDC10];
	_ =	sdelay $0x4  }
0xad: {  	v34 =	vshll.u32 v0, $0x1  }
0xae: {  	v0 =	vand.u32 $0x7, v0;
	v1 =	vand.u32 $0xFFFFFFF0, v34  }
0xaf: {  	v0 =	vor.u32 v0, v1  }
0xb0: {  	v1 =	vperm.xlane v0, v3;
	_ =	sdelay $0x1  }
0xb1: {  	v0 =	vperm.xlane v0, v5;
	v1 =	vadd.s32 v4, v1;
	_ =	sdelay $0x1  }
0xb2: {  	v0 =	vadd.s32 v4, v0;
	_ =	sdelay $0x1  }
0xb3: {  	s9 =	simm.s32 $0xCA80  }
0xb4: {  	[tilespmem:s9], [sflag:$0x4] =	stream.indirect_vreg.gather [hbm4b:s2+s30], $0x80, v1, vm0, $0xb8;
	[tilespmem:$0xF778] =	vst v63  }
0xb5: {  	s12 =	simm.s32 $0xD280  }
0xb6: {  	[tilespmem:s12], [sflag:$0x4] =	stream.indirect_vreg.gather [hbm4b:s2+s30], $0x80, v0, vm0, $0xb8;
	[tilespmem:$0xF778] =	vst v63  }
0xb7: {  	_ =	swait.ge [sflag:s20], $0x2000  }
0xb8: {  	[sflag:s20] =	ssyncset.done $0x0  }
0xb9: {  	[sflag:s20] =	ssyncadd.s32 $0xFFFFE000  }
0xba: {  	s1 =	simm.s32 $0x0;
	_ =	swait.ge [sflag:s4], $0x2000  }
0xbb: {  	s14 =	sand.u32 $0x1800, s30;
	s1 =	sand.u32 $0x300, s1;
	[sflag:s4] =	ssyncset.done $0x0  }
0xbc: {  	s1 =	sor.u32 s1, s14;
	[sflag:s4] =	ssyncadd.s32 $0xFFFFE000  }
0xbd: {  	v35 =	vld [tilespmem:s1+$0x5EE0]  }
0xbe: {  	v36 =	vld [tilespmem:s1+$0x7EE0]  }
0xbf: {  	v37 =	vld [tilespmem:s1+$0x5EF0]  }
0xc0: {  	v38 =	vld [tilespmem:s1+$0x7EF0]  }
0xc1: {  	v4 =	vld [tilespmem:s1+$0x5EC0]  }
0xc2: {  	v9 =	vld [tilespmem:s1+$0x7EC0]  }
0xc3: {  	v10 =	vld [tilespmem:s1+$0x5EA0]  }
0xc4: {  	v11 =	vld [tilespmem:s1+$0x7EA0]  }
0xc5: {  	v12 =	vld [tilespmem:s1+$0x5E80]  }
0xc6: {  	v13 =	vld [tilespmem:s1+$0x7E80]  }
0xc7: {  	v16 =	vld [tilespmem:s1+$0x5AE0];
	v14 =	vshll.u32 v35, $0x10;
	v0 =	vand.u32 $0xFFFF0000, v35;
	v15 =	vshll.u32 v36, $0x10  }
0xc8: {  	v39 =	vld [tilespmem:s1+$0x7AE0];
	v1 =	vand.u32 $0xFFFF0000, v36;
	v6 =	vshll.u32 v37, $0x10;
	v5 =	vand.u32 $0xFFFF0000, v37  }
0xc9: {  	v18 =	vld [tilespmem:s1+$0x5AC0];
	v17 =	vshll.u32 v4, $0x10;
	v8 =	vshll.u32 v38, $0x10;
	v7 =	vand.u32 $0xFFFF0000, v38  }
0xca: {  	v20 =	vld [tilespmem:s1+$0x7AC0];
	v40 =	vand.u32 $0xFFFF0000, v4;
	v4 =	vshll.u32 v9, $0x10;
	v9 =	vand.u32 $0xFFFF0000, v9  }
0xcb: {  	v19 =	vshll.u32 v10, $0x10;
	v10 =	vand.u32 $0xFFFF0000, v10;
	v21 =	vshll.u32 v11, $0x10  }
0xcc: {  	v23 =	vld [tilespmem:s1+$0x5A80];
	v11 =	vand.u32 $0xFFFF0000, v11;
	v22 =	vshll.u32 v12, $0x10;
	v12 =	vand.u32 $0xFFFF0000, v12  }
0xcd: {  	v25 =	vld [tilespmem:s1+$0x7A80];
	v24 =	vshll.u32 v13, $0x10;
	v13 =	vand.u32 $0xFFFF0000, v13;
	v26 =	vshll.u32 v16, $0x10  }
0xce: {  	v16 =	vand.u32 $0xFFFF0000, v16;
	v28 =	vshll.u32 v39, $0x10;
	v2 =	vand.u32 $0xFFFF0000, v39  }
0xcf: {  	v27 =	vld [tilespmem:s1+$0x5A90];
	v29 =	vshll.u32 v18, $0x10;
	v18 =	vand.u32 $0xFFFF0000, v18;
	v30 =	vshll.u32 v20, $0x10  }
0xd0: {  	v20 =	vand.u32 $0xFFFF0000, v20;
	v14 =	vmul.f32 v15, v14;
	v0 =	vmul.f32 v1, v0  }
0xd1: {  	v41 =	vld [tilespmem:s1+$0x5AA0];
	v4 =	vmul.f32 v4, v17;
	v17 =	vshll.u32 v23, $0x10;
	v23 =	vand.u32 $0xFFFF0000, v23  }
0xd2: {  	v15 =	vld [tilespmem:s1+$0x7A90];
	v3 =	vmul.f32 v9, v40;
	v9 =	vshll.u32 v25, $0x10;
	v19 =	vmul.f32 v21, v19  }
0xd3: {  	v25 =	vand.u32 $0xFFFF0000, v25;
	v21 =	vld [tilespmem:s1+$0x7AA0];
	v10 =	vmul.f32 v11, v10;
	v22 =	vmul.f32 v24, v22  }
0xd4: {  	v11 =	vshll.u32 v27, $0x10;
	v24 =	vld [tilespmem:s1+$0x5AB0];
	v12 =	vmul.f32 v13, v12;
	v26 =	vmul.f32 v28, v26  }
0xd5: {  	v27 =	vand.u32 $0xFFFF0000, v27;
	v2 =	vmul.f32 v2, v16;
	v29 =	vmul.f32 v30, v29  }
0xd6: {  	v28 =	vld [tilespmem:s1+$0x7AB0];
	v16 =	vshll.u32 v41, $0x10;
	v18 =	vmul.f32 v20, v18;
	v43 =	vmul.f32 v8, v6  }
0xd7: {  	v30 =	vld [tilespmem:s1+$0x5AD0];
	v1 =	vand.u32 $0xFFFF0000, v41;
	v5 =	vmul.f32 v7, v5;
	v9 =	vmul.f32 v9, v17  }
0xd8: {  	v23 =	vmul.f32 v25, v23;
	v13 =	vshll.u32 v15, $0x10;
	v15 =	vand.u32 $0xFFFF0000, v15  }
0xd9: {  	v17 =	vld [tilespmem:s1+$0x7AD0];
	v20 =	vshll.u32 v21, $0x10;
	v21 =	vand.u32 $0xFFFF0000, v21;
	v25 =	vshll.u32 v24, $0x10  }
0xda: {  	v24 =	vand.u32 $0xFFFF0000, v24;
	v11 =	vmul.f32 v13, v11;
	v15 =	vmul.f32 v15, v27  }
0xdb: {  	v13 =	vld [tilespmem:s1+$0x5AF0];
	v27 =	vshll.u32 v28, $0x10;
	v16 =	vmul.f32 v20, v16;
	v1 =	vmul.f32 v21, v1  }
0xdc: {  	v20 =	vld [tilespmem:s1+$0x7AF0];
	v21 =	vand.u32 $0xFFFF0000, v28;
	v28 =	vshll.u32 v30, $0x10;
	v30 =	vand.u32 $0xFFFF0000, v30  }
0xdd: {  	v25 =	vmul.f32 v27, v25;
	v21 =	vmul.f32 v21, v24;
	v9 =	vadd.f32 v16, v9  }
0xde: {  	v27 =	vld [tilespmem:s1+$0x5ED0];
	v16 =	vshll.u32 v17, $0x10;
	v1 =	vadd.f32 v1, v23;
	v17 =	vand.u32 $0xFFFF0000, v17  }
0xdf: {  	v24 =	vld [tilespmem:s1+$0x7ED0];
	v16 =	vmul.f32 v16, v28;
	v11 =	vadd.f32 v25, v11;
	v15 =	vadd.f32 v21, v15  }
0xe0: {  	v23 =	vld [tilespmem:s1+$0x5EB0];
	v17 =	vmul.f32 v17, v30;
	v9 =	vadd.f32 v29, v9;
	v1 =	vadd.f32 v18, v1  }
0xe1: {  	v25 =	vld [tilespmem:s1+$0x7EB0];
	v28 =	vshll.u32 v13, $0x10;
	v30 =	vshll.u32 v20, $0x10;
	v11 =	vadd.f32 v16, v11  }
0xe2: {  	v21 =	vld [tilespmem:s1+$0x5E90];
	v15 =	vadd.f32 v17, v15;
	v13 =	vand.u32 $0xFFFF0000, v13;
	v20 =	vand.u32 $0xFFFF0000, v20  }
0xe3: {  	s15 =	simm.s32 $0x80;
	v29 =	vshll.u32 v27, $0x10;
	v27 =	vand.u32 $0xFFFF0000, v27;
	v28 =	vmul.f32 v30, v28  }
0xe4: {  	v18 =	vld [tilespmem:s1+$0x7E90];
	s1 =	sand.u32 $0x380, s15;
	v30 =	vshll.u32 v24, $0x10;
	v24 =	vand.u32 $0xFFFF0000, v24;
	v13 =	vmul.f32 v20, v13  }
0xe5: {  	s1 =	sor.u32 s14, s1;
	v9 =	vadd.f32 v26, v9;
	v1 =	vadd.f32 v2, v1;
	v16 =	vshll.u32 v23, $0x10  }
0xe6: {  	v7 =	vld [tilespmem:s1+$0x5AA0];
	v23 =	vand.u32 $0xFFFF0000, v23;
	v17 =	vshll.u32 v25, $0x10;
	v25 =	vand.u32 $0xFFFF0000, v25  }
0xe7: {  	s9 =	simm.s32 $0x100;
	s14 =	simm.s32 $0x200;
	v20 =	vshll.u32 v21, $0x10;
	v11 =	vadd.f32 v28, v11;
	v13 =	vadd.f32 v13, v15  }
0xe8: {  	s9 =	sand.u32 $0x300, s9;
	v46 =	vld [tilespmem:s1+$0x5AC0];
	s16 =	sand.u32 $0x1800, s14;
	v21 =	vand.u32 $0xFFFF0000, v21;
	v9 =	vadd.f32 v22, v9;
	v1 =	vadd.f32 v12, v1  }
0xe9: {  	v44 =	vld [tilespmem:s1+$0x7AA0];
	s21 =	sor.u32 s9, s16;
	v26 =	vshll.u32 v18, $0x10;
	v18 =	vand.u32 $0xFFFF0000, v18;
	v12 =	vmul.f32 v17, v16  }
0xea: {  	v55 =	vld [tilespmem:s21+$0x5AE0];
	v42 =	vmul.f32 v26, v20;
	v15 =	vmul.f32 v18, v21;
	v9 =	vadd.f32 v19, v9  }
0xeb: {  	v16 =	vld [tilespmem:s1+$0x7A80];
	v1 =	vadd.f32 v10, v1;
	v10 =	vmul.f32 v30, v29;
	v48 =	vand.u32 $0xFFFF0000, v7  }
0xec: {  	v2 =	vadd.f32 v42, v11;
	v11 =	vadd.f32 v15, v13;
	v13 =	vmul.f32 v25, v23  }
0xed: {  	v6 =	vld [tilespmem:s1+$0x7A90];
	v4 =	vadd.f32 v4, v9;
	v1 =	vadd.f32 v3, v1;
	v3 =	vand.u32 $0xFFFF0000, v46  }
0xee: {  	v15 =	vld [tilespmem:s1+$0x5A80];
	v2 =	vadd.f32 v12, v2;
	v11 =	vadd.f32 v13, v11;
	v12 =	vmul.f32 v24, v27  }
0xef: {  	v47 =	vld [tilespmem:s1+$0x7AC0];
	v4 =	vadd.f32 v14, v4;
	v0 =	vadd.f32 v0, v1;
	v1 =	vand.u32 $0xFFFF0000, v44  }
0xf0: {  	v14 =	vand.u32 $0xFFFF0000, v16;
	v27 =	vshll.u32 v55, $0x10;
	v1 =	vmul.f32 v1, v48  }
0xf1: {  	v13 =	vld [tilespmem:s1+$0x5A90];
	v2 =	vadd.f32 v10, v2;
	v8 =	vadd.f32 v12, v11;
	v11 =	vshll.u32 v16, $0x10  }
0xf2: {  	v0 =	vadd.f32 v0, v4;
	v16 =	vshll.u32 v7, $0x10;
	v7 =	vshll.u32 v44, $0x10  }
0xf3: {  	v9 =	vshll.u32 v15, $0x10;
	v10 =	vand.u32 $0xFFFF0000, v15;
	v15 =	vshll.u32 v6, $0x10  }
0xf4: {  	v12 =	vld [tilespmem:s1+$0x7AB0];
	v6 =	vand.u32 $0xFFFF0000, v6;
	v7 =	vmul.f32 v7, v16;
	v16 =	vshll.u32 v47, $0x10  }
0xf5: {  	v2 =	vadd.f32 v43, v2;
	v45 =	vadd.f32 v5, v8;
	v5 =	vld [tilespmem:s1+$0x5AB0];
	v9 =	vmul.f32 v11, v9  }
0xf6: {  	v11 =	vld [tilespmem:s1+$0x7AD0];
	v10 =	vmul.f32 v14, v10;
	v14 =	vshll.u32 v46, $0x10;
	v4 =	vshll.u32 v13, $0x10  }
0xf7: {  	v13 =	vand.u32 $0xFFFF0000, v13;
	v2 =	vadd.f32 v45, v2;
	v4 =	vmul.f32 v15, v4  }
0xf8: {  	v17 =	vld [tilespmem:s1+$0x5AD0];
	v6 =	vmul.f32 v6, v13;
	v7 =	vadd.f32 v7, v9;
	v9 =	vmul.f32 v16, v14  }
0xf9: {  	v49 =	vld [tilespmem:s1+$0x7AE0];
	v1 =	vadd.f32 v1, v10;
	v19 =	vshll.u32 v12, $0x10;
	v12 =	vand.u32 $0xFFFF0000, v12  }
0xfa: {  	v13 =	vld [tilespmem:s1+$0x5AE0];
	v8 =	vadd.f32 v2, v0;
	v0 =	vand.u32 $0xFFFF0000, v47;
	v7 =	vadd.f32 v9, v7  }
0xfb: {  	v18 =	vshll.u32 v5, $0x10;
	v5 =	vand.u32 $0xFFFF0000, v5;
	v20 =	vshll.u32 v11, $0x10  }
0xfc: {  	v14 =	vld [tilespmem:s1+$0x7E80];
	v11 =	vand.u32 $0xFFFF0000, v11;
	v0 =	vmul.f32 v0, v3;
	v15 =	vmul.f32 v19, v18  }
0xfd: {  	v9 =	vld [tilespmem:s1+$0x7E90];
	v5 =	vmul.f32 v12, v5;
	v18 =	vshll.u32 v17, $0x10;
	v17 =	vand.u32 $0xFFFF0000, v17  }
0xfe: {  	v2 =	vand.u32 $0xFFFF0000, v49;
	v12 =	vld [tilespmem:s1+$0x5AF0];
	v50 =	vmul.f32 v20, v18;
	v10 =	vmul.f32 v11, v17  }
0xff: {  	v19 =	vld [tilespmem:s1+$0x7AF0];
	v11 =	vshll.u32 v13, $0x10;
	v4 =	vadd.f32 v15, v4;
	v5 =	vadd.f32 v5, v6  }
0x100: {  	v13 =	vand.u32 $0xFFFF0000, v13;
	v0 =	vadd.f32 v0, v1;
	v15 =	vshll.u32 v49, $0x10  }
0x101: {  	v17 =	vld [tilespmem:s1+$0x5E90];
	v2 =	vmul.f32 v2, v13;
	v3 =	vadd.f32 v50, v4;
	v4 =	vadd.f32 v10, v5  }
0x102: {  	v6 =	vld [tilespmem:s1+$0x5E80];
	v5 =	vmul.f32 v15, v11;
	v15 =	vshll.u32 v14, $0x10;
	v14 =	vand.u32 $0xFFFF0000, v14  }
0x103: {  	v0 =	vadd.f32 v2, v0;
	v16 =	vshll.u32 v12, $0x10;
	v12 =	vand.u32 $0xFFFF0000, v12  }
0x104: {  	v10 =	vld [tilespmem:s1+$0x5EA0];
	v18 =	vshll.u32 v19, $0x10;
	v51 =	vand.u32 $0xFFFF0000, v19;
	v19 =	vshll.u32 v9, $0x10  }
0x105: {  	v9 =	vand.u32 $0xFFFF0000, v9;
	v11 =	vmul.f32 v18, v16;
	v1 =	vmul.f32 v51, v12;
	v12 =	vld [tilespmem:s1+$0x7EA0]  }
0x106: {  	v16 =	vld [tilespmem:s1+$0x5EB0];
	v18 =	vshll.u32 v17, $0x10;
	v17 =	vand.u32 $0xFFFF0000, v17;
	v5 =	vadd.f32 v5, v7  }
0x107: {  	v7 =	vld [tilespmem:s1+$0x7EB0];
	v13 =	vshll.u32 v6, $0x10;
	v6 =	vand.u32 $0xFFFF0000, v6;
	v9 =	vmul.f32 v9, v17  }
0x108: {  	v52 =	vadd.f32 v11, v3;
	v53 =	vmul.f32 v15, v13;
	v6 =	vmul.f32 v14, v6  }
0x109: {  	v17 =	vld [tilespmem:s1+$0x5ED0];
	v1 =	vadd.f32 v1, v4;
	v4 =	vmul.f32 v19, v18;
	v14 =	vshll.u32 v10, $0x10  }
0x10a: {  	v11 =	vld [tilespmem:s1+$0x5EC0];
	v10 =	vand.u32 $0xFFFF0000, v10;
	v3 =	vadd.f32 v53, v5;
	v0 =	vadd.f32 v6, v0  }
0x10b: {  	v13 =	vld [tilespmem:s1+$0x7EC0];
	v2 =	vadd.f32 v4, v52;
	v15 =	vshll.u32 v12, $0x10;
	v12 =	vand.u32 $0xFFFF0000, v12  }
0x10c: {  	v19 =	vld [tilespmem:s1+$0x7ED0];
	v18 =	vshll.u32 v16, $0x10;
	v16 =	vand.u32 $0xFFFF0000, v16;
	v20 =	vshll.u32 v7, $0x10  }
0x10d: {  	v7 =	vand.u32 $0xFFFF0000, v7;
	v5 =	vmul.f32 v15, v14;
	v4 =	vmul.f32 v12, v10  }
0x10e: {  	v1 =	vadd.f32 v9, v1;
	v6 =	vmul.f32 v20, v18;
	v7 =	vmul.f32 v7, v16  }
0x10f: {  	v9 =	vld [tilespmem:s1+$0x5EE0];
	v15 =	vshll.u32 v17, $0x10;
	v17 =	vand.u32 $0xFFFF0000, v17;
	v10 =	vshll.u32 v11, $0x10  }
0x110: {  	v12 =	vld [tilespmem:s1+$0x7EE0];
	v11 =	vand.u32 $0xFFFF0000, v11;
	v14 =	vshll.u32 v13, $0x10;
	v13 =	vand.u32 $0xFFFF0000, v13  }
0x111: {  	v16 =	vld [tilespmem:s1+$0x5EF0];
	v18 =	vshll.u32 v19, $0x10;
	v3 =	vadd.f32 v5, v3;
	v0 =	vadd.f32 v4, v0  }
0x112: {  	v5 =	vld [tilespmem:s1+$0x7EF0];
	v4 =	vand.u32 $0xFFFF0000, v19;
	v2 =	vadd.f32 v6, v2;
	v6 =	vmul.f32 v14, v10  }
0x113: {  	v19 =	vld [tilespmem:s21+$0x5EE0];
	v1 =	vadd.f32 v7, v1;
	v7 =	vmul.f32 v13, v11;
	v11 =	vmul.f32 v18, v15  }
0x114: {  	v14 =	vld [tilespmem:s21+$0x5EC0];
	v13 =	vshll.u32 v9, $0x10;
	v4 =	vmul.f32 v4, v17;
	v3 =	vadd.f32 v6, v3  }
0x115: {  	v10 =	vld [tilespmem:s21+$0x7EE0];
	v9 =	vand.u32 $0xFFFF0000, v9;
	v0 =	vadd.f32 v7, v0;
	v2 =	vadd.f32 v11, v2  }
0x116: {  	v17 =	vld [tilespmem:s21+$0x7EC0];
	v15 =	vshll.u32 v12, $0x10;
	v12 =	vand.u32 $0xFFFF0000, v12;
	v18 =	vshll.u32 v16, $0x10  }
0x117: {  	v7 =	vld [tilespmem:s21+$0x7EA0];
	v16 =	vand.u32 $0xFFFF0000, v16;
	v1 =	vadd.f32 v4, v1;
	v11 =	vmul.f32 v15, v13  }
0x118: {  	v9 =	vmul.f32 v12, v9;
	v6 =	vshll.u32 v5, $0x10;
	v5 =	vand.u32 $0xFFFF0000, v5  }
0x119: {  	v25 =	vld [tilespmem:s21+$0x5A80];
	v54 =	vshll.u32 v19, $0x10;
	v15 =	vshll.u32 v14, $0x10;
	v14 =	vand.u32 $0xFFFF0000, v14  }
0x11a: {  	v20 =	vld [tilespmem:s21+$0x5EA0];
	v4 =	vmul.f32 v6, v18;
	v6 =	vmul.f32 v5, v16;
	v3 =	vadd.f32 v11, v3  }
0x11b: {  	v12 =	vld [tilespmem:s21+$0x5E80];
	v0 =	vadd.f32 v9, v0;
	v11 =	vshll.u32 v10, $0x10;
	v10 =	vand.u32 $0xFFFF0000, v10  }
0x11c: {  	v13 =	vld [tilespmem:s21+$0x7AE0];
	v16 =	vshll.u32 v17, $0x10;
	v17 =	vand.u32 $0xFFFF0000, v17;
	v22 =	vshll.u32 v7, $0x10  }
0x11d: {  	v21 =	vld [tilespmem:s21+$0x7AC0];
	v7 =	vand.u32 $0xFFFF0000, v7;
	v15 =	vmul.f32 v16, v15;
	v14 =	vmul.f32 v17, v14  }
0x11e: {  	v26 =	vld [tilespmem:s21+$0x7A80];
	v17 =	vshll.u32 v25, $0x10;
	v25 =	vand.u32 $0xFFFF0000, v25;
	v32 =	vadd.f32 v4, v2  }
0x11f: {  	v6 =	vadd.f32 v6, v1;
	v4 =	vand.u32 $0xFFFF0000, v19;
	v19 =	vshll.u32 v20, $0x10  }
0x120: {  	v9 =	vld [tilespmem:s21+$0x7E80];
	v20 =	vand.u32 $0xFFFF0000, v20;
	v2 =	vand.u32 $0xFFFF0000, v55;
	v1 =	vmul.f32 v11, v54  }
0x121: {  	v18 =	vld [tilespmem:s21+$0x5AC0];
	v23 =	vshll.u32 v12, $0x10;
	v12 =	vand.u32 $0xFFFF0000, v12;
	v28 =	vshll.u32 v13, $0x10  }
0x122: {  	v29 =	vld [tilespmem:s21+$0x5A90];
	v13 =	vand.u32 $0xFFFF0000, v13;
	v4 =	vmul.f32 v10, v4;
	v10 =	vshll.u32 v21, $0x10  }
0x123: {  	v16 =	vld [tilespmem:s21+$0x5AA0];
	v19 =	vmul.f32 v22, v19;
	v22 =	vshll.u32 v26, $0x10;
	v20 =	vmul.f32 v7, v20  }
0x124: {  	v11 =	vld [tilespmem:s21+$0x7A90];
	v26 =	vand.u32 $0xFFFF0000, v26;
	v27 =	vmul.f32 v28, v27;
	v2 =	vmul.f32 v13, v2  }
0x125: {  	v21 =	vand.u32 $0xFFFF0000, v21;
	v7 =	vld [tilespmem:s21+$0x7AA0];
	v17 =	vmul.f32 v22, v17;
	v25 =	vmul.f32 v26, v25  }
0x126: {  	v24 =	vshll.u32 v9, $0x10;
	v9 =	vand.u32 $0xFFFF0000, v9;
	v30 =	vshll.u32 v18, $0x10  }
0x127: {  	v28 =	vld [tilespmem:s21+$0x5AB0];
	v18 =	vand.u32 $0xFFFF0000, v18;
	v23 =	vmul.f32 v24, v23;
	v24 =	vshll.u32 v29, $0x10  }
0x128: {  	v13 =	vld [tilespmem:s21+$0x7AB0];
	v29 =	vand.u32 $0xFFFF0000, v29;
	v9 =	vmul.f32 v9, v12;
	v10 =	vmul.f32 v10, v30  }
0x129: {  	v22 =	vld [tilespmem:s21+$0x7AD0];
	v18 =	vmul.f32 v21, v18;
	v21 =	vshll.u32 v16, $0x10;
	v16 =	vand.u32 $0xFFFF0000, v16  }
0x12a: {  	v30 =	vld [tilespmem:s21+$0x5AD0];
	v12 =	vshll.u32 v11, $0x10;
	v11 =	vand.u32 $0xFFFF0000, v11;
	v26 =	vshll.u32 v7, $0x10  }
0x12b: {  	v7 =	vand.u32 $0xFFFF0000, v7;
	v12 =	vmul.f32 v12, v24;
	v11 =	vmul.f32 v11, v29  }
0x12c: {  	s22 =	simm.s32 $0x180;
	v29 =	vshll.u32 v28, $0x10;
	v28 =	vand.u32 $0xFFFF0000, v28;
	v21 =	vmul.f32 v26, v21  }
0x12d: {  	s1 =	sand.u32 $0x380, s22;
	v24 =	vld [tilespmem:s21+$0x5AF0];
	v16 =	vmul.f32 v7, v16;
	v31 =	vshll.u32 v13, $0x10;
	v13 =	vand.u32 $0xFFFF0000, v13  }
0x12e: {  	s23 =	sor.u32 s16, s1;
	v33 =	vadd.f32 v0, v3;
	v26 =	vld [tilespmem:s21+$0x7AF0];
	v56 =	vmul.f32 v31, v29;
	v57 =	vmul.f32 v13, v28  }
0x12f: {  	v28 =	vld [tilespmem:s23+$0x5EA0];
	v13 =	vshll.u32 v30, $0x10;
	v17 =	vadd.f32 v21, v17;
	v21 =	vshll.u32 v22, $0x10  }
0x130: {  	v29 =	vld [tilespmem:s23+$0x7EA0];
	v16 =	vadd.f32 v16, v25;
	v25 =	vand.u32 $0xFFFF0000, v30;
	v22 =	vand.u32 $0xFFFF0000, v22  }
0x131: {  	v13 =	vmul.f32 v21, v13;
	v21 =	vld [tilespmem:s21+$0x5E90];
	v0 =	vadd.f32 v56, v12;
	v3 =	vadd.f32 v57, v11  }
0x132: {  	v12 =	vld [tilespmem:s21+$0x7E90];
	v22 =	vmul.f32 v22, v25;
	v11 =	vshll.u32 v24, $0x10;
	v10 =	vadd.f32 v10, v17  }
0x133: {  	v16 =	vadd.f32 v18, v16;
	v18 =	vand.u32 $0xFFFF0000, v24;
	v25 =	vshll.u32 v26, $0x10  }
0x134: {  	v17 =	vld [tilespmem:s21+$0x5EF0];
	v0 =	vadd.f32 v13, v0;
	v24 =	vand.u32 $0xFFFF0000, v26;
	v3 =	vadd.f32 v22, v3  }
0x135: {  	v13 =	vld [tilespmem:s21+$0x5EB0];
	v11 =	vmul.f32 v25, v11;
	v18 =	vmul.f32 v24, v18;
	v10 =	vadd.f32 v27, v10  }
0x136: {  	v22 =	vld [tilespmem:s21+$0x7EB0];
	v2 =	vadd.f32 v2, v16;
	v27 =	vshll.u32 v28, $0x10;
	v30 =	vshll.u32 v29, $0x10  }
0x137: {  	v29 =	vand.u32 $0xFFFF0000, v29;
	v25 =	vshll.u32 v21, $0x10;
	v16 =	vshll.u32 v12, $0x10  }
0x138: {  	v26 =	vld [tilespmem:s23+$0x7E90];
	v0 =	vadd.f32 v11, v0;
	v3 =	vadd.f32 v18, v3;
	v21 =	vand.u32 $0xFFFF0000, v21  }
0x139: {  	v24 =	vld [tilespmem:s21+$0x7EF0];
	v12 =	vand.u32 $0xFFFF0000, v12;
	v10 =	vadd.f32 v23, v10;
	v2 =	vadd.f32 v9, v2  }
0x13a: {  	v16 =	vmul.f32 v16, v25;
	v18 =	vshll.u32 v17, $0x10;
	v17 =	vand.u32 $0xFFFF0000, v17  }
0x13b: {  	v11 =	vld [tilespmem:s21+$0x7ED0];
	v12 =	vmul.f32 v12, v21;
	v21 =	vshll.u32 v13, $0x10;
	v23 =	vshll.u32 v22, $0x10  }
0x13c: {  	v25 =	vld [tilespmem:s21+$0x5ED0];
	v13 =	vand.u32 $0xFFFF0000, v13;
	v22 =	vand.u32 $0xFFFF0000, v22;
	v10 =	vadd.f32 v19, v10  }
0x13d: {  	v2 =	vadd.f32 v20, v2;
	v62 =	vshll.u32 v26, $0x10;
	v63 =	vand.u32 $0xFFFF0000, v26  }
0x13e: {  	v19 =	vld [tilespmem:s23+$0x5A90];
	v9 =	vshll.u32 v24, $0x10;
	v24 =	vand.u32 $0xFFFF0000, v24;
	v21 =	vmul.f32 v23, v21  }
0x13f: {  	v0 =	vadd.f32 v16, v0;
	v3 =	vadd.f32 v12, v3;
	v12 =	vld [tilespmem:s23+$0x5A80];
	v13 =	vmul.f32 v22, v13  }
0x140: {  	v22 =	vld [tilespmem:s23+$0x7A80];
	v10 =	vadd.f32 v15, v10;
	v2 =	vadd.f32 v14, v2;
	v16 =	vshll.u32 v11, $0x10  }
0x141: {  	v14 =	vld [tilespmem:s23+$0x5AA0];
	v11 =	vand.u32 $0xFFFF0000, v11;
	v0 =	vadd.f32 v21, v0;
	v23 =	vshll.u32 v25, $0x10  }
0x142: {  	v15 =	vld [tilespmem:s23+$0x7AA0];
	v25 =	vand.u32 $0xFFFF0000, v25;
	v1 =	vadd.f32 v1, v10;
	v2 =	vadd.f32 v4, v2  }
0x143: {  	v3 =	vadd.f32 v13, v3;
	v13 =	vld [tilespmem:s23+$0x7A90];
	v16 =	vmul.f32 v16, v23;
	v11 =	vmul.f32 v11, v25  }
0x144: {  	v9 =	vmul.f32 v9, v18;
	v58 =	vand.u32 $0xFFFF0000, v19;
	v1 =	vadd.f32 v2, v1  }
0x145: {  	v10 =	vld [tilespmem:s23+$0x5AB0];
	v4 =	vshll.u32 v12, $0x10;
	v0 =	vadd.f32 v16, v0;
	v3 =	vadd.f32 v11, v3  }
0x146: {  	v18 =	vld [tilespmem:s23+$0x5AC0];
	v11 =	vmul.f32 v24, v17;
	v16 =	vand.u32 $0xFFFF0000, v22;
	v17 =	vshll.u32 v19, $0x10  }
0x147: {  	v19 =	vshll.u32 v14, $0x10;
	v60 =	vand.u32 $0xFFFF0000, v14;
	v14 =	vshll.u32 v15, $0x10  }
0x148: {  	v23 =	vld [tilespmem:s23+$0x7AD0];
	v15 =	vand.u32 $0xFFFF0000, v15;
	v59 =	vshll.u32 v13, $0x10;
	v13 =	vand.u32 $0xFFFF0000, v13  }
0x149: {  	v0 =	vadd.f32 v9, v0;
	v3 =	vadd.f32 v11, v3;
	v9 =	vand.u32 $0xFFFF0000, v12  }
0x14a: {  	v11 =	vld [tilespmem:s23+$0x7AB0];
	v12 =	vshll.u32 v22, $0x10;
	v22 =	vshll.u32 v10, $0x10;
	v10 =	vand.u32 $0xFFFF0000, v10  }
0x14b: {  	v20 =	vld [tilespmem:s23+$0x7AC0];
	v2 =	vmul.f32 v13, v58;
	v13 =	vmul.f32 v14, v19;
	v14 =	vand.u32 $0xFFFF0000, v18  }
0x14c: {  	v21 =	vld [tilespmem:s23+$0x5AD0];
	v4 =	vmul.f32 v12, v4;
	v9 =	vmul.f32 v16, v9;
	v0 =	vadd.f32 v3, v0  }
0x14d: {  	v16 =	vshll.u32 v18, $0x10;
	v25 =	vshll.u32 v23, $0x10;
	v23 =	vand.u32 $0xFFFF0000, v23  }
0x14e: {  	v24 =	vld [tilespmem:s23+$0x5AE0];
	v3 =	vmul.f32 v59, v17;
	v4 =	vadd.f32 v13, v4;
	v0 =	vadd.f32 v0, v1  }
0x14f: {  	v18 =	vld [tilespmem:s23+$0x5AF0];
	v1 =	vmul.f32 v15, v60;
	v12 =	vshll.u32 v11, $0x10;
	v11 =	vand.u32 $0xFFFF0000, v11  }
0x150: {  	v17 =	vld [tilespmem:s23+$0x7AE0];
	v15 =	vshll.u32 v20, $0x10;
	v12 =	vmul.f32 v12, v22;
	v10 =	vmul.f32 v11, v10  }
0x151: {  	v19 =	vld [tilespmem:s23+$0x7AF0];
	v11 =	vand.u32 $0xFFFF0000, v20;
	v20 =	vshll.u32 v21, $0x10;
	v21 =	vand.u32 $0xFFFF0000, v21  }
0x152: {  	s15 =	simm.s32 $0xDD00;
	v13 =	vld [tilespmem:s23+$0x7E80];
	v1 =	vadd.f32 v1, v9;
	v9 =	vmul.f32 v15, v16;
	v3 =	vadd.f32 v12, v3  }
0x153: {  	[tilespmem:s15+$0xFFFFFF80] =	vst v8;
	v8 =	vld [tilespmem:s23+$0x5EF0];
	v2 =	vadd.f32 v10, v2;
	v10 =	vmul.f32 v11, v14;
	v11 =	vmul.f32 v25, v20  }
0x154: {  	v22 =	vld [tilespmem:s23+$0x5E80];
	v12 =	vmul.f32 v23, v21;
	v14 =	vshll.u32 v24, $0x10;
	v20 =	vand.u32 $0xFFFF0000, v24  }
0x155: {  	v15 =	vld [tilespmem:s23+$0x5E90];
	v21 =	vshll.u32 v17, $0x10;
	v23 =	vand.u32 $0xFFFF0000, v17;
	v24 =	vshll.u32 v18, $0x10  }
0x156: {  	v16 =	vld [tilespmem:s23+$0x5EB0];
	v18 =	vand.u32 $0xFFFF0000, v18;
	v4 =	vadd.f32 v9, v4;
	v9 =	vshll.u32 v19, $0x10  }
0x157: {  	v17 =	vld [tilespmem:s23+$0x7EB0];
	v20 =	vmul.f32 v23, v20;
	v9 =	vmul.f32 v9, v24;
	v24 =	vand.u32 $0xFFFF0000, v13  }
0x158: {  	v1 =	vadd.f32 v10, v1;
	v3 =	vadd.f32 v11, v3;
	v10 =	vand.u32 $0xFFFF0000, v19;
	v11 =	vld [tilespmem:s23+$0x5EC0]  }
0x159: {  	v2 =	vadd.f32 v12, v2;
	v19 =	vmul.f32 v21, v14;
	v12 =	vld [tilespmem:s23+$0x7EC0];
	v23 =	vshll.u32 v22, $0x10  }
0x15a: {  	v14 =	vld [tilespmem:s23+$0x5ED0];
	v10 =	vmul.f32 v10, v18;
	v18 =	vand.u32 $0xFFFF0000, v22;
	v22 =	vshll.u32 v13, $0x10  }
0x15b: {  	v13 =	vld [tilespmem:s23+$0x7ED0];
	v61 =	vshll.u32 v15, $0x10;
	v19 =	vadd.f32 v19, v4;
	v21 =	vadd.f32 v20, v1  }
0x15c: {  	v4 =	vand.u32 $0xFFFF0000, v15;
	v20 =	vadd.f32 v9, v3;
	v9 =	vld [tilespmem:s23+$0x5EE0];
	v23 =	vmul.f32 v22, v23  }
0x15d: {  	s16 =	simm.s32 $0xDE00;
	v26 =	vmul.f32 v24, v18;
	v24 =	vmul.f32 v62, v61;
	v18 =	vand.u32 $0xFFFF0000, v28;
	v15 =	vld [tilespmem:s23+$0x7EF0]  }
0x15e: {  	s0 =	sor.u32 $0x20, s13;
	s9 =	simm.s32 $0x280;
	s1 =	simm.s32 $0x2;
	[tilespmem:s16+$0xFFFFFF80] =	vst v0;
	v28 =	vshll.u32 v16, $0x10;
	v22 =	vadd.f32 v10, v2;
	v10 =	vld [tilespmem:s23+$0x7EE0];
	v25 =	vmul.f32 v63, v4  }
.LBB2_14:
0x15f: {  	v0 =	vand.u32 $0xFFFF0000, v16;
	v16 =	vmul.f32 v30, v27  }
0x160: {  	s12 =	sadd.s32 $0xFFFFFF80, s9;
	s14 =	sadd.s32 $0x200, s14;
	v18 =	vmul.f32 v29, v18;
	v3 =	vadd.f32 v23, v19;
	v4 =	vadd.f32 v26, v21  }
0x161: {  	s23 =	sand.u32 $0x1800, s14;
	s12 =	sand.u32 $0x300, s12;
	v19 =	vadd.f32 v25, v22  }
0x162: {  	s21 =	sor.u32 s12, s23;
	v3 =	vadd.f32 v16, v3;
	v4 =	vadd.f32 v18, v4  }
0x163: {  	v21 =	vld [tilespmem:s21+$0x7EE0];
	v1 =	vshll.u32 v17, $0x10;
	v2 =	vand.u32 $0xFFFF0000, v17;
	v17 =	vadd.f32 v24, v20  }
0x164: {  	v23 =	vld [tilespmem:s21+$0x5EF0];
	v54 =	vshll.u32 v11, $0x10;
	v11 =	vand.u32 $0xFFFF0000, v11;
	v22 =	vshll.u32 v12, $0x10  }
0x165: {  	v26 =	vld [tilespmem:s21+$0x7EF0];
	v12 =	vand.u32 $0xFFFF0000, v12;
	v24 =	vshll.u32 v14, $0x10;
	v14 =	vand.u32 $0xFFFF0000, v14  }
0x166: {  	v16 =	vld [tilespmem:s21+$0x5EC0];
	v25 =	vshll.u32 v13, $0x10;
	v13 =	vand.u32 $0xFFFF0000, v13;
	v18 =	vshll.u32 v9, $0x10  }
0x167: {  	v27 =	vld [tilespmem:s21+$0x7EA0];
	v9 =	vand.u32 $0xFFFF0000, v9;
	v1 =	vmul.f32 v1, v28;
	v0 =	vmul.f32 v2, v0  }
0x168: {  	v56 =	vld [tilespmem:s21+$0x7E80];
	v55 =	vshll.u32 v15, $0x10;
	v2 =	vmul.f32 v22, v54;
	v11 =	vmul.f32 v12, v11  }
0x169: {  	v58 =	vld [tilespmem:s21+$0x5E90];
	v15 =	vand.u32 $0xFFFF0000, v15;
	v12 =	vmul.f32 v25, v24;
	v13 =	vmul.f32 v13, v14  }
0x16a: {  	v59 =	vld [tilespmem:s21+$0x7E90];
	v14 =	vshll.u32 v10, $0x10;
	v10 =	vand.u32 $0xFFFF0000, v10;
	v24 =	vshll.u32 v8, $0x10  }
0x16b: {  	v60 =	vld [tilespmem:s21+$0x5AE0];
	v8 =	vand.u32 $0xFFFF0000, v8;
	v9 =	vmul.f32 v10, v9;
	v10 =	vadd.f32 v6, v32  }
0x16c: {  	v35 =	vld [tilespmem:s21+$0x7AF0];
	v8 =	vmul.f32 v15, v8;
	v1 =	vadd.f32 v1, v17;
	v0 =	vadd.f32 v0, v19  }
0x16d: {  	v46 =	vld [tilespmem:s21+$0x5A90];
	v2 =	vadd.f32 v2, v3;
	v4 =	vadd.f32 v11, v4;
	v11 =	vmul.f32 v14, v18  }
0x16e: {  	v49 =	vld [tilespmem:s21+$0x7A90];
	v3 =	vmul.f32 v55, v24;
	v57 =	vadd.f32 v10, v33;
	v30 =	vshll.u32 v21, $0x10  }
0x16f: {  	v38 =	vld [tilespmem:s21+$0x5AD0];
	v31 =	vand.u32 $0xFFFF0000, v21;
	v10 =	vand.u32 $0xFFFF0000, v26;
	v32 =	vand.u32 $0xFFFF0000, v16  }
0x170: {  	v20 =	vld [tilespmem:s21+$0x5EE0];
	v37 =	vshll.u32 v27, $0x10;
	v27 =	vand.u32 $0xFFFF0000, v27;
	v40 =	vshll.u32 v56, $0x10  }
0x171: {  	v22 =	vld [tilespmem:s21+$0x7ED0];
	v42 =	vshll.u32 v58, $0x10;
	v44 =	vshll.u32 v60, $0x10;
	v45 =	vshll.u32 v59, $0x10  }
0x172: {  	v25 =	vld [tilespmem:s21+$0x5EA0];
	v51 =	vshll.u32 v35, $0x10;
	v35 =	vand.u32 $0xFFFF0000, v35;
	v62 =	vshll.u32 v46, $0x10  }
0x173: {  	v28 =	vld [tilespmem:s21+$0x5E80];
	v46 =	vand.u32 $0xFFFF0000, v46;
	v63 =	vshll.u32 v49, $0x10;
	v1 =	vadd.f32 v12, v1  }
0x174: {  	v49 =	vand.u32 $0xFFFF0000, v49;
	v0 =	vadd.f32 v13, v0;
	v2 =	vadd.f32 v11, v2  }
0x175: {  	v4 =	vadd.f32 v9, v4;
	v29 =	vand.u32 $0xFFFF0000, v20;
	v9 =	vshll.u32 v23, $0x10  }
0x176: {  	v11 =	vshll.u32 v26, $0x10;
	v46 =	vmul.f32 v49, v46;
	v14 =	vshll.u32 v22, $0x10  }
0x177: {  	v41 =	vld [tilespmem:s21+$0x5A80];
	v36 =	vshll.u32 v25, $0x10;
	v25 =	vand.u32 $0xFFFF0000, v25;
	v15 =	vand.u32 $0xFFFF0000, v22  }
0x178: {  	v43 =	vld [tilespmem:s21+$0x7A80];
	[tilespmem:s15+$0x0] =	vst v57;
	v39 =	vshll.u32 v28, $0x10;
	v28 =	vand.u32 $0xFFFF0000, v28;
	v57 =	vshll.u32 v38, $0x10  }
0x179: {  	v61 =	vld [tilespmem:s21+$0x7AA0];
	v38 =	vand.u32 $0xFFFF0000, v38;
	v29 =	vmul.f32 v31, v29;
	v1 =	vadd.f32 v3, v1  }
0x17a: {  	v17 =	vld [tilespmem:s21+$0x7EC0];
	v9 =	vmul.f32 v11, v9;
	v7 =	vadd.f32 v8, v0;
	v6 =	vadd.f32 v4, v2  }
0x17b: {  	v19 =	vld [tilespmem:s21+$0x5ED0];
	v4 =	vshll.u32 v20, $0x10;
	v8 =	vand.u32 $0xFFFF0000, v23;
	v23 =	vshll.u32 v16, $0x10  }
0x17c: {  	v18 =	vld [tilespmem:s21+$0x5EB0];
	v3 =	vand.u32 $0xFFFF0000, v58;
	v2 =	vand.u32 $0xFFFF0000, v59;
	v0 =	vand.u32 $0xFFFF0000, v60  }
0x17d: {  	v24 =	vld [tilespmem:s21+$0x7EB0];
	v58 =	vshll.u32 v41, $0x10;
	v41 =	vand.u32 $0xFFFF0000, v41;
	v60 =	vshll.u32 v43, $0x10  }
0x17e: {  	v54 =	vld [tilespmem:s21+$0x5AA0];
	v43 =	vand.u32 $0xFFFF0000, v43;
	v36 =	vmul.f32 v37, v36;
	v25 =	vmul.f32 v27, v25  }
0x17f: {  	v21 =	vld [tilespmem:s21+$0x7AE0];
	v27 =	vshll.u32 v61, $0x10;
	v37 =	vmul.f32 v40, v39;
	v39 =	vand.u32 $0xFFFF0000, v61  }
0x180: {  	v33 =	vshll.u32 v17, $0x10;
	v34 =	vand.u32 $0xFFFF0000, v17;
	v13 =	vshll.u32 v19, $0x10  }
0x181: {  	v12 =	vand.u32 $0xFFFF0000, v19;
	v17 =	vshll.u32 v18, $0x10;
	v16 =	vand.u32 $0xFFFF0000, v18  }
0x182: {  	v26 =	vld [tilespmem:s21+$0x5AF0];
	v20 =	vshll.u32 v24, $0x10;
	v18 =	vand.u32 $0xFFFF0000, v24;
	v4 =	vmul.f32 v30, v4  }
0x183: {  	v5 =	vld [tilespmem:s21+$0x5AB0];
	v30 =	vshll.u32 v54, $0x10;
	v61 =	vmul.f32 v60, v58;
	v41 =	vmul.f32 v43, v41  }
0x184: {  	v22 =	vld [tilespmem:s21+$0x7AC0];
	v2 =	vmul.f32 v2, v3;
	[tilespmem:$0x1FDA0] =	vst v1;
	v1 =	vand.u32 $0xFFFF0000, v56;
	v47 =	vshll.u32 v21, $0x10  }
0x185: {  	v19 =	vld [tilespmem:s21+$0x5AC0];
	v48 =	vand.u32 $0xFFFF0000, v21;
	v23 =	vmul.f32 v33, v23;
	v31 =	vmul.f32 v34, v32  }
0x186: {  	v24 =	vld [tilespmem:s21+$0x7AD0];
	v33 =	vand.u32 $0xFFFF0000, v54;
	v27 =	vmul.f32 v27, v30;
	v13 =	vmul.f32 v14, v13  }
0x187: {  	s22 =	sand.u32 $0x380, s9;
	v50 =	vshll.u32 v26, $0x10;
	v1 =	vmul.f32 v1, v28;
	v40 =	vmul.f32 v47, v44  }
0x188: {  	s23 =	sor.u32 s23, s22;
	v34 =	vld [tilespmem:s21+$0x7AB0];
	v26 =	vand.u32 $0xFFFF0000, v26;
	v0 =	vmul.f32 v48, v0;
	v30 =	vmul.f32 v39, v33  }
0x189: {  	v43 =	vld [tilespmem:s23+$0x7AB0];
	v47 =	vshll.u32 v5, $0x10;
	v5 =	vand.u32 $0xFFFF0000, v5;
	v55 =	vshll.u32 v22, $0x10  }
0x18a: {  	v28 =	vld [tilespmem:s23+$0x5AA0];
	v56 =	vand.u32 $0xFFFF0000, v22;
	v27 =	vadd.f32 v27, v61;
	v30 =	vadd.f32 v30, v41  }
0x18b: {  	v33 =	vld [tilespmem:s23+$0x5AD0];
	v52 =	vshll.u32 v19, $0x10;
	v53 =	vand.u32 $0xFFFF0000, v19;
	v59 =	vshll.u32 v24, $0x10  }
0x18c: {  	v22 =	vld [tilespmem:s23+$0x5A90];
	v24 =	vand.u32 $0xFFFF0000, v24;
	v48 =	vmul.f32 v55, v52;
	v52 =	vmul.f32 v56, v53  }
0x18d: {  	v55 =	vmul.f32 v63, v62;
	v62 =	vshll.u32 v34, $0x10;
	v60 =	vmul.f32 v59, v57  }
0x18e: {  	v63 =	vand.u32 $0xFFFF0000, v34;
	v24 =	vmul.f32 v24, v38;
	v58 =	vmul.f32 v62, v47  }
0x18f: {  	v57 =	vshll.u32 v43, $0x10;
	v5 =	vmul.f32 v63, v5;
	v62 =	vmul.f32 v51, v50  }
0x190: {  	v61 =	vld [tilespmem:s23+$0x7AD0];
	v51 =	vmul.f32 v20, v17;
	v54 =	vand.u32 $0xFFFF0000, v28;
	v59 =	vand.u32 $0xFFFF0000, v33  }
0x191: {  	v50 =	vld [tilespmem:s23+$0x5E80];
	v27 =	vadd.f32 v48, v27;
	v30 =	vadd.f32 v52, v30;
	v52 =	vand.u32 $0xFFFF0000, v22  }
0x192: {  	v49 =	vld [tilespmem:s23+$0x7AF0];
	v39 =	vadd.f32 v58, v55;
	v5 =	vadd.f32 v5, v46;
	v58 =	vand.u32 $0xFFFF0000, v43  }
0x193: {  	v27 =	vadd.f32 v40, v27;
	v0 =	vadd.f32 v0, v30;
	v30 =	vmul.f32 v45, v42  }
0x194: {  	v44 =	vld [tilespmem:s23+$0x7AA0];
	v39 =	vadd.f32 v60, v39;
	v5 =	vadd.f32 v24, v5;
	v24 =	vmul.f32 v35, v26  }
0x195: {  	v53 =	vld [tilespmem:s23+$0x5AB0];
	v60 =	vshll.u32 v61, $0x10;
	v61 =	vand.u32 $0xFFFF0000, v61;
	v0 =	vadd.f32 v1, v0  }
0x196: {  	v21 =	vld [tilespmem:s23+$0x7A80];
	v3 =	vand.u32 $0xFFFF0000, v50;
	v39 =	vadd.f32 v62, v39;
	v5 =	vadd.f32 v24, v5  }
0x197: {  	v24 =	vadd.f32 v37, v27;
	v62 =	vshll.u32 v49, $0x10;
	v0 =	vadd.f32 v25, v0  }
0x198: {  	v17 =	vadd.f32 v30, v39;
	v2 =	vadd.f32 v2, v5;
	v5 =	vmul.f32 v18, v16  }
0x199: {  	v19 =	vld [tilespmem:s23+$0x5A80];
	v25 =	vshll.u32 v44, $0x10;
	v16 =	vadd.f32 v36, v24;
	v0 =	vadd.f32 v31, v0  }
0x19a: {  	v30 =	vand.u32 $0xFFFF0000, v53;
	v1 =	vadd.f32 v51, v17;
	v2 =	vadd.f32 v5, v2  }
0x19b: {  	v5 =	vmul.f32 v15, v12;
	v12 =	vadd.f32 v23, v16;
	v15 =	vshll.u32 v21, $0x10  }
0x19c: {  	v32 =	vld [tilespmem:s23+$0x7A90];
	v23 =	vshll.u32 v28, $0x10;
	v28 =	vand.u32 $0xFFFF0000, v44;
	v0 =	vadd.f32 v29, v0  }
0x19d: {  	v56 =	vld [tilespmem:s23+$0x5AC0];
	v1 =	vadd.f32 v13, v1;
	v2 =	vadd.f32 v5, v2;
	v5 =	vmul.f32 v10, v8  }
0x19e: {  	v29 =	vshll.u32 v53, $0x10;
	v4 =	vadd.f32 v4, v12;
	v8 =	vshll.u32 v19, $0x10  }
0x19f: {  	v34 =	vld [tilespmem:s23+$0x7AC0];
	v55 =	vmul.f32 v15, v8;
	v1 =	vadd.f32 v9, v1;
	v2 =	vadd.f32 v5, v2  }
0x1a0: {  	v5 =	vand.u32 $0xFFFF0000, v19;
	v19 =	vand.u32 $0xFFFF0000, v21;
	v21 =	vshll.u32 v22, $0x10  }
0x1a1: {  	v38 =	vld [tilespmem:s23+$0x5AE0];
	v0 =	vadd.f32 v0, v4;
	v4 =	vshll.u32 v32, $0x10;
	v22 =	vand.u32 $0xFFFF0000, v32  }
0x1a2: {  	v5 =	vmul.f32 v19, v5;
	v4 =	vmul.f32 v4, v21;
	v19 =	vshll.u32 v56, $0x10  }
0x1a3: {  	v11 =	vld [tilespmem:s23+$0x5EC0];
	v21 =	vmul.f32 v25, v23;
	v23 =	vmul.f32 v57, v29;
	v1 =	vadd.f32 v2, v1  }
0x1a4: {  	v63 =	vld [tilespmem:s23+$0x7AE0];
	v25 =	vshll.u32 v34, $0x10;
	v29 =	vand.u32 $0xFFFF0000, v34;
	v2 =	vmul.f32 v22, v52  }
0x1a5: {  	v26 =	vld [tilespmem:s23+$0x5AF0];
	v22 =	vand.u32 $0xFFFF0000, v56;
	v0 =	vadd.f32 v1, v0;
	v1 =	vmul.f32 v28, v54  }
0x1a6: {  	s15 =	smov.u32 s16;
	s16 =	sadd.s32 $0x100, s16;
	v24 =	vld [tilespmem:s23+$0x7E90];
	v4 =	vadd.f32 v23, v4;
	v23 =	vshll.u32 v38, $0x10;
	v28 =	vmul.f32 v58, v30  }
0x1a7: {  	v14 =	vld [tilespmem:s23+$0x5ED0];
	v30 =	vshll.u32 v33, $0x10;
	[tilespmem:s16+$0xFFFFFF80] =	vst v0;
	v0 =	vadd.f32 v21, v55;
	v1 =	vadd.f32 v1, v5  }
0x1a8: {  	v20 =	vld [tilespmem:s23+$0x7E80];
	v5 =	vmul.f32 v25, v19;
	v2 =	vadd.f32 v28, v2;
	v19 =	vmul.f32 v29, v22  }
0x1a9: {  	v27 =	vld [tilespmem:s23+$0x5E90];
	v21 =	vmul.f32 v60, v30;
	v22 =	vmul.f32 v61, v59;
	v25 =	vand.u32 $0xFFFF0000, v38  }
0x1aa: {  	v18 =	vld [tilespmem:s23+$0x5EA0];
	v28 =	vshll.u32 v63, $0x10;
	v29 =	vand.u32 $0xFFFF0000, v63;
	v30 =	vshll.u32 v26, $0x10  }
0x1ab: {  	v31 =	vld [tilespmem:s23+$0x7EA0];
	v26 =	vand.u32 $0xFFFF0000, v26;
	v63 =	vshll.u32 v24, $0x10;
	v0 =	vadd.f32 v5, v0  }
0x1ac: {  	v16 =	vld [tilespmem:s23+$0x5EB0];
	v1 =	vadd.f32 v19, v1;
	v5 =	vand.u32 $0xFFFF0000, v49;
	v4 =	vadd.f32 v21, v4  }
0x1ad: {  	v17 =	vld [tilespmem:s23+$0x7EB0];
	v2 =	vadd.f32 v22, v2;
	v19 =	vmul.f32 v28, v23;
	v21 =	vmul.f32 v29, v25  }
0x1ae: {  	s1 =	sadd.s32 $0x2, s1;
	v12 =	vld [tilespmem:s23+$0x7EC0];
	v22 =	vmul.f32 v62, v30;
	v23 =	vshll.u32 v50, $0x10;
	v25 =	vshll.u32 v20, $0x10  }
0x1af: {  	p3 =	slt.u32 s1, $0x1E;
	v13 =	vld [tilespmem:s23+$0x7ED0];
	v28 =	vshll.u32 v27, $0x10;
	v27 =	vand.u32 $0xFFFF0000, v27;
	v29 =	vand.u32 $0xFFFF0000, v24  }
.Ltmp5:
0x1b0: {  	v10 =	vld [tilespmem:s23+$0x7EE0];
	v30 =	vshll.u32 v31, $0x10;
	v5 =	vmul.f32 v5, v26;
	v23 =	vmul.f32 v25, v23;
	(pc) =	sbr.rel @p3 .LBB2_14-.Ltmp5, $4  }
0x1b1: {  	v8 =	vld [tilespmem:s23+$0x5EF0];
	v26 =	vand.u32 $0xFFFF0000, v20;
	v24 =	vmul.f32 v63, v28;
	v25 =	vmul.f32 v29, v27  }
0x1b2: {  	v15 =	vld [tilespmem:s23+$0x7EF0];
	v27 =	vshll.u32 v18, $0x10;
	v18 =	vand.u32 $0xFFFF0000, v18;
	v29 =	vand.u32 $0xFFFF0000, v31  }
0x1b3: {  	v9 =	vld [tilespmem:s23+$0x5EE0];
	v33 =	vmovc v6;
	v28 =	vshll.u32 v16, $0x10;
	v19 =	vadd.f32 v19, v0;
	v21 =	vadd.f32 v21, v1  }
0x1b4: {  	s9 =	sadd.s32 $0x100, s9;
	v32 =	vld [tilespmem:$0x1FDA0];
	v6 =	vmovc v7;
	v20 =	vadd.f32 v22, v4;
	v26 =	vmul.f32 v26, v3;
	v22 =	vadd.f32 v5, v2  }
0x1b5: {  	v0 =	vand.u32 $0xFFFF0000, v16  }
0x1b6: {  	v1 =	vshll.u32 v17, $0x10;
	v2 =	vand.u32 $0xFFFF0000, v17;
	v3 =	vadd.f32 v23, v19  }
0x1b7: {  	v5 =	vmul.f32 v30, v27;
	v18 =	vmul.f32 v29, v18;
	v27 =	vshll.u32 v14, $0x10  }
0x1b8: {  	v14 =	vand.u32 $0xFFFF0000, v14;
	v29 =	vand.u32 $0xFFFF0000, v13;
	v4 =	vadd.f32 v26, v21  }
0x1b9: {  	v31 =	vand.u32 $0xFFFF0000, v10;
	v16 =	vadd.f32 v24, v20;
	v17 =	vadd.f32 v25, v22  }
0x1ba: {  	v1 =	vmul.f32 v1, v28;
	v0 =	vmul.f32 v2, v0;
	v24 =	vshll.u32 v11, $0x10  }
0x1bb: {  	v25 =	vand.u32 $0xFFFF0000, v11;
	v26 =	vshll.u32 v12, $0x10;
	v12 =	vand.u32 $0xFFFF0000, v12  }
0x1bc: {  	v28 =	vshll.u32 v13, $0x10;
	v34 =	vand.u32 $0xFFFF0000, v8;
	v2 =	vmul.f32 v26, v24  }
0x1bd: {  	v3 =	vadd.f32 v5, v3;
	v11 =	vmul.f32 v12, v25;
	v12 =	vmul.f32 v28, v27  }
0x1be: {  	v5 =	vmul.f32 v29, v14;
	v14 =	vshll.u32 v10, $0x10;
	v35 =	vshll.u32 v15, $0x10  }
0x1bf: {  	v15 =	vand.u32 $0xFFFF0000, v15;
	v4 =	vadd.f32 v18, v4;
	v1 =	vadd.f32 v1, v16  }
0x1c0: {  	v0 =	vadd.f32 v0, v17;
	v13 =	vshll.u32 v9, $0x10;
	v30 =	vand.u32 $0xFFFF0000, v9  }
0x1c1: {  	v16 =	vshll.u32 v8, $0x10;
	v37 =	vmul.f32 v15, v34;
	v2 =	vadd.f32 v2, v3  }
0x1c2: {  	v36 =	vmul.f32 v14, v13;
	v9 =	vmul.f32 v31, v30;
	v4 =	vadd.f32 v11, v4  }
0x1c3: {  	v3 =	vmul.f32 v35, v16;
	v1 =	vadd.f32 v12, v1;
	v0 =	vadd.f32 v5, v0  }
0x1c4: {  	v2 =	vadd.f32 v36, v2;
	v4 =	vadd.f32 v9, v4  }
0x1c5: {  	v39 =	vlaneseq.u32;
	v1 =	vadd.f32 v3, v1;
	v0 =	vadd.f32 v37, v0  }
0x1c6: {  	v38 =	vadd.f32 v6, v32;
	v5 =	vmul.u32 $0x80, v39  }
0x1c7: {  	v2 =	vadd.f32 v4, v2;
	v0 =	vadd.f32 v0, v1  }
0x1c8: {  	v40 =	vadd.f32 v38, v33;
	v41 =	vor.u32 $0x1, v5  }
0x1c9: {  	v42 =	vor.u32 $0x2, v5;
	v0 =	vadd.f32 v0, v2  }
0x1ca: {  	v43 =	vor.u32 $0x3, v5;
	[tilespmem:s15+$0x0] =	vst v40  }
0x1cb: {  	v44 =	vor.u32 $0x4, v5;
	[tilespmem:s16+$0x0] =	vst v0  }
0x1cc: {  	v7 =	vor.u32 $0x5, v5;
	v0 =	vld.idx.msk [tilespmem:v5+s7+$0x0], $0xffff  }
0x1cd: {  	v45 =	vor.u32 $0x6, v5;
	v1 =	vld.idx.msk [tilespmem:v41+s7+$0x0], $0xffff  }
0x1ce: {  	v46 =	vor.u32 $0x7, v5;
	v2 =	vld.idx.msk [tilespmem:v42+s7+$0x0], $0xffff  }
0x1cf: {  	v48 =	vor.u32 $0x8, v5;
	v47 =	vld.idx.msk [tilespmem:v43+s7+$0x0], $0xffff  }
0x1d0: {  	v50 =	vor.u32 $0x9, v5;
	v49 =	vld.idx.msk [tilespmem:v44+s7+$0x0], $0xffff  }
0x1d1: {  	v52 =	vor.u32 $0xA, v5;
	v51 =	vld.idx.msk [tilespmem:v7+s7+$0x0], $0xffff  }
0x1d2: {  	v54 =	vor.u32 $0xB, v5;
	v53 =	vld.idx.msk [tilespmem:v45+s7+$0x0], $0xffff  }
0x1d3: {  	v56 =	vor.u32 $0xC, v5;
	v55 =	vld.idx.msk [tilespmem:v46+s7+$0x0], $0xffff  }
0x1d4: {  	v58 =	vor.u32 $0xD, v5;
	v57 =	vld.idx.msk [tilespmem:v48+s7+$0x0], $0xffff  }
0x1d5: {  	v59 =	vld.idx.msk [tilespmem:v50+s7+$0x0], $0xffff  }
0x1d6: {  	v61 =	vor.u32 $0xE, v5;
	v60 =	vld.idx.msk [tilespmem:v52+s7+$0x0], $0xffff  }
0x1d7: {  	v63 =	vor.u32 $0xF, v5;
	v62 =	vld.idx.msk [tilespmem:v54+s7+$0x0], $0xffff  }
0x1d8: {  	v11 =	vld.idx.msk [tilespmem:v56+s7+$0x0], $0xffff  }
0x1d9: {  	v18 =	vld.idx.msk [tilespmem:v58+s7+$0x0], $0xffff  }
0x1da: {  	v19 =	vld [tilespmem:$0xDA80]  }
0x1db: {  	v31 =	vld.idx.msk [tilespmem:v61+s7+$0x0], $0xffff  }
0x1dc: {  	v20 =	vld.idx.msk [tilespmem:v63+s7+$0x0], $0xffff;
	v0 =	vadd.f32 v49, v0;
	v1 =	vadd.f32 v51, v1  }
0x1dd: {  	v2 =	vadd.f32 v53, v2;
	v3 =	vadd.f32 v55, v47  }
0x1de: {  	v0 =	vadd.f32 v57, v0;
	v1 =	vadd.f32 v59, v1  }
0x1df: {  	v2 =	vadd.f32 v60, v2;
	v3 =	vadd.f32 v62, v3  }
0x1e0: {  	v0 =	vadd.f32 v11, v0;
	v1 =	vadd.f32 v18, v1  }
0x1e1: {  	v2 =	vadd.f32 v31, v2;
	v3 =	vadd.f32 v20, v3  }
0x1e2: {  	v21 =	vld.idx.msk [tilespmem:v19+s19+$0x0], $0xffff  }
0x1e3: {  	v0 =	vadd.f32 v1, v0;
	v22 =	vadd.f32 v3, v2;
	_ =	sdelay $0x1  }
0x1e4: {  	v0 =	vadd.f32 v22, v0  }
0x1e5: {  	v23 =	vor.u32 $0x800, v5  }
0x1e6: {  	s1 =	sadd.s32 s6, s13;
	v24 =	vor.u32 $0x801, v5;
	[tilespmem:$0x1FBA0] =	vst v41;
	v0 =	vmul.f32 v0, v21  }
0x1e7: {  	p3 =	slt.u32 s1, $0x27100;
	v25 =	vor.u32 $0x802, v5;
	[tilespmem:$0x1FBB0] =	vst v42  }
0x1e8: {  	v26 =	vor.u32 $0x803, v5;
	[tilespmem:$0x1FC00] =	vst v46;
	v0 =	vpsel !p3, $0x0, v0  }
0x1e9: {  	v27 =	vor.u32 $0x804, v5;
	v46 =	vld [tilespmem:$0xDA90];
	[tilespmem:$0xEC80] =	vst v0  }
0x1ea: {  	v28 =	vor.u32 $0x805, v5;
	[tilespmem:$0x1FBC0] =	vst v43;
	v0 =	vld.idx.msk [tilespmem:v23+s7+$0x0], $0xffff  }
0x1eb: {  	v30 =	vor.u32 $0x806, v5;
	[tilespmem:$0x1FBD0] =	vst v44;
	v29 =	vld.idx.msk [tilespmem:v24+s7+$0x0], $0xffff  }
0x1ec: {  	v32 =	vor.u32 $0x807, v5;
	[tilespmem:$0x1FBE0] =	vst v7;
	v31 =	vld.idx.msk [tilespmem:v25+s7+$0x0], $0xffff  }
0x1ed: {  	v34 =	vor.u32 $0x808, v5;
	[tilespmem:$0x1FBF0] =	vst v45;
	v33 =	vld.idx.msk [tilespmem:v26+s7+$0x0], $0xffff  }
0x1ee: {  	[tilespmem:$0x1FC10] =	vst v48;
	v47 =	vor.u32 $0x809, v5;
	v35 =	vld.idx.msk [tilespmem:v27+s7+$0x0], $0xffff  }
0x1ef: {  	[tilespmem:$0x1FC20] =	vst v50;
	v48 =	vor.u32 $0x80A, v5;
	v37 =	vld.idx.msk [tilespmem:v28+s7+$0x0], $0xffff  }
0x1f0: {  	[tilespmem:$0x1FC30] =	vst v52;
	v49 =	vor.u32 $0x80B, v5;
	v38 =	vld.idx.msk [tilespmem:v30+s7+$0x0], $0xffff  }
0x1f1: {  	[tilespmem:$0x1FC40] =	vst v54;
	v50 =	vor.u32 $0x80C, v5;
	v39 =	vld.idx.msk [tilespmem:v32+s7+$0x0], $0xffff  }
0x1f2: {  	[tilespmem:$0x1FC50] =	vst v56;
	v51 =	vor.u32 $0x80D, v5;
	v40 =	vld.idx.msk [tilespmem:v34+s7+$0x0], $0xffff  }
0x1f3: {  	[tilespmem:$0x1FC60] =	vst v58;
	v52 =	vor.u32 $0x80E, v5;
	v41 =	vld.idx.msk [tilespmem:v47+s7+$0x0], $0xffff  }
0x1f4: {  	[tilespmem:$0x1FD50] =	vst v5;
	v5 =	vor.u32 $0x80F, v5;
	v42 =	vld.idx.msk [tilespmem:v48+s7+$0x0], $0xffff  }
0x1f5: {  	[tilespmem:$0x1FC70] =	vst v61;
	v43 =	vld.idx.msk [tilespmem:v49+s7+$0x0], $0xffff  }
0x1f6: {  	[tilespmem:$0x1FC80] =	vst v63;
	v44 =	vld.idx.msk [tilespmem:v50+s7+$0x0], $0xffff  }
0x1f7: {  	[tilespmem:$0x1FC90] =	vst v23;
	v45 =	vld.idx.msk [tilespmem:v51+s7+$0x0], $0xffff  }
0x1f8: {  	[tilespmem:$0x1FD20] =	vst v47;
	v47 =	vld.idx.msk [tilespmem:v52+s7+$0x0], $0xffff  }
0x1f9: {  	[tilespmem:$0x1FCA0] =	vst v24;
	v53 =	vld.idx.msk [tilespmem:v5+s7+$0x0], $0xffff;
	v0 =	vadd.f32 v35, v0;
	v1 =	vadd.f32 v37, v29  }
0x1fa: {  	[tilespmem:$0x1FCB0] =	vst v25;
	v2 =	vadd.f32 v38, v31;
	v3 =	vadd.f32 v39, v33  }
0x1fb: {  	[tilespmem:$0x1FCC0] =	vst v26;
	v0 =	vadd.f32 v40, v0;
	v1 =	vadd.f32 v41, v1  }
0x1fc: {  	[tilespmem:$0x1FCD0] =	vst v27;
	v2 =	vadd.f32 v42, v2;
	v3 =	vadd.f32 v43, v3  }
0x1fd: {  	[tilespmem:$0x1FCE0] =	vst v28;
	v0 =	vadd.f32 v44, v0;
	v1 =	vadd.f32 v45, v1  }
0x1fe: {  	[tilespmem:$0x1FCF0] =	vst v30;
	v2 =	vadd.f32 v47, v2;
	v3 =	vadd.f32 v53, v3  }
0x1ff: {  	[tilespmem:$0x1FD00] =	vst v32;
	v54 =	vld.idx.msk [tilespmem:v46+s19+$0x0], $0xffff  }
0x200: {  	[tilespmem:$0x1FD10] =	vst v34;
	v0 =	vadd.f32 v1, v0;
	v55 =	vadd.f32 v3, v2  }
0x201: {  	[tilespmem:$0x1FD30] =	vst v48  }
0x202: {  	[tilespmem:$0x1FD60] =	vst v50;
	v0 =	vadd.f32 v55, v0  }
0x203: {  	[tilespmem:$0x1FD80] =	vst v52  }
0x204: {  	s1 =	sor.u32 $0x10, s1;
	[tilespmem:$0x1FD40] =	vst v49;
	v0 =	vmul.f32 v0, v54  }
0x205: {  	p6 =	slt.u32 s1, $0x27100;
	[tilespmem:$0x1FD70] =	vst v51  }
0x206: {  	[tilespmem:$0x1FD90] =	vst v5;
	v0 =	vpsel !p6, $0x0, v0  }
0x207: {  	s23 =	simm.s32 $0xDB00;
	[tilespmem:$0xEC90] =	vst v0  }
0x208: {  	[spmem:s3] =	stream.indirect.scatter.add.f32 [tilespmem:s10], [sflag:$0x5], $0x1, s23, s8, $0xb8;
	[tilespmem:$0xF778] =	vst v63  }
0x209: {  	s9 =	sshll.u32 s31, $0x1;
	_ =	swait.ge [sflag:s18], $0x20  }
0x20a: {  	s1 =	smin.u32 s9, $0xC9;
	[sflag:s18] =	ssyncset.done $0x0  }
0x20b: {  	s1 =	sshll.u32 s1, $0x5;
	[sflag:s18] =	ssyncadd.s32 $0xFFFFFFE0  }
0x20c: {  	v56 =	vld [tilespmem:s1+$0x40];
	_ =	sdelay $0x4  }
0x20d: {  	[tilespmem:$0xDA80] =	vst v56  }
0x20e: {  	v0 =	vld [tilespmem:s1+$0x19C0];
	_ =	sdelay $0x2  }
0x20f: {  	v57 =	vld [tilespmem:$0xDA80];
	_ =	sdelay $0x1  }
0x210: {  	v59 =	vld [tilespmem:$0x1FFD0];
	[tilespmem:$0xDB00] =	vst v0  }
0x211: {  	v0 =	vld [tilespmem:s1+$0x50]  }
0x212: {  	v62 =	vld [tilespmem:$0x1FFE0]  }
0x213: {  	v63 =	vld [tilespmem:$0x1FFF0];
	v58 =	vshll.u32 v57, $0x1  }
0x214: {  	v1 =	vand.u32 $0x7, v57;
	v2 =	vand.u32 $0xFFFFFFF0, v58  }
0x215: {  	v1 =	vor.u32 v1, v2  }
0x216: {  	v60 =	vperm.xlane v1, v59;
	[tilespmem:$0xDA90] =	vst v0  }
0x217: {  	v61 =	vld [tilespmem:s1+$0x19D0]  }
0x218: {  	v1 =	vperm.xlane v1, v63;
	v0 =	vadd.s32 v62, v60;
	_ =	sdelay $0x1  }
0x219: {  	v1 =	vadd.s32 v62, v1;
	_ =	sdelay $0x1  }
0x21a: {  	s12 =	simm.s32 $0x0;
	s9 =	simm.s32 $0x5A80;
	[tilespmem:$0xDB10] =	vst v61  }
0x21b: {  	[tilespmem:s9], [sflag:$0x1] =	stream.indirect_vreg.gather [hbm4b:s2+s12], $0x80, v0, vm0, $0xb8;
	[tilespmem:$0xF778] =	vst v63  }
0x21c: {  	s13 =	simm.s32 $0x6280  }
0x21d: {  	[tilespmem:s13], [sflag:$0x1] =	stream.indirect_vreg.gather [hbm4b:s2+s12], $0x80, v1, vm0, $0xb8;
	[tilespmem:$0xF778] =	vst v63  }
0x21e: {  	v0 =	vld [tilespmem:$0xDA90];
	_ =	sdelay $0x4  }
0x21f: {  	v6 =	vshll.u32 v0, $0x1  }
0x220: {  	v0 =	vand.u32 $0x7, v0;
	v1 =	vand.u32 $0xFFFFFFF0, v6  }
0x221: {  	v0 =	vor.u32 v0, v1  }
0x222: {  	v1 =	vperm.xlane v0, v59;
	_ =	sdelay $0x1  }
0x223: {  	v0 =	vperm.xlane v0, v63;
	v1 =	vadd.s32 v62, v1;
	_ =	sdelay $0x1  }
0x224: {  	v0 =	vadd.s32 v62, v0;
	_ =	sdelay $0x1  }
0x225: {  	s14 =	simm.s32 $0x6A80  }
0x226: {  	[tilespmem:s14], [sflag:$0x1] =	stream.indirect_vreg.gather [hbm4b:s2+s12], $0x80, v1, vm0, $0xb8;
	[tilespmem:$0xF778] =	vst v63  }
0x227: {  	_ = 	snop  }
0x228: {  	[tilespmem:s24], [sflag:$0x1] =	stream.indirect_vreg.gather [hbm4b:s2+s12], $0x80, v0, vm0, $0xb8;
	[tilespmem:$0xF778] =	vst v63  }
0x229: {  	v0 =	vld [tilespmem:$0xDB00];
	_ =	sdelay $0x4  }
0x22a: {  	v7 =	vshll.u32 v0, $0x1  }
0x22b: {  	v0 =	vand.u32 $0x7, v0;
	v1 =	vand.u32 $0xFFFFFFF0, v7  }
0x22c: {  	v0 =	vor.u32 v0, v1  }
0x22d: {  	v1 =	vperm.xlane v0, v59;
	_ =	sdelay $0x1  }
0x22e: {  	v0 =	vperm.xlane v0, v63;
	v1 =	vadd.s32 v62, v1;
	_ =	sdelay $0x1  }
0x22f: {  	v0 =	vadd.s32 v62, v0;
	_ =	sdelay $0x2  }
0x230: {  	[tilespmem:s25], [sflag:$0x2] =	stream.indirect_vreg.gather [hbm4b:s2+s12], $0x80, v1, vm0, $0xb8;
	[tilespmem:$0xF778] =	vst v63  }
0x231: {  	_ = 	snop  }
0x232: {  	[tilespmem:s26], [sflag:$0x2] =	stream.indirect_vreg.gather [hbm4b:s2+s12], $0x80, v0, vm0, $0xb8;
	[tilespmem:$0xF778] =	vst v63  }
0x233: {  	v0 =	vld [tilespmem:$0xDB10];
	_ =	sdelay $0x4  }
0x234: {  	v8 =	vshll.u32 v0, $0x1  }
0x235: {  	v0 =	vand.u32 $0x7, v0;
	v1 =	vand.u32 $0xFFFFFFF0, v8  }
0x236: {  	v0 =	vor.u32 v0, v1  }
0x237: {  	v1 =	vperm.xlane v0, v59;
	_ =	sdelay $0x1  }
0x238: {  	v0 =	vperm.xlane v0, v63;
	v1 =	vadd.s32 v62, v1;
	_ =	sdelay $0x1  }
0x239: {  	v0 =	vadd.s32 v62, v0;
	_ =	sdelay $0x2  }
0x23a: {  	[tilespmem:s28], [sflag:$0x2] =	stream.indirect_vreg.gather [hbm4b:s2+s12], $0x80, v1, vm0, $0xb8;
	[tilespmem:$0xF778] =	vst v63  }
0x23b: {  	_ = 	snop  }
0x23c: {  	[tilespmem:s29], [sflag:$0x2] =	stream.indirect_vreg.gather [hbm4b:s2+s12], $0x80, v0, vm0, $0xb8;
	[tilespmem:$0xF778] =	vst v63  }
0x23d: {  	_ =	swait.ge [sflag:s17], $0x2000  }
0x23e: {  	[sflag:s17] =	ssyncset.done $0x0  }
0x23f: {  	[sflag:s17] =	ssyncadd.s32 $0xFFFFE000  }
0x240: {  	s15 =	simm.s32 $0x0;
	_ =	swait.ge [sflag:s11], $0x2000  }
0x241: {  	s1 =	sand.u32 $0x1800, s12;
	s9 =	sand.u32 $0x300, s15;
	[sflag:s11] =	ssyncset.done $0x0  }
0x242: {  	s9 =	sor.u32 s9, s1;
	[sflag:s11] =	ssyncadd.s32 $0xFFFFE000  }
0x243: {  	v9 =	vld [tilespmem:s9+$0x9EE0]  }
0x244: {  	v10 =	vld [tilespmem:s9+$0xBEE0]  }
0x245: {  	v11 =	vld [tilespmem:s9+$0x9EF0]  }
0x246: {  	v18 =	vld [tilespmem:s9+$0xBEF0]  }
0x247: {  	v19 =	vld [tilespmem:s9+$0x9EC0]  }
0x248: {  	v20 =	vld [tilespmem:s9+$0xBEC0]  }
0x249: {  	v21 =	vld [tilespmem:s9+$0x9EA0]  }
0x24a: {  	v22 =	vld [tilespmem:s9+$0xBEA0]  }
0x24b: {  	v23 =	vld [tilespmem:s9+$0x9E80]  }
0x24c: {  	v24 =	vld [tilespmem:s9+$0xBE80]  }
0x24d: {  	v48 =	vld [tilespmem:s9+$0x9AE0]  }
0x24e: {  	v27 =	vld [tilespmem:s9+$0xBAE0];
	v25 =	vshll.u32 v9, $0x10;
	v0 =	vand.u32 $0xFFFF0000, v9;
	v26 =	vshll.u32 v10, $0x10  }
0x24f: {  	v50 =	vld [tilespmem:s9+$0x9AC0];
	v1 =	vand.u32 $0xFFFF0000, v10;
	v38 =	vshll.u32 v11, $0x10;
	v37 =	vand.u32 $0xFFFF0000, v11  }
0x250: {  	v52 =	vld [tilespmem:s9+$0xBAC0];
	v49 =	vshll.u32 v19, $0x10;
	v40 =	vshll.u32 v18, $0x10;
	v39 =	vand.u32 $0xFFFF0000, v18  }
0x251: {  	v55 =	vld [tilespmem:s9+$0x9A80];
	v28 =	vand.u32 $0xFFFF0000, v19;
	v29 =	vshll.u32 v20, $0x10;
	v41 =	vand.u32 $0xFFFF0000, v20  }
0x252: {  	v57 =	vld [tilespmem:s9+$0xBA80];
	v51 =	vshll.u32 v21, $0x10;
	v42 =	vand.u32 $0xFFFF0000, v21;
	v53 =	vshll.u32 v22, $0x10  }
0x253: {  	v59 =	vld [tilespmem:s9+$0x9A90];
	v43 =	vand.u32 $0xFFFF0000, v22;
	v54 =	vshll.u32 v23, $0x10;
	v44 =	vand.u32 $0xFFFF0000, v23  }
0x254: {  	v30 =	vld [tilespmem:s9+$0xBA90];
	v56 =	vshll.u32 v24, $0x10;
	v45 =	vand.u32 $0xFFFF0000, v24;
	v58 =	vshll.u32 v48, $0x10  }
0x255: {  	v31 =	vld [tilespmem:s9+$0x9AA0];
	v48 =	vand.u32 $0xFFFF0000, v48;
	v60 =	vshll.u32 v27, $0x10;
	v2 =	vand.u32 $0xFFFF0000, v27  }
0x256: {  	v34 =	vld [tilespmem:s9+$0xBAA0];
	v61 =	vshll.u32 v50, $0x10;
	v50 =	vand.u32 $0xFFFF0000, v50;
	v62 =	vshll.u32 v52, $0x10  }
0x257: {  	v36 =	vld [tilespmem:s9+$0x9AB0];
	v52 =	vand.u32 $0xFFFF0000, v52;
	v32 =	vshll.u32 v55, $0x10;
	v55 =	vand.u32 $0xFFFF0000, v55  }
0x258: {  	v6 =	vld [tilespmem:s9+$0xBAB0];
	v33 =	vshll.u32 v57, $0x10;
	v57 =	vand.u32 $0xFFFF0000, v57;
	v35 =	vshll.u32 v59, $0x10  }
0x259: {  	v59 =	vand.u32 $0xFFFF0000, v59;
	v5 =	vshll.u32 v30, $0x10;
	v47 =	vand.u32 $0xFFFF0000, v30  }
0x25a: {  	v8 =	vld [tilespmem:s9+$0x9AD0];
	v7 =	vshll.u32 v31, $0x10;
	v46 =	vmul.f32 v26, v25;
	v0 =	vmul.f32 v1, v0  }
0x25b: {  	v10 =	vshll.u32 v34, $0x10;
	v4 =	vmul.f32 v29, v49;
	v3 =	vmul.f32 v41, v28  }
0x25c: {  	v11 =	vshll.u32 v36, $0x10;
	v51 =	vmul.f32 v53, v51;
	v42 =	vmul.f32 v43, v42  }
0x25d: {  	v19 =	vshll.u32 v6, $0x10;
	v54 =	vmul.f32 v56, v54;
	v44 =	vmul.f32 v45, v44  }
0x25e: {  	v21 =	vand.u32 $0xFFFF0000, v6;
	v58 =	vmul.f32 v60, v58;
	v2 =	vmul.f32 v2, v48  }
0x25f: {  	v9 =	vld [tilespmem:s9+$0xBAD0];
	v23 =	vshll.u32 v8, $0x10;
	v61 =	vmul.f32 v62, v61;
	v50 =	vmul.f32 v52, v50  }
0x260: {  	v18 =	vld [tilespmem:s9+$0x9AF0];
	v1 =	vand.u32 $0xFFFF0000, v31;
	v41 =	vmul.f32 v33, v32;
	v55 =	vmul.f32 v57, v55  }
0x261: {  	v20 =	vld [tilespmem:s9+$0xBAF0];
	v53 =	vand.u32 $0xFFFF0000, v34;
	v43 =	vmul.f32 v5, v35;
	v47 =	vmul.f32 v47, v59  }
0x262: {  	v22 =	vld [tilespmem:s9+$0x9ED0];
	v56 =	vand.u32 $0xFFFF0000, v36;
	v48 =	vmul.f32 v10, v7;
	v57 =	vmul.f32 v19, v11  }
0x263: {  	v24 =	vld [tilespmem:s9+$0xBED0];
	v62 =	vand.u32 $0xFFFF0000, v8;
	v1 =	vmul.f32 v53, v1;
	v53 =	vmul.f32 v21, v56  }
0x264: {  	v27 =	vld [tilespmem:s9+$0xBEB0];
	v37 =	vmul.f32 v39, v37;
	v41 =	vadd.f32 v48, v41;
	v43 =	vadd.f32 v57, v43  }
0x265: {  	v21 =	vmul.f32 v40, v38;
	v1 =	vadd.f32 v1, v55;
	v47 =	vadd.f32 v53, v47  }
0x266: {  	v26 =	vld [tilespmem:s9+$0x9EB0];
	v25 =	vshll.u32 v9, $0x10;
	v49 =	vand.u32 $0xFFFF0000, v9;
	v28 =	vshll.u32 v18, $0x10  }
0x267: {  	s16 =	simm.s32 $0x80;
	v29 =	vld [tilespmem:s9+$0x9E90];
	v30 =	vshll.u32 v20, $0x10;
	v41 =	vadd.f32 v61, v41;
	v32 =	vshll.u32 v22, $0x10  }
0x268: {  	v31 =	vld [tilespmem:s9+$0xBE90];
	s9 =	sand.u32 $0x380, s16;
	v59 =	vand.u32 $0xFFFF0000, v22;
	v33 =	vshll.u32 v24, $0x10;
	v56 =	vand.u32 $0xFFFF0000, v24  }
0x269: {  	s9 =	sor.u32 s1, s9;
	v35 =	vshll.u32 v27, $0x10;
	v45 =	vand.u32 $0xFFFF0000, v18;
	v52 =	vand.u32 $0xFFFF0000, v20  }
0x26a: {  	v10 =	vld [tilespmem:s9+$0x9A80];
	v57 =	vand.u32 $0xFFFF0000, v27;
	v48 =	vmul.f32 v25, v23;
	v49 =	vmul.f32 v49, v62  }
0x26b: {  	v18 =	vld [tilespmem:s9+$0xBA80];
	v1 =	vadd.f32 v50, v1;
	v60 =	vmul.f32 v30, v28;
	v34 =	vshll.u32 v26, $0x10  }
0x26c: {  	v20 =	vld [tilespmem:s9+$0x9A90];
	v55 =	vand.u32 $0xFFFF0000, v26;
	v45 =	vmul.f32 v52, v45;
	v36 =	vshll.u32 v29, $0x10  }
0x26d: {  	v22 =	vld [tilespmem:s9+$0xBA90];
	v53 =	vand.u32 $0xFFFF0000, v29;
	v63 =	vshll.u32 v31, $0x10;
	v11 =	vmul.f32 v33, v32  }
0x26e: {  	v24 =	vld [tilespmem:s9+$0x9AA0];
	v50 =	vand.u32 $0xFFFF0000, v31;
	v19 =	vmul.f32 v56, v59;
	v5 =	vmul.f32 v63, v36  }
0x26f: {  	v27 =	vld [tilespmem:s9+$0x9AB0];
	v41 =	vadd.f32 v58, v41;
	v6 =	vmul.f32 v50, v53;
	v7 =	vmul.f32 v35, v34  }
0x270: {  	v25 =	vld [tilespmem:s9+$0xBAA0];
	v9 =	vmul.f32 v57, v55;
	v43 =	vadd.f32 v48, v43;
	v47 =	vadd.f32 v49, v47  }
0x271: {  	v31 =	vld [tilespmem:s9+$0xBAB0];
	v1 =	vadd.f32 v2, v1;
	v28 =	vshll.u32 v10, $0x10;
	v41 =	vadd.f32 v54, v41  }
0x272: {  	v33 =	vld [tilespmem:s9+$0x9AC0];
	v29 =	vand.u32 $0xFFFF0000, v10;
	v43 =	vadd.f32 v60, v43;
	v45 =	vadd.f32 v45, v47  }
0x273: {  	v1 =	vadd.f32 v44, v1;
	v30 =	vshll.u32 v18, $0x10;
	v32 =	vand.u32 $0xFFFF0000, v18  }
0x274: {  	v55 =	vld [tilespmem:s9+$0xBAC0];
	v34 =	vshll.u32 v20, $0x10;
	v35 =	vshll.u32 v22, $0x10;
	v38 =	vand.u32 $0xFFFF0000, v22  }
0x275: {  	v58 =	vld [tilespmem:s9+$0x9AD0];
	v54 =	vshll.u32 v24, $0x10;
	v56 =	vand.u32 $0xFFFF0000, v24;
	v59 =	vshll.u32 v27, $0x10  }
0x276: {  	v41 =	vadd.f32 v51, v41;
	v57 =	vshll.u32 v25, $0x10;
	v61 =	vshll.u32 v31, $0x10  }
0x277: {  	v63 =	vld [tilespmem:s9+$0x9AE0];
	v44 =	vand.u32 $0xFFFF0000, v31;
	v62 =	vshll.u32 v33, $0x10;
	v2 =	vadd.f32 v5, v43  }
0x278: {  	v8 =	vadd.f32 v6, v45;
	v1 =	vadd.f32 v42, v1;
	v45 =	vand.u32 $0xFFFF0000, v20  }
0x279: {  	v60 =	vld [tilespmem:s9+$0xBAD0];
	v42 =	vmul.f32 v32, v29;
	v39 =	vmul.f32 v57, v54;
	v10 =	vshll.u32 v55, $0x10  }
0x27a: {  	v18 =	vshll.u32 v58, $0x10;
	v49 =	vand.u32 $0xFFFF0000, v58;
	v4 =	vadd.f32 v4, v41  }
0x27b: {  	v41 =	vmul.f32 v30, v28;
	v38 =	vmul.f32 v38, v45;
	v2 =	vadd.f32 v7, v2  }
0x27c: {  	v31 =	vld [tilespmem:s9+$0xBE90];
	v45 =	vand.u32 $0xFFFF0000, v63;
	v43 =	vadd.f32 v9, v8;
	v1 =	vadd.f32 v3, v1  }
0x27d: {  	v29 =	vld [tilespmem:s9+$0x9E90];
	v3 =	vand.u32 $0xFFFF0000, v33;
	v9 =	vmul.f32 v61, v59;
	v4 =	vadd.f32 v46, v4  }
0x27e: {  	v58 =	vld [tilespmem:s9+$0x9EB0];
	v20 =	vshll.u32 v60, $0x10;
	v39 =	vadd.f32 v39, v41;
	v2 =	vadd.f32 v11, v2  }
0x27f: {  	v23 =	vadd.f32 v19, v43;
	v0 =	vadd.f32 v0, v1;
	v1 =	vand.u32 $0xFFFF0000, v25  }
0x280: {  	v43 =	vand.u32 $0xFFFF0000, v60;
	v22 =	vmul.f32 v20, v18;
	v25 =	vshll.u32 v63, $0x10  }
0x281: {  	v61 =	vshll.u32 v31, $0x10;
	v41 =	vand.u32 $0xFFFF0000, v31;
	v1 =	vmul.f32 v1, v56  }
0x282: {  	v8 =	vld [tilespmem:s9+$0xBAE0];
	v24 =	vmul.f32 v43, v49;
	v59 =	vshll.u32 v29, $0x10;
	v49 =	vand.u32 $0xFFFF0000, v29  }
0x283: {  	v11 =	vld [tilespmem:s9+$0x9AF0];
	v20 =	vshll.u32 v58, $0x10;
	v48 =	vand.u32 $0xFFFF0000, v58;
	v2 =	vadd.f32 v21, v2  }
0x284: {  	v19 =	vld [tilespmem:s9+$0xBAF0];
	v26 =	vadd.f32 v37, v23;
	v0 =	vadd.f32 v0, v4;
	v4 =	vmul.f32 v35, v34  }
0x285: {  	v37 =	vand.u32 $0xFFFF0000, v27;
	v21 =	vmul.f32 v10, v62;
	v41 =	vmul.f32 v41, v49  }
0x286: {  	v56 =	vld [tilespmem:s9+$0xBEA0];
	v37 =	vmul.f32 v44, v37;
	v1 =	vadd.f32 v1, v42;
	v2 =	vadd.f32 v26, v2  }
0x287: {  	v60 =	vld [tilespmem:s9+$0xBEB0];
	v27 =	vshll.u32 v8, $0x10;
	v4 =	vadd.f32 v9, v4;
	v39 =	vadd.f32 v21, v39  }
0x288: {  	v23 =	vld [tilespmem:s9+$0x9E80];
	v34 =	vmul.f32 v27, v25;
	v9 =	vmul.f32 v61, v59;
	v37 =	vadd.f32 v37, v38  }
0x289: {  	v35 =	vld [tilespmem:s9+$0x9EA0];
	v28 =	vshll.u32 v11, $0x10;
	v44 =	vand.u32 $0xFFFF0000, v11;
	v30 =	vshll.u32 v19, $0x10  }
0x28a: {  	v10 =	vld [tilespmem:s9+$0xBEC0];
	v32 =	vand.u32 $0xFFFF0000, v19;
	v40 =	vadd.f32 v2, v0;
	v0 =	vand.u32 $0xFFFF0000, v55  }
0x28b: {  	v2 =	vand.u32 $0xFFFF0000, v8;
	v54 =	vmul.f32 v30, v28;
	v18 =	vshll.u32 v56, $0x10  }
0x28c: {  	s13 =	simm.s32 $0x200;
	s12 =	simm.s32 $0x100;
	v31 =	vld [tilespmem:s9+$0x9EF0];
	v0 =	vmul.f32 v0, v3;
	v3 =	vadd.f32 v22, v4;
	v33 =	vadd.f32 v24, v37  }
0x28d: {  	s21 =	sand.u32 $0x1800, s13;
	s12 =	sand.u32 $0x300, s12;
	v26 =	vld [tilespmem:s9+$0xBE80];
	v2 =	vmul.f32 v2, v45;
	v55 =	vshll.u32 v23, $0x10;
	v38 =	vand.u32 $0xFFFF0000, v23  }
0x28e: {  	s22 =	sor.u32 s12, s21;
	v21 =	vld [tilespmem:s9+$0xBED0];
	v37 =	vadd.f32 v34, v39;
	v11 =	vshll.u32 v35, $0x10;
	v42 =	vand.u32 $0xFFFF0000, v35  }
0x28f: {  	v58 =	vld [tilespmem:s22+$0xBEE0];
	v22 =	vshll.u32 v60, $0x10;
	v39 =	vand.u32 $0xFFFF0000, v60;
	v29 =	vshll.u32 v10, $0x10  }
0x290: {  	v19 =	vld [tilespmem:s9+$0x9ED0];
	v45 =	vand.u32 $0xFFFF0000, v10;
	v23 =	vmul.f32 v18, v11;
	v25 =	vmul.f32 v22, v20  }
0x291: {  	v61 =	vld [tilespmem:s22+$0x9EC0];
	v39 =	vmul.f32 v39, v48;
	v48 =	vand.u32 $0xFFFF0000, v31;
	v0 =	vadd.f32 v0, v1  }
0x292: {  	v8 =	vld [tilespmem:s9+$0x9EC0];
	v1 =	vmul.f32 v32, v44;
	v57 =	vshll.u32 v26, $0x10;
	v46 =	vand.u32 $0xFFFF0000, v26  }
0x293: {  	v62 =	vadd.f32 v54, v3;
	v44 =	vand.u32 $0xFFFF0000, v56;
	v32 =	vshll.u32 v21, $0x10  }
0x294: {  	v28 =	vld [tilespmem:s9+$0xBEE0];
	v34 =	vand.u32 $0xFFFF0000, v21;
	v63 =	vmul.f32 v57, v55;
	v38 =	vmul.f32 v46, v38  }
0x295: {  	v24 =	vmul.f32 v44, v42;
	v30 =	vshll.u32 v19, $0x10;
	v49 =	vand.u32 $0xFFFF0000, v19  }
0x296: {  	v42 =	vand.u32 $0xFFFF0000, v58;
	v46 =	vand.u32 $0xFFFF0000, v61;
	v0 =	vadd.f32 v2, v0  }
0x297: {  	v35 =	vld [tilespmem:s22+$0x9EE0];
	v1 =	vadd.f32 v1, v33;
	v2 =	vadd.f32 v9, v62;
	v27 =	vshll.u32 v8, $0x10  }
0x298: {  	v26 =	vld [tilespmem:s9+$0x9EE0];
	v43 =	vand.u32 $0xFFFF0000, v8;
	v59 =	vmul.f32 v32, v30;
	v4 =	vmul.f32 v34, v49  }
0x299: {  	v21 =	vld [tilespmem:s22+$0x9E80];
	v62 =	vshll.u32 v28, $0x10;
	v44 =	vand.u32 $0xFFFF0000, v28;
	v8 =	vshll.u32 v31, $0x10  }
0x29a: {  	v22 =	vld [tilespmem:s22+$0xBE80];
	v28 =	vshll.u32 v61, $0x10;
	v3 =	vadd.f32 v63, v37;
	v56 =	vmul.f32 v29, v27  }
0x29b: {  	v11 =	vld [tilespmem:s22+$0xBEA0];
	v57 =	vmul.f32 v45, v43;
	v0 =	vadd.f32 v38, v0;
	v1 =	vadd.f32 v41, v1  }
0x29c: {  	v33 =	vld [tilespmem:s9+$0xBEF0];
	v2 =	vadd.f32 v25, v2;
	v25 =	vand.u32 $0xFFFF0000, v35;
	v3 =	vadd.f32 v23, v3  }
0x29d: {  	v9 =	vld [tilespmem:s22+$0x9EA0];
	v60 =	vshll.u32 v26, $0x10;
	v41 =	vand.u32 $0xFFFF0000, v26;
	v23 =	vshll.u32 v35, $0x10  }
0x29e: {  	v30 =	vld [tilespmem:s22+$0x9AC0];
	v26 =	vshll.u32 v58, $0x10;
	v34 =	vshll.u32 v21, $0x10;
	v0 =	vadd.f32 v24, v0  }
0x29f: {  	v32 =	vld [tilespmem:s22+$0xBAC0];
	v35 =	vshll.u32 v22, $0x10;
	v1 =	vadd.f32 v39, v1;
	v2 =	vadd.f32 v59, v2  }
0x2a0: {  	v63 =	vld [tilespmem:s22+$0xBEC0];
	v18 =	vmul.f32 v62, v60;
	v41 =	vmul.f32 v44, v41;
	v39 =	vand.u32 $0xFFFF0000, v11  }
0x2a1: {  	v27 =	vld [tilespmem:s22+$0xBAE0];
	v44 =	vand.u32 $0xFFFF0000, v21;
	v55 =	vmul.f32 v35, v34;
	v3 =	vadd.f32 v56, v3  }
0x2a2: {  	v10 =	vshll.u32 v33, $0x10;
	v37 =	vand.u32 $0xFFFF0000, v33;
	v31 =	vshll.u32 v9, $0x10  }
0x2a3: {  	v52 =	vand.u32 $0xFFFF0000, v9;
	v33 =	vshll.u32 v11, $0x10;
	v50 =	vand.u32 $0xFFFF0000, v30  }
0x2a4: {  	v24 =	vld [tilespmem:s22+$0x9AE0];
	v53 =	vand.u32 $0xFFFF0000, v32;
	v0 =	vadd.f32 v57, v0;
	v1 =	vadd.f32 v4, v1  }
0x2a5: {  	v21 =	vld [tilespmem:s22+$0x9AA0];
	v19 =	vmul.f32 v10, v8;
	v20 =	vmul.f32 v37, v48;
	v29 =	vshll.u32 v63, $0x10  }
0x2a6: {  	v35 =	vld [tilespmem:s22+$0xBAF0];
	v49 =	vand.u32 $0xFFFF0000, v63;
	v10 =	vshll.u32 v27, $0x10;
	v4 =	vmul.f32 v42, v25  }
0x2a7: {  	v11 =	vld [tilespmem:s22+$0x9A90];
	v45 =	vand.u32 $0xFFFF0000, v27;
	v51 =	vmul.f32 v33, v31;
	v52 =	vmul.f32 v39, v52  }
0x2a8: {  	v37 =	vld [tilespmem:s22+$0x9A80];
	v50 =	vmul.f32 v53, v50;
	v3 =	vadd.f32 v18, v3;
	v18 =	vshll.u32 v30, $0x10  }
0x2a9: {  	v8 =	vld [tilespmem:s22+$0xBA80];
	v47 =	vmul.f32 v29, v28;
	v46 =	vmul.f32 v49, v46;
	v0 =	vadd.f32 v41, v0  }
0x2aa: {  	v27 =	vld [tilespmem:s22+$0x9AB0];
	v15 =	vadd.f32 v19, v2;
	v38 =	vadd.f32 v20, v1;
	v41 =	vand.u32 $0xFFFF0000, v22  }
0x2ab: {  	v31 =	vld [tilespmem:s22+$0xBAD0];
	v1 =	vmul.f32 v26, v23;
	v20 =	vshll.u32 v32, $0x10;
	v9 =	vshll.u32 v24, $0x10  }
0x2ac: {  	v33 =	vld [tilespmem:s22+$0x9AF0];
	v2 =	vand.u32 $0xFFFF0000, v24;
	v41 =	vmul.f32 v41, v44;
	v42 =	vmul.f32 v20, v18  }
0x2ad: {  	s23 =	simm.s32 $0x180;
	v28 =	vld [tilespmem:s22+$0xBAB0];
	v30 =	vshll.u32 v21, $0x10;
	v48 =	vand.u32 $0xFFFF0000, v21;
	v25 =	vshll.u32 v11, $0x10  }
0x2ae: {  	s9 =	sand.u32 $0x380, s23;
	v29 =	vld [tilespmem:s22+$0x9AD0];
	v61 =	vand.u32 $0xFFFF0000, v11;
	v59 =	vmul.f32 v10, v9;
	v2 =	vmul.f32 v45, v2  }
0x2af: {  	s9 =	sor.u32 s21, s9;
	v19 =	vld [tilespmem:s22+$0xBA90];
	v22 =	vshll.u32 v37, $0x10;
	v57 =	vand.u32 $0xFFFF0000, v37;
	v23 =	vshll.u32 v8, $0x10  }
0x2b0: {  	v36 =	vld [tilespmem:s9+$0x9A80];
	v58 =	vand.u32 $0xFFFF0000, v8;
	v34 =	vshll.u32 v27, $0x10;
	v60 =	vand.u32 $0xFFFF0000, v27  }
0x2b1: {  	v24 =	vld [tilespmem:s22+$0xBAA0];
	v8 =	vshll.u32 v31, $0x10;
	v54 =	vand.u32 $0xFFFF0000, v31;
	v18 =	vshll.u32 v33, $0x10  }
0x2b2: {  	v20 =	vld [tilespmem:s22+$0x9EF0];
	v49 =	vmul.f32 v23, v22;
	v57 =	vmul.f32 v58, v57;
	v63 =	vshll.u32 v28, $0x10  }
0x2b3: {  	v21 =	vld [tilespmem:s22+$0x9EB0];
	v45 =	vand.u32 $0xFFFF0000, v28;
	v7 =	vshll.u32 v29, $0x10;
	v11 =	vand.u32 $0xFFFF0000, v29  }
0x2b4: {  	v9 =	vld [tilespmem:s22+$0x9E90];
	v22 =	vand.u32 $0xFFFF0000, v33;
	v23 =	vand.u32 $0xFFFF0000, v35;
	v26 =	vshll.u32 v19, $0x10  }
0x2b5: {  	v10 =	vld [tilespmem:s22+$0xBE90];
	v43 =	vand.u32 $0xFFFF0000, v19;
	v63 =	vmul.f32 v63, v34;
	v6 =	vmul.f32 v45, v60  }
0x2b6: {  	v45 =	vmul.f32 v8, v7;
	v54 =	vmul.f32 v54, v11;
	v19 =	vshll.u32 v35, $0x10  }
0x2b7: {  	v37 =	vld [tilespmem:s9+$0xBA80];
	v8 =	vand.u32 $0xFFFF0000, v36;
	v32 =	vshll.u32 v24, $0x10;
	v39 =	vand.u32 $0xFFFF0000, v24  }
0x2b8: {  	v28 =	vld [tilespmem:s22+$0x9ED0];
	v44 =	vmul.f32 v26, v25;
	v43 =	vmul.f32 v43, v61;
	v31 =	vshll.u32 v21, $0x10  }
0x2b9: {  	v29 =	vld [tilespmem:s22+$0xBED0];
	v53 =	vmul.f32 v32, v30;
	v48 =	vmul.f32 v39, v48;
	v39 =	vadd.f32 v0, v3  }
0x2ba: {  	v58 =	vld [tilespmem:s9+$0x9A90];
	v26 =	vshll.u32 v9, $0x10;
	v27 =	vshll.u32 v10, $0x10;
	v30 =	vshll.u32 v20, $0x10  }
0x2bb: {  	v0 =	vadd.f32 v63, v44;
	v3 =	vadd.f32 v6, v43;
	v43 =	vmul.f32 v19, v18  }
0x2bc: {  	v24 =	vld [tilespmem:s22+$0xBEB0];
	v44 =	vand.u32 $0xFFFF0000, v10;
	v63 =	vshll.u32 v36, $0x10;
	v10 =	vshll.u32 v37, $0x10  }
0x2bd: {  	v25 =	vld [tilespmem:s22+$0xBEF0];
	v11 =	vand.u32 $0xFFFF0000, v37;
	v49 =	vadd.f32 v53, v49;
	v48 =	vadd.f32 v48, v57  }
0x2be: {  	v62 =	vld [tilespmem:s9+$0xBAA0];
	v53 =	vand.u32 $0xFFFF0000, v9;
	v34 =	vshll.u32 v28, $0x10;
	v57 =	vand.u32 $0xFFFF0000, v28  }
0x2bf: {  	v60 =	vld [tilespmem:s9+$0x9AA0];
	v35 =	vshll.u32 v29, $0x10;
	v18 =	vshll.u32 v58, $0x10;
	v0 =	vadd.f32 v45, v0  }
0x2c0: {  	v3 =	vadd.f32 v54, v3;
	v44 =	vmul.f32 v44, v53;
	v45 =	vand.u32 $0xFFFF0000, v21  }
0x2c1: {  	v42 =	vadd.f32 v42, v49;
	v48 =	vadd.f32 v50, v48;
	v50 =	vmul.f32 v23, v22  }
0x2c2: {  	v7 =	vld [tilespmem:s9+$0x9AB0];
	v49 =	vand.u32 $0xFFFF0000, v20;
	v32 =	vshll.u32 v24, $0x10;
	v33 =	vshll.u32 v25, $0x10  }
0x2c3: {  	v19 =	vld [tilespmem:s9+$0x9AC0];
	v56 =	vand.u32 $0xFFFF0000, v25;
	v54 =	vand.u32 $0xFFFF0000, v24;
	v20 =	vand.u32 $0xFFFF0000, v58  }
0x2c4: {  	v9 =	vld [tilespmem:s9+$0xBAB0];
	v22 =	vshll.u32 v60, $0x10;
	v24 =	vand.u32 $0xFFFF0000, v60;
	v25 =	vshll.u32 v62, $0x10  }
0x2c5: {  	v0 =	vadd.f32 v43, v0;
	v53 =	vmul.f32 v32, v31;
	v43 =	vand.u32 $0xFFFF0000, v29  }
0x2c6: {  	v28 =	vld [tilespmem:s9+$0xBAD0];
	v45 =	vmul.f32 v54, v45;
	v61 =	vmul.f32 v56, v49;
	v42 =	vadd.f32 v59, v42  }
0x2c7: {  	v23 =	vld [tilespmem:s9+$0xBAC0];
	v2 =	vadd.f32 v2, v48;
	v48 =	vmul.f32 v27, v26;
	v3 =	vadd.f32 v50, v3  }
0x2c8: {  	v32 =	vld [tilespmem:s9+$0xBAE0];
	v43 =	vmul.f32 v43, v57;
	v27 =	vshll.u32 v7, $0x10;
	v31 =	vshll.u32 v19, $0x10  }
0x2c9: {  	v59 =	vld [tilespmem:s9+$0xBA90];
	v29 =	vshll.u32 v9, $0x10;
	v42 =	vadd.f32 v55, v42;
	v2 =	vadd.f32 v41, v2  }
0x2ca: {  	v0 =	vadd.f32 v48, v0;
	v3 =	vadd.f32 v44, v3;
	v48 =	vmul.f32 v35, v34  }
0x2cb: {  	v26 =	vld [tilespmem:s9+$0x9AD0];
	v41 =	vmul.f32 v33, v30;
	v33 =	vmul.f32 v25, v22;
	v34 =	vand.u32 $0xFFFF0000, v19  }
0x2cc: {  	v44 =	vmul.f32 v29, v27;
	v55 =	vand.u32 $0xFFFF0000, v28;
	v42 =	vadd.f32 v51, v42  }
0x2cd: {  	v30 =	vld [tilespmem:s9+$0x9AE0];
	v36 =	vshll.u32 v23, $0x10;
	v2 =	vadd.f32 v52, v2;
	v0 =	vadd.f32 v53, v0  }
0x2ce: {  	v35 =	vld [tilespmem:s9+$0x9AF0];
	v3 =	vadd.f32 v45, v3;
	v27 =	vand.u32 $0xFFFF0000, v32;
	v21 =	vshll.u32 v59, $0x10  }
0x2cf: {  	v45 =	vand.u32 $0xFFFF0000, v59;
	v42 =	vadd.f32 v47, v42;
	v2 =	vadd.f32 v46, v2  }
0x2d0: {  	v37 =	vld [tilespmem:s9+$0xBAF0];
	v53 =	vand.u32 $0xFFFF0000, v26;
	v0 =	vadd.f32 v48, v0;
	v3 =	vadd.f32 v43, v3  }
0x2d1: {  	v47 =	vand.u32 $0xFFFF0000, v62;
	v43 =	vand.u32 $0xFFFF0000, v9;
	v62 =	vand.u32 $0xFFFF0000, v23  }
0x2d2: {  	v9 =	vshll.u32 v28, $0x10;
	v22 =	vmul.f32 v55, v53;
	v19 =	vmul.f32 v62, v34  }
0x2d3: {  	v23 =	vshll.u32 v30, $0x10;
	v25 =	vand.u32 $0xFFFF0000, v30;
	v29 =	vshll.u32 v35, $0x10  }
0x2d4: {  	v50 =	vand.u32 $0xFFFF0000, v35;
	v1 =	vadd.f32 v1, v42;
	v2 =	vadd.f32 v4, v2  }
0x2d5: {  	v28 =	vld [tilespmem:s9+$0xBEA0];
	v30 =	vshll.u32 v37, $0x10;
	v0 =	vadd.f32 v41, v0;
	v3 =	vadd.f32 v61, v3  }
0x2d6: {  	v48 =	vld [tilespmem:s9+$0x9EB0];
	v42 =	vand.u32 $0xFFFF0000, v7;
	v4 =	vmul.f32 v10, v63;
	v41 =	vmul.f32 v11, v8  }
0x2d7: {  	v63 =	vshll.u32 v26, $0x10;
	v11 =	vmul.f32 v36, v31;
	v26 =	vshll.u32 v32, $0x10  }
0x2d8: {  	v8 =	vld [tilespmem:s9+$0x9E80];
	v31 =	vand.u32 $0xFFFF0000, v37;
	v52 =	vmul.f32 v27, v25;
	v42 =	vmul.f32 v43, v42  }
0x2d9: {  	s14 =	simm.s32 $0xDD00;
	v10 =	vld [tilespmem:s9+$0xBE80];
	v32 =	vmul.f32 v26, v23;
	v1 =	vadd.f32 v2, v1;
	v0 =	vadd.f32 v3, v0  }
0x2da: {  	[tilespmem:s14+$0xFFFFFF80] =	vst v40;
	v40 =	vld [tilespmem:s9+$0x9EF0];
	v3 =	vmul.f32 v21, v18;
	v2 =	vmul.f32 v45, v20;
	v4 =	vadd.f32 v33, v4  }
0x2db: {  	v49 =	vld [tilespmem:s9+$0xBEB0];
	v21 =	vmul.f32 v9, v63;
	v61 =	vand.u32 $0xFFFF0000, v28;
	v59 =	vshll.u32 v48, $0x10  }
0x2dc: {  	v18 =	vld [tilespmem:s9+$0x9E90];
	v0 =	vadd.f32 v0, v1;
	v1 =	vmul.f32 v47, v24;
	v3 =	vadd.f32 v44, v3  }
0x2dd: {  	v20 =	vld [tilespmem:s9+$0xBE90];
	v2 =	vadd.f32 v42, v2;
	v4 =	vadd.f32 v11, v4;
	v42 =	vmul.f32 v31, v50  }
0x2de: {  	v46 =	vld [tilespmem:s9+$0x9ED0];
	v33 =	vshll.u32 v8, $0x10;
	v34 =	vand.u32 $0xFFFF0000, v8;
	v35 =	vshll.u32 v10, $0x10  }
0x2df: {  	v24 =	vld [tilespmem:s9+$0x9EA0];
	v36 =	vand.u32 $0xFFFF0000, v10;
	v1 =	vadd.f32 v1, v41;
	v3 =	vadd.f32 v21, v3  }
0x2e0: {  	v43 =	vld [tilespmem:s9+$0x9EC0];
	v2 =	vadd.f32 v22, v2;
	v41 =	vmul.f32 v30, v29;
	v51 =	vadd.f32 v32, v4  }
0x2e1: {  	v45 =	vld [tilespmem:s9+$0xBED0];
	v55 =	vmul.f32 v35, v33;
	v58 =	vmul.f32 v36, v34;
	v37 =	vshll.u32 v18, $0x10  }
0x2e2: {  	v44 =	vld [tilespmem:s9+$0xBEC0];
	v60 =	vand.u32 $0xFFFF0000, v18;
	v62 =	vshll.u32 v20, $0x10;
	v63 =	vand.u32 $0xFFFF0000, v20  }
0x2e3: {  	v47 =	vld [tilespmem:s9+$0xBEF0];
	v1 =	vadd.f32 v19, v1;
	v54 =	vadd.f32 v42, v2;
	v56 =	vmul.f32 v62, v37  }
0x2e4: {  	s15 =	simm.s32 $0xDE00;
	v42 =	vld [tilespmem:s9+$0xBEE0];
	v57 =	vmul.f32 v63, v60;
	v62 =	vshll.u32 v28, $0x10;
	v60 =	vshll.u32 v24, $0x10  }
0x2e5: {  	s1 =	simm.s32 $0x2;
	[tilespmem:s15+$0xFFFFFF80] =	vst v0;
	v50 =	vand.u32 $0xFFFF0000, v24;
	v53 =	vadd.f32 v52, v1;
	v52 =	vadd.f32 v41, v3;
	v41 =	vld [tilespmem:s9+$0x9EE0];
	s9 =	simm.s32 $0x280  }
.LBB2_16:
0x2e6: {  	s12 =	sadd.s32 $0xFFFFFF80, s9;
	s13 =	sadd.s32 $0x200, s13  }
0x2e7: {  	v25 =	vmul.f32 v62, v60;
	s22 =	sand.u32 $0x1800, s13;
	s12 =	sand.u32 $0x300, s12;
	v3 =	vadd.f32 v55, v51  }
0x2e8: {  	v50 =	vmul.f32 v61, v50;
	v4 =	vadd.f32 v58, v53;
	v26 =	vadd.f32 v56, v52;
	s16 =	sor.u32 s12, s22  }
0x2e9: {  	v0 =	vand.u32 $0xFFFF0000, v48;
	v27 =	vadd.f32 v57, v54;
	v52 =	vld [tilespmem:s16+$0x9EE0];
	v3 =	vadd.f32 v25, v3  }
0x2ea: {  	v53 =	vld [tilespmem:s16+$0xBEE0];
	v4 =	vadd.f32 v50, v4;
	v1 =	vshll.u32 v49, $0x10;
	v2 =	vand.u32 $0xFFFF0000, v49  }
0x2eb: {  	v55 =	vld [tilespmem:s16+$0x9EF0];
	v28 =	vshll.u32 v43, $0x10;
	v29 =	vand.u32 $0xFFFF0000, v43;
	v30 =	vshll.u32 v44, $0x10  }
0x2ec: {  	v35 =	vld [tilespmem:s16+$0xBEF0];
	v31 =	vand.u32 $0xFFFF0000, v44;
	v32 =	vshll.u32 v46, $0x10;
	v33 =	vand.u32 $0xFFFF0000, v46  }
0x2ed: {  	v48 =	vld [tilespmem:s16+$0x9EC0];
	v34 =	vshll.u32 v45, $0x10;
	v62 =	vand.u32 $0xFFFF0000, v45;
	v8 =	vshll.u32 v41, $0x10  }
0x2ee: {  	v51 =	vld [tilespmem:s16+$0x9ED0];
	v9 =	vand.u32 $0xFFFF0000, v41;
	v10 =	vshll.u32 v42, $0x10;
	v11 =	vand.u32 $0xFFFF0000, v42  }
0x2ef: {  	v54 =	vld [tilespmem:s16+$0xBED0];
	v18 =	vshll.u32 v40, $0x10;
	v1 =	vmul.f32 v1, v59;
	v0 =	vmul.f32 v2, v0  }
0x2f0: {  	v20 =	vld [tilespmem:s16+$0x9EA0];
	v19 =	vand.u32 $0xFFFF0000, v40;
	v2 =	vmul.f32 v30, v28;
	v43 =	vmul.f32 v31, v29  }
0x2f1: {  	v23 =	vld [tilespmem:s16+$0xBEA0];
	v21 =	vshll.u32 v47, $0x10;
	v63 =	vmul.f32 v34, v32;
	v45 =	vmul.f32 v62, v33  }
0x2f2: {  	v25 =	vld [tilespmem:s16+$0x9EB0];
	v22 =	vand.u32 $0xFFFF0000, v47;
	v24 =	vmul.f32 v10, v8;
	v41 =	vmul.f32 v11, v9  }
0x2f3: {  	v36 =	vld [tilespmem:s16+$0x9AC0];
	v40 =	vmul.f32 v22, v19;
	v1 =	vadd.f32 v1, v26;
	v0 =	vadd.f32 v0, v27  }
0x2f4: {  	v17 =	vld [tilespmem:s16+$0xBA80];
	v2 =	vadd.f32 v2, v3;
	v4 =	vadd.f32 v43, v4;
	v3 =	vmul.f32 v21, v18  }
0x2f5: {  	v49 =	vld [tilespmem:s16+$0xBEC0];
	v27 =	vadd.f32 v38, v15;
	v61 =	vand.u32 $0xFFFF0000, v52;
	v62 =	vshll.u32 v53, $0x10  }
0x2f6: {  	v28 =	vld [tilespmem:s16+$0x9E80];
	v43 =	vshll.u32 v35, $0x10;
	v42 =	vand.u32 $0xFFFF0000, v35;
	v6 =	vand.u32 $0xFFFF0000, v48  }
0x2f7: {  	v29 =	vld [tilespmem:s16+$0xBE80];
	v44 =	vand.u32 $0xFFFF0000, v51;
	v46 =	vshll.u32 v54, $0x10;
	v10 =	vshll.u32 v20, $0x10  }
0x2f8: {  	v31 =	vld [tilespmem:s16+$0x9E90];
	v57 =	vand.u32 $0xFFFF0000, v20;
	v47 =	vand.u32 $0xFFFF0000, v54;
	v1 =	vadd.f32 v63, v1  }
0x2f9: {  	v32 =	vld [tilespmem:s16+$0xBE90];
	v11 =	vshll.u32 v23, $0x10;
	v0 =	vadd.f32 v45, v0;
	v2 =	vadd.f32 v24, v2  }
0x2fa: {  	v33 =	vld [tilespmem:s16+$0x9AE0];
	v59 =	vand.u32 $0xFFFF0000, v23;
	v4 =	vadd.f32 v41, v4;
	v30 =	vadd.f32 v27, v39  }
0x2fb: {  	v34 =	vld [tilespmem:s16+$0xBAE0];
	v63 =	vand.u32 $0xFFFF0000, v53;
	v41 =	vshll.u32 v55, $0x10;
	v7 =	vshll.u32 v49, $0x10  }
0x2fc: {  	v8 =	vand.u32 $0xFFFF0000, v49;
	v45 =	vshll.u32 v51, $0x10;
	v49 =	vshll.u32 v25, $0x10  }
0x2fd: {  	v27 =	vand.u32 $0xFFFF0000, v36;
	v10 =	vmul.f32 v11, v10;
	v11 =	vmul.f32 v59, v57  }
0x2fe: {  	v13 =	vshll.u32 v28, $0x10;
	v60 =	vand.u32 $0xFFFF0000, v28;
	v14 =	vshll.u32 v29, $0x10  }
0x2ff: {  	v37 =	vld [tilespmem:s16+$0xBAC0];
	v16 =	vshll.u32 v31, $0x10;
	v18 =	vshll.u32 v33, $0x10;
	v19 =	vshll.u32 v32, $0x10  }
0x300: {  	v9 =	vld [tilespmem:s16+$0xBAF0];
	v21 =	vshll.u32 v34, $0x10;
	v22 =	vand.u32 $0xFFFF0000, v34;
	v34 =	vshll.u32 v17, $0x10  }
0x301: {  	v12 =	vld [tilespmem:s16+$0x9AD0];
	v17 =	vand.u32 $0xFFFF0000, v17;
	v61 =	vmul.f32 v63, v61;
	v1 =	vadd.f32 v3, v1  }
0x302: {  	v26 =	vld [tilespmem:s16+$0xBEB0];
	v6 =	vmul.f32 v8, v6;
	v38 =	vadd.f32 v40, v0;
	v39 =	vadd.f32 v4, v2  }
0x303: {  	v56 =	vld [tilespmem:s16+$0xBAD0];
	v4 =	vshll.u32 v52, $0x10;
	v40 =	vand.u32 $0xFFFF0000, v55;
	v55 =	vshll.u32 v48, $0x10  }
0x304: {  	v15 =	vld [tilespmem:s16+$0x9A80];
	v48 =	vand.u32 $0xFFFF0000, v25;
	v3 =	vand.u32 $0xFFFF0000, v31;
	v2 =	vand.u32 $0xFFFF0000, v32  }
0x305: {  	v35 =	vld [tilespmem:s16+$0x9AF0];
	v0 =	vand.u32 $0xFFFF0000, v33;
	v25 =	vshll.u32 v9, $0x10;
	v9 =	vand.u32 $0xFFFF0000, v9  }
0x306: {  	v20 =	vld [tilespmem:s16+$0x9A90];
	[tilespmem:s14+$0x0] =	vst v30;
	v30 =	vand.u32 $0xFFFF0000, v37;
	v31 =	vshll.u32 v12, $0x10;
	v12 =	vand.u32 $0xFFFF0000, v12  }
0x307: {  	s21 =	sand.u32 $0x380, s9;
	v23 =	vld [tilespmem:s16+$0xBA90];
	v13 =	vmul.f32 v14, v13;
	v18 =	vmul.f32 v21, v18;
	v52 =	vshll.u32 v26, $0x10  }
0x308: {  	s23 =	sor.u32 s22, s21;
	v28 =	vld [tilespmem:s16+$0x9AA0];
	v50 =	vand.u32 $0xFFFF0000, v26;
	v26 =	vshll.u32 v36, $0x10;
	v4 =	vmul.f32 v62, v4  }
0x309: {  	v51 =	vld [tilespmem:s23+$0x9A80];
	v32 =	vshll.u32 v15, $0x10;
	v7 =	vmul.f32 v7, v55;
	v0 =	vmul.f32 v22, v0  }
0x30a: {  	v53 =	vld [tilespmem:s23+$0xBA80];
	v15 =	vand.u32 $0xFFFF0000, v15;
	v27 =	vmul.f32 v30, v27;
	v2 =	vmul.f32 v2, v3  }
0x30b: {  	v54 =	vld [tilespmem:s23+$0x9A90];
	[tilespmem:$0x1FB90] =	vst v1;
	v1 =	vand.u32 $0xFFFF0000, v29;
	v24 =	vshll.u32 v35, $0x10;
	v58 =	vand.u32 $0xFFFF0000, v35  }
0x30c: {  	v55 =	vld [tilespmem:s16+$0xBAB0];
	v29 =	vshll.u32 v37, $0x10;
	v36 =	vshll.u32 v20, $0x10;
	v20 =	vand.u32 $0xFFFF0000, v20  }
0x30d: {  	v35 =	vld [tilespmem:s16+$0xBAA0];
	v5 =	vshll.u32 v23, $0x10;
	v30 =	vmul.f32 v34, v32;
	v15 =	vmul.f32 v17, v15  }
0x30e: {  	v23 =	vand.u32 $0xFFFF0000, v23;
	v37 =	vld [tilespmem:s16+$0x9AB0];
	v1 =	vmul.f32 v1, v60;
	v26 =	vmul.f32 v29, v26  }
0x30f: {  	v33 =	vshll.u32 v56, $0x10;
	v5 =	vmul.f32 v5, v36;
	v20 =	vmul.f32 v23, v20  }
0x310: {  	v14 =	vld [tilespmem:s23+$0x9AA0];
	v9 =	vmul.f32 v9, v58;
	v23 =	vmul.f32 v52, v49;
	v62 =	vshll.u32 v28, $0x10  }
0x311: {  	v28 =	vand.u32 $0xFFFF0000, v28;
	v60 =	vshll.u32 v55, $0x10;
	v57 =	vand.u32 $0xFFFF0000, v55  }
0x312: {  	v8 =	vld [tilespmem:s23+$0xBA90];
	v36 =	vand.u32 $0xFFFF0000, v51;
	v52 =	vand.u32 $0xFFFF0000, v53;
	v55 =	vand.u32 $0xFFFF0000, v54  }
0x313: {  	v21 =	vld [tilespmem:s23+$0xBAA0];
	v63 =	vshll.u32 v35, $0x10;
	v35 =	vand.u32 $0xFFFF0000, v35;
	v59 =	vshll.u32 v37, $0x10  }
0x314: {  	v17 =	vand.u32 $0xFFFF0000, v37;
	v63 =	vmul.f32 v63, v62;
	v28 =	vmul.f32 v35, v28  }
0x315: {  	v58 =	vand.u32 $0xFFFF0000, v14;
	v22 =	vmul.f32 v60, v59;
	v17 =	vmul.f32 v57, v17  }
0x316: {  	v59 =	vand.u32 $0xFFFF0000, v56;
	v60 =	vmul.f32 v33, v31;
	v33 =	vshll.u32 v51, $0x10  }
0x317: {  	v51 =	vshll.u32 v53, $0x10;
	v53 =	vshll.u32 v54, $0x10;
	v56 =	vshll.u32 v8, $0x10  }
0x318: {  	v8 =	vand.u32 $0xFFFF0000, v8;
	v57 =	vshll.u32 v14, $0x10;
	v14 =	vshll.u32 v21, $0x10  }
0x319: {  	v29 =	vld [tilespmem:s23+$0x9AB0];
	v12 =	vmul.f32 v59, v12;
	v30 =	vadd.f32 v63, v30;
	v15 =	vadd.f32 v28, v15  }
0x31a: {  	v59 =	vand.u32 $0xFFFF0000, v21;
	v5 =	vadd.f32 v22, v5;
	v17 =	vadd.f32 v17, v20  }
0x31b: {  	v32 =	vld [tilespmem:s23+$0xBAB0];
	v63 =	vmul.f32 v25, v24;
	v25 =	vmul.f32 v50, v48;
	v62 =	vadd.f32 v26, v30  }
0x31c: {  	v31 =	vld [tilespmem:s23+$0xBAD0];
	v28 =	vmul.f32 v43, v41;
	v15 =	vadd.f32 v27, v15;
	v5 =	vadd.f32 v60, v5  }
0x31d: {  	v20 =	vld [tilespmem:s23+$0x9AE0];
	v12 =	vadd.f32 v12, v17;
	v26 =	vmul.f32 v46, v45;
	v27 =	vmul.f32 v47, v44  }
0x31e: {  	v17 =	vld [tilespmem:s23+$0x9AF0];
	v30 =	vmul.f32 v42, v40;
	v60 =	vshll.u32 v29, $0x10;
	v18 =	vadd.f32 v18, v62  }
0x31f: {  	v0 =	vadd.f32 v0, v15;
	v15 =	vmul.f32 v19, v16;
	v5 =	vadd.f32 v63, v5  }
0x320: {  	v34 =	vld [tilespmem:s23+$0x9AC0];
	v9 =	vadd.f32 v9, v12;
	v62 =	vmul.f32 v51, v33;
	v63 =	vshll.u32 v32, $0x10  }
0x321: {  	v33 =	vand.u32 $0xFFFF0000, v31;
	v12 =	vadd.f32 v13, v18;
	v0 =	vadd.f32 v1, v0  }
0x322: {  	v51 =	vshll.u32 v20, $0x10;
	v5 =	vadd.f32 v15, v5;
	v2 =	vadd.f32 v2, v9  }
0x323: {  	v3 =	vld [tilespmem:s23+$0x9E80];
	v54 =	vshll.u32 v17, $0x10;
	v10 =	vadd.f32 v10, v12;
	v0 =	vadd.f32 v11, v0  }
0x324: {  	v37 =	vld [tilespmem:s23+$0xBAC0];
	v17 =	vand.u32 $0xFFFF0000, v17;
	v1 =	vadd.f32 v23, v5;
	v2 =	vadd.f32 v25, v2  }
0x325: {  	v23 =	vand.u32 $0xFFFF0000, v32;
	v5 =	vmul.f32 v52, v36;
	v25 =	vshll.u32 v34, $0x10  }
0x326: {  	v24 =	vld [tilespmem:s23+$0xBAE0];
	v32 =	vshll.u32 v31, $0x10;
	v7 =	vadd.f32 v7, v10;
	v0 =	vadd.f32 v6, v0  }
0x327: {  	v35 =	vld [tilespmem:s23+$0x9AD0];
	v52 =	vand.u32 $0xFFFF0000, v20;
	v1 =	vadd.f32 v26, v1;
	v2 =	vadd.f32 v27, v2  }
0x328: {  	v15 =	vld [tilespmem:s23+$0x9E90];
	v26 =	vmul.f32 v14, v57;
	v27 =	vand.u32 $0xFFFF0000, v34;
	v6 =	vmul.f32 v63, v60  }
0x329: {  	v14 =	vshll.u32 v37, $0x10;
	v60 =	vshll.u32 v3, $0x10;
	v3 =	vand.u32 $0xFFFF0000, v3  }
0x32a: {  	v13 =	vld [tilespmem:s23+$0xBE80];
	v34 =	vmul.f32 v14, v25;
	v4 =	vadd.f32 v4, v7;
	v0 =	vadd.f32 v61, v0  }
0x32b: {  	v12 =	vld [tilespmem:s23+$0xBE90];
	v14 =	vshll.u32 v24, $0x10;
	v1 =	vadd.f32 v28, v1;
	v2 =	vadd.f32 v30, v2  }
0x32c: {  	v61 =	vand.u32 $0xFFFF0000, v29;
	v28 =	vand.u32 $0xFFFF0000, v37;
	v29 =	vshll.u32 v35, $0x10  }
0x32d: {  	v16 =	vld [tilespmem:s23+$0xBAF0];
	v30 =	vand.u32 $0xFFFF0000, v35;
	v57 =	vmul.f32 v14, v51;
	v14 =	vshll.u32 v15, $0x10  }
0x32e: {  	v15 =	vand.u32 $0xFFFF0000, v15;
	v7 =	vmul.f32 v23, v61;
	v35 =	vmul.f32 v28, v27  }
0x32f: {  	v49 =	vld [tilespmem:s23+$0xBEB0];
	v36 =	vmul.f32 v32, v29;
	v37 =	vmul.f32 v33, v30;
	v61 =	vshll.u32 v13, $0x10  }
0x330: {  	v50 =	vld [tilespmem:s23+$0x9EA0];
	v13 =	vand.u32 $0xFFFF0000, v13;
	v63 =	vand.u32 $0xFFFF0000, v12;
	v0 =	vadd.f32 v0, v4  }
0x331: {  	v9 =	vld [tilespmem:s23+$0xBEA0];
	v1 =	vadd.f32 v2, v1;
	v4 =	vmul.f32 v56, v53;
	v2 =	vmul.f32 v8, v55  }
0x332: {  	v48 =	vld [tilespmem:s23+$0x9EB0];
	v53 =	vand.u32 $0xFFFF0000, v24;
	v55 =	vshll.u32 v16, $0x10;
	v56 =	vand.u32 $0xFFFF0000, v16  }
0x333: {  	v43 =	vld [tilespmem:s23+$0x9EC0];
	v0 =	vadd.f32 v1, v0;
	v1 =	vmul.f32 v59, v58;
	v4 =	vadd.f32 v6, v4  }
0x334: {  	v41 =	vld [tilespmem:s23+$0x9EE0];
	v2 =	vadd.f32 v7, v2;
	v58 =	vmul.f32 v53, v52;
	v59 =	vmul.f32 v55, v54  }
0x335: {  	s1 =	sadd.s32 $0x2, s1;
	s14 =	smov.u32 s15;
	s15 =	sadd.s32 $0x100, s15;
	v44 =	vld [tilespmem:s23+$0xBEC0];
	v55 =	vmul.f32 v61, v60;
	v60 =	vshll.u32 v50, $0x10;
	v50 =	vand.u32 $0xFFFF0000, v50  }
0x336: {  	p3 =	slt.u32 s1, $0x1E;
	v46 =	vld [tilespmem:s23+$0x9ED0];
	v61 =	vand.u32 $0xFFFF0000, v9;
	[tilespmem:s15+$0xFFFFFF80] =	vst v0;
	v0 =	vadd.f32 v26, v62;
	v1 =	vadd.f32 v1, v5  }
.Ltmp6:
0x337: {  	v45 =	vld [tilespmem:s23+$0xBED0];
	v4 =	vadd.f32 v36, v4;
	v2 =	vadd.f32 v37, v2;
	v62 =	vshll.u32 v12, $0x10;
	(pc) =	sbr.rel @p3 .LBB2_16-.Ltmp6, $4  }
0x338: {  	v42 =	vld [tilespmem:s23+$0xBEE0];
	v5 =	vmul.f32 v56, v17;
	v56 =	vmul.f32 v62, v14;
	v0 =	vadd.f32 v34, v0  }
0x339: {  	v40 =	vld [tilespmem:s23+$0x9EF0];
	v62 =	vshll.u32 v9, $0x10;
	v1 =	vadd.f32 v35, v1;
	v52 =	vadd.f32 v59, v4  }
0x33a: {  	v47 =	vld [tilespmem:s23+$0xBEF0];
	v54 =	vadd.f32 v5, v2;
	v59 =	vshll.u32 v48, $0x10;
	v51 =	vadd.f32 v57, v0  }
0x33b: {  	s9 =	sadd.s32 $0x100, s9;
	v53 =	vadd.f32 v58, v1;
	v58 =	vmul.f32 v13, v3;
	v57 =	vmul.f32 v63, v15;
	v15 =	vld [tilespmem:$0x1FB90]  }
0x33c: {  	v0 =	vand.u32 $0xFFFF0000, v48  }
0x33d: {  	v1 =	vshll.u32 v49, $0x10;
	v2 =	vand.u32 $0xFFFF0000, v49;
	v3 =	vadd.f32 v55, v51  }
0x33e: {  	v5 =	vmul.f32 v62, v60;
	v6 =	vadd.f32 v56, v52;
	v8 =	vmul.f32 v61, v50  }
0x33f: {  	v9 =	vand.u32 $0xFFFF0000, v43;
	v10 =	vshll.u32 v44, $0x10;
	v11 =	vand.u32 $0xFFFF0000, v44  }
0x340: {  	v12 =	vshll.u32 v46, $0x10;
	v13 =	vand.u32 $0xFFFF0000, v46;
	v14 =	vshll.u32 v45, $0x10  }
0x341: {  	v60 =	vand.u32 $0xFFFF0000, v45;
	v63 =	vshll.u32 v41, $0x10;
	v16 =	vand.u32 $0xFFFF0000, v41  }
0x342: {  	v4 =	vadd.f32 v58, v53;
	v7 =	vadd.f32 v57, v54;
	v1 =	vmul.f32 v1, v59  }
0x343: {  	v0 =	vmul.f32 v2, v0;
	v59 =	vshll.u32 v43, $0x10;
	v61 =	vmul.f32 v11, v9  }
0x344: {  	v62 =	vmul.f32 v14, v12;
	v17 =	vshll.u32 v42, $0x10;
	v18 =	vand.u32 $0xFFFF0000, v42  }
0x345: {  	v3 =	vadd.f32 v5, v3;
	v2 =	vmul.f32 v10, v59;
	v5 =	vmul.f32 v60, v13  }
0x346: {  	v19 =	vshll.u32 v40, $0x10;
	v20 =	vand.u32 $0xFFFF0000, v40;
	v23 =	vmul.f32 v17, v63  }
0x347: {  	v24 =	vmul.f32 v18, v16;
	v4 =	vadd.f32 v8, v4;
	v1 =	vadd.f32 v1, v6  }
0x348: {  	v0 =	vadd.f32 v0, v7;
	v21 =	vshll.u32 v47, $0x10;
	v22 =	vand.u32 $0xFFFF0000, v47  }
0x349: {  	v2 =	vadd.f32 v2, v3;
	v3 =	vmul.f32 v21, v19;
	v4 =	vadd.f32 v61, v4  }
0x34a: {  	v25 =	vmul.f32 v22, v20;
	v1 =	vadd.f32 v62, v1;
	v0 =	vadd.f32 v5, v0  }
0x34b: {  	v2 =	vadd.f32 v23, v2;
	v4 =	vadd.f32 v24, v4  }
0x34c: {  	v1 =	vadd.f32 v3, v1;
	v0 =	vadd.f32 v25, v0  }
0x34d: {  	v26 =	vadd.f32 v38, v15  }
0x34e: {  	v2 =	vadd.f32 v4, v2;
	v0 =	vadd.f32 v0, v1  }
0x34f: {  	v27 =	vadd.f32 v26, v39  }
0x350: {  	v0 =	vadd.f32 v0, v2  }
0x351: {  	[tilespmem:s14+$0x0] =	vst v27  }
0x352: {  	[tilespmem:s15+$0x0] =	vst v0  }
0x353: {  	v0 =	vld [tilespmem:$0x1FD50]  }
0x354: {  	v1 =	vld [tilespmem:$0x1FBA0]  }
0x355: {  	v28 =	vld [tilespmem:$0x1FBB0]  }
0x356: {  	v29 =	vld [tilespmem:$0x1FBC0]  }
0x357: {  	v30 =	vld [tilespmem:$0x1FBD0]  }
0x358: {  	v31 =	vld [tilespmem:$0x1FBE0]  }
0x359: {  	v32 =	vld [tilespmem:$0x1FBF0]  }
0x35a: {  	v33 =	vld [tilespmem:$0x1FC00]  }
0x35b: {  	v34 =	vld [tilespmem:$0x1FC10]  }
0x35c: {  	v35 =	vld [tilespmem:$0x1FC20]  }
0x35d: {  	v36 =	vld [tilespmem:$0x1FC30]  }
0x35e: {  	v37 =	vld [tilespmem:$0x1FC40]  }
0x35f: {  	v38 =	vld [tilespmem:$0x1FC50]  }
0x360: {  	v39 =	vld [tilespmem:$0x1FC60]  }
0x361: {  	v40 =	vld [tilespmem:$0xDB80]  }
0x362: {  	v41 =	vld [tilespmem:$0x1FC70]  }
0x363: {  	v42 =	vld [tilespmem:$0x1FC80]  }
0x364: {  	v45 =	vld [tilespmem:$0x1FC90]  }
0x365: {  	v46 =	vld [tilespmem:$0x1FCA0]  }
0x366: {  	v47 =	vld [tilespmem:$0x1FCB0]  }
0x367: {  	v48 =	vld [tilespmem:$0x1FCC0]  }
0x368: {  	v0 =	vld.idx.msk [tilespmem:v0+s7+$0x0], $0xffff  }
0x369: {  	v1 =	vld.idx.msk [tilespmem:v1+s7+$0x0], $0xffff  }
0x36a: {  	v2 =	vld.idx.msk [tilespmem:v28+s7+$0x0], $0xffff  }
0x36b: {  	v3 =	vld.idx.msk [tilespmem:v29+s7+$0x0], $0xffff  }
0x36c: {  	v4 =	vld.idx.msk [tilespmem:v30+s7+$0x0], $0xffff  }
0x36d: {  	v5 =	vld.idx.msk [tilespmem:v31+s7+$0x0], $0xffff  }
0x36e: {  	v6 =	vld.idx.msk [tilespmem:v32+s7+$0x0], $0xffff  }
0x36f: {  	v7 =	vld.idx.msk [tilespmem:v33+s7+$0x0], $0xffff  }
0x370: {  	v8 =	vld.idx.msk [tilespmem:v34+s7+$0x0], $0xffff  }
0x371: {  	v9 =	vld.idx.msk [tilespmem:v35+s7+$0x0], $0xffff  }
0x372: {  	v10 =	vld.idx.msk [tilespmem:v36+s7+$0x0], $0xffff  }
0x373: {  	v11 =	vld.idx.msk [tilespmem:v37+s7+$0x0], $0xffff  }
0x374: {  	v12 =	vld.idx.msk [tilespmem:v38+s7+$0x0], $0xffff  }
0x375: {  	v13 =	vld.idx.msk [tilespmem:v39+s7+$0x0], $0xffff  }
0x376: {  	v15 =	vld.idx.msk [tilespmem:v41+s7+$0x0], $0xffff  }
0x377: {  	v0 =	vadd.f32 v4, v0;
	v1 =	vadd.f32 v5, v1;
	v4 =	vld.idx.msk [tilespmem:v42+s7+$0x0], $0xffff  }
0x378: {  	v49 =	vld [tilespmem:$0x1FCD0];
	v2 =	vadd.f32 v6, v2;
	v3 =	vadd.f32 v7, v3  }
0x379: {  	v50 =	vld [tilespmem:$0x1FCE0];
	v0 =	vadd.f32 v8, v0;
	v1 =	vadd.f32 v9, v1  }
0x37a: {  	v51 =	vld [tilespmem:$0x1FCF0];
	v2 =	vadd.f32 v10, v2;
	v3 =	vadd.f32 v11, v3  }
0x37b: {  	v52 =	vld [tilespmem:$0x1FD00];
	v0 =	vadd.f32 v12, v0;
	v1 =	vadd.f32 v13, v1  }
0x37c: {  	v53 =	vld [tilespmem:$0x1FD10];
	v2 =	vadd.f32 v15, v2;
	v3 =	vadd.f32 v4, v3  }
0x37d: {  	v43 =	vld.idx.msk [tilespmem:v40+s19+$0x0], $0xffff  }
0x37e: {  	v54 =	vld [tilespmem:$0x1FD20];
	v0 =	vadd.f32 v1, v0;
	v44 =	vadd.f32 v3, v2  }
0x37f: {  	v55 =	vld [tilespmem:$0x1FD30]  }
0x380: {  	v56 =	vld [tilespmem:$0x1FD40];
	v0 =	vadd.f32 v44, v0  }
0x381: {  	v57 =	vld [tilespmem:$0x1FD60]  }
0x382: {  	s0 =	sadd.s32 s6, s0;
	v58 =	vld [tilespmem:$0x1FD70];
	v0 =	vmul.f32 v0, v43  }
0x383: {  	p3 =	slt.u32 s0, $0x27100;
	v59 =	vld [tilespmem:$0xDB90]  }
0x384: {  	v60 =	vld [tilespmem:$0x1FD80];
	v0 =	vpsel !p3, $0x0, v0  }
0x385: {  	v61 =	vld [tilespmem:$0x1FD90];
	[tilespmem:$0xEC80] =	vst v0  }
0x386: {  	v0 =	vld.idx.msk [tilespmem:v45+s7+$0x0], $0xffff  }
0x387: {  	v1 =	vld.idx.msk [tilespmem:v46+s7+$0x0], $0xffff  }
0x388: {  	v2 =	vld.idx.msk [tilespmem:v47+s7+$0x0], $0xffff  }
0x389: {  	v3 =	vld.idx.msk [tilespmem:v48+s7+$0x0], $0xffff  }
0x38a: {  	v4 =	vld.idx.msk [tilespmem:v49+s7+$0x0], $0xffff  }
0x38b: {  	v5 =	vld.idx.msk [tilespmem:v50+s7+$0x0], $0xffff  }
0x38c: {  	v6 =	vld.idx.msk [tilespmem:v51+s7+$0x0], $0xffff  }
0x38d: {  	v7 =	vld.idx.msk [tilespmem:v52+s7+$0x0], $0xffff  }
0x38e: {  	v8 =	vld.idx.msk [tilespmem:v53+s7+$0x0], $0xffff  }
0x38f: {  	v9 =	vld.idx.msk [tilespmem:v54+s7+$0x0], $0xffff  }
0x390: {  	v10 =	vld.idx.msk [tilespmem:v55+s7+$0x0], $0xffff  }
0x391: {  	v11 =	vld.idx.msk [tilespmem:v56+s7+$0x0], $0xffff  }
0x392: {  	v12 =	vld.idx.msk [tilespmem:v57+s7+$0x0], $0xffff  }
0x393: {  	v13 =	vld.idx.msk [tilespmem:v58+s7+$0x0], $0xffff  }
0x394: {  	v15 =	vld.idx.msk [tilespmem:v60+s7+$0x0], $0xffff  }
0x395: {  	v0 =	vadd.f32 v4, v0;
	v1 =	vadd.f32 v5, v1;
	v4 =	vld.idx.msk [tilespmem:v61+s7+$0x0], $0xffff  }
0x396: {  	v2 =	vadd.f32 v6, v2;
	v3 =	vadd.f32 v7, v3  }
0x397: {  	v0 =	vadd.f32 v8, v0;
	v1 =	vadd.f32 v9, v1  }
0x398: {  	v2 =	vadd.f32 v10, v2;
	v3 =	vadd.f32 v11, v3  }
0x399: {  	v0 =	vadd.f32 v12, v0;
	v1 =	vadd.f32 v13, v1  }
0x39a: {  	v2 =	vadd.f32 v15, v2;
	v3 =	vadd.f32 v4, v3  }
0x39b: {  	v62 =	vld.idx.msk [tilespmem:v59+s19+$0x0], $0xffff  }
0x39c: {  	v0 =	vadd.f32 v1, v0;
	v63 =	vadd.f32 v3, v2;
	_ =	sdelay $0x1  }
0x39d: {  	v0 =	vadd.f32 v63, v0;
	_ =	sdelay $0x1  }
0x39e: {  	s0 =	sor.u32 $0x10, s0;
	v0 =	vmul.f32 v0, v62  }
0x39f: {  	p6 =	slt.u32 s0, $0x27100  }
0x3a0: {  	s31 =	sadd.s32 $0x1, s31;
	v0 =	vpsel !p6, $0x0, v0  }
0x3a1: {  	s23 =	simm.s32 $0xDC00;
	p3 =	sne.s32 s31, $0x66;
	[tilespmem:$0xEC90] =	vst v0  }
0x3a2: {  	[spmem:s3] =	stream.indirect.scatter.add.f32 [tilespmem:s10], [sflag:$0x5], $0x1, s23, s8, $0xb8;
	[tilespmem:$0xF778] =	vst v63  }
.Ltmp7:
0x3a3: {  	_ = 	snop;
	(pc) =	sbr.rel @p3 .LBB2_13-.Ltmp7, $4  }
.Ltmp8:
0x3a4: {  	_ = 	snop;
	(pc) =	sbr.rel @!p3 .LBB2_18-.Ltmp8, $4  }
0x3a5: {  	_ =	swait.ge [sflag:s18], $0x20  }
0x3a6: {  	[sflag:s18] =	ssyncset.done $0x0  }
0x3a7: {  	[sflag:s18] =	ssyncadd.s32 $0xFFFFFFE0  }
0x3a8: {  	_ = 	snop  }
.LBB2_6:
0x3a9: {  	s0 =	rddreg [dreg:$0x4]  }
0x3aa: {  	[tilespmem:s30], [sflag:$0x5] =	stream.linear.gather [hbm4b:s0+s30], $0xE40, $0x38;
	[tilespmem:$0xF778] =	vst v63  }
0x3ab: {  	_ =	swait.ge [sflag:s18], $0xE40  }
0x3ac: {  	[sflag:s18] =	ssyncset.done $0x0  }
0x3ad: {  	s1 =	simm.s32 $0x1980;
	s16 =	rddreg [dreg:$0x5];
	[sflag:s18] =	ssyncadd.s32 $0xFFFFF1C0  }
0x3ae: {  	[tilespmem:s1], [sflag:$0x5] =	stream.linear.gather [hbm4b:s16+s30], $0xE40, $0x38;
	[tilespmem:$0xF778] =	vst v63  }
0x3af: {  	_ =	swait.ge [sflag:s18], $0xE40  }
0x3b0: {  	[sflag:s18] =	ssyncset.done $0x0  }
0x3b1: {  	[sflag:s18] =	ssyncadd.s32 $0xFFFFF1C0  }
0x3b2: {  	v5 =	vld [tilespmem:$0x0];
	_ =	sdelay $0x4  }
0x3b3: {  	[tilespmem:$0xDA80] =	vst v5  }
0x3b4: {  	v5 =	vld [tilespmem:$0xDA80];
	_ =	sdelay $0x2  }
0x3b5: {  	v0 =	vld [tilespmem:$0x1FFD0]  }
0x3b6: {  	v1 =	vld [tilespmem:$0x1FFE0]  }
0x3b7: {  	v2 =	vld [tilespmem:$0x1FFF0];
	v6 =	vshll.u32 v5, $0x1  }
0x3b8: {  	v5 =	vand.u32 $0x7, v5;
	v6 =	vand.u32 $0xFFFFFFF0, v6  }
0x3b9: {  	v7 =	vld [tilespmem:$0x1980];
	v5 =	vor.u32 v5, v6  }
0x3ba: {  	v60 =	vld [tilespmem:$0x10];
	v8 =	vperm.xlane v5, v0  }
0x3bb: {  	v9 =	vld [tilespmem:$0x1990]  }
0x3bc: {  	v5 =	vperm.xlane v5, v2;
	v8 =	vadd.s32 v1, v8;
	_ =	sdelay $0x1  }
0x3bd: {  	[tilespmem:$0xDB00] =	vst v7;
	v5 =	vadd.s32 v1, v5  }
0x3be: {  	[tilespmem:$0xDA90] =	vst v60  }
0x3bf: {  	s21 =	simm.s32 $0x5A80;
	[tilespmem:$0xDB10] =	vst v9  }
0x3c0: {  	[tilespmem:s21], [sflag:$0x1] =	stream.indirect_vreg.gather [hbm4b:s2+s30], $0x80, v8, vm0, $0xb8;
	[tilespmem:$0xF778] =	vst v63  }
0x3c1: {  	s22 =	simm.s32 $0x6280  }
0x3c2: {  	[tilespmem:s22], [sflag:$0x1] =	stream.indirect_vreg.gather [hbm4b:s2+s30], $0x80, v5, vm0, $0xb8;
	[tilespmem:$0xF778] =	vst v63  }
0x3c3: {  	v5 =	vld [tilespmem:$0xDA90];
	_ =	sdelay $0x4  }
0x3c4: {  	v61 =	vshll.u32 v5, $0x1  }
0x3c5: {  	v5 =	vand.u32 $0x7, v5;
	v6 =	vand.u32 $0xFFFFFFF0, v61  }
0x3c6: {  	v5 =	vor.u32 v5, v6  }
0x3c7: {  	v6 =	vperm.xlane v5, v0;
	_ =	sdelay $0x1  }
0x3c8: {  	v5 =	vperm.xlane v5, v2;
	v6 =	vadd.s32 v1, v6;
	_ =	sdelay $0x1  }
0x3c9: {  	v5 =	vadd.s32 v1, v5;
	_ =	sdelay $0x1  }
0x3ca: {  	s23 =	simm.s32 $0x6A80  }
0x3cb: {  	[tilespmem:s23], [sflag:$0x1] =	stream.indirect_vreg.gather [hbm4b:s2+s30], $0x80, v6, vm0, $0xb8;
	[tilespmem:$0xF778] =	vst v63  }
0x3cc: {  	_ = 	snop  }
0x3cd: {  	[tilespmem:s24], [sflag:$0x1] =	stream.indirect_vreg.gather [hbm4b:s2+s30], $0x80, v5, vm0, $0xb8;
	[tilespmem:$0xF778] =	vst v63  }
0x3ce: {  	v5 =	vld [tilespmem:$0xDB00];
	_ =	sdelay $0x4  }
0x3cf: {  	v62 =	vshll.u32 v5, $0x1  }
0x3d0: {  	v5 =	vand.u32 $0x7, v5;
	v6 =	vand.u32 $0xFFFFFFF0, v62  }
0x3d1: {  	v5 =	vor.u32 v5, v6  }
0x3d2: {  	v6 =	vperm.xlane v5, v0;
	_ =	sdelay $0x1  }
0x3d3: {  	v5 =	vperm.xlane v5, v2;
	v6 =	vadd.s32 v1, v6;
	_ =	sdelay $0x1  }
0x3d4: {  	v5 =	vadd.s32 v1, v5;
	_ =	sdelay $0x2  }
0x3d5: {  	[tilespmem:s25], [sflag:$0x2] =	stream.indirect_vreg.gather [hbm4b:s2+s30], $0x80, v6, vm0, $0xb8;
	[tilespmem:$0xF778] =	vst v63  }
0x3d6: {  	_ = 	snop  }
0x3d7: {  	[tilespmem:s26], [sflag:$0x2] =	stream.indirect_vreg.gather [hbm4b:s2+s30], $0x80, v5, vm0, $0xb8;
	[tilespmem:$0xF778] =	vst v63  }
0x3d8: {  	v5 =	vld [tilespmem:$0xDB10];
	_ =	sdelay $0x4  }
0x3d9: {  	v63 =	vshll.u32 v5, $0x1  }
0x3da: {  	v5 =	vand.u32 $0x7, v5;
	v6 =	vand.u32 $0xFFFFFFF0, v63  }
0x3db: {  	v5 =	vor.u32 v5, v6  }
0x3dc: {  	v6 =	vperm.xlane v5, v0;
	_ =	sdelay $0x1  }
0x3dd: {  	v5 =	vperm.xlane v5, v2;
	v6 =	vadd.s32 v1, v6;
	_ =	sdelay $0x1  }
0x3de: {  	v5 =	vadd.s32 v1, v5;
	_ =	sdelay $0x2  }
0x3df: {  	[tilespmem:s28], [sflag:$0x2] =	stream.indirect_vreg.gather [hbm4b:s2+s30], $0x80, v6, vm0, $0xb8;
	[tilespmem:$0xF778] =	vst v63  }
0x3e0: {  	s31 =	simm.s32 $0x0  }
0x3e1: {  	[tilespmem:s29], [sflag:$0x2] =	stream.indirect_vreg.gather [hbm4b:s2+s30], $0x80, v5, vm0, $0xb8;
	[tilespmem:$0xF778] =	vst v63  }
.LBB2_7:
0x3e2: {  	s13 =	sshll.u32 s31, $0x6  }
0x3e3: {  	v5 =	vld [tilespmem:s13+$0x20];
	_ =	sdelay $0x4  }
0x3e4: {  	[tilespmem:$0xDB80] =	vst v5  }
0x3e5: {  	v5 =	vld [tilespmem:s13+$0x19A0];
	_ =	sdelay $0x2  }
0x3e6: {  	v6 =	vld [tilespmem:$0xDB80];
	_ =	sdelay $0x1  }
0x3e7: {  	v0 =	vld [tilespmem:$0x1FFD0];
	[tilespmem:$0xDC00] =	vst v5  }
0x3e8: {  	v5 =	vld [tilespmem:s13+$0x30]  }
0x3e9: {  	v1 =	vld [tilespmem:$0x1FFE0]  }
0x3ea: {  	v2 =	vld [tilespmem:$0x1FFF0];
	v7 =	vshll.u32 v6, $0x1  }
0x3eb: {  	v6 =	vand.u32 $0x7, v6;
	v7 =	vand.u32 $0xFFFFFFF0, v7  }
0x3ec: {  	v6 =	vor.u32 v6, v7  }
0x3ed: {  	[tilespmem:$0xDB90] =	vst v5;
	v5 =	vperm.xlane v6, v0  }
0x3ee: {  	v7 =	vld [tilespmem:s13+$0x19B0]  }
0x3ef: {  	v6 =	vperm.xlane v6, v2;
	v5 =	vadd.s32 v1, v5;
	_ =	sdelay $0x1  }
0x3f0: {  	v6 =	vadd.s32 v1, v6;
	_ =	sdelay $0x1  }
0x3f1: {  	s0 =	simm.s32 $0x9A80;
	[tilespmem:$0xDC10] =	vst v7  }
0x3f2: {  	[tilespmem:s0], [sflag:$0x3] =	stream.indirect_vreg.gather [hbm4b:s2+s30], $0x80, v5, vm0, $0xb8;
	[tilespmem:$0xF778] =	vst v63  }
0x3f3: {  	s16 =	simm.s32 $0xA280  }
0x3f4: {  	[tilespmem:s16], [sflag:$0x3] =	stream.indirect_vreg.gather [hbm4b:s2+s30], $0x80, v6, vm0, $0xb8;
	[tilespmem:$0xF778] =	vst v63  }
0x3f5: {  	v5 =	vld [tilespmem:$0xDB90];
	_ =	sdelay $0x4  }
0x3f6: {  	v6 =	vshll.u32 v5, $0x1  }
0x3f7: {  	v5 =	vand.u32 $0x7, v5;
	v6 =	vand.u32 $0xFFFFFFF0, v6  }
0x3f8: {  	v5 =	vor.u32 v5, v6  }
0x3f9: {  	v6 =	vperm.xlane v5, v0;
	_ =	sdelay $0x1  }
0x3fa: {  	v5 =	vperm.xlane v5, v2;
	v6 =	vadd.s32 v1, v6;
	_ =	sdelay $0x1  }
0x3fb: {  	v5 =	vadd.s32 v1, v5;
	_ =	sdelay $0x1  }
0x3fc: {  	s21 =	simm.s32 $0xAA80  }
0x3fd: {  	[tilespmem:s21], [sflag:$0x3] =	stream.indirect_vreg.gather [hbm4b:s2+s30], $0x80, v6, vm0, $0xb8;
	[tilespmem:$0xF778] =	vst v63  }
0x3fe: {  	s22 =	simm.s32 $0xB280  }
0x3ff: {  	[tilespmem:s22], [sflag:$0x3] =	stream.indirect_vreg.gather [hbm4b:s2+s30], $0x80, v5, vm0, $0xb8;
	[tilespmem:$0xF778] =	vst v63  }
0x400: {  	v5 =	vld [tilespmem:$0xDC00];
	_ =	sdelay $0x4  }
0x401: {  	v6 =	vshll.u32 v5, $0x1  }
0x402: {  	v5 =	vand.u32 $0x7, v5;
	v6 =	vand.u32 $0xFFFFFFF0, v6  }
0x403: {  	v5 =	vor.u32 v5, v6  }
0x404: {  	v6 =	vperm.xlane v5, v0;
	_ =	sdelay $0x1  }
0x405: {  	v5 =	vperm.xlane v5, v2;
	v6 =	vadd.s32 v1, v6;
	_ =	sdelay $0x1  }
0x406: {  	v5 =	vadd.s32 v1, v5;
	_ =	sdelay $0x1  }
0x407: {  	s23 =	simm.s32 $0xBA80  }
0x408: {  	[tilespmem:s23], [sflag:$0x4] =	stream.indirect_vreg.gather [hbm4b:s2+s30], $0x80, v6, vm0, $0xb8;
	[tilespmem:$0xF778] =	vst v63  }
0x409: {  	s1 =	simm.s32 $0xC280  }
0x40a: {  	[tilespmem:s1], [sflag:$0x4] =	stream.indirect_vreg.gather [hbm4b:s2+s30], $0x80, v5, vm0, $0xb8;
	[tilespmem:$0xF778] =	vst v63  }
0x40b: {  	v5 =	vld [tilespmem:$0xDC10];
	_ =	sdelay $0x4  }
0x40c: {  	v6 =	vshll.u32 v5, $0x1  }
0x40d: {  	v5 =	vand.u32 $0x7, v5;
	v6 =	vand.u32 $0xFFFFFFF0, v6  }
0x40e: {  	v5 =	vor.u32 v5, v6  }
0x40f: {  	v6 =	vperm.xlane v5, v0;
	_ =	sdelay $0x1  }
0x410: {  	v5 =	vperm.xlane v5, v2;
	v6 =	vadd.s32 v1, v6;
	_ =	sdelay $0x1  }
0x411: {  	v5 =	vadd.s32 v1, v5;
	_ =	sdelay $0x1  }
0x412: {  	s9 =	simm.s32 $0xCA80  }
0x413: {  	[tilespmem:s9], [sflag:$0x4] =	stream.indirect_vreg.gather [hbm4b:s2+s30], $0x80, v6, vm0, $0xb8;
	[tilespmem:$0xF778] =	vst v63  }
0x414: {  	s12 =	simm.s32 $0xD280  }
0x415: {  	[tilespmem:s12], [sflag:$0x4] =	stream.indirect_vreg.gather [hbm4b:s2+s30], $0x80, v5, vm0, $0xb8;
	[tilespmem:$0xF778] =	vst v63  }
0x416: {  	_ =	swait.ge [sflag:s20], $0x2000  }
0x417: {  	[sflag:s20] =	ssyncset.done $0x0  }
0x418: {  	[sflag:s20] =	ssyncadd.s32 $0xFFFFE000  }
0x419: {  	s1 =	simm.s32 $0x0;
	_ =	swait.ge [sflag:s4], $0x2000  }
0x41a: {  	s14 =	sand.u32 $0x1800, s30;
	s1 =	sand.u32 $0x300, s1;
	[sflag:s4] =	ssyncset.done $0x0  }
0x41b: {  	s1 =	sor.u32 s1, s14;
	[sflag:s4] =	ssyncadd.s32 $0xFFFFE000  }
0x41c: {  	v5 =	vld [tilespmem:s1+$0x5EE0]  }
0x41d: {  	v6 =	vld [tilespmem:s1+$0x7EE0]  }
0x41e: {  	v7 =	vld [tilespmem:s1+$0x5EF0]  }
0x41f: {  	v9 =	vld [tilespmem:s1+$0x7EF0]  }
0x420: {  	v10 =	vld [tilespmem:s1+$0x5EC0]  }
0x421: {  	v11 =	vld [tilespmem:s1+$0x7EC0]  }
0x422: {  	v12 =	vld [tilespmem:s1+$0x5EA0]  }
0x423: {  	v13 =	vld [tilespmem:s1+$0x7EA0]  }
0x424: {  	v14 =	vld [tilespmem:s1+$0x5E80]  }
0x425: {  	v15 =	vld [tilespmem:s1+$0x7E80]  }
0x426: {  	v19 =	vld [tilespmem:s1+$0x5AE0];
	v16 =	vshll.u32 v5, $0x10  }
0x427: {  	v21 =	vld [tilespmem:s1+$0x7AE0];
	v17 =	vand.u32 $0xFFFF0000, v5;
	v18 =	vshll.u32 v6, $0x10;
	v20 =	vand.u32 $0xFFFF0000, v6  }
0x428: {  	v23 =	vld [tilespmem:s1+$0x5AC0];
	v6 =	vshll.u32 v7, $0x10;
	v5 =	vand.u32 $0xFFFF0000, v7;
	v22 =	vshll.u32 v10, $0x10  }
0x429: {  	v25 =	vld [tilespmem:s1+$0x7AC0];
	v8 =	vshll.u32 v9, $0x10;
	v7 =	vand.u32 $0xFFFF0000, v9;
	v9 =	vand.u32 $0xFFFF0000, v10  }
0x42a: {  	v46 =	vld [tilespmem:s1+$0x7AB0];
	v10 =	vshll.u32 v11, $0x10;
	v11 =	vand.u32 $0xFFFF0000, v11;
	v24 =	vshll.u32 v12, $0x10  }
0x42b: {  	v47 =	vld [tilespmem:s1+$0x5AD0];
	v12 =	vand.u32 $0xFFFF0000, v12;
	v26 =	vshll.u32 v13, $0x10;
	v13 =	vand.u32 $0xFFFF0000, v13  }
0x42c: {  	v49 =	vld [tilespmem:s1+$0x5ED0];
	v27 =	vshll.u32 v14, $0x10;
	v14 =	vand.u32 $0xFFFF0000, v14;
	v29 =	vshll.u32 v15, $0x10  }
0x42d: {  	v28 =	vld [tilespmem:s1+$0x5A80];
	v15 =	vand.u32 $0xFFFF0000, v15;
	v31 =	vshll.u32 v19, $0x10;
	v19 =	vand.u32 $0xFFFF0000, v19  }
0x42e: {  	v30 =	vld [tilespmem:s1+$0x7A80];
	v33 =	vshll.u32 v21, $0x10;
	v21 =	vand.u32 $0xFFFF0000, v21;
	v34 =	vshll.u32 v23, $0x10  }
0x42f: {  	v23 =	vand.u32 $0xFFFF0000, v23;
	v35 =	vshll.u32 v25, $0x10;
	v25 =	vand.u32 $0xFFFF0000, v25  }
0x430: {  	v32 =	vld [tilespmem:s1+$0x5A90];
	v48 =	vshll.u32 v46, $0x10;
	v50 =	vshll.u32 v47, $0x10;
	v16 =	vmul.f32 v18, v16  }
0x431: {  	v53 =	vshll.u32 v49, $0x10;
	v17 =	vmul.f32 v20, v17;
	v10 =	vmul.f32 v10, v22  }
0x432: {  	v18 =	vld [tilespmem:s1+$0x7A90];
	v22 =	vshll.u32 v28, $0x10;
	v28 =	vand.u32 $0xFFFF0000, v28;
	v9 =	vmul.f32 v11, v9  }
0x433: {  	v20 =	vld [tilespmem:s1+$0x5AA0];
	v11 =	vshll.u32 v30, $0x10;
	v24 =	vmul.f32 v26, v24;
	v12 =	vmul.f32 v13, v12  }
0x434: {  	v30 =	vand.u32 $0xFFFF0000, v30;
	v26 =	vld [tilespmem:s1+$0x7AA0];
	v27 =	vmul.f32 v29, v27;
	v14 =	vmul.f32 v15, v14  }
0x435: {  	v13 =	vshll.u32 v32, $0x10;
	v29 =	vld [tilespmem:s1+$0x5AB0];
	v31 =	vmul.f32 v33, v31;
	v19 =	vmul.f32 v21, v19  }
0x436: {  	v32 =	vand.u32 $0xFFFF0000, v32;
	v34 =	vmul.f32 v35, v34;
	v23 =	vmul.f32 v25, v23  }
0x437: {  	v35 =	vand.u32 $0xFFFF0000, v47;
	v6 =	vmul.f32 v8, v6;
	v5 =	vmul.f32 v7, v5  }
0x438: {  	v11 =	vmul.f32 v11, v22;
	v28 =	vmul.f32 v30, v28;
	v15 =	vshll.u32 v18, $0x10  }
0x439: {  	v22 =	vld [tilespmem:s1+$0x7AD0];
	v18 =	vand.u32 $0xFFFF0000, v18;
	v21 =	vshll.u32 v20, $0x10;
	v20 =	vand.u32 $0xFFFF0000, v20  }
0x43a: {  	v25 =	vshll.u32 v26, $0x10;
	v26 =	vand.u32 $0xFFFF0000, v26;
	v30 =	vshll.u32 v29, $0x10  }
0x43b: {  	v29 =	vand.u32 $0xFFFF0000, v29;
	v13 =	vmul.f32 v15, v13;
	v15 =	vld [tilespmem:s1+$0x5AF0];
	v18 =	vmul.f32 v18, v32  }
0x43c: {  	v21 =	vmul.f32 v25, v21;
	v25 =	vld [tilespmem:s1+$0x7AF0];
	v20 =	vmul.f32 v26, v20;
	v26 =	vand.u32 $0xFFFF0000, v46  }
0x43d: {  	v30 =	vmul.f32 v48, v30;
	v32 =	vand.u32 $0xFFFF0000, v49;
	v26 =	vmul.f32 v26, v29  }
0x43e: {  	v29 =	vld [tilespmem:s1+$0x7ED0];
	v11 =	vadd.f32 v21, v11;
	v21 =	vshll.u32 v22, $0x10;
	v20 =	vadd.f32 v20, v28  }
0x43f: {  	v28 =	vld [tilespmem:s1+$0x5EB0];
	v22 =	vand.u32 $0xFFFF0000, v22;
	v13 =	vadd.f32 v30, v13;
	v21 =	vmul.f32 v21, v50  }
0x440: {  	v30 =	vld [tilespmem:s1+$0x7EB0];
	v18 =	vadd.f32 v26, v18;
	v22 =	vmul.f32 v22, v35;
	v11 =	vadd.f32 v34, v11  }
0x441: {  	v26 =	vld [tilespmem:s1+$0x5E90];
	v20 =	vadd.f32 v23, v20;
	v51 =	vshll.u32 v15, $0x10;
	v52 =	vshll.u32 v25, $0x10  }
0x442: {  	v13 =	vadd.f32 v21, v13;
	v18 =	vadd.f32 v22, v18;
	v15 =	vand.u32 $0xFFFF0000, v15  }
0x443: {  	v23 =	vld [tilespmem:s1+$0x7E90];
	v25 =	vand.u32 $0xFFFF0000, v25;
	v33 =	vmul.f32 v52, v51;
	v54 =	vshll.u32 v29, $0x10  }
0x444: {  	s15 =	simm.s32 $0x80;
	v29 =	vand.u32 $0xFFFF0000, v29;
	v15 =	vmul.f32 v25, v15;
	v11 =	vadd.f32 v31, v11  }
0x445: {  	s1 =	sand.u32 $0x380, s15;
	v19 =	vadd.f32 v19, v20;
	v21 =	vshll.u32 v28, $0x10;
	v28 =	vand.u32 $0xFFFF0000, v28  }
0x446: {  	s9 =	simm.s32 $0x100;
	s1 =	sor.u32 s14, s1;
	s14 =	simm.s32 $0x200;
	v22 =	vshll.u32 v30, $0x10;
	v30 =	vand.u32 $0xFFFF0000, v30;
	v25 =	vshll.u32 v26, $0x10  }
0x447: {  	s9 =	sand.u32 $0x300, s9;
	s16 =	sand.u32 $0x1800, s14;
	v26 =	vand.u32 $0xFFFF0000, v26;
	v13 =	vadd.f32 v33, v13;
	v11 =	vadd.f32 v27, v11  }
0x448: {  	s21 =	sor.u32 s9, s16;
	v14 =	vadd.f32 v14, v19;
	v31 =	vshll.u32 v23, $0x10;
	v23 =	vand.u32 $0xFFFF0000, v23  }
0x449: {  	v15 =	vadd.f32 v15, v18;
	v57 =	vld [tilespmem:s21+$0x5A90];
	v20 =	vmul.f32 v31, v25;
	v18 =	vmul.f32 v23, v26  }
0x44a: {  	v19 =	vmul.f32 v22, v21;
	v21 =	vld [tilespmem:s1+$0x7A80];
	v11 =	vadd.f32 v24, v11;
	v12 =	vadd.f32 v12, v14  }
0x44b: {  	v7 =	vld [tilespmem:s1+$0x5AA0];
	v13 =	vadd.f32 v20, v13;
	v15 =	vadd.f32 v18, v15;
	v18 =	vmul.f32 v30, v28  }
0x44c: {  	v14 =	vmul.f32 v54, v53;
	v20 =	vld [tilespmem:s1+$0x5A80];
	v10 =	vadd.f32 v10, v11;
	v9 =	vadd.f32 v9, v12  }
0x44d: {  	v8 =	vld [tilespmem:s1+$0x7A90];
	v13 =	vadd.f32 v19, v13;
	v15 =	vadd.f32 v18, v15;
	v18 =	vmul.f32 v29, v32  }
0x44e: {  	v34 =	vand.u32 $0xFFFF0000, v57;
	v19 =	vld [tilespmem:s1+$0x5A90];
	v10 =	vadd.f32 v16, v10;
	v9 =	vadd.f32 v17, v9  }
0x44f: {  	v17 =	vand.u32 $0xFFFF0000, v21;
	v11 =	vadd.f32 v14, v13;
	v12 =	vadd.f32 v18, v15  }
0x450: {  	v16 =	vld [tilespmem:s1+$0x7AB0];
	v15 =	vshll.u32 v21, $0x10;
	v9 =	vadd.f32 v9, v10;
	v21 =	vshll.u32 v7, $0x10  }
0x451: {  	v13 =	vld [tilespmem:s1+$0x7AA0];
	v7 =	vand.u32 $0xFFFF0000, v7;
	v14 =	vand.u32 $0xFFFF0000, v20;
	v6 =	vadd.f32 v6, v11  }
0x452: {  	v5 =	vadd.f32 v5, v12;
	v11 =	vld [tilespmem:s1+$0x5AB0];
	v12 =	vshll.u32 v20, $0x10;
	v20 =	vand.u32 $0xFFFF0000, v8  }
0x453: {  	v22 =	vld [tilespmem:s1+$0x5AD0];
	v14 =	vmul.f32 v17, v14;
	v10 =	vshll.u32 v19, $0x10;
	v18 =	vand.u32 $0xFFFF0000, v19  }
0x454: {  	v19 =	vshll.u32 v8, $0x10;
	v12 =	vmul.f32 v15, v12;
	v15 =	vld [tilespmem:s1+$0x7AD0];
	v5 =	vadd.f32 v5, v6  }
0x455: {  	v24 =	vshll.u32 v16, $0x10;
	v16 =	vand.u32 $0xFFFF0000, v16;
	v6 =	vld [tilespmem:s1+$0x5AC0];
	v10 =	vmul.f32 v19, v10  }
0x456: {  	v18 =	vmul.f32 v20, v18;
	v8 =	vadd.f32 v5, v9;
	v9 =	vshll.u32 v13, $0x10  }
0x457: {  	v5 =	vld [tilespmem:s1+$0x7AC0];
	v13 =	vand.u32 $0xFFFF0000, v13;
	v23 =	vshll.u32 v11, $0x10;
	v9 =	vmul.f32 v9, v21  }
0x458: {  	v19 =	vld [tilespmem:s1+$0x5AE0];
	v11 =	vand.u32 $0xFFFF0000, v11;
	v7 =	vmul.f32 v13, v7;
	v20 =	vmul.f32 v24, v23  }
0x459: {  	v13 =	vld [tilespmem:s1+$0x7AE0];
	v11 =	vmul.f32 v16, v11;
	v23 =	vshll.u32 v22, $0x10;
	v22 =	vand.u32 $0xFFFF0000, v22  }
0x45a: {  	v16 =	vld [tilespmem:s1+$0x5AF0];
	v25 =	vshll.u32 v15, $0x10;
	v15 =	vand.u32 $0xFFFF0000, v15;
	v17 =	vshll.u32 v6, $0x10  }
0x45b: {  	v24 =	vld [tilespmem:s1+$0x7AF0];
	v6 =	vand.u32 $0xFFFF0000, v6;
	v9 =	vadd.f32 v9, v12;
	v7 =	vadd.f32 v7, v14  }
0x45c: {  	v15 =	vmul.f32 v15, v22;
	v10 =	vadd.f32 v20, v10;
	v21 =	vshll.u32 v5, $0x10  }
0x45d: {  	v11 =	vadd.f32 v11, v18;
	v5 =	vand.u32 $0xFFFF0000, v5;
	v12 =	vmul.f32 v21, v17  }
0x45e: {  	v14 =	vld [tilespmem:s1+$0x5E80];
	v18 =	vand.u32 $0xFFFF0000, v19;
	v5 =	vmul.f32 v5, v6;
	v6 =	vmul.f32 v25, v23  }
0x45f: {  	v22 =	vld [tilespmem:s1+$0x5E90];
	v17 =	vshll.u32 v19, $0x10;
	v20 =	vshll.u32 v13, $0x10;
	v13 =	vand.u32 $0xFFFF0000, v13  }
0x460: {  	v21 =	vshll.u32 v16, $0x10;
	v16 =	vand.u32 $0xFFFF0000, v16;
	v23 =	vshll.u32 v24, $0x10  }
0x461: {  	v19 =	vld [tilespmem:s1+$0x7E80];
	v13 =	vmul.f32 v13, v18;
	v9 =	vadd.f32 v12, v9;
	v5 =	vadd.f32 v5, v7  }
0x462: {  	v12 =	vld [tilespmem:s1+$0x7E90];
	v7 =	vand.u32 $0xFFFF0000, v24;
	v6 =	vadd.f32 v6, v10;
	v10 =	vadd.f32 v15, v11  }
0x463: {  	v11 =	vmul.f32 v20, v17;
	v15 =	vld [tilespmem:s1+$0x5EA0];
	v17 =	vmul.f32 v23, v21;
	v18 =	vshll.u32 v14, $0x10  }
0x464: {  	v14 =	vand.u32 $0xFFFF0000, v14;
	v21 =	vld [tilespmem:s1+$0x5EB0];
	v23 =	vshll.u32 v22, $0x10;
	v22 =	vand.u32 $0xFFFF0000, v22  }
0x465: {  	v7 =	vmul.f32 v7, v16;
	v16 =	vld [tilespmem:s1+$0x7EA0];
	v9 =	vadd.f32 v11, v9;
	v5 =	vadd.f32 v13, v5  }
0x466: {  	v6 =	vadd.f32 v17, v6;
	v20 =	vshll.u32 v19, $0x10;
	v19 =	vand.u32 $0xFFFF0000, v19  }
0x467: {  	v11 =	vld [tilespmem:s1+$0x7EB0];
	v7 =	vadd.f32 v7, v10;
	v13 =	vmul.f32 v20, v18;
	v14 =	vmul.f32 v19, v14  }
0x468: {  	v24 =	vshll.u32 v12, $0x10;
	v12 =	vand.u32 $0xFFFF0000, v12;
	v19 =	vshll.u32 v15, $0x10  }
0x469: {  	v17 =	vld [tilespmem:s1+$0x5EC0];
	v15 =	vand.u32 $0xFFFF0000, v15;
	v10 =	vmul.f32 v24, v23;
	v12 =	vmul.f32 v12, v22  }
0x46a: {  	v18 =	vld [tilespmem:s1+$0x7EC0];
	v20 =	vshll.u32 v16, $0x10;
	v16 =	vand.u32 $0xFFFF0000, v16;
	v23 =	vshll.u32 v21, $0x10  }
0x46b: {  	v21 =	vand.u32 $0xFFFF0000, v21;
	v9 =	vadd.f32 v13, v9;
	v5 =	vadd.f32 v14, v5  }
0x46c: {  	v22 =	vld [tilespmem:s1+$0x5ED0];
	v25 =	vshll.u32 v11, $0x10;
	v11 =	vand.u32 $0xFFFF0000, v11;
	v13 =	vmul.f32 v20, v19  }
0x46d: {  	v24 =	vld [tilespmem:s1+$0x7ED0];
	v6 =	vadd.f32 v10, v6;
	v7 =	vadd.f32 v12, v7;
	v10 =	vmul.f32 v16, v15  }
0x46e: {  	v14 =	vld [tilespmem:s1+$0x5EE0];
	v12 =	vmul.f32 v25, v23;
	v11 =	vmul.f32 v11, v21;
	v15 =	vshll.u32 v17, $0x10  }
0x46f: {  	v16 =	vand.u32 $0xFFFF0000, v17;
	v17 =	vld [tilespmem:s1+$0x7EE0];
	v19 =	vshll.u32 v18, $0x10;
	v9 =	vadd.f32 v13, v9  }
0x470: {  	v21 =	vld [tilespmem:s1+$0x5EF0];
	v18 =	vand.u32 $0xFFFF0000, v18;
	v5 =	vadd.f32 v10, v5;
	v6 =	vadd.f32 v12, v6  }
0x471: {  	v13 =	vld [tilespmem:s1+$0x7EF0];
	v7 =	vadd.f32 v11, v7;
	v11 =	vmul.f32 v19, v15;
	v15 =	vmul.f32 v18, v16  }
0x472: {  	v20 =	vshll.u32 v22, $0x10;
	v22 =	vand.u32 $0xFFFF0000, v22;
	v23 =	vshll.u32 v24, $0x10  }
0x473: {  	v59 =	vld [tilespmem:s21+$0x5AB0];
	v10 =	vand.u32 $0xFFFF0000, v24;
	v19 =	vshll.u32 v14, $0x10;
	v14 =	vand.u32 $0xFFFF0000, v14  }
0x474: {  	v12 =	vld [tilespmem:s21+$0x5EE0];
	v18 =	vmul.f32 v23, v20;
	v10 =	vmul.f32 v10, v22;
	v9 =	vadd.f32 v11, v9  }
0x475: {  	v16 =	vld [tilespmem:s21+$0x7EE0];
	v5 =	vadd.f32 v15, v5;
	v22 =	vshll.u32 v17, $0x10;
	v17 =	vand.u32 $0xFFFF0000, v17  }
0x476: {  	v20 =	vld [tilespmem:s21+$0x5EC0];
	v24 =	vshll.u32 v21, $0x10;
	v21 =	vand.u32 $0xFFFF0000, v21;
	v25 =	vshll.u32 v13, $0x10  }
0x477: {  	v23 =	vld [tilespmem:s21+$0x7EC0];
	v13 =	vand.u32 $0xFFFF0000, v13;
	v6 =	vadd.f32 v18, v6;
	v18 =	vmul.f32 v22, v19  }
0x478: {  	v11 =	vld [tilespmem:s21+$0x5EA0];
	v14 =	vmul.f32 v17, v14;
	v7 =	vadd.f32 v10, v7;
	v10 =	vmul.f32 v25, v24  }
0x479: {  	v36 =	vshll.u32 v59, $0x10;
	v15 =	vld [tilespmem:s21+$0x7EA0];
	v13 =	vmul.f32 v13, v21;
	v9 =	vadd.f32 v18, v9  }
0x47a: {  	v33 =	vand.u32 $0xFFFF0000, v59;
	v14 =	vadd.f32 v14, v5;
	v37 =	vadd.f32 v10, v6  }
0x47b: {  	v26 =	vld [tilespmem:s21+$0x7AC0];
	v6 =	vadd.f32 v13, v7;
	v7 =	vshll.u32 v12, $0x10;
	v12 =	vand.u32 $0xFFFF0000, v12  }
0x47c: {  	v30 =	vld [tilespmem:s21+$0x5A80];
	v13 =	vshll.u32 v16, $0x10;
	v16 =	vand.u32 $0xFFFF0000, v16;
	v21 =	vshll.u32 v20, $0x10  }
0x47d: {  	v31 =	vld [tilespmem:s21+$0x7A80];
	v20 =	vand.u32 $0xFFFF0000, v20;
	v22 =	vshll.u32 v23, $0x10;
	v23 =	vand.u32 $0xFFFF0000, v23  }
0x47e: {  	v17 =	vld [tilespmem:s21+$0x5E80];
	v25 =	vshll.u32 v11, $0x10;
	v11 =	vand.u32 $0xFFFF0000, v11;
	v27 =	vshll.u32 v15, $0x10  }
0x47f: {  	v19 =	vld [tilespmem:s21+$0x7AE0];
	v15 =	vand.u32 $0xFFFF0000, v15;
	v13 =	vmul.f32 v13, v7;
	v12 =	vmul.f32 v16, v12  }
0x480: {  	v24 =	vld [tilespmem:s21+$0x5AC0];
	v16 =	vshll.u32 v26, $0x10;
	v26 =	vand.u32 $0xFFFF0000, v26;
	v21 =	vmul.f32 v22, v21  }
0x481: {  	v18 =	vld [tilespmem:s21+$0x7E80];
	v20 =	vmul.f32 v23, v20;
	v23 =	vshll.u32 v30, $0x10;
	v30 =	vand.u32 $0xFFFF0000, v30  }
0x482: {  	v10 =	vld [tilespmem:s21+$0x5AE0];
	v25 =	vmul.f32 v27, v25;
	v27 =	vshll.u32 v31, $0x10;
	v31 =	vand.u32 $0xFFFF0000, v31  }
0x483: {  	v22 =	vld [tilespmem:s21+$0x5AA0];
	v11 =	vmul.f32 v15, v11;
	v38 =	vadd.f32 v14, v9;
	v28 =	vshll.u32 v17, $0x10  }
0x484: {  	v15 =	vld [tilespmem:s21+$0x7AA0];
	v17 =	vand.u32 $0xFFFF0000, v17;
	v56 =	vshll.u32 v19, $0x10;
	v19 =	vand.u32 $0xFFFF0000, v19  }
0x485: {  	v23 =	vmul.f32 v27, v23;
	v30 =	vmul.f32 v31, v30;
	v58 =	vshll.u32 v24, $0x10  }
0x486: {  	v7 =	vld [tilespmem:s21+$0x7A90];
	v24 =	vand.u32 $0xFFFF0000, v24;
	v29 =	vshll.u32 v18, $0x10;
	v18 =	vand.u32 $0xFFFF0000, v18  }
0x487: {  	v16 =	vmul.f32 v16, v58;
	v55 =	vshll.u32 v10, $0x10;
	v10 =	vand.u32 $0xFFFF0000, v10  }
0x488: {  	v24 =	vmul.f32 v26, v24;
	v10 =	vmul.f32 v19, v10;
	v19 =	vld [tilespmem:s21+$0x7AB0];
	v26 =	vshll.u32 v22, $0x10  }
0x489: {  	v22 =	vand.u32 $0xFFFF0000, v22;
	v31 =	vshll.u32 v15, $0x10;
	v15 =	vand.u32 $0xFFFF0000, v15  }
0x48a: {  	v60 =	vld [tilespmem:s21+$0x5AD0];
	v28 =	vmul.f32 v29, v28;
	v29 =	vshll.u32 v57, $0x10;
	v15 =	vmul.f32 v15, v22  }
0x48b: {  	v27 =	vld [tilespmem:s21+$0x7AD0];
	v17 =	vmul.f32 v18, v17;
	v18 =	vshll.u32 v7, $0x10;
	v32 =	vmul.f32 v56, v55  }
0x48c: {  	v7 =	vand.u32 $0xFFFF0000, v7;
	v26 =	vmul.f32 v31, v26;
	v31 =	vld [tilespmem:s21+$0x7AF0];
	v15 =	vadd.f32 v15, v30  }
0x48d: {  	v61 =	vld [tilespmem:s21+$0x5AF0];
	v18 =	vmul.f32 v18, v29;
	v29 =	vmul.f32 v7, v34;
	v22 =	vshll.u32 v19, $0x10  }
0x48e: {  	v19 =	vand.u32 $0xFFFF0000, v19;
	v15 =	vadd.f32 v24, v15;
	v9 =	vmul.f32 v22, v36  }
0x48f: {  	v14 =	vmul.f32 v19, v33;
	v19 =	vshll.u32 v60, $0x10;
	v22 =	vadd.f32 v26, v23  }
0x490: {  	v23 =	vshll.u32 v27, $0x10;
	v26 =	vand.u32 $0xFFFF0000, v60;
	v27 =	vand.u32 $0xFFFF0000, v27  }
0x491: {  	s22 =	simm.s32 $0x180;
	v24 =	vld [tilespmem:s21+$0x5EF0];
	v19 =	vmul.f32 v23, v19;
	v26 =	vmul.f32 v27, v26;
	v27 =	vshll.u32 v31, $0x10  }
0x492: {  	s1 =	sand.u32 $0x380, s22;
	v23 =	vld [tilespmem:s21+$0x5E90];
	v10 =	vadd.f32 v10, v15;
	v14 =	vadd.f32 v14, v29;
	v29 =	vshll.u32 v61, $0x10  }
0x493: {  	s23 =	sor.u32 s16, s1;
	v9 =	vadd.f32 v9, v18;
	v18 =	vld [tilespmem:s21+$0x7E90];
	v16 =	vadd.f32 v16, v22;
	v22 =	vmul.f32 v27, v29  }
0x494: {  	v27 =	vand.u32 $0xFFFF0000, v61;
	v29 =	vand.u32 $0xFFFF0000, v31;
	v10 =	vadd.f32 v17, v10;
	v31 =	vld [tilespmem:s23+$0x7E80]  }
0x495: {  	v9 =	vadd.f32 v19, v9;
	v19 =	vld [tilespmem:s21+$0x5EB0];
	v14 =	vadd.f32 v26, v14;
	v27 =	vmul.f32 v29, v27  }
0x496: {  	v26 =	vld [tilespmem:s21+$0x7EB0];
	v16 =	vadd.f32 v32, v16;
	v10 =	vadd.f32 v11, v10  }
0x497: {  	v29 =	vld [tilespmem:s21+$0x7EF0];
	v30 =	vshll.u32 v23, $0x10;
	v9 =	vadd.f32 v22, v9;
	v14 =	vadd.f32 v27, v14  }
0x498: {  	v27 =	vshll.u32 v24, $0x10;
	v23 =	vand.u32 $0xFFFF0000, v23;
	v24 =	vand.u32 $0xFFFF0000, v24  }
0x499: {  	v16 =	vadd.f32 v28, v16;
	v15 =	vshll.u32 v18, $0x10;
	v18 =	vand.u32 $0xFFFF0000, v18  }
0x49a: {  	v22 =	vld [tilespmem:s21+$0x7ED0];
	v10 =	vadd.f32 v20, v10;
	v15 =	vmul.f32 v15, v30;
	v18 =	vmul.f32 v18, v23  }
0x49b: {  	v30 =	vld [tilespmem:s21+$0x5ED0];
	v16 =	vadd.f32 v25, v16;
	v62 =	vshll.u32 v31, $0x10;
	v23 =	vshll.u32 v19, $0x10  }
0x49c: {  	v28 =	vshll.u32 v26, $0x10;
	v17 =	vshll.u32 v29, $0x10;
	v19 =	vand.u32 $0xFFFF0000, v19  }
0x49d: {  	v26 =	vand.u32 $0xFFFF0000, v26;
	v10 =	vadd.f32 v12, v10;
	v23 =	vmul.f32 v28, v23  }
0x49e: {  	v9 =	vadd.f32 v15, v9;
	v14 =	vadd.f32 v18, v14;
	v18 =	vld [tilespmem:s23+$0x5A80];
	v19 =	vmul.f32 v26, v19  }
0x49f: {  	v26 =	vld [tilespmem:s23+$0x7A80];
	v16 =	vadd.f32 v21, v16;
	v17 =	vmul.f32 v17, v27;
	v15 =	vshll.u32 v22, $0x10  }
0x4a0: {  	v27 =	vld [tilespmem:s23+$0x7AD0];
	v22 =	vand.u32 $0xFFFF0000, v22;
	v9 =	vadd.f32 v23, v9;
	v28 =	vshll.u32 v30, $0x10  }
0x4a1: {  	v13 =	vadd.f32 v13, v16;
	v16 =	vld [tilespmem:s23+$0x5AB0];
	v30 =	vand.u32 $0xFFFF0000, v30;
	v11 =	vmul.f32 v15, v28  }
0x4a2: {  	v31 =	vand.u32 $0xFFFF0000, v31;
	v14 =	vadd.f32 v19, v14;
	v15 =	vld [tilespmem:s23+$0x5A90];
	v19 =	vmul.f32 v22, v30  }
0x4a3: {  	v29 =	vand.u32 $0xFFFF0000, v29;
	v22 =	vld [tilespmem:s23+$0x7A90];
	v10 =	vadd.f32 v10, v13;
	v9 =	vadd.f32 v11, v9  }
0x4a4: {  	v20 =	vld [tilespmem:s23+$0x5AA0];
	v12 =	vshll.u32 v18, $0x10;
	v11 =	vadd.f32 v19, v14;
	v14 =	vmul.f32 v29, v24  }
0x4a5: {  	v21 =	vand.u32 $0xFFFF0000, v26;
	v30 =	vshll.u32 v27, $0x10;
	v24 =	vld [tilespmem:s23+$0x5AC0];
	v9 =	vadd.f32 v17, v9  }
0x4a6: {  	v11 =	vadd.f32 v14, v11;
	v14 =	vand.u32 $0xFFFF0000, v18;
	v18 =	vshll.u32 v26, $0x10  }
0x4a7: {  	v19 =	vld [tilespmem:s23+$0x7AA0];
	v26 =	vshll.u32 v16, $0x10;
	v16 =	vand.u32 $0xFFFF0000, v16;
	v23 =	vshll.u32 v15, $0x10  }
0x4a8: {  	v17 =	vld [tilespmem:s23+$0x7AB0];
	v13 =	vshll.u32 v22, $0x10;
	v12 =	vmul.f32 v18, v12;
	v14 =	vmul.f32 v21, v14  }
0x4a9: {  	v25 =	vld [tilespmem:s23+$0x7AC0];
	v9 =	vadd.f32 v11, v9;
	v11 =	vand.u32 $0xFFFF0000, v15;
	v15 =	vand.u32 $0xFFFF0000, v22  }
0x4aa: {  	v22 =	vshll.u32 v20, $0x10;
	v13 =	vmul.f32 v13, v23;
	v21 =	vshll.u32 v24, $0x10  }
0x4ab: {  	v29 =	vld [tilespmem:s23+$0x5AE0];
	v11 =	vmul.f32 v15, v11;
	v15 =	vand.u32 $0xFFFF0000, v24;
	v28 =	vadd.f32 v9, v10  }
0x4ac: {  	s15 =	simm.s32 $0xDD00;
	v23 =	vld [tilespmem:s23+$0x7AE0];
	v9 =	vand.u32 $0xFFFF0000, v20;
	v10 =	vshll.u32 v19, $0x10;
	v19 =	vand.u32 $0xFFFF0000, v19  }
0x4ad: {  	[tilespmem:s15+$0xFFFFFF80] =	vst v8;
	v8 =	vld [tilespmem:s23+$0x5EF0];
	v18 =	vshll.u32 v17, $0x10;
	v17 =	vand.u32 $0xFFFF0000, v17;
	v10 =	vmul.f32 v10, v22  }
0x4ae: {  	v20 =	vld [tilespmem:s23+$0x5AD0];
	v9 =	vmul.f32 v19, v9;
	v19 =	vshll.u32 v25, $0x10;
	v18 =	vmul.f32 v18, v26  }
0x4af: {  	v24 =	vld [tilespmem:s23+$0x7AF0];
	v16 =	vmul.f32 v17, v16;
	v17 =	vand.u32 $0xFFFF0000, v25;
	v10 =	vadd.f32 v10, v12  }
0x4b0: {  	v22 =	vld [tilespmem:s23+$0x5AF0];
	v12 =	vand.u32 $0xFFFF0000, v27;
	v9 =	vadd.f32 v9, v14;
	v14 =	vmul.f32 v19, v21  }
0x4b1: {  	v26 =	vld [tilespmem:s23+$0x5E80];
	v15 =	vmul.f32 v17, v15;
	v19 =	vshll.u32 v29, $0x10;
	v21 =	vshll.u32 v23, $0x10  }
0x4b2: {  	v27 =	vld [tilespmem:s23+$0x5E90];
	v23 =	vand.u32 $0xFFFF0000, v23;
	v13 =	vadd.f32 v18, v13;
	v11 =	vadd.f32 v16, v11  }
0x4b3: {  	v18 =	vld [tilespmem:s23+$0x7E90];
	v19 =	vmul.f32 v21, v19;
	v25 =	vshll.u32 v20, $0x10;
	v20 =	vand.u32 $0xFFFF0000, v20  }
0x4b4: {  	v16 =	vld [tilespmem:s23+$0x5EB0];
	v10 =	vadd.f32 v14, v10;
	v9 =	vadd.f32 v15, v9;
	v14 =	vshll.u32 v24, $0x10  }
0x4b5: {  	v17 =	vmul.f32 v30, v25;
	v12 =	vmul.f32 v12, v20;
	v30 =	vld [tilespmem:s23+$0x5EA0];
	v20 =	vand.u32 $0xFFFF0000, v29  }
0x4b6: {  	v29 =	vld [tilespmem:s23+$0x7EA0];
	v25 =	vshll.u32 v22, $0x10;
	v22 =	vand.u32 $0xFFFF0000, v22;
	v20 =	vmul.f32 v23, v20  }
0x4b7: {  	v23 =	vmul.f32 v14, v25;
	v25 =	vshll.u32 v26, $0x10;
	v26 =	vand.u32 $0xFFFF0000, v26;
	v14 =	vld [tilespmem:s23+$0x5ED0]  }
0x4b8: {  	v19 =	vadd.f32 v19, v10;
	v10 =	vld [tilespmem:s23+$0x7EE0];
	v15 =	vadd.f32 v17, v13;
	v13 =	vand.u32 $0xFFFF0000, v24  }
0x4b9: {  	v17 =	vld [tilespmem:s23+$0x7EB0];
	v24 =	vadd.f32 v12, v11;
	v63 =	vshll.u32 v27, $0x10;
	v27 =	vand.u32 $0xFFFF0000, v27  }
0x4ba: {  	s16 =	simm.s32 $0xDE00;
	v11 =	vld [tilespmem:s23+$0x5EC0];
	v26 =	vmul.f32 v31, v26;
	v22 =	vmul.f32 v13, v22;
	v21 =	vadd.f32 v20, v9  }
0x4bb: {  	[tilespmem:s16+$0xFFFFFF80] =	vst v28;
	v12 =	vld [tilespmem:s23+$0x7EC0];
	v28 =	vshll.u32 v16, $0x10;
	v20 =	vadd.f32 v23, v15;
	v23 =	vmul.f32 v62, v25  }
0x4bc: {  	v13 =	vld [tilespmem:s23+$0x7ED0];
	v15 =	vshll.u32 v18, $0x10;
	v18 =	vand.u32 $0xFFFF0000, v18;
	v22 =	vadd.f32 v22, v24  }
0x4bd: {  	v9 =	vld [tilespmem:s23+$0x5EE0];
	v24 =	vmul.f32 v15, v63;
	v25 =	vmul.f32 v18, v27;
	v27 =	vshll.u32 v30, $0x10  }
0x4be: {  	s0 =	sor.u32 $0x20, s13;
	s9 =	simm.s32 $0x280;
	s1 =	simm.s32 $0x2;
	v18 =	vand.u32 $0xFFFF0000, v30;
	v15 =	vld [tilespmem:s23+$0x7EF0];
	v30 =	vshll.u32 v29, $0x10;
	v29 =	vand.u32 $0xFFFF0000, v29  }
.LBB2_8:
0x4bf: {  	v19 =	vadd.f32 v23, v19;
	v23 =	vmul.f32 v30, v27  }
0x4c0: {  	s12 =	sadd.s32 $0xFFFFFF80, s9;
	s14 =	sadd.s32 $0x200, s14;
	v18 =	vmul.f32 v29, v18;
	v21 =	vadd.f32 v26, v21;
	v20 =	vadd.f32 v24, v20  }
0x4c1: {  	v16 =	vand.u32 $0xFFFF0000, v16;
	s23 =	sand.u32 $0x1800, s14;
	s12 =	sand.u32 $0x300, s12;
	v22 =	vadd.f32 v25, v22;
	v19 =	vadd.f32 v23, v19  }
0x4c2: {  	s21 =	sor.u32 s12, s23;
	v18 =	vadd.f32 v18, v21;
	v31 =	vshll.u32 v17, $0x10;
	v17 =	vand.u32 $0xFFFF0000, v17  }
0x4c3: {  	v24 =	vld [tilespmem:s21+$0x5EE0];
	v27 =	vshll.u32 v12, $0x10;
	v12 =	vand.u32 $0xFFFF0000, v12;
	v29 =	vshll.u32 v14, $0x10  }
0x4c4: {  	v26 =	vld [tilespmem:s21+$0x7EE0];
	v14 =	vand.u32 $0xFFFF0000, v14;
	v30 =	vshll.u32 v13, $0x10;
	v13 =	vand.u32 $0xFFFF0000, v13  }
0x4c5: {  	v21 =	vld [tilespmem:s21+$0x5EC0];
	v23 =	vshll.u32 v9, $0x10;
	v9 =	vand.u32 $0xFFFF0000, v9;
	v25 =	vmul.f32 v31, v28  }
0x4c6: {  	v32 =	vld [tilespmem:s21+$0x7EA0];
	v16 =	vmul.f32 v17, v16;
	v17 =	vshll.u32 v11, $0x10;
	v11 =	vand.u32 $0xFFFF0000, v11  }
0x4c7: {  	v33 =	vld [tilespmem:s21+$0x5E90];
	v13 =	vmul.f32 v13, v14;
	v14 =	vshll.u32 v10, $0x10;
	v17 =	vmul.f32 v27, v17  }
0x4c8: {  	v34 =	vld [tilespmem:s21+$0x7E90];
	v10 =	vand.u32 $0xFFFF0000, v10;
	v11 =	vmul.f32 v12, v11;
	v12 =	vmul.f32 v30, v29  }
0x4c9: {  	v59 =	vld [tilespmem:s21+$0x5AE0];
	v29 =	vshll.u32 v8, $0x10;
	v8 =	vand.u32 $0xFFFF0000, v8;
	v14 =	vmul.f32 v14, v23  }
0x4ca: {  	v43 =	vld [tilespmem:s21+$0x5AD0];
	v9 =	vmul.f32 v10, v9;
	v20 =	vadd.f32 v25, v20;
	v16 =	vadd.f32 v16, v22  }
0x4cb: {  	v47 =	vld [tilespmem:s21+$0x5A80];
	v17 =	vadd.f32 v17, v19;
	v19 =	vshll.u32 v15, $0x10;
	v15 =	vand.u32 $0xFFFF0000, v15  }
0x4cc: {  	v49 =	vld [tilespmem:s21+$0x7A80];
	v11 =	vadd.f32 v11, v18;
	v35 =	vshll.u32 v24, $0x10;
	v24 =	vand.u32 $0xFFFF0000, v24  }
0x4cd: {  	v52 =	vld [tilespmem:s21+$0x5A90];
	v36 =	vshll.u32 v26, $0x10;
	v26 =	vand.u32 $0xFFFF0000, v26;
	v39 =	vand.u32 $0xFFFF0000, v21  }
0x4ce: {  	v54 =	vld [tilespmem:s21+$0x7A90];
	v42 =	vshll.u32 v32, $0x10;
	v32 =	vand.u32 $0xFFFF0000, v32;
	v48 =	vshll.u32 v33, $0x10  }
0x4cf: {  	v33 =	vand.u32 $0xFFFF0000, v33;
	v50 =	vshll.u32 v59, $0x10;
	v51 =	vshll.u32 v34, $0x10  }
0x4d0: {  	v34 =	vand.u32 $0xFFFF0000, v34;
	v62 =	vshll.u32 v43, $0x10;
	v63 =	vshll.u32 v47, $0x10  }
0x4d1: {  	v60 =	vld [tilespmem:s21+$0x5AA0];
	v43 =	vand.u32 $0xFFFF0000, v43;
	v47 =	vand.u32 $0xFFFF0000, v47;
	v1 =	vshll.u32 v49, $0x10  }
0x4d2: {  	v44 =	vld [tilespmem:s21+$0x7AD0];
	v49 =	vand.u32 $0xFFFF0000, v49;
	v4 =	vshll.u32 v52, $0x10;
	v52 =	vand.u32 $0xFFFF0000, v52  }
0x4d3: {  	v28 =	vld [tilespmem:s21+$0x5EF0];
	v3 =	vshll.u32 v54, $0x10;
	v54 =	vand.u32 $0xFFFF0000, v54;
	v12 =	vadd.f32 v12, v20  }
0x4d4: {  	v31 =	vld [tilespmem:s21+$0x7EF0];
	v13 =	vadd.f32 v13, v16;
	v10 =	vmul.f32 v19, v29;
	v8 =	vmul.f32 v15, v8  }
0x4d5: {  	v27 =	vld [tilespmem:s21+$0x7ED0];
	v15 =	vadd.f32 v6, v37;
	v37 =	vand.u32 $0xFFFF0000, v59;
	v35 =	vmul.f32 v36, v35  }
0x4d6: {  	v23 =	vld [tilespmem:s21+$0x5E80];
	v24 =	vmul.f32 v26, v24;
	v26 =	vshll.u32 v60, $0x10;
	v1 =	vmul.f32 v1, v63  }
0x4d7: {  	v22 =	vld [tilespmem:s21+$0x7EC0];
	v47 =	vmul.f32 v49, v47;
	v3 =	vmul.f32 v3, v4;
	v14 =	vadd.f32 v14, v17  }
0x4d8: {  	v25 =	vld [tilespmem:s21+$0x5ED0];
	v4 =	vmul.f32 v54, v52;
	v9 =	vadd.f32 v9, v11;
	v0 =	vadd.f32 v10, v12  }
0x4d9: {  	v30 =	vld [tilespmem:s21+$0x5EA0];
	v11 =	vshll.u32 v31, $0x10;
	v7 =	vadd.f32 v8, v13;
	v8 =	vadd.f32 v15, v38  }
0x4da: {  	v18 =	vld [tilespmem:s21+$0x5EB0];
	v38 =	vshll.u32 v21, $0x10;
	v10 =	vand.u32 $0xFFFF0000, v31;
	v15 =	vand.u32 $0xFFFF0000, v27  }
0x4db: {  	v45 =	vshll.u32 v23, $0x10;
	v23 =	vand.u32 $0xFFFF0000, v23;
	v6 =	vadd.f32 v9, v14  }
0x4dc: {  	v2 =	vld [tilespmem:s21+$0x7AA0];
	v9 =	vshll.u32 v28, $0x10;
	v40 =	vshll.u32 v22, $0x10;
	v41 =	vand.u32 $0xFFFF0000, v22  }
0x4dd: {  	v5 =	vld [tilespmem:s21+$0x5AB0];
	v13 =	vshll.u32 v25, $0x10;
	v12 =	vand.u32 $0xFFFF0000, v25;
	v14 =	vshll.u32 v27, $0x10  }
0x4de: {  	v19 =	vld [tilespmem:s21+$0x7EB0];
	v25 =	vshll.u32 v30, $0x10;
	v30 =	vand.u32 $0xFFFF0000, v30;
	[tilespmem:s15+$0x0] =	vst v8;
	v8 =	vand.u32 $0xFFFF0000, v28  }
0x4df: {  	v29 =	vld [tilespmem:s21+$0x7E80];
	[tilespmem:$0x1FFC0] =	vst v0;
	v17 =	vshll.u32 v18, $0x10;
	v16 =	vand.u32 $0xFFFF0000, v18;
	v0 =	vshll.u32 v44, $0x10  }
0x4e0: {  	v36 =	vmul.f32 v40, v38;
	v38 =	vmul.f32 v41, v39;
	v40 =	vand.u32 $0xFFFF0000, v60  }
0x4e1: {  	v31 =	vld [tilespmem:s21+$0x5AF0];
	v25 =	vmul.f32 v42, v25;
	v30 =	vmul.f32 v32, v30;
	v32 =	vshll.u32 v2, $0x10  }
0x4e2: {  	v21 =	vld [tilespmem:s21+$0x7AF0];
	v2 =	vand.u32 $0xFFFF0000, v2;
	v60 =	vshll.u32 v5, $0x10;
	v5 =	vand.u32 $0xFFFF0000, v5  }
0x4e3: {  	v22 =	vld [tilespmem:s21+$0x5AC0];
	v13 =	vmul.f32 v14, v13;
	v9 =	vmul.f32 v11, v9;
	v20 =	vshll.u32 v19, $0x10  }
0x4e4: {  	v27 =	vld [tilespmem:s21+$0x7AC0];
	v46 =	vshll.u32 v29, $0x10;
	v26 =	vmul.f32 v32, v26;
	v2 =	vmul.f32 v2, v40  }
0x4e5: {  	v28 =	vld [tilespmem:s21+$0x7AE0];
	v29 =	vand.u32 $0xFFFF0000, v29;
	v0 =	vmul.f32 v0, v62;
	v42 =	vmul.f32 v46, v45  }
0x4e6: {  	v41 =	vld [tilespmem:s21+$0x7AB0];
	v18 =	vand.u32 $0xFFFF0000, v19;
	v23 =	vmul.f32 v29, v23;
	v17 =	vmul.f32 v20, v17  }
0x4e7: {  	s22 =	sand.u32 $0x380, s9;
	v55 =	vshll.u32 v31, $0x10;
	v31 =	vand.u32 $0xFFFF0000, v31;
	v56 =	vshll.u32 v21, $0x10  }
0x4e8: {  	s23 =	sor.u32 s23, s22;
	v59 =	vand.u32 $0xFFFF0000, v21;
	v1 =	vadd.f32 v26, v1;
	v2 =	vadd.f32 v2, v47  }
0x4e9: {  	v49 =	vld [tilespmem:s23+$0x7AB0];
	v57 =	vshll.u32 v22, $0x10;
	v58 =	vand.u32 $0xFFFF0000, v22;
	v61 =	vshll.u32 v27, $0x10  }
0x4ea: {  	v29 =	vld [tilespmem:s23+$0x5AA0];
	v27 =	vand.u32 $0xFFFF0000, v27;
	v53 =	vshll.u32 v28, $0x10;
	v28 =	vand.u32 $0xFFFF0000, v28  }
0x4eb: {  	v26 =	vld [tilespmem:s23+$0x7AD0];
	v27 =	vmul.f32 v27, v58;
	v63 =	vand.u32 $0xFFFF0000, v41;
	v45 =	vmul.f32 v53, v50  }
0x4ec: {  	v39 =	vld [tilespmem:s23+$0x7A90];
	v28 =	vmul.f32 v28, v37;
	v50 =	vmul.f32 v61, v57;
	v61 =	vshll.u32 v41, $0x10  }
0x4ed: {  	v22 =	vld [tilespmem:s23+$0x5A90];
	v5 =	vmul.f32 v63, v5;
	v58 =	vmul.f32 v61, v60;
	v60 =	vand.u32 $0xFFFF0000, v44  }
0x4ee: {  	v2 =	vadd.f32 v27, v2;
	v27 =	vmul.f32 v56, v55;
	v55 =	vshll.u32 v49, $0x10  }
0x4ef: {  	v53 =	vld [tilespmem:s23+$0x5AB0];
	v56 =	vand.u32 $0xFFFF0000, v49;
	v4 =	vadd.f32 v5, v4;
	v5 =	vmul.f32 v60, v43  }
0x4f0: {  	v1 =	vadd.f32 v50, v1;
	v50 =	vand.u32 $0xFFFF0000, v29;
	v60 =	vshll.u32 v26, $0x10  }
0x4f1: {  	v61 =	vld [tilespmem:s23+$0x5AD0];
	v26 =	vand.u32 $0xFFFF0000, v26;
	v3 =	vadd.f32 v58, v3;
	v2 =	vadd.f32 v28, v2  }
0x4f2: {  	v37 =	vld [tilespmem:s23+$0x7AA0];
	v28 =	vmul.f32 v51, v48;
	v47 =	vand.u32 $0xFFFF0000, v22;
	v48 =	vshll.u32 v39, $0x10  }
0x4f3: {  	v46 =	vadd.f32 v5, v4;
	v4 =	vmul.f32 v59, v31;
	v1 =	vadd.f32 v45, v1  }
0x4f4: {  	v5 =	vld [tilespmem:s23+$0x5AF0];
	v0 =	vadd.f32 v0, v3;
	v2 =	vadd.f32 v23, v2;
	v51 =	vshll.u32 v53, $0x10  }
0x4f5: {  	v52 =	vand.u32 $0xFFFF0000, v53;
	v3 =	vadd.f32 v4, v46;
	v4 =	vmul.f32 v34, v33  }
0x4f6: {  	v21 =	vld [tilespmem:s23+$0x7A80];
	v1 =	vadd.f32 v42, v1;
	v58 =	vshll.u32 v61, $0x10;
	v59 =	vand.u32 $0xFFFF0000, v61  }
0x4f7: {  	v0 =	vadd.f32 v27, v0;
	v2 =	vadd.f32 v30, v2;
	v30 =	vand.u32 $0xFFFF0000, v37  }
0x4f8: {  	v19 =	vld [tilespmem:s23+$0x5A80];
	v3 =	vadd.f32 v4, v3;
	v4 =	vmul.f32 v18, v16;
	v1 =	vadd.f32 v25, v1  }
0x4f9: {  	v0 =	vadd.f32 v28, v0;
	v2 =	vadd.f32 v38, v2;
	v61 =	vshll.u32 v5, $0x10  }
0x4fa: {  	v5 =	vand.u32 $0xFFFF0000, v5;
	v3 =	vadd.f32 v4, v3;
	v4 =	vmul.f32 v15, v12  }
0x4fb: {  	v1 =	vadd.f32 v36, v1;
	v15 =	vshll.u32 v21, $0x10;
	v0 =	vadd.f32 v17, v0  }
0x4fc: {  	v54 =	vld [tilespmem:s23+$0x5AC0];
	v2 =	vadd.f32 v24, v2;
	v24 =	vshll.u32 v29, $0x10;
	v29 =	vshll.u32 v37, $0x10  }
0x4fd: {  	v3 =	vadd.f32 v4, v3;
	v4 =	vmul.f32 v10, v8;
	v8 =	vshll.u32 v19, $0x10  }
0x4fe: {  	v1 =	vadd.f32 v35, v1;
	v0 =	vadd.f32 v13, v0;
	v53 =	vmul.f32 v15, v8  }
0x4ff: {  	v57 =	vld [tilespmem:s23+$0x7AC0];
	v3 =	vadd.f32 v4, v3;
	v4 =	vand.u32 $0xFFFF0000, v19;
	v19 =	vand.u32 $0xFFFF0000, v21  }
0x500: {  	v62 =	vld [tilespmem:s23+$0x5AE0];
	v21 =	vshll.u32 v22, $0x10;
	v1 =	vadd.f32 v2, v1;
	v0 =	vadd.f32 v9, v0  }
0x501: {  	v11 =	vld [tilespmem:s23+$0x5EC0];
	v22 =	vand.u32 $0xFFFF0000, v39;
	v4 =	vmul.f32 v19, v4;
	v19 =	vshll.u32 v54, $0x10  }
0x502: {  	v14 =	vld [tilespmem:s23+$0x5ED0];
	v2 =	vmul.f32 v22, v47;
	v0 =	vadd.f32 v3, v0;
	v3 =	vmul.f32 v48, v21  }
0x503: {  	v63 =	vld [tilespmem:s23+$0x7AE0];
	v22 =	vand.u32 $0xFFFF0000, v54;
	v21 =	vmul.f32 v29, v24;
	v24 =	vmul.f32 v55, v51  }
0x504: {  	v31 =	vld [tilespmem:s23+$0x7AF0];
	v29 =	vshll.u32 v57, $0x10;
	v0 =	vadd.f32 v0, v1;
	v1 =	vmul.f32 v30, v50  }
0x505: {  	s15 =	smov.u32 s16;
	s16 =	sadd.s32 $0x100, s16;
	v25 =	vld [tilespmem:s23+$0x7E90];
	v57 =	vand.u32 $0xFFFF0000, v57;
	v30 =	vmul.f32 v56, v52;
	v3 =	vadd.f32 v24, v3  }
0x506: {  	v20 =	vld [tilespmem:s23+$0x7E80];
	v24 =	vshll.u32 v62, $0x10;
	[tilespmem:s16+$0xFFFFFF80] =	vst v0;
	v0 =	vadd.f32 v21, v53;
	v1 =	vadd.f32 v1, v4  }
0x507: {  	v23 =	vld [tilespmem:s23+$0x5E90];
	v4 =	vmul.f32 v29, v19;
	v2 =	vadd.f32 v30, v2;
	v19 =	vmul.f32 v57, v22  }
0x508: {  	v27 =	vld [tilespmem:s23+$0x5E80];
	v21 =	vmul.f32 v60, v58;
	v22 =	vmul.f32 v26, v59;
	v26 =	vand.u32 $0xFFFF0000, v62  }
0x509: {  	v18 =	vld [tilespmem:s23+$0x5EA0];
	v29 =	vshll.u32 v63, $0x10;
	v30 =	vand.u32 $0xFFFF0000, v63;
	v62 =	vshll.u32 v31, $0x10  }
0x50a: {  	v16 =	vld [tilespmem:s23+$0x5EB0];
	v63 =	vshll.u32 v25, $0x10;
	v25 =	vand.u32 $0xFFFF0000, v25;
	v0 =	vadd.f32 v4, v0  }
0x50b: {  	v28 =	vld [tilespmem:s23+$0x7EA0];
	v1 =	vadd.f32 v19, v1;
	v4 =	vand.u32 $0xFFFF0000, v31;
	v3 =	vadd.f32 v21, v3  }
0x50c: {  	v12 =	vld [tilespmem:s23+$0x7EC0];
	v2 =	vadd.f32 v22, v2;
	v19 =	vmul.f32 v29, v24;
	v21 =	vmul.f32 v30, v26  }
0x50d: {  	s1 =	sadd.s32 $0x2, s1;
	v17 =	vld [tilespmem:s23+$0x7EB0];
	v22 =	vmul.f32 v62, v61;
	v24 =	vshll.u32 v27, $0x10;
	v26 =	vshll.u32 v20, $0x10  }
0x50e: {  	p3 =	slt.u32 s1, $0x1E;
	v37 =	vld [tilespmem:$0x1FFC0];
	v29 =	vshll.u32 v23, $0x10;
	v30 =	vand.u32 $0xFFFF0000, v23;
	v4 =	vmul.f32 v4, v5  }
.Ltmp9:
0x50f: {  	v10 =	vld [tilespmem:s23+$0x7EE0];
	v5 =	vand.u32 $0xFFFF0000, v27;
	v27 =	vand.u32 $0xFFFF0000, v20;
	v23 =	vmul.f32 v26, v24;
	(pc) =	sbr.rel @p3 .LBB2_8-.Ltmp9, $4  }
0x510: {  	v13 =	vld [tilespmem:s23+$0x7ED0];
	v24 =	vmul.f32 v63, v29;
	v25 =	vmul.f32 v25, v30;
	v30 =	vshll.u32 v28, $0x10  }
0x511: {  	v8 =	vld [tilespmem:s23+$0x5EF0];
	v29 =	vand.u32 $0xFFFF0000, v28;
	v28 =	vshll.u32 v16, $0x10;
	v19 =	vadd.f32 v19, v0  }
0x512: {  	v15 =	vld [tilespmem:s23+$0x7EF0];
	v21 =	vadd.f32 v21, v1;
	v20 =	vadd.f32 v22, v3;
	v26 =	vmul.f32 v27, v5  }
0x513: {  	s9 =	sadd.s32 $0x100, s9;
	v38 =	vmovc v6;
	v6 =	vmovc v7;
	v9 =	vld [tilespmem:s23+$0x5EE0];
	v27 =	vshll.u32 v18, $0x10;
	v18 =	vand.u32 $0xFFFF0000, v18;
	v22 =	vadd.f32 v4, v2  }
0x514: {  	v0 =	vand.u32 $0xFFFF0000, v16  }
0x515: {  	v1 =	vshll.u32 v17, $0x10;
	v2 =	vand.u32 $0xFFFF0000, v17;
	v3 =	vadd.f32 v23, v19  }
0x516: {  	v4 =	vadd.f32 v26, v21;
	v5 =	vmul.f32 v30, v27;
	v16 =	vadd.f32 v24, v20  }
0x517: {  	v18 =	vmul.f32 v29, v18;
	v26 =	vand.u32 $0xFFFF0000, v11;
	v27 =	vshll.u32 v12, $0x10  }
0x518: {  	v12 =	vand.u32 $0xFFFF0000, v12;
	v32 =	vand.u32 $0xFFFF0000, v10;
	v17 =	vadd.f32 v25, v22  }
0x519: {  	v1 =	vmul.f32 v1, v28;
	v0 =	vmul.f32 v2, v0;
	v25 =	vshll.u32 v11, $0x10  }
0x51a: {  	v28 =	vshll.u32 v14, $0x10;
	v14 =	vand.u32 $0xFFFF0000, v14;
	v29 =	vshll.u32 v13, $0x10  }
0x51b: {  	v30 =	vand.u32 $0xFFFF0000, v13;
	v11 =	vmul.f32 v12, v26;
	v3 =	vadd.f32 v5, v3  }
0x51c: {  	v4 =	vadd.f32 v18, v4;
	v2 =	vmul.f32 v27, v25;
	v12 =	vmul.f32 v29, v28  }
0x51d: {  	v5 =	vmul.f32 v30, v14;
	v14 =	vshll.u32 v10, $0x10;
	v33 =	vand.u32 $0xFFFF0000, v8  }
0x51e: {  	v1 =	vadd.f32 v1, v16;
	v0 =	vadd.f32 v0, v17;
	v16 =	vshll.u32 v8, $0x10  }
0x51f: {  	v34 =	vshll.u32 v15, $0x10;
	v15 =	vand.u32 $0xFFFF0000, v15;
	v13 =	vshll.u32 v9, $0x10  }
0x520: {  	v31 =	vand.u32 $0xFFFF0000, v9;
	v2 =	vadd.f32 v2, v3;
	v3 =	vmul.f32 v34, v16  }
0x521: {  	v4 =	vadd.f32 v11, v4;
	v35 =	vmul.f32 v14, v13;
	v9 =	vmul.f32 v32, v31  }
0x522: {  	v36 =	vmul.f32 v15, v33;
	v1 =	vadd.f32 v12, v1;
	v0 =	vadd.f32 v5, v0  }
0x523: {  	v2 =	vadd.f32 v35, v2;
	v4 =	vadd.f32 v9, v4  }
0x524: {  	v39 =	vlaneseq.u32;
	v1 =	vadd.f32 v3, v1;
	v0 =	vadd.f32 v36, v0  }
0x525: {  	v37 =	vadd.f32 v6, v37;
	v5 =	vmul.u32 $0x80, v39  }
0x526: {  	v2 =	vadd.f32 v4, v2;
	v0 =	vadd.f32 v0, v1  }
0x527: {  	v40 =	vadd.f32 v37, v38;
	v41 =	vor.u32 $0x1, v5  }
0x528: {  	v42 =	vor.u32 $0x2, v5;
	v0 =	vadd.f32 v0, v2  }
0x529: {  	[tilespmem:s15+$0x0] =	vst v40;
	v43 =	vor.u32 $0x3, v5  }
0x52a: {  	v44 =	vor.u32 $0x4, v5;
	[tilespmem:s16+$0x0] =	vst v0  }
0x52b: {  	v7 =	vor.u32 $0x5, v5;
	v0 =	vld.idx.msk [tilespmem:v5+s7+$0x0], $0xffff  }
0x52c: {  	v45 =	vor.u32 $0x6, v5;
	v1 =	vld.idx.msk [tilespmem:v41+s7+$0x0], $0xffff  }
0x52d: {  	v46 =	vor.u32 $0x7, v5;
	v2 =	vld.idx.msk [tilespmem:v42+s7+$0x0], $0xffff  }
0x52e: {  	v48 =	vor.u32 $0x8, v5;
	v47 =	vld.idx.msk [tilespmem:v43+s7+$0x0], $0xffff  }
0x52f: {  	v50 =	vor.u32 $0x9, v5;
	v49 =	vld.idx.msk [tilespmem:v44+s7+$0x0], $0xffff  }
0x530: {  	v52 =	vor.u32 $0xA, v5;
	v51 =	vld.idx.msk [tilespmem:v7+s7+$0x0], $0xffff  }
0x531: {  	v54 =	vor.u32 $0xB, v5;
	v53 =	vld.idx.msk [tilespmem:v45+s7+$0x0], $0xffff  }
0x532: {  	v56 =	vor.u32 $0xC, v5;
	v55 =	vld.idx.msk [tilespmem:v46+s7+$0x0], $0xffff  }
0x533: {  	v58 =	vor.u32 $0xD, v5;
	v57 =	vld.idx.msk [tilespmem:v48+s7+$0x0], $0xffff  }
0x534: {  	v59 =	vld.idx.msk [tilespmem:v50+s7+$0x0], $0xffff  }
0x535: {  	v61 =	vor.u32 $0xE, v5;
	v60 =	vld.idx.msk [tilespmem:v52+s7+$0x0], $0xffff  }
0x536: {  	v63 =	vor.u32 $0xF, v5;
	v62 =	vld.idx.msk [tilespmem:v54+s7+$0x0], $0xffff  }
0x537: {  	v9 =	vld.idx.msk [tilespmem:v56+s7+$0x0], $0xffff  }
0x538: {  	v10 =	vld.idx.msk [tilespmem:v58+s7+$0x0], $0xffff  }
0x539: {  	v11 =	vld [tilespmem:$0xDA80]  }
0x53a: {  	v31 =	vld.idx.msk [tilespmem:v61+s7+$0x0], $0xffff  }
0x53b: {  	v18 =	vld.idx.msk [tilespmem:v63+s7+$0x0], $0xffff;
	v0 =	vadd.f32 v49, v0;
	v1 =	vadd.f32 v51, v1  }
0x53c: {  	v2 =	vadd.f32 v53, v2;
	v3 =	vadd.f32 v55, v47  }
0x53d: {  	v0 =	vadd.f32 v57, v0;
	v1 =	vadd.f32 v59, v1  }
0x53e: {  	v2 =	vadd.f32 v60, v2;
	v3 =	vadd.f32 v62, v3  }
0x53f: {  	v0 =	vadd.f32 v9, v0;
	v1 =	vadd.f32 v10, v1  }
0x540: {  	v2 =	vadd.f32 v31, v2;
	v3 =	vadd.f32 v18, v3  }
0x541: {  	v19 =	vld.idx.msk [tilespmem:v11+s19+$0x0], $0xffff  }
0x542: {  	v0 =	vadd.f32 v1, v0;
	v20 =	vadd.f32 v3, v2;
	_ =	sdelay $0x1  }
0x543: {  	v0 =	vadd.f32 v20, v0  }
0x544: {  	v21 =	vor.u32 $0x800, v5  }
0x545: {  	s1 =	sadd.s32 s5, s13;
	v22 =	vor.u32 $0x801, v5;
	[tilespmem:$0x1FDC0] =	vst v41;
	v0 =	vmul.f32 v0, v19  }
0x546: {  	p3 =	slt.u32 s1, $0x27100;
	v23 =	vor.u32 $0x802, v5;
	[tilespmem:$0x1FDD0] =	vst v42  }
0x547: {  	v24 =	vor.u32 $0x803, v5;
	[tilespmem:$0x1FE20] =	vst v46;
	v0 =	vpsel !p3, $0x0, v0  }
0x548: {  	v25 =	vor.u32 $0x804, v5;
	v46 =	vld [tilespmem:$0xDA90];
	[tilespmem:$0xEC80] =	vst v0  }
0x549: {  	v26 =	vor.u32 $0x805, v5;
	[tilespmem:$0x1FDE0] =	vst v43;
	v0 =	vld.idx.msk [tilespmem:v21+s7+$0x0], $0xffff  }
0x54a: {  	v28 =	vor.u32 $0x806, v5;
	[tilespmem:$0x1FDF0] =	vst v44;
	v27 =	vld.idx.msk [tilespmem:v22+s7+$0x0], $0xffff  }
0x54b: {  	v30 =	vor.u32 $0x807, v5;
	[tilespmem:$0x1FE00] =	vst v7;
	v29 =	vld.idx.msk [tilespmem:v23+s7+$0x0], $0xffff  }
0x54c: {  	v32 =	vor.u32 $0x808, v5;
	[tilespmem:$0x1FE10] =	vst v45;
	v31 =	vld.idx.msk [tilespmem:v24+s7+$0x0], $0xffff  }
0x54d: {  	v34 =	vor.u32 $0x809, v5;
	[tilespmem:$0x1FE30] =	vst v48;
	v33 =	vld.idx.msk [tilespmem:v25+s7+$0x0], $0xffff  }
0x54e: {  	[tilespmem:$0x1FE40] =	vst v50;
	v47 =	vor.u32 $0x80A, v5;
	v35 =	vld.idx.msk [tilespmem:v26+s7+$0x0], $0xffff  }
0x54f: {  	[tilespmem:$0x1FE50] =	vst v52;
	v49 =	vor.u32 $0x80B, v5;
	v48 =	vld.idx.msk [tilespmem:v28+s7+$0x0], $0xffff  }
0x550: {  	[tilespmem:$0x1FE60] =	vst v54;
	v50 =	vor.u32 $0x80C, v5;
	v39 =	vld.idx.msk [tilespmem:v30+s7+$0x0], $0xffff  }
0x551: {  	[tilespmem:$0x1FE70] =	vst v56;
	v51 =	vor.u32 $0x80D, v5;
	v40 =	vld.idx.msk [tilespmem:v32+s7+$0x0], $0xffff  }
0x552: {  	[tilespmem:$0x1FE80] =	vst v58;
	v52 =	vor.u32 $0x80E, v5;
	v41 =	vld.idx.msk [tilespmem:v34+s7+$0x0], $0xffff  }
0x553: {  	[tilespmem:$0x1FF70] =	vst v5;
	v5 =	vor.u32 $0x80F, v5;
	v42 =	vld.idx.msk [tilespmem:v47+s7+$0x0], $0xffff  }
0x554: {  	[tilespmem:$0x1FE90] =	vst v61;
	v43 =	vld.idx.msk [tilespmem:v49+s7+$0x0], $0xffff  }
0x555: {  	[tilespmem:$0x1FEA0] =	vst v63;
	v44 =	vld.idx.msk [tilespmem:v50+s7+$0x0], $0xffff  }
0x556: {  	[tilespmem:$0x1FEB0] =	vst v21;
	v45 =	vld.idx.msk [tilespmem:v51+s7+$0x0], $0xffff  }
0x557: {  	[tilespmem:$0x1FF50] =	vst v47;
	v47 =	vld.idx.msk [tilespmem:v52+s7+$0x0], $0xffff  }
0x558: {  	[tilespmem:$0x1FEC0] =	vst v22;
	v53 =	vld.idx.msk [tilespmem:v5+s7+$0x0], $0xffff;
	v0 =	vadd.f32 v33, v0;
	v1 =	vadd.f32 v35, v27  }
0x559: {  	[tilespmem:$0x1FED0] =	vst v23;
	v2 =	vadd.f32 v48, v29;
	v3 =	vadd.f32 v39, v31  }
0x55a: {  	[tilespmem:$0x1FEE0] =	vst v24;
	v0 =	vadd.f32 v40, v0;
	v1 =	vadd.f32 v41, v1  }
0x55b: {  	[tilespmem:$0x1FEF0] =	vst v25;
	v2 =	vadd.f32 v42, v2;
	v3 =	vadd.f32 v43, v3  }
0x55c: {  	[tilespmem:$0x1FF00] =	vst v26;
	v0 =	vadd.f32 v44, v0;
	v1 =	vadd.f32 v45, v1  }
0x55d: {  	[tilespmem:$0x1FF10] =	vst v28;
	v2 =	vadd.f32 v47, v2;
	v3 =	vadd.f32 v53, v3  }
0x55e: {  	[tilespmem:$0x1FF20] =	vst v30;
	v54 =	vld.idx.msk [tilespmem:v46+s19+$0x0], $0xffff  }
0x55f: {  	[tilespmem:$0x1FF30] =	vst v32;
	v0 =	vadd.f32 v1, v0;
	v55 =	vadd.f32 v3, v2  }
0x560: {  	[tilespmem:$0x1FF40] =	vst v34  }
0x561: {  	[tilespmem:$0x1FF80] =	vst v50;
	v0 =	vadd.f32 v55, v0  }
0x562: {  	[tilespmem:$0x1FFA0] =	vst v52  }
0x563: {  	s1 =	sor.u32 $0x10, s1;
	[tilespmem:$0x1FF60] =	vst v49;
	v0 =	vmul.f32 v0, v54  }
0x564: {  	p6 =	slt.u32 s1, $0x27100;
	[tilespmem:$0x1FF90] =	vst v51  }
0x565: {  	[tilespmem:$0x1FFB0] =	vst v5;
	v0 =	vpsel !p6, $0x0, v0  }
0x566: {  	s23 =	simm.s32 $0xDB00;
	[tilespmem:$0xEC90] =	vst v0  }
0x567: {  	[spmem:s3] =	stream.indirect.scatter.add.f32 [tilespmem:s10], [sflag:$0x5], $0x1, s23, s8, $0xb8;
	[tilespmem:$0xF778] =	vst v63  }
0x568: {  	s9 =	sshll.u32 s31, $0x1;
	_ =	swait.ge [sflag:s18], $0x20  }
0x569: {  	s1 =	smin.u32 s9, $0x6F;
	[sflag:s18] =	ssyncset.done $0x0  }
0x56a: {  	s1 =	sshll.u32 s1, $0x5;
	[sflag:s18] =	ssyncadd.s32 $0xFFFFFFE0  }
0x56b: {  	v56 =	vld [tilespmem:s1+$0x40];
	_ =	sdelay $0x4  }
0x56c: {  	[tilespmem:$0xDA80] =	vst v56  }
0x56d: {  	v0 =	vld [tilespmem:s1+$0x19C0];
	_ =	sdelay $0x2  }
0x56e: {  	v57 =	vld [tilespmem:$0xDA80];
	_ =	sdelay $0x1  }
0x56f: {  	v59 =	vld [tilespmem:$0x1FFD0];
	[tilespmem:$0xDB00] =	vst v0  }
0x570: {  	v0 =	vld [tilespmem:s1+$0x50]  }
0x571: {  	v62 =	vld [tilespmem:$0x1FFE0]  }
0x572: {  	v63 =	vld [tilespmem:$0x1FFF0];
	v58 =	vshll.u32 v57, $0x1  }
0x573: {  	v1 =	vand.u32 $0x7, v57;
	v2 =	vand.u32 $0xFFFFFFF0, v58  }
0x574: {  	v1 =	vor.u32 v1, v2  }
0x575: {  	v60 =	vperm.xlane v1, v59;
	[tilespmem:$0xDA90] =	vst v0  }
0x576: {  	v61 =	vld [tilespmem:s1+$0x19D0]  }
0x577: {  	v1 =	vperm.xlane v1, v63;
	v0 =	vadd.s32 v62, v60;
	_ =	sdelay $0x1  }
0x578: {  	v1 =	vadd.s32 v62, v1;
	_ =	sdelay $0x1  }
0x579: {  	s12 =	simm.s32 $0x0;
	s9 =	simm.s32 $0x5A80;
	[tilespmem:$0xDB10] =	vst v61  }
0x57a: {  	[tilespmem:s9], [sflag:$0x1] =	stream.indirect_vreg.gather [hbm4b:s2+s12], $0x80, v0, vm0, $0xb8;
	[tilespmem:$0xF778] =	vst v63  }
0x57b: {  	s13 =	simm.s32 $0x6280  }
0x57c: {  	[tilespmem:s13], [sflag:$0x1] =	stream.indirect_vreg.gather [hbm4b:s2+s12], $0x80, v1, vm0, $0xb8;
	[tilespmem:$0xF778] =	vst v63  }
0x57d: {  	v0 =	vld [tilespmem:$0xDA90];
	_ =	sdelay $0x4  }
0x57e: {  	v6 =	vshll.u32 v0, $0x1  }
0x57f: {  	v0 =	vand.u32 $0x7, v0;
	v1 =	vand.u32 $0xFFFFFFF0, v6  }
0x580: {  	v0 =	vor.u32 v0, v1  }
0x581: {  	v1 =	vperm.xlane v0, v59;
	_ =	sdelay $0x1  }
0x582: {  	v0 =	vperm.xlane v0, v63;
	v1 =	vadd.s32 v62, v1;
	_ =	sdelay $0x1  }
0x583: {  	v0 =	vadd.s32 v62, v0;
	_ =	sdelay $0x1  }
0x584: {  	s14 =	simm.s32 $0x6A80  }
0x585: {  	[tilespmem:s14], [sflag:$0x1] =	stream.indirect_vreg.gather [hbm4b:s2+s12], $0x80, v1, vm0, $0xb8;
	[tilespmem:$0xF778] =	vst v63  }
0x586: {  	_ = 	snop  }
0x587: {  	[tilespmem:s24], [sflag:$0x1] =	stream.indirect_vreg.gather [hbm4b:s2+s12], $0x80, v0, vm0, $0xb8;
	[tilespmem:$0xF778] =	vst v63  }
0x588: {  	v0 =	vld [tilespmem:$0xDB00];
	_ =	sdelay $0x4  }
0x589: {  	v7 =	vshll.u32 v0, $0x1  }
0x58a: {  	v0 =	vand.u32 $0x7, v0;
	v1 =	vand.u32 $0xFFFFFFF0, v7  }
0x58b: {  	v0 =	vor.u32 v0, v1  }
0x58c: {  	v1 =	vperm.xlane v0, v59;
	_ =	sdelay $0x1  }
0x58d: {  	v0 =	vperm.xlane v0, v63;
	v1 =	vadd.s32 v62, v1;
	_ =	sdelay $0x1  }
0x58e: {  	v0 =	vadd.s32 v62, v0;
	_ =	sdelay $0x2  }
0x58f: {  	[tilespmem:s25], [sflag:$0x2] =	stream.indirect_vreg.gather [hbm4b:s2+s12], $0x80, v1, vm0, $0xb8;
	[tilespmem:$0xF778] =	vst v63  }
0x590: {  	_ = 	snop  }
0x591: {  	[tilespmem:s26], [sflag:$0x2] =	stream.indirect_vreg.gather [hbm4b:s2+s12], $0x80, v0, vm0, $0xb8;
	[tilespmem:$0xF778] =	vst v63  }
0x592: {  	v0 =	vld [tilespmem:$0xDB10];
	_ =	sdelay $0x4  }
0x593: {  	v8 =	vshll.u32 v0, $0x1  }
0x594: {  	v0 =	vand.u32 $0x7, v0;
	v1 =	vand.u32 $0xFFFFFFF0, v8  }
0x595: {  	v0 =	vor.u32 v0, v1  }
0x596: {  	v1 =	vperm.xlane v0, v59;
	_ =	sdelay $0x1  }
0x597: {  	v0 =	vperm.xlane v0, v63;
	v1 =	vadd.s32 v62, v1;
	_ =	sdelay $0x1  }
0x598: {  	v0 =	vadd.s32 v62, v0;
	_ =	sdelay $0x2  }
0x599: {  	[tilespmem:s28], [sflag:$0x2] =	stream.indirect_vreg.gather [hbm4b:s2+s12], $0x80, v1, vm0, $0xb8;
	[tilespmem:$0xF778] =	vst v63  }
0x59a: {  	_ = 	snop  }
0x59b: {  	[tilespmem:s29], [sflag:$0x2] =	stream.indirect_vreg.gather [hbm4b:s2+s12], $0x80, v0, vm0, $0xb8;
	[tilespmem:$0xF778] =	vst v63  }
0x59c: {  	_ =	swait.ge [sflag:s17], $0x2000  }
0x59d: {  	[sflag:s17] =	ssyncset.done $0x0  }
0x59e: {  	[sflag:s17] =	ssyncadd.s32 $0xFFFFE000  }
0x59f: {  	s15 =	simm.s32 $0x0;
	_ =	swait.ge [sflag:s11], $0x2000  }
0x5a0: {  	s1 =	sand.u32 $0x1800, s12;
	s9 =	sand.u32 $0x300, s15;
	[sflag:s11] =	ssyncset.done $0x0  }
0x5a1: {  	s9 =	sor.u32 s9, s1;
	[sflag:s11] =	ssyncadd.s32 $0xFFFFE000  }
0x5a2: {  	v9 =	vld [tilespmem:s9+$0x9EE0]  }
0x5a3: {  	v10 =	vld [tilespmem:s9+$0xBEE0]  }
0x5a4: {  	v11 =	vld [tilespmem:s9+$0x9EF0]  }
0x5a5: {  	v18 =	vld [tilespmem:s9+$0xBEF0]  }
0x5a6: {  	v19 =	vld [tilespmem:s9+$0x9EC0]  }
0x5a7: {  	v20 =	vld [tilespmem:s9+$0xBEC0]  }
0x5a8: {  	v21 =	vld [tilespmem:s9+$0x9EA0]  }
0x5a9: {  	v22 =	vld [tilespmem:s9+$0xBEA0]  }
0x5aa: {  	v23 =	vld [tilespmem:s9+$0x9E80]  }
0x5ab: {  	v24 =	vld [tilespmem:s9+$0xBE80]  }
0x5ac: {  	v48 =	vld [tilespmem:s9+$0x9AE0]  }
0x5ad: {  	v27 =	vld [tilespmem:s9+$0xBAE0];
	v25 =	vshll.u32 v9, $0x10;
	v0 =	vand.u32 $0xFFFF0000, v9;
	v26 =	vshll.u32 v10, $0x10  }
0x5ae: {  	v50 =	vld [tilespmem:s9+$0x9AC0];
	v1 =	vand.u32 $0xFFFF0000, v10;
	v38 =	vshll.u32 v11, $0x10;
	v37 =	vand.u32 $0xFFFF0000, v11  }
0x5af: {  	v52 =	vld [tilespmem:s9+$0xBAC0];
	v49 =	vshll.u32 v19, $0x10;
	v40 =	vshll.u32 v18, $0x10;
	v39 =	vand.u32 $0xFFFF0000, v18  }
0x5b0: {  	v55 =	vld [tilespmem:s9+$0x9A80];
	v28 =	vand.u32 $0xFFFF0000, v19;
	v29 =	vshll.u32 v20, $0x10;
	v41 =	vand.u32 $0xFFFF0000, v20  }
0x5b1: {  	v57 =	vld [tilespmem:s9+$0xBA80];
	v51 =	vshll.u32 v21, $0x10;
	v42 =	vand.u32 $0xFFFF0000, v21;
	v53 =	vshll.u32 v22, $0x10  }
0x5b2: {  	v59 =	vld [tilespmem:s9+$0x9A90];
	v43 =	vand.u32 $0xFFFF0000, v22;
	v54 =	vshll.u32 v23, $0x10;
	v44 =	vand.u32 $0xFFFF0000, v23  }
0x5b3: {  	v30 =	vld [tilespmem:s9+$0xBA90];
	v56 =	vshll.u32 v24, $0x10;
	v45 =	vand.u32 $0xFFFF0000, v24;
	v58 =	vshll.u32 v48, $0x10  }
0x5b4: {  	v31 =	vld [tilespmem:s9+$0x9AA0];
	v48 =	vand.u32 $0xFFFF0000, v48;
	v60 =	vshll.u32 v27, $0x10;
	v2 =	vand.u32 $0xFFFF0000, v27  }
0x5b5: {  	v34 =	vld [tilespmem:s9+$0xBAA0];
	v61 =	vshll.u32 v50, $0x10;
	v50 =	vand.u32 $0xFFFF0000, v50;
	v62 =	vshll.u32 v52, $0x10  }
0x5b6: {  	v36 =	vld [tilespmem:s9+$0x9AB0];
	v52 =	vand.u32 $0xFFFF0000, v52;
	v32 =	vshll.u32 v55, $0x10;
	v55 =	vand.u32 $0xFFFF0000, v55  }
0x5b7: {  	v6 =	vld [tilespmem:s9+$0xBAB0];
	v33 =	vshll.u32 v57, $0x10;
	v57 =	vand.u32 $0xFFFF0000, v57;
	v35 =	vshll.u32 v59, $0x10  }
0x5b8: {  	v59 =	vand.u32 $0xFFFF0000, v59;
	v5 =	vshll.u32 v30, $0x10;
	v47 =	vand.u32 $0xFFFF0000, v30  }
0x5b9: {  	v8 =	vld [tilespmem:s9+$0x9AD0];
	v7 =	vshll.u32 v31, $0x10;
	v46 =	vmul.f32 v26, v25;
	v0 =	vmul.f32 v1, v0  }
0x5ba: {  	v10 =	vshll.u32 v34, $0x10;
	v4 =	vmul.f32 v29, v49;
	v3 =	vmul.f32 v41, v28  }
0x5bb: {  	v11 =	vshll.u32 v36, $0x10;
	v51 =	vmul.f32 v53, v51;
	v42 =	vmul.f32 v43, v42  }
0x5bc: {  	v19 =	vshll.u32 v6, $0x10;
	v54 =	vmul.f32 v56, v54;
	v44 =	vmul.f32 v45, v44  }
0x5bd: {  	v21 =	vand.u32 $0xFFFF0000, v6;
	v58 =	vmul.f32 v60, v58;
	v2 =	vmul.f32 v2, v48  }
0x5be: {  	v9 =	vld [tilespmem:s9+$0xBAD0];
	v23 =	vshll.u32 v8, $0x10;
	v61 =	vmul.f32 v62, v61;
	v50 =	vmul.f32 v52, v50  }
0x5bf: {  	v18 =	vld [tilespmem:s9+$0x9AF0];
	v1 =	vand.u32 $0xFFFF0000, v31;
	v41 =	vmul.f32 v33, v32;
	v55 =	vmul.f32 v57, v55  }
0x5c0: {  	v20 =	vld [tilespmem:s9+$0xBAF0];
	v53 =	vand.u32 $0xFFFF0000, v34;
	v43 =	vmul.f32 v5, v35;
	v47 =	vmul.f32 v47, v59  }
0x5c1: {  	v22 =	vld [tilespmem:s9+$0x9ED0];
	v56 =	vand.u32 $0xFFFF0000, v36;
	v48 =	vmul.f32 v10, v7;
	v57 =	vmul.f32 v19, v11  }
0x5c2: {  	v24 =	vld [tilespmem:s9+$0xBED0];
	v62 =	vand.u32 $0xFFFF0000, v8;
	v1 =	vmul.f32 v53, v1;
	v53 =	vmul.f32 v21, v56  }
0x5c3: {  	v27 =	vld [tilespmem:s9+$0xBEB0];
	v37 =	vmul.f32 v39, v37;
	v41 =	vadd.f32 v48, v41;
	v43 =	vadd.f32 v57, v43  }
0x5c4: {  	v21 =	vmul.f32 v40, v38;
	v1 =	vadd.f32 v1, v55;
	v47 =	vadd.f32 v53, v47  }
0x5c5: {  	v26 =	vld [tilespmem:s9+$0x9EB0];
	v25 =	vshll.u32 v9, $0x10;
	v49 =	vand.u32 $0xFFFF0000, v9;
	v28 =	vshll.u32 v18, $0x10  }
0x5c6: {  	s16 =	simm.s32 $0x80;
	v29 =	vld [tilespmem:s9+$0x9E90];
	v30 =	vshll.u32 v20, $0x10;
	v41 =	vadd.f32 v61, v41;
	v32 =	vshll.u32 v22, $0x10  }
0x5c7: {  	v31 =	vld [tilespmem:s9+$0xBE90];
	s9 =	sand.u32 $0x380, s16;
	v59 =	vand.u32 $0xFFFF0000, v22;
	v33 =	vshll.u32 v24, $0x10;
	v56 =	vand.u32 $0xFFFF0000, v24  }
0x5c8: {  	s9 =	sor.u32 s1, s9;
	v35 =	vshll.u32 v27, $0x10;
	v45 =	vand.u32 $0xFFFF0000, v18;
	v52 =	vand.u32 $0xFFFF0000, v20  }
0x5c9: {  	v10 =	vld [tilespmem:s9+$0x9A80];
	v57 =	vand.u32 $0xFFFF0000, v27;
	v48 =	vmul.f32 v25, v23;
	v49 =	vmul.f32 v49, v62  }
0x5ca: {  	v18 =	vld [tilespmem:s9+$0xBA80];
	v1 =	vadd.f32 v50, v1;
	v60 =	vmul.f32 v30, v28;
	v34 =	vshll.u32 v26, $0x10  }
0x5cb: {  	v20 =	vld [tilespmem:s9+$0x9A90];
	v55 =	vand.u32 $0xFFFF0000, v26;
	v45 =	vmul.f32 v52, v45;
	v36 =	vshll.u32 v29, $0x10  }
0x5cc: {  	v22 =	vld [tilespmem:s9+$0xBA90];
	v53 =	vand.u32 $0xFFFF0000, v29;
	v63 =	vshll.u32 v31, $0x10;
	v11 =	vmul.f32 v33, v32  }
0x5cd: {  	v24 =	vld [tilespmem:s9+$0x9AA0];
	v50 =	vand.u32 $0xFFFF0000, v31;
	v19 =	vmul.f32 v56, v59;
	v5 =	vmul.f32 v63, v36  }
0x5ce: {  	v27 =	vld [tilespmem:s9+$0x9AB0];
	v41 =	vadd.f32 v58, v41;
	v6 =	vmul.f32 v50, v53;
	v7 =	vmul.f32 v35, v34  }
0x5cf: {  	v25 =	vld [tilespmem:s9+$0xBAA0];
	v9 =	vmul.f32 v57, v55;
	v43 =	vadd.f32 v48, v43;
	v47 =	vadd.f32 v49, v47  }
0x5d0: {  	v31 =	vld [tilespmem:s9+$0xBAB0];
	v1 =	vadd.f32 v2, v1;
	v28 =	vshll.u32 v10, $0x10;
	v41 =	vadd.f32 v54, v41  }
0x5d1: {  	v33 =	vld [tilespmem:s9+$0x9AC0];
	v29 =	vand.u32 $0xFFFF0000, v10;
	v43 =	vadd.f32 v60, v43;
	v45 =	vadd.f32 v45, v47  }
0x5d2: {  	v1 =	vadd.f32 v44, v1;
	v30 =	vshll.u32 v18, $0x10;
	v32 =	vand.u32 $0xFFFF0000, v18  }
0x5d3: {  	v55 =	vld [tilespmem:s9+$0xBAC0];
	v34 =	vshll.u32 v20, $0x10;
	v35 =	vshll.u32 v22, $0x10;
	v38 =	vand.u32 $0xFFFF0000, v22  }
0x5d4: {  	v58 =	vld [tilespmem:s9+$0x9AD0];
	v54 =	vshll.u32 v24, $0x10;
	v56 =	vand.u32 $0xFFFF0000, v24;
	v59 =	vshll.u32 v27, $0x10  }
0x5d5: {  	v41 =	vadd.f32 v51, v41;
	v57 =	vshll.u32 v25, $0x10;
	v61 =	vshll.u32 v31, $0x10  }
0x5d6: {  	v63 =	vld [tilespmem:s9+$0x9AE0];
	v44 =	vand.u32 $0xFFFF0000, v31;
	v62 =	vshll.u32 v33, $0x10;
	v2 =	vadd.f32 v5, v43  }
0x5d7: {  	v8 =	vadd.f32 v6, v45;
	v1 =	vadd.f32 v42, v1;
	v45 =	vand.u32 $0xFFFF0000, v20  }
0x5d8: {  	v60 =	vld [tilespmem:s9+$0xBAD0];
	v42 =	vmul.f32 v32, v29;
	v39 =	vmul.f32 v57, v54;
	v10 =	vshll.u32 v55, $0x10  }
0x5d9: {  	v18 =	vshll.u32 v58, $0x10;
	v49 =	vand.u32 $0xFFFF0000, v58;
	v4 =	vadd.f32 v4, v41  }
0x5da: {  	v41 =	vmul.f32 v30, v28;
	v38 =	vmul.f32 v38, v45;
	v2 =	vadd.f32 v7, v2  }
0x5db: {  	v31 =	vld [tilespmem:s9+$0xBE90];
	v45 =	vand.u32 $0xFFFF0000, v63;
	v43 =	vadd.f32 v9, v8;
	v1 =	vadd.f32 v3, v1  }
0x5dc: {  	v29 =	vld [tilespmem:s9+$0x9E90];
	v3 =	vand.u32 $0xFFFF0000, v33;
	v9 =	vmul.f32 v61, v59;
	v4 =	vadd.f32 v46, v4  }
0x5dd: {  	v58 =	vld [tilespmem:s9+$0x9EB0];
	v20 =	vshll.u32 v60, $0x10;
	v39 =	vadd.f32 v39, v41;
	v2 =	vadd.f32 v11, v2  }
0x5de: {  	v23 =	vadd.f32 v19, v43;
	v0 =	vadd.f32 v0, v1;
	v1 =	vand.u32 $0xFFFF0000, v25  }
0x5df: {  	v43 =	vand.u32 $0xFFFF0000, v60;
	v22 =	vmul.f32 v20, v18;
	v25 =	vshll.u32 v63, $0x10  }
0x5e0: {  	v61 =	vshll.u32 v31, $0x10;
	v41 =	vand.u32 $0xFFFF0000, v31;
	v1 =	vmul.f32 v1, v56  }
0x5e1: {  	v8 =	vld [tilespmem:s9+$0xBAE0];
	v24 =	vmul.f32 v43, v49;
	v59 =	vshll.u32 v29, $0x10;
	v49 =	vand.u32 $0xFFFF0000, v29  }
0x5e2: {  	v11 =	vld [tilespmem:s9+$0x9AF0];
	v20 =	vshll.u32 v58, $0x10;
	v48 =	vand.u32 $0xFFFF0000, v58;
	v2 =	vadd.f32 v21, v2  }
0x5e3: {  	v19 =	vld [tilespmem:s9+$0xBAF0];
	v26 =	vadd.f32 v37, v23;
	v0 =	vadd.f32 v0, v4;
	v4 =	vmul.f32 v35, v34  }
0x5e4: {  	v37 =	vand.u32 $0xFFFF0000, v27;
	v21 =	vmul.f32 v10, v62;
	v41 =	vmul.f32 v41, v49  }
0x5e5: {  	v56 =	vld [tilespmem:s9+$0xBEA0];
	v37 =	vmul.f32 v44, v37;
	v1 =	vadd.f32 v1, v42;
	v2 =	vadd.f32 v26, v2  }
0x5e6: {  	v60 =	vld [tilespmem:s9+$0xBEB0];
	v27 =	vshll.u32 v8, $0x10;
	v4 =	vadd.f32 v9, v4;
	v39 =	vadd.f32 v21, v39  }
0x5e7: {  	v23 =	vld [tilespmem:s9+$0x9E80];
	v34 =	vmul.f32 v27, v25;
	v9 =	vmul.f32 v61, v59;
	v37 =	vadd.f32 v37, v38  }
0x5e8: {  	v35 =	vld [tilespmem:s9+$0x9EA0];
	v28 =	vshll.u32 v11, $0x10;
	v44 =	vand.u32 $0xFFFF0000, v11;
	v30 =	vshll.u32 v19, $0x10  }
0x5e9: {  	v10 =	vld [tilespmem:s9+$0xBEC0];
	v32 =	vand.u32 $0xFFFF0000, v19;
	v40 =	vadd.f32 v2, v0;
	v0 =	vand.u32 $0xFFFF0000, v55  }
0x5ea: {  	v2 =	vand.u32 $0xFFFF0000, v8;
	v54 =	vmul.f32 v30, v28;
	v18 =	vshll.u32 v56, $0x10  }
0x5eb: {  	s13 =	simm.s32 $0x200;
	s12 =	simm.s32 $0x100;
	v31 =	vld [tilespmem:s9+$0x9EF0];
	v0 =	vmul.f32 v0, v3;
	v3 =	vadd.f32 v22, v4;
	v33 =	vadd.f32 v24, v37  }
0x5ec: {  	s21 =	sand.u32 $0x1800, s13;
	s12 =	sand.u32 $0x300, s12;
	v26 =	vld [tilespmem:s9+$0xBE80];
	v2 =	vmul.f32 v2, v45;
	v55 =	vshll.u32 v23, $0x10;
	v38 =	vand.u32 $0xFFFF0000, v23  }
0x5ed: {  	s22 =	sor.u32 s12, s21;
	v21 =	vld [tilespmem:s9+$0xBED0];
	v37 =	vadd.f32 v34, v39;
	v11 =	vshll.u32 v35, $0x10;
	v42 =	vand.u32 $0xFFFF0000, v35  }
0x5ee: {  	v58 =	vld [tilespmem:s22+$0xBEE0];
	v22 =	vshll.u32 v60, $0x10;
	v39 =	vand.u32 $0xFFFF0000, v60;
	v29 =	vshll.u32 v10, $0x10  }
0x5ef: {  	v19 =	vld [tilespmem:s9+$0x9ED0];
	v45 =	vand.u32 $0xFFFF0000, v10;
	v23 =	vmul.f32 v18, v11;
	v25 =	vmul.f32 v22, v20  }
0x5f0: {  	v61 =	vld [tilespmem:s22+$0x9EC0];
	v39 =	vmul.f32 v39, v48;
	v48 =	vand.u32 $0xFFFF0000, v31;
	v0 =	vadd.f32 v0, v1  }
0x5f1: {  	v8 =	vld [tilespmem:s9+$0x9EC0];
	v1 =	vmul.f32 v32, v44;
	v57 =	vshll.u32 v26, $0x10;
	v46 =	vand.u32 $0xFFFF0000, v26  }
0x5f2: {  	v62 =	vadd.f32 v54, v3;
	v44 =	vand.u32 $0xFFFF0000, v56;
	v32 =	vshll.u32 v21, $0x10  }
0x5f3: {  	v28 =	vld [tilespmem:s9+$0xBEE0];
	v34 =	vand.u32 $0xFFFF0000, v21;
	v63 =	vmul.f32 v57, v55;
	v38 =	vmul.f32 v46, v38  }
0x5f4: {  	v24 =	vmul.f32 v44, v42;
	v30 =	vshll.u32 v19, $0x10;
	v49 =	vand.u32 $0xFFFF0000, v19  }
0x5f5: {  	v42 =	vand.u32 $0xFFFF0000, v58;
	v46 =	vand.u32 $0xFFFF0000, v61;
	v0 =	vadd.f32 v2, v0  }
0x5f6: {  	v35 =	vld [tilespmem:s22+$0x9EE0];
	v1 =	vadd.f32 v1, v33;
	v2 =	vadd.f32 v9, v62;
	v27 =	vshll.u32 v8, $0x10  }
0x5f7: {  	v26 =	vld [tilespmem:s9+$0x9EE0];
	v43 =	vand.u32 $0xFFFF0000, v8;
	v59 =	vmul.f32 v32, v30;
	v4 =	vmul.f32 v34, v49  }
0x5f8: {  	v21 =	vld [tilespmem:s22+$0x9E80];
	v62 =	vshll.u32 v28, $0x10;
	v44 =	vand.u32 $0xFFFF0000, v28;
	v8 =	vshll.u32 v31, $0x10  }
0x5f9: {  	v22 =	vld [tilespmem:s22+$0xBE80];
	v28 =	vshll.u32 v61, $0x10;
	v3 =	vadd.f32 v63, v37;
	v56 =	vmul.f32 v29, v27  }
0x5fa: {  	v11 =	vld [tilespmem:s22+$0xBEA0];
	v57 =	vmul.f32 v45, v43;
	v0 =	vadd.f32 v38, v0;
	v1 =	vadd.f32 v41, v1  }
0x5fb: {  	v33 =	vld [tilespmem:s9+$0xBEF0];
	v2 =	vadd.f32 v25, v2;
	v25 =	vand.u32 $0xFFFF0000, v35;
	v3 =	vadd.f32 v23, v3  }
0x5fc: {  	v9 =	vld [tilespmem:s22+$0x9EA0];
	v60 =	vshll.u32 v26, $0x10;
	v41 =	vand.u32 $0xFFFF0000, v26;
	v23 =	vshll.u32 v35, $0x10  }
0x5fd: {  	v30 =	vld [tilespmem:s22+$0x9AC0];
	v26 =	vshll.u32 v58, $0x10;
	v34 =	vshll.u32 v21, $0x10;
	v0 =	vadd.f32 v24, v0  }
0x5fe: {  	v32 =	vld [tilespmem:s22+$0xBAC0];
	v35 =	vshll.u32 v22, $0x10;
	v1 =	vadd.f32 v39, v1;
	v2 =	vadd.f32 v59, v2  }
0x5ff: {  	v63 =	vld [tilespmem:s22+$0xBEC0];
	v18 =	vmul.f32 v62, v60;
	v41 =	vmul.f32 v44, v41;
	v39 =	vand.u32 $0xFFFF0000, v11  }
0x600: {  	v27 =	vld [tilespmem:s22+$0xBAE0];
	v44 =	vand.u32 $0xFFFF0000, v21;
	v55 =	vmul.f32 v35, v34;
	v3 =	vadd.f32 v56, v3  }
0x601: {  	v10 =	vshll.u32 v33, $0x10;
	v37 =	vand.u32 $0xFFFF0000, v33;
	v31 =	vshll.u32 v9, $0x10  }
0x602: {  	v52 =	vand.u32 $0xFFFF0000, v9;
	v33 =	vshll.u32 v11, $0x10;
	v50 =	vand.u32 $0xFFFF0000, v30  }
0x603: {  	v24 =	vld [tilespmem:s22+$0x9AE0];
	v53 =	vand.u32 $0xFFFF0000, v32;
	v0 =	vadd.f32 v57, v0;
	v1 =	vadd.f32 v4, v1  }
0x604: {  	v21 =	vld [tilespmem:s22+$0x9AA0];
	v19 =	vmul.f32 v10, v8;
	v20 =	vmul.f32 v37, v48;
	v29 =	vshll.u32 v63, $0x10  }
0x605: {  	v35 =	vld [tilespmem:s22+$0xBAF0];
	v49 =	vand.u32 $0xFFFF0000, v63;
	v10 =	vshll.u32 v27, $0x10;
	v4 =	vmul.f32 v42, v25  }
0x606: {  	v11 =	vld [tilespmem:s22+$0x9A90];
	v45 =	vand.u32 $0xFFFF0000, v27;
	v51 =	vmul.f32 v33, v31;
	v52 =	vmul.f32 v39, v52  }
0x607: {  	v37 =	vld [tilespmem:s22+$0x9A80];
	v50 =	vmul.f32 v53, v50;
	v3 =	vadd.f32 v18, v3;
	v18 =	vshll.u32 v30, $0x10  }
0x608: {  	v8 =	vld [tilespmem:s22+$0xBA80];
	v47 =	vmul.f32 v29, v28;
	v46 =	vmul.f32 v49, v46;
	v0 =	vadd.f32 v41, v0  }
0x609: {  	v27 =	vld [tilespmem:s22+$0x9AB0];
	v15 =	vadd.f32 v19, v2;
	v38 =	vadd.f32 v20, v1;
	v41 =	vand.u32 $0xFFFF0000, v22  }
0x60a: {  	v31 =	vld [tilespmem:s22+$0xBAD0];
	v1 =	vmul.f32 v26, v23;
	v20 =	vshll.u32 v32, $0x10;
	v9 =	vshll.u32 v24, $0x10  }
0x60b: {  	v33 =	vld [tilespmem:s22+$0x9AF0];
	v2 =	vand.u32 $0xFFFF0000, v24;
	v41 =	vmul.f32 v41, v44;
	v42 =	vmul.f32 v20, v18  }
0x60c: {  	s23 =	simm.s32 $0x180;
	v28 =	vld [tilespmem:s22+$0xBAB0];
	v30 =	vshll.u32 v21, $0x10;
	v48 =	vand.u32 $0xFFFF0000, v21;
	v25 =	vshll.u32 v11, $0x10  }
0x60d: {  	s9 =	sand.u32 $0x380, s23;
	v29 =	vld [tilespmem:s22+$0x9AD0];
	v61 =	vand.u32 $0xFFFF0000, v11;
	v59 =	vmul.f32 v10, v9;
	v2 =	vmul.f32 v45, v2  }
0x60e: {  	s9 =	sor.u32 s21, s9;
	v19 =	vld [tilespmem:s22+$0xBA90];
	v22 =	vshll.u32 v37, $0x10;
	v57 =	vand.u32 $0xFFFF0000, v37;
	v23 =	vshll.u32 v8, $0x10  }
0x60f: {  	v36 =	vld [tilespmem:s9+$0x9A80];
	v58 =	vand.u32 $0xFFFF0000, v8;
	v34 =	vshll.u32 v27, $0x10;
	v60 =	vand.u32 $0xFFFF0000, v27  }
0x610: {  	v24 =	vld [tilespmem:s22+$0xBAA0];
	v8 =	vshll.u32 v31, $0x10;
	v54 =	vand.u32 $0xFFFF0000, v31;
	v18 =	vshll.u32 v33, $0x10  }
0x611: {  	v20 =	vld [tilespmem:s22+$0x9EF0];
	v49 =	vmul.f32 v23, v22;
	v57 =	vmul.f32 v58, v57;
	v63 =	vshll.u32 v28, $0x10  }
0x612: {  	v21 =	vld [tilespmem:s22+$0x9EB0];
	v45 =	vand.u32 $0xFFFF0000, v28;
	v7 =	vshll.u32 v29, $0x10;
	v11 =	vand.u32 $0xFFFF0000, v29  }
0x613: {  	v9 =	vld [tilespmem:s22+$0x9E90];
	v22 =	vand.u32 $0xFFFF0000, v33;
	v23 =	vand.u32 $0xFFFF0000, v35;
	v26 =	vshll.u32 v19, $0x10  }
0x614: {  	v10 =	vld [tilespmem:s22+$0xBE90];
	v43 =	vand.u32 $0xFFFF0000, v19;
	v63 =	vmul.f32 v63, v34;
	v6 =	vmul.f32 v45, v60  }
0x615: {  	v45 =	vmul.f32 v8, v7;
	v54 =	vmul.f32 v54, v11;
	v19 =	vshll.u32 v35, $0x10  }
0x616: {  	v37 =	vld [tilespmem:s9+$0xBA80];
	v8 =	vand.u32 $0xFFFF0000, v36;
	v32 =	vshll.u32 v24, $0x10;
	v39 =	vand.u32 $0xFFFF0000, v24  }
0x617: {  	v28 =	vld [tilespmem:s22+$0x9ED0];
	v44 =	vmul.f32 v26, v25;
	v43 =	vmul.f32 v43, v61;
	v31 =	vshll.u32 v21, $0x10  }
0x618: {  	v29 =	vld [tilespmem:s22+$0xBED0];
	v53 =	vmul.f32 v32, v30;
	v48 =	vmul.f32 v39, v48;
	v39 =	vadd.f32 v0, v3  }
0x619: {  	v58 =	vld [tilespmem:s9+$0x9A90];
	v26 =	vshll.u32 v9, $0x10;
	v27 =	vshll.u32 v10, $0x10;
	v30 =	vshll.u32 v20, $0x10  }
0x61a: {  	v0 =	vadd.f32 v63, v44;
	v3 =	vadd.f32 v6, v43;
	v43 =	vmul.f32 v19, v18  }
0x61b: {  	v24 =	vld [tilespmem:s22+$0xBEB0];
	v44 =	vand.u32 $0xFFFF0000, v10;
	v63 =	vshll.u32 v36, $0x10;
	v10 =	vshll.u32 v37, $0x10  }
0x61c: {  	v25 =	vld [tilespmem:s22+$0xBEF0];
	v11 =	vand.u32 $0xFFFF0000, v37;
	v49 =	vadd.f32 v53, v49;
	v48 =	vadd.f32 v48, v57  }
0x61d: {  	v62 =	vld [tilespmem:s9+$0xBAA0];
	v53 =	vand.u32 $0xFFFF0000, v9;
	v34 =	vshll.u32 v28, $0x10;
	v57 =	vand.u32 $0xFFFF0000, v28  }
0x61e: {  	v60 =	vld [tilespmem:s9+$0x9AA0];
	v35 =	vshll.u32 v29, $0x10;
	v18 =	vshll.u32 v58, $0x10;
	v0 =	vadd.f32 v45, v0  }
0x61f: {  	v3 =	vadd.f32 v54, v3;
	v44 =	vmul.f32 v44, v53;
	v45 =	vand.u32 $0xFFFF0000, v21  }
0x620: {  	v42 =	vadd.f32 v42, v49;
	v48 =	vadd.f32 v50, v48;
	v50 =	vmul.f32 v23, v22  }
0x621: {  	v7 =	vld [tilespmem:s9+$0x9AB0];
	v49 =	vand.u32 $0xFFFF0000, v20;
	v32 =	vshll.u32 v24, $0x10;
	v33 =	vshll.u32 v25, $0x10  }
0x622: {  	v19 =	vld [tilespmem:s9+$0x9AC0];
	v56 =	vand.u32 $0xFFFF0000, v25;
	v54 =	vand.u32 $0xFFFF0000, v24;
	v20 =	vand.u32 $0xFFFF0000, v58  }
0x623: {  	v9 =	vld [tilespmem:s9+$0xBAB0];
	v22 =	vshll.u32 v60, $0x10;
	v24 =	vand.u32 $0xFFFF0000, v60;
	v25 =	vshll.u32 v62, $0x10  }
0x624: {  	v0 =	vadd.f32 v43, v0;
	v53 =	vmul.f32 v32, v31;
	v43 =	vand.u32 $0xFFFF0000, v29  }
0x625: {  	v28 =	vld [tilespmem:s9+$0xBAD0];
	v45 =	vmul.f32 v54, v45;
	v61 =	vmul.f32 v56, v49;
	v42 =	vadd.f32 v59, v42  }
0x626: {  	v23 =	vld [tilespmem:s9+$0xBAC0];
	v2 =	vadd.f32 v2, v48;
	v48 =	vmul.f32 v27, v26;
	v3 =	vadd.f32 v50, v3  }
0x627: {  	v32 =	vld [tilespmem:s9+$0xBAE0];
	v43 =	vmul.f32 v43, v57;
	v27 =	vshll.u32 v7, $0x10;
	v31 =	vshll.u32 v19, $0x10  }
0x628: {  	v59 =	vld [tilespmem:s9+$0xBA90];
	v29 =	vshll.u32 v9, $0x10;
	v42 =	vadd.f32 v55, v42;
	v2 =	vadd.f32 v41, v2  }
0x629: {  	v0 =	vadd.f32 v48, v0;
	v3 =	vadd.f32 v44, v3;
	v48 =	vmul.f32 v35, v34  }
0x62a: {  	v26 =	vld [tilespmem:s9+$0x9AD0];
	v41 =	vmul.f32 v33, v30;
	v33 =	vmul.f32 v25, v22;
	v34 =	vand.u32 $0xFFFF0000, v19  }
0x62b: {  	v44 =	vmul.f32 v29, v27;
	v55 =	vand.u32 $0xFFFF0000, v28;
	v42 =	vadd.f32 v51, v42  }
0x62c: {  	v30 =	vld [tilespmem:s9+$0x9AE0];
	v36 =	vshll.u32 v23, $0x10;
	v2 =	vadd.f32 v52, v2;
	v0 =	vadd.f32 v53, v0  }
0x62d: {  	v35 =	vld [tilespmem:s9+$0x9AF0];
	v3 =	vadd.f32 v45, v3;
	v27 =	vand.u32 $0xFFFF0000, v32;
	v21 =	vshll.u32 v59, $0x10  }
0x62e: {  	v45 =	vand.u32 $0xFFFF0000, v59;
	v42 =	vadd.f32 v47, v42;
	v2 =	vadd.f32 v46, v2  }
0x62f: {  	v37 =	vld [tilespmem:s9+$0xBAF0];
	v53 =	vand.u32 $0xFFFF0000, v26;
	v0 =	vadd.f32 v48, v0;
	v3 =	vadd.f32 v43, v3  }
0x630: {  	v47 =	vand.u32 $0xFFFF0000, v62;
	v43 =	vand.u32 $0xFFFF0000, v9;
	v62 =	vand.u32 $0xFFFF0000, v23  }
0x631: {  	v9 =	vshll.u32 v28, $0x10;
	v22 =	vmul.f32 v55, v53;
	v19 =	vmul.f32 v62, v34  }
0x632: {  	v23 =	vshll.u32 v30, $0x10;
	v25 =	vand.u32 $0xFFFF0000, v30;
	v29 =	vshll.u32 v35, $0x10  }
0x633: {  	v50 =	vand.u32 $0xFFFF0000, v35;
	v1 =	vadd.f32 v1, v42;
	v2 =	vadd.f32 v4, v2  }
0x634: {  	v28 =	vld [tilespmem:s9+$0xBEA0];
	v30 =	vshll.u32 v37, $0x10;
	v0 =	vadd.f32 v41, v0;
	v3 =	vadd.f32 v61, v3  }
0x635: {  	v48 =	vld [tilespmem:s9+$0x9EB0];
	v42 =	vand.u32 $0xFFFF0000, v7;
	v4 =	vmul.f32 v10, v63;
	v41 =	vmul.f32 v11, v8  }
0x636: {  	v63 =	vshll.u32 v26, $0x10;
	v11 =	vmul.f32 v36, v31;
	v26 =	vshll.u32 v32, $0x10  }
0x637: {  	v8 =	vld [tilespmem:s9+$0x9E80];
	v31 =	vand.u32 $0xFFFF0000, v37;
	v52 =	vmul.f32 v27, v25;
	v42 =	vmul.f32 v43, v42  }
0x638: {  	s14 =	simm.s32 $0xDD00;
	v10 =	vld [tilespmem:s9+$0xBE80];
	v32 =	vmul.f32 v26, v23;
	v1 =	vadd.f32 v2, v1;
	v0 =	vadd.f32 v3, v0  }
0x639: {  	[tilespmem:s14+$0xFFFFFF80] =	vst v40;
	v40 =	vld [tilespmem:s9+$0x9EF0];
	v3 =	vmul.f32 v21, v18;
	v2 =	vmul.f32 v45, v20;
	v4 =	vadd.f32 v33, v4  }
0x63a: {  	v49 =	vld [tilespmem:s9+$0xBEB0];
	v21 =	vmul.f32 v9, v63;
	v61 =	vand.u32 $0xFFFF0000, v28;
	v59 =	vshll.u32 v48, $0x10  }
0x63b: {  	v18 =	vld [tilespmem:s9+$0x9E90];
	v0 =	vadd.f32 v0, v1;
	v1 =	vmul.f32 v47, v24;
	v3 =	vadd.f32 v44, v3  }
0x63c: {  	v20 =	vld [tilespmem:s9+$0xBE90];
	v2 =	vadd.f32 v42, v2;
	v4 =	vadd.f32 v11, v4;
	v42 =	vmul.f32 v31, v50  }
0x63d: {  	v46 =	vld [tilespmem:s9+$0x9ED0];
	v33 =	vshll.u32 v8, $0x10;
	v34 =	vand.u32 $0xFFFF0000, v8;
	v35 =	vshll.u32 v10, $0x10  }
0x63e: {  	v24 =	vld [tilespmem:s9+$0x9EA0];
	v36 =	vand.u32 $0xFFFF0000, v10;
	v1 =	vadd.f32 v1, v41;
	v3 =	vadd.f32 v21, v3  }
0x63f: {  	v43 =	vld [tilespmem:s9+$0x9EC0];
	v2 =	vadd.f32 v22, v2;
	v41 =	vmul.f32 v30, v29;
	v51 =	vadd.f32 v32, v4  }
0x640: {  	v45 =	vld [tilespmem:s9+$0xBED0];
	v55 =	vmul.f32 v35, v33;
	v58 =	vmul.f32 v36, v34;
	v37 =	vshll.u32 v18, $0x10  }
0x641: {  	v44 =	vld [tilespmem:s9+$0xBEC0];
	v60 =	vand.u32 $0xFFFF0000, v18;
	v62 =	vshll.u32 v20, $0x10;
	v63 =	vand.u32 $0xFFFF0000, v20  }
0x642: {  	v47 =	vld [tilespmem:s9+$0xBEF0];
	v1 =	vadd.f32 v19, v1;
	v54 =	vadd.f32 v42, v2;
	v56 =	vmul.f32 v62, v37  }
0x643: {  	s15 =	simm.s32 $0xDE00;
	v42 =	vld [tilespmem:s9+$0xBEE0];
	v57 =	vmul.f32 v63, v60;
	v62 =	vshll.u32 v28, $0x10;
	v60 =	vshll.u32 v24, $0x10  }
0x644: {  	s1 =	simm.s32 $0x2;
	[tilespmem:s15+$0xFFFFFF80] =	vst v0;
	v50 =	vand.u32 $0xFFFF0000, v24;
	v53 =	vadd.f32 v52, v1;
	v52 =	vadd.f32 v41, v3;
	v41 =	vld [tilespmem:s9+$0x9EE0];
	s9 =	simm.s32 $0x280  }
.LBB2_10:
0x645: {  	s12 =	sadd.s32 $0xFFFFFF80, s9;
	s13 =	sadd.s32 $0x200, s13  }
0x646: {  	v25 =	vmul.f32 v62, v60;
	s22 =	sand.u32 $0x1800, s13;
	s12 =	sand.u32 $0x300, s12;
	v3 =	vadd.f32 v55, v51  }
0x647: {  	v50 =	vmul.f32 v61, v50;
	v4 =	vadd.f32 v58, v53;
	v26 =	vadd.f32 v56, v52;
	s16 =	sor.u32 s12, s22  }
0x648: {  	v0 =	vand.u32 $0xFFFF0000, v48;
	v27 =	vadd.f32 v57, v54;
	v52 =	vld [tilespmem:s16+$0x9EE0];
	v3 =	vadd.f32 v25, v3  }
0x649: {  	v53 =	vld [tilespmem:s16+$0xBEE0];
	v4 =	vadd.f32 v50, v4;
	v1 =	vshll.u32 v49, $0x10;
	v2 =	vand.u32 $0xFFFF0000, v49  }
0x64a: {  	v55 =	vld [tilespmem:s16+$0x9EF0];
	v28 =	vshll.u32 v43, $0x10;
	v29 =	vand.u32 $0xFFFF0000, v43;
	v30 =	vshll.u32 v44, $0x10  }
0x64b: {  	v35 =	vld [tilespmem:s16+$0xBEF0];
	v31 =	vand.u32 $0xFFFF0000, v44;
	v32 =	vshll.u32 v46, $0x10;
	v33 =	vand.u32 $0xFFFF0000, v46  }
0x64c: {  	v48 =	vld [tilespmem:s16+$0x9EC0];
	v34 =	vshll.u32 v45, $0x10;
	v62 =	vand.u32 $0xFFFF0000, v45;
	v8 =	vshll.u32 v41, $0x10  }
0x64d: {  	v51 =	vld [tilespmem:s16+$0x9ED0];
	v9 =	vand.u32 $0xFFFF0000, v41;
	v10 =	vshll.u32 v42, $0x10;
	v11 =	vand.u32 $0xFFFF0000, v42  }
0x64e: {  	v54 =	vld [tilespmem:s16+$0xBED0];
	v18 =	vshll.u32 v40, $0x10;
	v1 =	vmul.f32 v1, v59;
	v0 =	vmul.f32 v2, v0  }
0x64f: {  	v20 =	vld [tilespmem:s16+$0x9EA0];
	v19 =	vand.u32 $0xFFFF0000, v40;
	v2 =	vmul.f32 v30, v28;
	v43 =	vmul.f32 v31, v29  }
0x650: {  	v23 =	vld [tilespmem:s16+$0xBEA0];
	v21 =	vshll.u32 v47, $0x10;
	v63 =	vmul.f32 v34, v32;
	v45 =	vmul.f32 v62, v33  }
0x651: {  	v25 =	vld [tilespmem:s16+$0x9EB0];
	v22 =	vand.u32 $0xFFFF0000, v47;
	v24 =	vmul.f32 v10, v8;
	v41 =	vmul.f32 v11, v9  }
0x652: {  	v36 =	vld [tilespmem:s16+$0x9AC0];
	v40 =	vmul.f32 v22, v19;
	v1 =	vadd.f32 v1, v26;
	v0 =	vadd.f32 v0, v27  }
0x653: {  	v17 =	vld [tilespmem:s16+$0xBA80];
	v2 =	vadd.f32 v2, v3;
	v4 =	vadd.f32 v43, v4;
	v3 =	vmul.f32 v21, v18  }
0x654: {  	v49 =	vld [tilespmem:s16+$0xBEC0];
	v27 =	vadd.f32 v38, v15;
	v61 =	vand.u32 $0xFFFF0000, v52;
	v62 =	vshll.u32 v53, $0x10  }
0x655: {  	v28 =	vld [tilespmem:s16+$0x9E80];
	v43 =	vshll.u32 v35, $0x10;
	v42 =	vand.u32 $0xFFFF0000, v35;
	v6 =	vand.u32 $0xFFFF0000, v48  }
0x656: {  	v29 =	vld [tilespmem:s16+$0xBE80];
	v44 =	vand.u32 $0xFFFF0000, v51;
	v46 =	vshll.u32 v54, $0x10;
	v10 =	vshll.u32 v20, $0x10  }
0x657: {  	v31 =	vld [tilespmem:s16+$0x9E90];
	v57 =	vand.u32 $0xFFFF0000, v20;
	v47 =	vand.u32 $0xFFFF0000, v54;
	v1 =	vadd.f32 v63, v1  }
0x658: {  	v32 =	vld [tilespmem:s16+$0xBE90];
	v11 =	vshll.u32 v23, $0x10;
	v0 =	vadd.f32 v45, v0;
	v2 =	vadd.f32 v24, v2  }
0x659: {  	v33 =	vld [tilespmem:s16+$0x9AE0];
	v59 =	vand.u32 $0xFFFF0000, v23;
	v4 =	vadd.f32 v41, v4;
	v30 =	vadd.f32 v27, v39  }
0x65a: {  	v34 =	vld [tilespmem:s16+$0xBAE0];
	v63 =	vand.u32 $0xFFFF0000, v53;
	v41 =	vshll.u32 v55, $0x10;
	v7 =	vshll.u32 v49, $0x10  }
0x65b: {  	v8 =	vand.u32 $0xFFFF0000, v49;
	v45 =	vshll.u32 v51, $0x10;
	v49 =	vshll.u32 v25, $0x10  }
0x65c: {  	v27 =	vand.u32 $0xFFFF0000, v36;
	v10 =	vmul.f32 v11, v10;
	v11 =	vmul.f32 v59, v57  }
0x65d: {  	v13 =	vshll.u32 v28, $0x10;
	v60 =	vand.u32 $0xFFFF0000, v28;
	v14 =	vshll.u32 v29, $0x10  }
0x65e: {  	v37 =	vld [tilespmem:s16+$0xBAC0];
	v16 =	vshll.u32 v31, $0x10;
	v18 =	vshll.u32 v33, $0x10;
	v19 =	vshll.u32 v32, $0x10  }
0x65f: {  	v9 =	vld [tilespmem:s16+$0xBAF0];
	v21 =	vshll.u32 v34, $0x10;
	v22 =	vand.u32 $0xFFFF0000, v34;
	v34 =	vshll.u32 v17, $0x10  }
0x660: {  	v12 =	vld [tilespmem:s16+$0x9AD0];
	v17 =	vand.u32 $0xFFFF0000, v17;
	v61 =	vmul.f32 v63, v61;
	v1 =	vadd.f32 v3, v1  }
0x661: {  	v26 =	vld [tilespmem:s16+$0xBEB0];
	v6 =	vmul.f32 v8, v6;
	v38 =	vadd.f32 v40, v0;
	v39 =	vadd.f32 v4, v2  }
0x662: {  	v56 =	vld [tilespmem:s16+$0xBAD0];
	v4 =	vshll.u32 v52, $0x10;
	v40 =	vand.u32 $0xFFFF0000, v55;
	v55 =	vshll.u32 v48, $0x10  }
0x663: {  	v15 =	vld [tilespmem:s16+$0x9A80];
	v48 =	vand.u32 $0xFFFF0000, v25;
	v3 =	vand.u32 $0xFFFF0000, v31;
	v2 =	vand.u32 $0xFFFF0000, v32  }
0x664: {  	v35 =	vld [tilespmem:s16+$0x9AF0];
	v0 =	vand.u32 $0xFFFF0000, v33;
	v25 =	vshll.u32 v9, $0x10;
	v9 =	vand.u32 $0xFFFF0000, v9  }
0x665: {  	v20 =	vld [tilespmem:s16+$0x9A90];
	[tilespmem:s14+$0x0] =	vst v30;
	v30 =	vand.u32 $0xFFFF0000, v37;
	v31 =	vshll.u32 v12, $0x10;
	v12 =	vand.u32 $0xFFFF0000, v12  }
0x666: {  	s21 =	sand.u32 $0x380, s9;
	v23 =	vld [tilespmem:s16+$0xBA90];
	v13 =	vmul.f32 v14, v13;
	v18 =	vmul.f32 v21, v18;
	v52 =	vshll.u32 v26, $0x10  }
0x667: {  	s23 =	sor.u32 s22, s21;
	v28 =	vld [tilespmem:s16+$0x9AA0];
	v50 =	vand.u32 $0xFFFF0000, v26;
	v26 =	vshll.u32 v36, $0x10;
	v4 =	vmul.f32 v62, v4  }
0x668: {  	v51 =	vld [tilespmem:s23+$0x9A80];
	v32 =	vshll.u32 v15, $0x10;
	v7 =	vmul.f32 v7, v55;
	v0 =	vmul.f32 v22, v0  }
0x669: {  	v53 =	vld [tilespmem:s23+$0xBA80];
	v15 =	vand.u32 $0xFFFF0000, v15;
	v27 =	vmul.f32 v30, v27;
	v2 =	vmul.f32 v2, v3  }
0x66a: {  	v54 =	vld [tilespmem:s23+$0x9A90];
	[tilespmem:$0x1FDB0] =	vst v1;
	v1 =	vand.u32 $0xFFFF0000, v29;
	v24 =	vshll.u32 v35, $0x10;
	v58 =	vand.u32 $0xFFFF0000, v35  }
0x66b: {  	v55 =	vld [tilespmem:s16+$0xBAB0];
	v29 =	vshll.u32 v37, $0x10;
	v36 =	vshll.u32 v20, $0x10;
	v20 =	vand.u32 $0xFFFF0000, v20  }
0x66c: {  	v35 =	vld [tilespmem:s16+$0xBAA0];
	v5 =	vshll.u32 v23, $0x10;
	v30 =	vmul.f32 v34, v32;
	v15 =	vmul.f32 v17, v15  }
0x66d: {  	v23 =	vand.u32 $0xFFFF0000, v23;
	v37 =	vld [tilespmem:s16+$0x9AB0];
	v1 =	vmul.f32 v1, v60;
	v26 =	vmul.f32 v29, v26  }
0x66e: {  	v33 =	vshll.u32 v56, $0x10;
	v5 =	vmul.f32 v5, v36;
	v20 =	vmul.f32 v23, v20  }
0x66f: {  	v14 =	vld [tilespmem:s23+$0x9AA0];
	v9 =	vmul.f32 v9, v58;
	v23 =	vmul.f32 v52, v49;
	v62 =	vshll.u32 v28, $0x10  }
0x670: {  	v28 =	vand.u32 $0xFFFF0000, v28;
	v60 =	vshll.u32 v55, $0x10;
	v57 =	vand.u32 $0xFFFF0000, v55  }
0x671: {  	v8 =	vld [tilespmem:s23+$0xBA90];
	v36 =	vand.u32 $0xFFFF0000, v51;
	v52 =	vand.u32 $0xFFFF0000, v53;
	v55 =	vand.u32 $0xFFFF0000, v54  }
0x672: {  	v21 =	vld [tilespmem:s23+$0xBAA0];
	v63 =	vshll.u32 v35, $0x10;
	v35 =	vand.u32 $0xFFFF0000, v35;
	v59 =	vshll.u32 v37, $0x10  }
0x673: {  	v17 =	vand.u32 $0xFFFF0000, v37;
	v63 =	vmul.f32 v63, v62;
	v28 =	vmul.f32 v35, v28  }
0x674: {  	v58 =	vand.u32 $0xFFFF0000, v14;
	v22 =	vmul.f32 v60, v59;
	v17 =	vmul.f32 v57, v17  }
0x675: {  	v59 =	vand.u32 $0xFFFF0000, v56;
	v60 =	vmul.f32 v33, v31;
	v33 =	vshll.u32 v51, $0x10  }
0x676: {  	v51 =	vshll.u32 v53, $0x10;
	v53 =	vshll.u32 v54, $0x10;
	v56 =	vshll.u32 v8, $0x10  }
0x677: {  	v8 =	vand.u32 $0xFFFF0000, v8;
	v57 =	vshll.u32 v14, $0x10;
	v14 =	vshll.u32 v21, $0x10  }
0x678: {  	v29 =	vld [tilespmem:s23+$0x9AB0];
	v12 =	vmul.f32 v59, v12;
	v30 =	vadd.f32 v63, v30;
	v15 =	vadd.f32 v28, v15  }
0x679: {  	v59 =	vand.u32 $0xFFFF0000, v21;
	v5 =	vadd.f32 v22, v5;
	v17 =	vadd.f32 v17, v20  }
0x67a: {  	v32 =	vld [tilespmem:s23+$0xBAB0];
	v63 =	vmul.f32 v25, v24;
	v25 =	vmul.f32 v50, v48;
	v62 =	vadd.f32 v26, v30  }
0x67b: {  	v31 =	vld [tilespmem:s23+$0xBAD0];
	v28 =	vmul.f32 v43, v41;
	v15 =	vadd.f32 v27, v15;
	v5 =	vadd.f32 v60, v5  }
0x67c: {  	v20 =	vld [tilespmem:s23+$0x9AE0];
	v12 =	vadd.f32 v12, v17;
	v26 =	vmul.f32 v46, v45;
	v27 =	vmul.f32 v47, v44  }
0x67d: {  	v17 =	vld [tilespmem:s23+$0x9AF0];
	v30 =	vmul.f32 v42, v40;
	v60 =	vshll.u32 v29, $0x10;
	v18 =	vadd.f32 v18, v62  }
0x67e: {  	v0 =	vadd.f32 v0, v15;
	v15 =	vmul.f32 v19, v16;
	v5 =	vadd.f32 v63, v5  }
0x67f: {  	v34 =	vld [tilespmem:s23+$0x9AC0];
	v9 =	vadd.f32 v9, v12;
	v62 =	vmul.f32 v51, v33;
	v63 =	vshll.u32 v32, $0x10  }
0x680: {  	v33 =	vand.u32 $0xFFFF0000, v31;
	v12 =	vadd.f32 v13, v18;
	v0 =	vadd.f32 v1, v0  }
0x681: {  	v51 =	vshll.u32 v20, $0x10;
	v5 =	vadd.f32 v15, v5;
	v2 =	vadd.f32 v2, v9  }
0x682: {  	v3 =	vld [tilespmem:s23+$0x9E80];
	v54 =	vshll.u32 v17, $0x10;
	v10 =	vadd.f32 v10, v12;
	v0 =	vadd.f32 v11, v0  }
0x683: {  	v37 =	vld [tilespmem:s23+$0xBAC0];
	v17 =	vand.u32 $0xFFFF0000, v17;
	v1 =	vadd.f32 v23, v5;
	v2 =	vadd.f32 v25, v2  }
0x684: {  	v23 =	vand.u32 $0xFFFF0000, v32;
	v5 =	vmul.f32 v52, v36;
	v25 =	vshll.u32 v34, $0x10  }
0x685: {  	v24 =	vld [tilespmem:s23+$0xBAE0];
	v32 =	vshll.u32 v31, $0x10;
	v7 =	vadd.f32 v7, v10;
	v0 =	vadd.f32 v6, v0  }
0x686: {  	v35 =	vld [tilespmem:s23+$0x9AD0];
	v52 =	vand.u32 $0xFFFF0000, v20;
	v1 =	vadd.f32 v26, v1;
	v2 =	vadd.f32 v27, v2  }
0x687: {  	v15 =	vld [tilespmem:s23+$0x9E90];
	v26 =	vmul.f32 v14, v57;
	v27 =	vand.u32 $0xFFFF0000, v34;
	v6 =	vmul.f32 v63, v60  }
0x688: {  	v14 =	vshll.u32 v37, $0x10;
	v60 =	vshll.u32 v3, $0x10;
	v3 =	vand.u32 $0xFFFF0000, v3  }
0x689: {  	v13 =	vld [tilespmem:s23+$0xBE80];
	v34 =	vmul.f32 v14, v25;
	v4 =	vadd.f32 v4, v7;
	v0 =	vadd.f32 v61, v0  }
0x68a: {  	v12 =	vld [tilespmem:s23+$0xBE90];
	v14 =	vshll.u32 v24, $0x10;
	v1 =	vadd.f32 v28, v1;
	v2 =	vadd.f32 v30, v2  }
0x68b: {  	v61 =	vand.u32 $0xFFFF0000, v29;
	v28 =	vand.u32 $0xFFFF0000, v37;
	v29 =	vshll.u32 v35, $0x10  }
0x68c: {  	v16 =	vld [tilespmem:s23+$0xBAF0];
	v30 =	vand.u32 $0xFFFF0000, v35;
	v57 =	vmul.f32 v14, v51;
	v14 =	vshll.u32 v15, $0x10  }
0x68d: {  	v15 =	vand.u32 $0xFFFF0000, v15;
	v7 =	vmul.f32 v23, v61;
	v35 =	vmul.f32 v28, v27  }
0x68e: {  	v49 =	vld [tilespmem:s23+$0xBEB0];
	v36 =	vmul.f32 v32, v29;
	v37 =	vmul.f32 v33, v30;
	v61 =	vshll.u32 v13, $0x10  }
0x68f: {  	v50 =	vld [tilespmem:s23+$0x9EA0];
	v13 =	vand.u32 $0xFFFF0000, v13;
	v63 =	vand.u32 $0xFFFF0000, v12;
	v0 =	vadd.f32 v0, v4  }
0x690: {  	v9 =	vld [tilespmem:s23+$0xBEA0];
	v1 =	vadd.f32 v2, v1;
	v4 =	vmul.f32 v56, v53;
	v2 =	vmul.f32 v8, v55  }
0x691: {  	v48 =	vld [tilespmem:s23+$0x9EB0];
	v53 =	vand.u32 $0xFFFF0000, v24;
	v55 =	vshll.u32 v16, $0x10;
	v56 =	vand.u32 $0xFFFF0000, v16  }
0x692: {  	v43 =	vld [tilespmem:s23+$0x9EC0];
	v0 =	vadd.f32 v1, v0;
	v1 =	vmul.f32 v59, v58;
	v4 =	vadd.f32 v6, v4  }
0x693: {  	v41 =	vld [tilespmem:s23+$0x9EE0];
	v2 =	vadd.f32 v7, v2;
	v58 =	vmul.f32 v53, v52;
	v59 =	vmul.f32 v55, v54  }
0x694: {  	s1 =	sadd.s32 $0x2, s1;
	s14 =	smov.u32 s15;
	s15 =	sadd.s32 $0x100, s15;
	v44 =	vld [tilespmem:s23+$0xBEC0];
	v55 =	vmul.f32 v61, v60;
	v60 =	vshll.u32 v50, $0x10;
	v50 =	vand.u32 $0xFFFF0000, v50  }
0x695: {  	p3 =	slt.u32 s1, $0x1E;
	v46 =	vld [tilespmem:s23+$0x9ED0];
	v61 =	vand.u32 $0xFFFF0000, v9;
	[tilespmem:s15+$0xFFFFFF80] =	vst v0;
	v0 =	vadd.f32 v26, v62;
	v1 =	vadd.f32 v1, v5  }
.Ltmp10:
0x696: {  	v45 =	vld [tilespmem:s23+$0xBED0];
	v4 =	vadd.f32 v36, v4;
	v2 =	vadd.f32 v37, v2;
	v62 =	vshll.u32 v12, $0x10;
	(pc) =	sbr.rel @p3 .LBB2_10-.Ltmp10, $4  }
0x697: {  	v42 =	vld [tilespmem:s23+$0xBEE0];
	v5 =	vmul.f32 v56, v17;
	v56 =	vmul.f32 v62, v14;
	v0 =	vadd.f32 v34, v0  }
0x698: {  	v40 =	vld [tilespmem:s23+$0x9EF0];
	v62 =	vshll.u32 v9, $0x10;
	v1 =	vadd.f32 v35, v1;
	v52 =	vadd.f32 v59, v4  }
0x699: {  	v47 =	vld [tilespmem:s23+$0xBEF0];
	v54 =	vadd.f32 v5, v2;
	v59 =	vshll.u32 v48, $0x10;
	v51 =	vadd.f32 v57, v0  }
0x69a: {  	s9 =	sadd.s32 $0x100, s9;
	v53 =	vadd.f32 v58, v1;
	v58 =	vmul.f32 v13, v3;
	v57 =	vmul.f32 v63, v15;
	v15 =	vld [tilespmem:$0x1FDB0]  }
0x69b: {  	v0 =	vand.u32 $0xFFFF0000, v48  }
0x69c: {  	v1 =	vshll.u32 v49, $0x10;
	v2 =	vand.u32 $0xFFFF0000, v49;
	v3 =	vadd.f32 v55, v51  }
0x69d: {  	v5 =	vmul.f32 v62, v60;
	v6 =	vadd.f32 v56, v52;
	v8 =	vmul.f32 v61, v50  }
0x69e: {  	v9 =	vand.u32 $0xFFFF0000, v43;
	v10 =	vshll.u32 v44, $0x10;
	v11 =	vand.u32 $0xFFFF0000, v44  }
0x69f: {  	v12 =	vshll.u32 v46, $0x10;
	v13 =	vand.u32 $0xFFFF0000, v46;
	v14 =	vshll.u32 v45, $0x10  }
0x6a0: {  	v60 =	vand.u32 $0xFFFF0000, v45;
	v63 =	vshll.u32 v41, $0x10;
	v16 =	vand.u32 $0xFFFF0000, v41  }
0x6a1: {  	v4 =	vadd.f32 v58, v53;
	v7 =	vadd.f32 v57, v54;
	v1 =	vmul.f32 v1, v59  }
0x6a2: {  	v0 =	vmul.f32 v2, v0;
	v59 =	vshll.u32 v43, $0x10;
	v61 =	vmul.f32 v11, v9  }
0x6a3: {  	v62 =	vmul.f32 v14, v12;
	v17 =	vshll.u32 v42, $0x10;
	v18 =	vand.u32 $0xFFFF0000, v42  }
0x6a4: {  	v3 =	vadd.f32 v5, v3;
	v2 =	vmul.f32 v10, v59;
	v5 =	vmul.f32 v60, v13  }
0x6a5: {  	v19 =	vshll.u32 v40, $0x10;
	v20 =	vand.u32 $0xFFFF0000, v40;
	v23 =	vmul.f32 v17, v63  }
0x6a6: {  	v24 =	vmul.f32 v18, v16;
	v4 =	vadd.f32 v8, v4;
	v1 =	vadd.f32 v1, v6  }
0x6a7: {  	v0 =	vadd.f32 v0, v7;
	v21 =	vshll.u32 v47, $0x10;
	v22 =	vand.u32 $0xFFFF0000, v47  }
0x6a8: {  	v2 =	vadd.f32 v2, v3;
	v3 =	vmul.f32 v21, v19;
	v4 =	vadd.f32 v61, v4  }
0x6a9: {  	v25 =	vmul.f32 v22, v20;
	v1 =	vadd.f32 v62, v1;
	v0 =	vadd.f32 v5, v0  }
0x6aa: {  	v2 =	vadd.f32 v23, v2;
	v4 =	vadd.f32 v24, v4  }
0x6ab: {  	v1 =	vadd.f32 v3, v1;
	v0 =	vadd.f32 v25, v0  }
0x6ac: {  	v26 =	vadd.f32 v38, v15  }
0x6ad: {  	v2 =	vadd.f32 v4, v2;
	v0 =	vadd.f32 v0, v1  }
0x6ae: {  	v27 =	vadd.f32 v26, v39  }
0x6af: {  	v0 =	vadd.f32 v0, v2  }
0x6b0: {  	[tilespmem:s14+$0x0] =	vst v27  }
0x6b1: {  	[tilespmem:s15+$0x0] =	vst v0  }
0x6b2: {  	v0 =	vld [tilespmem:$0x1FF70]  }
0x6b3: {  	v1 =	vld [tilespmem:$0x1FDC0]  }
0x6b4: {  	v28 =	vld [tilespmem:$0x1FDD0]  }
0x6b5: {  	v29 =	vld [tilespmem:$0x1FDE0]  }
0x6b6: {  	v30 =	vld [tilespmem:$0x1FDF0]  }
0x6b7: {  	v31 =	vld [tilespmem:$0x1FE00]  }
0x6b8: {  	v32 =	vld [tilespmem:$0x1FE10]  }
0x6b9: {  	v33 =	vld [tilespmem:$0x1FE20]  }
0x6ba: {  	v34 =	vld [tilespmem:$0x1FE30]  }
0x6bb: {  	v35 =	vld [tilespmem:$0x1FE40]  }
0x6bc: {  	v36 =	vld [tilespmem:$0x1FE50]  }
0x6bd: {  	v37 =	vld [tilespmem:$0x1FE60]  }
0x6be: {  	v38 =	vld [tilespmem:$0x1FE70]  }
0x6bf: {  	v39 =	vld [tilespmem:$0x1FE80]  }
0x6c0: {  	v40 =	vld [tilespmem:$0xDB80]  }
0x6c1: {  	v41 =	vld [tilespmem:$0x1FE90]  }
0x6c2: {  	v42 =	vld [tilespmem:$0x1FEA0]  }
0x6c3: {  	v45 =	vld [tilespmem:$0x1FEB0]  }
0x6c4: {  	v46 =	vld [tilespmem:$0x1FEC0]  }
0x6c5: {  	v47 =	vld [tilespmem:$0x1FED0]  }
0x6c6: {  	v48 =	vld [tilespmem:$0x1FEE0]  }
0x6c7: {  	v0 =	vld.idx.msk [tilespmem:v0+s7+$0x0], $0xffff  }
0x6c8: {  	v1 =	vld.idx.msk [tilespmem:v1+s7+$0x0], $0xffff  }
0x6c9: {  	v2 =	vld.idx.msk [tilespmem:v28+s7+$0x0], $0xffff  }
0x6ca: {  	v3 =	vld.idx.msk [tilespmem:v29+s7+$0x0], $0xffff  }
0x6cb: {  	v4 =	vld.idx.msk [tilespmem:v30+s7+$0x0], $0xffff  }
0x6cc: {  	v5 =	vld.idx.msk [tilespmem:v31+s7+$0x0], $0xffff  }
0x6cd: {  	v6 =	vld.idx.msk [tilespmem:v32+s7+$0x0], $0xffff  }
0x6ce: {  	v7 =	vld.idx.msk [tilespmem:v33+s7+$0x0], $0xffff  }
0x6cf: {  	v8 =	vld.idx.msk [tilespmem:v34+s7+$0x0], $0xffff  }
0x6d0: {  	v9 =	vld.idx.msk [tilespmem:v35+s7+$0x0], $0xffff  }
0x6d1: {  	v10 =	vld.idx.msk [tilespmem:v36+s7+$0x0], $0xffff  }
0x6d2: {  	v11 =	vld.idx.msk [tilespmem:v37+s7+$0x0], $0xffff  }
0x6d3: {  	v12 =	vld.idx.msk [tilespmem:v38+s7+$0x0], $0xffff  }
0x6d4: {  	v13 =	vld.idx.msk [tilespmem:v39+s7+$0x0], $0xffff  }
0x6d5: {  	v15 =	vld.idx.msk [tilespmem:v41+s7+$0x0], $0xffff  }
0x6d6: {  	v0 =	vadd.f32 v4, v0;
	v1 =	vadd.f32 v5, v1;
	v4 =	vld.idx.msk [tilespmem:v42+s7+$0x0], $0xffff  }
0x6d7: {  	v49 =	vld [tilespmem:$0x1FEF0];
	v2 =	vadd.f32 v6, v2;
	v3 =	vadd.f32 v7, v3  }
0x6d8: {  	v50 =	vld [tilespmem:$0x1FF00];
	v0 =	vadd.f32 v8, v0;
	v1 =	vadd.f32 v9, v1  }
0x6d9: {  	v51 =	vld [tilespmem:$0x1FF10];
	v2 =	vadd.f32 v10, v2;
	v3 =	vadd.f32 v11, v3  }
0x6da: {  	v52 =	vld [tilespmem:$0x1FF20];
	v0 =	vadd.f32 v12, v0;
	v1 =	vadd.f32 v13, v1  }
0x6db: {  	v53 =	vld [tilespmem:$0x1FF30];
	v2 =	vadd.f32 v15, v2;
	v3 =	vadd.f32 v4, v3  }
0x6dc: {  	v43 =	vld.idx.msk [tilespmem:v40+s19+$0x0], $0xffff  }
0x6dd: {  	v54 =	vld [tilespmem:$0x1FF40];
	v0 =	vadd.f32 v1, v0;
	v44 =	vadd.f32 v3, v2  }
0x6de: {  	v55 =	vld [tilespmem:$0x1FF50]  }
0x6df: {  	v56 =	vld [tilespmem:$0x1FF60];
	v0 =	vadd.f32 v44, v0  }
0x6e0: {  	v57 =	vld [tilespmem:$0x1FF80]  }
0x6e1: {  	s0 =	sadd.s32 s5, s0;
	v58 =	vld [tilespmem:$0x1FF90];
	v0 =	vmul.f32 v0, v43  }
0x6e2: {  	p3 =	slt.u32 s0, $0x27100;
	v59 =	vld [tilespmem:$0xDB90]  }
0x6e3: {  	v60 =	vld [tilespmem:$0x1FFA0];
	v0 =	vpsel !p3, $0x0, v0  }
0x6e4: {  	v61 =	vld [tilespmem:$0x1FFB0];
	[tilespmem:$0xEC80] =	vst v0  }
0x6e5: {  	v0 =	vld.idx.msk [tilespmem:v45+s7+$0x0], $0xffff  }
0x6e6: {  	v1 =	vld.idx.msk [tilespmem:v46+s7+$0x0], $0xffff  }
0x6e7: {  	v2 =	vld.idx.msk [tilespmem:v47+s7+$0x0], $0xffff  }
0x6e8: {  	v3 =	vld.idx.msk [tilespmem:v48+s7+$0x0], $0xffff  }
0x6e9: {  	v4 =	vld.idx.msk [tilespmem:v49+s7+$0x0], $0xffff  }
0x6ea: {  	v5 =	vld.idx.msk [tilespmem:v50+s7+$0x0], $0xffff  }
0x6eb: {  	v6 =	vld.idx.msk [tilespmem:v51+s7+$0x0], $0xffff  }
0x6ec: {  	v7 =	vld.idx.msk [tilespmem:v52+s7+$0x0], $0xffff  }
0x6ed: {  	v8 =	vld.idx.msk [tilespmem:v53+s7+$0x0], $0xffff  }
0x6ee: {  	v9 =	vld.idx.msk [tilespmem:v54+s7+$0x0], $0xffff  }
0x6ef: {  	v10 =	vld.idx.msk [tilespmem:v55+s7+$0x0], $0xffff  }
0x6f0: {  	v11 =	vld.idx.msk [tilespmem:v56+s7+$0x0], $0xffff  }
0x6f1: {  	v12 =	vld.idx.msk [tilespmem:v57+s7+$0x0], $0xffff  }
0x6f2: {  	v13 =	vld.idx.msk [tilespmem:v58+s7+$0x0], $0xffff  }
0x6f3: {  	v15 =	vld.idx.msk [tilespmem:v60+s7+$0x0], $0xffff  }
0x6f4: {  	v0 =	vadd.f32 v4, v0;
	v1 =	vadd.f32 v5, v1;
	v4 =	vld.idx.msk [tilespmem:v61+s7+$0x0], $0xffff  }
0x6f5: {  	v2 =	vadd.f32 v6, v2;
	v3 =	vadd.f32 v7, v3  }
0x6f6: {  	v0 =	vadd.f32 v8, v0;
	v1 =	vadd.f32 v9, v1  }
0x6f7: {  	v2 =	vadd.f32 v10, v2;
	v3 =	vadd.f32 v11, v3  }
0x6f8: {  	v0 =	vadd.f32 v12, v0;
	v1 =	vadd.f32 v13, v1  }
0x6f9: {  	v2 =	vadd.f32 v15, v2;
	v3 =	vadd.f32 v4, v3  }
0x6fa: {  	v62 =	vld.idx.msk [tilespmem:v59+s19+$0x0], $0xffff  }
0x6fb: {  	v0 =	vadd.f32 v1, v0;
	v63 =	vadd.f32 v3, v2;
	_ =	sdelay $0x1  }
0x6fc: {  	v0 =	vadd.f32 v63, v0;
	_ =	sdelay $0x1  }
0x6fd: {  	s0 =	sor.u32 $0x10, s0;
	v0 =	vmul.f32 v0, v62  }
0x6fe: {  	p6 =	slt.u32 s0, $0x27100  }
0x6ff: {  	s31 =	sadd.s32 $0x1, s31;
	v0 =	vpsel !p6, $0x0, v0  }
0x700: {  	s23 =	simm.s32 $0xDC00;
	p3 =	seq.s32 s31, $0x39;
	[tilespmem:$0xEC90] =	vst v0  }
0x701: {  	[spmem:s3] =	stream.indirect.scatter.add.f32 [tilespmem:s10], [sflag:$0x5], $0x1, s23, s8, $0xb8;
	[tilespmem:$0xF778] =	vst v63  }
.Ltmp11:
0x702: {  	_ = 	snop;
	(pc) =	sbr.rel @!p3 .LBB2_7-.Ltmp11, $4  }
.Ltmp12:
0x703: {  	_ = 	snop;
	(pc) =	sbr.rel @p3 .LBB2_18-.Ltmp12, $4  }
0x704: {  	_ =	swait.ge [sflag:s18], $0x20  }
0x705: {  	[sflag:s18] =	ssyncset.done $0x0  }
0x706: {  	[sflag:s18] =	ssyncadd.s32 $0xFFFFFFE0  }
0x707: {  	_ = 	snop  }
.LBB2_19:
0x708: {  	_ =	sfence.sel $0x180000  }
0x709: {  	[bflag:$0x0] =	sbarrier.arrive $0xFFFF  }
0x70a: {  	_ =	strace $0x90000047  }
0x70b: {  	[bflag:$0x2] =	sbarrier.arrive $0xFFFF  }
0x70c: {  	s0 =	rddreg [dreg:$0x3]  }
0x70d: {  	s0 =	sadd.s32 @!p2 $0x100000, s0  }
0x70e: {  	[sflag:s0] =	ssyncadd.tile.s32 @!p2 $0x1;
	_ =	shalt  }
.Lfunc_end2:
_tile_overlayer_lowered:
.L_overlay_start_2:
0x70f: {  	(tag) =	ssettag $0x2  }
0x710: {  	s0 =	rddreg [dreg:$0x0];
	s2 =	stileid.u32  }
0x711: {  	s1 =	rddreg [dreg:$0x1];
	p0 =	sne.s32 s2, $0x0  }
0x712: {  	s3 =	rddreg [dreg:$0x2];
	[bflag:$0x3] =	sbarrier.arrive $0xFFFF;
	s2 =	simm.s32 @!p0 $0x1C05  }
0x713: {  	[timem:s3], [sflag:s2] =	dma.local @!p0 [hbm:s0], s1  }
0x714: {  	s0 =	simm.s32 @!p0 $0x5  }
0x715: {  	_ =	swait.ge @!p0 [sflag:s0], s1  }
0x716: {  	s1 =	ssub.s32 @!p0 $0x0, s1;
	[sflag:s0] =	ssyncset.done @!p0 $0x0  }
0x717: {  	[sflag:s0] =	ssyncadd.s32 @!p0 s1  }
0x718: {  	[bflag:$0x3] =	sbarrier.arrive $0xFFFF  }
0x719: {  	_ =	shalt  }

</sc_bundles>
